<compile_context>
chip_gen: v7x
topology: tpu7x:2x2x1
jax: 0.10.2.dev20260603
libtpu: 0.0.44.dev20260713+nightly
codegen_flags: <defaults>
</compile_context>

<pallas_src>
import functools

import jax
import jax.numpy as jnp
from jax import lax
from jax.experimental import pallas as pl
from jax.experimental.pallas import tpu as pltpu
from jax.experimental.pallas import tpu_sc as plsc

VOCAB = 1000000
BATCH = 4096
SEQ = 200
EMBED_DIM = 64
HIDDEN = 256
NUM_CLASSES = 50

NC = 2
NS = 16
NW = NC * NS
BPW = BATCH // NW
CHUNK_A = 104
CHUNK_B = SEQ - CHUNK_A
LANES = 16
NCOL = EMBED_DIM // LANES
def _pool_body(x_hbm, emb_hbm, out_hbm, idx_v, rows_v, pooled_v, sem0, sem1):
    wid = lax.axis_index("s") * NC + lax.axis_index("c")
    base = wid * BPW
    pltpu.sync_copy(x_hbm.at[pl.ds(base * SEQ, BPW * SEQ)], idx_v)

    sems = (sem0, sem1)

    def issue(b, slot):
        sem = sems[slot]
        pltpu.async_copy(
            emb_hbm.at[idx_v.at[pl.ds(b * SEQ, CHUNK_A)]],
            rows_v.at[pl.ds(slot * SEQ, CHUNK_A)],
            sem,
        )
        pltpu.async_copy(
            emb_hbm.at[idx_v.at[pl.ds(b * SEQ + CHUNK_A, CHUNK_B)]],
            rows_v.at[pl.ds(slot * SEQ + CHUNK_A, CHUNK_B)],
            sem,
        )

    def drain(slot):
        pltpu.make_async_copy(
            emb_hbm.at[pl.ds(0, SEQ)],
            rows_v.at[pl.ds(slot * SEQ, SEQ)],
            sems[slot],
        ).wait()

    inv = jnp.float32(1.0 / SEQ)

    def reduce_item(b, slot):
        def row_step(r, acc):
            return tuple(
                acc[c] + rows_v[slot * SEQ + r, pl.ds(c * LANES, LANES)]
                for c in range(NCOL)
            )

        acc0 = tuple(jnp.zeros((LANES,), jnp.float32) for _ in range(NCOL))
        acc = lax.fori_loop(0, SEQ, row_step, acc0, unroll=4)
        for c in range(NCOL):
            pooled_v[pl.ds(b * EMBED_DIM + c * LANES, LANES)] = acc[c] * inv

    issue(0, 0)
    issue(1, 1)

    def outer(i, _):
        g = i * 2
        for s in range(2):
            b = g + s
            drain(s)
            reduce_item(b, s)
            issue(b + 2, s)
        return 0

    lax.fori_loop(0, (BPW - 2) // 2, outer, 0)
    for s in range(2):
        drain(s)
        reduce_item(BPW - 2 + s, s)

    pltpu.sync_copy(
        pooled_v, out_hbm.at[pl.ds(base * EMBED_DIM, BPW * EMBED_DIM)]
    )


_pool = functools.partial(
    pl.kernel,
    out_type=jax.ShapeDtypeStruct((BATCH * EMBED_DIM,), jnp.float32),
    mesh=plsc.VectorSubcoreMesh(core_axis_name="c", subcore_axis_name="s"),
    compiler_params=pltpu.CompilerParams(use_tc_tiling_on_sc=False),
    scratch_types=[
        pltpu.VMEM((BPW * SEQ,), jnp.int32),
        pltpu.VMEM((2 * SEQ, EMBED_DIM), jnp.float32),
        pltpu.VMEM((BPW * EMBED_DIM,), jnp.float32),
        pltpu.SemaphoreType.DMA,
        pltpu.SemaphoreType.DMA,
    ],
)(_pool_body)


_TR_CHUNK = 128
_TR_NCHUNK = VOCAB // _TR_CHUNK
_TR_TAIL = VOCAB - _TR_NCHUNK * _TR_CHUNK
_TR_BASE = _TR_NCHUNK // NW
_TR_EXTRA = _TR_NCHUNK % NW


def _trans_body(embt_hbm, tail_hbm, out_hbm, in_a, in_b, in_t, out_v,
                sem_i0, sem_i1, sem_o0, sem_o1):
    wid = lax.axis_index("s") * NC + lax.axis_index("c")
    chunk0 = wid * _TR_BASE
    sems_i = (sem_i0, sem_i1)
    sems_o = (sem_o0, sem_o1)
    in_bufs = (in_a, in_b)
    ob = _TR_CHUNK * EMBED_DIM

    def issue_in(ci, slot):
        pltpu.async_copy(
            embt_hbm.at[:, pl.ds((chunk0 + ci) * _TR_CHUNK, _TR_CHUNK)],
            in_bufs[slot],
            sems_i[slot],
        )

    def wait_in(slot):
        pltpu.make_async_copy(
            embt_hbm.at[:, pl.ds(0, _TR_CHUNK)],
            in_bufs[slot],
            sems_i[slot],
        ).wait()

    iota16 = lax.iota(jnp.int32, LANES)
    rot = [lax.rem(iota16 + d, LANES) for d in range(LANES)]
    rot64 = [rot[d] * EMBED_DIM + iota16 for d in range(LANES)]

    def repack(slot):
        buf = in_bufs[slot]
        for jc in range(EMBED_DIM // LANES):
            c_idx = iota16 + jc * LANES

            def r_step(rb, _):
                r0 = rb * LANES
                obase = slot * ob + r0 * EMBED_DIM + jc * LANES
                for d in range(LANES):
                    v = plsc.load_gather(buf, [c_idx, rot[d] + r0])
                    plsc.store_scatter(out_v, [rot64[d] + obase], v)
                return 0

            lax.fori_loop(0, _TR_CHUNK // LANES, r_step, 0)

    def issue_out(ci, slot):
        pltpu.async_copy(
            out_v.at[pl.ds(slot * ob, ob)],
            out_hbm.at[pl.ds((chunk0 + ci) * ob, ob)],
            sems_o[slot],
        )

    def wait_out(slot):
        pltpu.make_async_copy(
            out_v.at[pl.ds(slot * ob, ob)],
            out_hbm.at[pl.ds(0, ob)],
            sems_o[slot],
        ).wait()

    issue_in(0, 0)
    issue_in(1, 1)

    def outer(i, _):
        ci = i * 2
        for s in range(2):
            c = ci + s
            wait_in(s)

            @pl.when(c >= 2)
            def _():
                wait_out(s)

            repack(s)
            issue_out(c, s)

            @pl.when(c + 2 < _TR_BASE)
            def _():
                issue_in(c + 2, s)

        return 0

    lax.fori_loop(0, _TR_BASE // 2, outer, 0)
    wait_out(0)
    wait_out(1)

    @pl.when(wid < _TR_EXTRA)
    def _():
        ce = NW * _TR_BASE + wid
        pltpu.sync_copy(
            embt_hbm.at[:, pl.ds(ce * _TR_CHUNK, _TR_CHUNK)],
            in_bufs[0],
        )
        repack(0)
        pltpu.sync_copy(
            out_v.at[pl.ds(0, ob)],
            out_hbm.at[pl.ds(ce * ob, ob)],
        )

    @pl.when(wid == _TR_EXTRA)
    def _():
        pltpu.sync_copy(tail_hbm, in_t)
        lane64 = iota16 * EMBED_DIM

        def c_step(c, _):
            for t in range(_TR_TAIL // LANES):
                v = in_t[c, pl.ds(t * LANES, LANES)]
                idx = lane64 + (t * LANES * EMBED_DIM + c)
                plsc.store_scatter(
                    out_v.at[pl.ds(0, _TR_TAIL * EMBED_DIM)], [idx], v
                )
            return 0

        lax.fori_loop(0, EMBED_DIM, c_step, 0)
        pltpu.sync_copy(
            out_v.at[pl.ds(0, _TR_TAIL * EMBED_DIM)],
            out_hbm.at[pl.ds(_TR_NCHUNK * _TR_CHUNK * EMBED_DIM,
                             _TR_TAIL * EMBED_DIM)],
        )


_trans = functools.partial(
    pl.kernel,
    out_type=jax.ShapeDtypeStruct((VOCAB * EMBED_DIM,), jnp.float32),
    mesh=plsc.VectorSubcoreMesh(core_axis_name="c", subcore_axis_name="s"),
    compiler_params=pltpu.CompilerParams(needs_layout_passes=False),
    scratch_types=[
        pltpu.VMEM((EMBED_DIM, _TR_CHUNK), jnp.float32),
        pltpu.VMEM((EMBED_DIM, _TR_CHUNK), jnp.float32),
        pltpu.VMEM((EMBED_DIM, _TR_TAIL), jnp.float32),
        pltpu.VMEM((2 * _TR_CHUNK * EMBED_DIM,), jnp.float32),
        pltpu.SemaphoreType.DMA,
        pltpu.SemaphoreType.DMA,
        pltpu.SemaphoreType.DMA,
        pltpu.SemaphoreType.DMA,
    ],
)(_trans_body)


def _mlp_body(p_ref, w1_ref, b1_ref, w2_ref, b2_ref, o_ref):
    h = jnp.dot(p_ref[...], w1_ref[...], preferred_element_type=jnp.float32)
    h = jnp.maximum(h + b1_ref[...], 0.0)
    o_ref[...] = (
        jnp.dot(h, w2_ref[...], preferred_element_type=jnp.float32)
        + b2_ref[...]
    )


_MLP_BLOCK = 512


@jax.jit
def kernel(x, emb, W1, b1, W2, b2):
    x = x.astype(jnp.int32).reshape(BATCH * SEQ)
    tail = emb.T[:, _TR_NCHUNK * _TR_CHUNK:]
    emb_lin = _trans(emb.T, tail).reshape(VOCAB, EMBED_DIM)
    pooled = _pool(x, emb_lin).reshape(BATCH, EMBED_DIM)
    grid = BATCH // _MLP_BLOCK
    out = pl.pallas_call(
        _mlp_body,
        grid=(grid,),
        in_specs=[
            pl.BlockSpec((_MLP_BLOCK, EMBED_DIM), lambda i: (i, 0)),
            pl.BlockSpec((EMBED_DIM, HIDDEN), lambda i: (0, 0)),
            pl.BlockSpec((1, HIDDEN), lambda i: (0, 0)),
            pl.BlockSpec((HIDDEN, NUM_CLASSES), lambda i: (0, 0)),
            pl.BlockSpec((1, NUM_CLASSES), lambda i: (0, 0)),
        ],
        out_specs=pl.BlockSpec((_MLP_BLOCK, NUM_CLASSES), lambda i: (i, 0)),
        out_shape=jax.ShapeDtypeStruct((BATCH, NUM_CLASSES), jnp.float32),
    )(pooled, W1, b1.reshape(1, HIDDEN), W2, b2.reshape(1, NUM_CLASSES))
    return out

# --- scband reference (transcript-rebuilt; emitter-appended) ---
"""Pipeline reference for scband-fast-text-model-8899172237485 (READ-ONLY COPY).

The authoritative reference and input builder live on the scoring server;
editing this copy changes nothing except your own understanding.
"""

import jax, jax.numpy as jnp
import numpy as np

VOCAB = 1000000
EMBED_DIM = 64
HIDDEN = 256
NUM_CLASSES = 50
BATCH = 4096
SEQ = 200


def setup_inputs(seed: int = 0) -> dict:
    key = jax.random.key(seed)
    k_idx, k_emb, k_w1, k_b1, k_w2, k_b2 = jax.random.split(key, 6)
    x = jax.random.randint(k_idx, (BATCH, SEQ), 0, VOCAB, dtype=jnp.int64 if jax.config.jax_enable_x64 else jnp.int32)
    emb = jax.random.normal(k_emb, (VOCAB, EMBED_DIM), dtype=jnp.float32) * 0.02
    W1 = jax.random.normal(k_w1, (EMBED_DIM, HIDDEN), dtype=jnp.float32) * (1.0 / np.sqrt(EMBED_DIM))
    b1 = jnp.zeros((HIDDEN,), dtype=jnp.float32)
    W2 = jax.random.normal(k_w2, (HIDDEN, NUM_CLASSES), dtype=jnp.float32) * (1.0 / np.sqrt(HIDDEN))
    b2 = jnp.zeros((NUM_CLASSES,), dtype=jnp.float32)
    return {"x": x, "emb": emb, "W1": W1, "b1": b1, "W2": W2, "b2": b2}


def reference(x, emb, W1, b1, W2, b2):
    # embedding lookup: [B, S, D]
    embedded = jnp.take(emb, x, axis=0)
    # mean pool over sequence dim
    pooled = jnp.mean(embedded, axis=1)
    # MLP head (dropout is identity at inference)
    h = jnp.maximum(pooled @ W1 + b1, 0.0)
    out = h @ W2 + b2
    return out

if __name__ == "__main__":
    import jax
    _d = setup_inputs()
    print(jax.jit(kernel)(*tuple(_d.values())))

</pallas_src>

<mosaic_0001>
#map = affine_map<(d0, d1) -> (0, 0)>
#map1 = affine_map<(d0, d1) -> (0)>
module attributes {stable_mosaic.version = 14 : i64} {
  func.func @_trans_body(%arg0: i32, %arg1: i32, %arg2: memref<64x1000000xf32, #tpu.memory_space<hbm>>, %arg3: memref<64x64xf32, #tpu.memory_space<hbm>>, %arg4: memref<64000000xf32, #tpu.memory_space<hbm>>, %arg5: memref<64x128xf32, #tpu.memory_space<vmem>>, %arg6: memref<64x128xf32, #tpu.memory_space<vmem>>, %arg7: memref<64x64xf32, #tpu.memory_space<vmem>>, %arg8: memref<16384xf32, #tpu.memory_space<vmem>>, %arg9: memref<!tpu.dma_semaphore, #tpu.memory_space<semaphore_mem>>, %arg10: memref<!tpu.dma_semaphore, #tpu.memory_space<semaphore_mem>>, %arg11: memref<!tpu.dma_semaphore, #tpu.memory_space<semaphore_mem>>, %arg12: memref<!tpu.dma_semaphore, #tpu.memory_space<semaphore_mem>>) attributes {dimension_semantics = [#tpu.dimension_semantics<core_parallel>, #tpu.dimension_semantics<subcore_parallel>], iteration_bounds = array<i64: 2, 16>, scalar_prefetch = 0 : i64, scratch_operands = 8 : i64, tpu.core_type = #tpu.core_type<sc_vector_subcore>, window_params = [{transform_indices = #map}, {transform_indices = #map}, {transform_indices = #map1}]} {
    %mul3A = arith.constant 2 : i32
    %mul3A_0 = arith.muli %arg1, %mul3A : i32
    %add3A = arith.addi %mul3A_0, %arg0 : i32
    %mul3A_1 = arith.constant 244 : i32
    %mul3A_2 = arith.muli %add3A, %mul3A_1 : i32
    %iota3A = tpu.iota {dimensions = array<i32: 0>} : vector<16xi32>
    %add3A_3 = arith.constant 0 : i32
    %add3A_4 = vector.broadcast %add3A_3 : i32 to vector<16xi32>
    %add3A_5 = arith.addi %iota3A, %add3A_4 : vector<16xi32>
    %rem3A = arith.constant 16 : i32
    %rem3A_6 = vector.broadcast %rem3A : i32 to vector<16xi32>
    %rem3A_7 = arith.remsi %add3A_5, %rem3A_6 : vector<16xi32>
    %add3A_8 = arith.constant 1 : i32
    %add3A_9 = vector.broadcast %add3A_8 : i32 to vector<16xi32>
    %add3A_10 = arith.addi %iota3A, %add3A_9 : vector<16xi32>
    %rem3A_11 = arith.constant 16 : i32
    %rem3A_12 = vector.broadcast %rem3A_11 : i32 to vector<16xi32>
    %rem3A_13 = arith.remsi %add3A_10, %rem3A_12 : vector<16xi32>
    %add3A_14 = arith.constant 2 : i32
    %add3A_15 = vector.broadcast %add3A_14 : i32 to vector<16xi32>
    %add3A_16 = arith.addi %iota3A, %add3A_15 : vector<16xi32>
    %rem3A_17 = arith.constant 16 : i32
    %rem3A_18 = vector.broadcast %rem3A_17 : i32 to vector<16xi32>
    %rem3A_19 = arith.remsi %add3A_16, %rem3A_18 : vector<16xi32>
    %add3A_20 = arith.constant 3 : i32
    %add3A_21 = vector.broadcast %add3A_20 : i32 to vector<16xi32>
    %add3A_22 = arith.addi %iota3A, %add3A_21 : vector<16xi32>
    %rem3A_23 = arith.constant 16 : i32
    %rem3A_24 = vector.broadcast %rem3A_23 : i32 to vector<16xi32>
    %rem3A_25 = arith.remsi %add3A_22, %rem3A_24 : vector<16xi32>
    %add3A_26 = arith.constant 4 : i32
    %add3A_27 = vector.broadcast %add3A_26 : i32 to vector<16xi32>
    %add3A_28 = arith.addi %iota3A, %add3A_27 : vector<16xi32>
    %rem3A_29 = arith.constant 16 : i32
    %rem3A_30 = vector.broadcast %rem3A_29 : i32 to vector<16xi32>
    %rem3A_31 = arith.remsi %add3A_28, %rem3A_30 : vector<16xi32>
    %add3A_32 = arith.constant 5 : i32
    %add3A_33 = vector.broadcast %add3A_32 : i32 to vector<16xi32>
    %add3A_34 = arith.addi %iota3A, %add3A_33 : vector<16xi32>
    %rem3A_35 = arith.constant 16 : i32
    %rem3A_36 = vector.broadcast %rem3A_35 : i32 to vector<16xi32>
    %rem3A_37 = arith.remsi %add3A_34, %rem3A_36 : vector<16xi32>
    %add3A_38 = arith.constant 6 : i32
    %add3A_39 = vector.broadcast %add3A_38 : i32 to vector<16xi32>
    %add3A_40 = arith.addi %iota3A, %add3A_39 : vector<16xi32>
    %rem3A_41 = arith.constant 16 : i32
    %rem3A_42 = vector.broadcast %rem3A_41 : i32 to vector<16xi32>
    %rem3A_43 = arith.remsi %add3A_40, %rem3A_42 : vector<16xi32>
    %add3A_44 = arith.constant 7 : i32
    %add3A_45 = vector.broadcast %add3A_44 : i32 to vector<16xi32>
    %add3A_46 = arith.addi %iota3A, %add3A_45 : vector<16xi32>
    %rem3A_47 = arith.constant 16 : i32
    %rem3A_48 = vector.broadcast %rem3A_47 : i32 to vector<16xi32>
    %rem3A_49 = arith.remsi %add3A_46, %rem3A_48 : vector<16xi32>
    %add3A_50 = arith.constant 8 : i32
    %add3A_51 = vector.broadcast %add3A_50 : i32 to vector<16xi32>
    %add3A_52 = arith.addi %iota3A, %add3A_51 : vector<16xi32>
    %rem3A_53 = arith.constant 16 : i32
    %rem3A_54 = vector.broadcast %rem3A_53 : i32 to vector<16xi32>
    %rem3A_55 = arith.remsi %add3A_52, %rem3A_54 : vector<16xi32>
    %add3A_56 = arith.constant 9 : i32
    %add3A_57 = vector.broadcast %add3A_56 : i32 to vector<16xi32>
    %add3A_58 = arith.addi %iota3A, %add3A_57 : vector<16xi32>
    %rem3A_59 = arith.constant 16 : i32
    %rem3A_60 = vector.broadcast %rem3A_59 : i32 to vector<16xi32>
    %rem3A_61 = arith.remsi %add3A_58, %rem3A_60 : vector<16xi32>
    %add3A_62 = arith.constant 10 : i32
    %add3A_63 = vector.broadcast %add3A_62 : i32 to vector<16xi32>
    %add3A_64 = arith.addi %iota3A, %add3A_63 : vector<16xi32>
    %rem3A_65 = arith.constant 16 : i32
    %rem3A_66 = vector.broadcast %rem3A_65 : i32 to vector<16xi32>
    %rem3A_67 = arith.remsi %add3A_64, %rem3A_66 : vector<16xi32>
    %add3A_68 = arith.constant 11 : i32
    %add3A_69 = vector.broadcast %add3A_68 : i32 to vector<16xi32>
    %add3A_70 = arith.addi %iota3A, %add3A_69 : vector<16xi32>
    %rem3A_71 = arith.constant 16 : i32
    %rem3A_72 = vector.broadcast %rem3A_71 : i32 to vector<16xi32>
    %rem3A_73 = arith.remsi %add3A_70, %rem3A_72 : vector<16xi32>
    %add3A_74 = arith.constant 12 : i32
    %add3A_75 = vector.broadcast %add3A_74 : i32 to vector<16xi32>
    %add3A_76 = arith.addi %iota3A, %add3A_75 : vector<16xi32>
    %rem3A_77 = arith.constant 16 : i32
    %rem3A_78 = vector.broadcast %rem3A_77 : i32 to vector<16xi32>
    %rem3A_79 = arith.remsi %add3A_76, %rem3A_78 : vector<16xi32>
    %add3A_80 = arith.constant 13 : i32
    %add3A_81 = vector.broadcast %add3A_80 : i32 to vector<16xi32>
    %add3A_82 = arith.addi %iota3A, %add3A_81 : vector<16xi32>
    %rem3A_83 = arith.constant 16 : i32
    %rem3A_84 = vector.broadcast %rem3A_83 : i32 to vector<16xi32>
    %rem3A_85 = arith.remsi %add3A_82, %rem3A_84 : vector<16xi32>
    %add3A_86 = arith.constant 14 : i32
    %add3A_87 = vector.broadcast %add3A_86 : i32 to vector<16xi32>
    %add3A_88 = arith.addi %iota3A, %add3A_87 : vector<16xi32>
    %rem3A_89 = arith.constant 16 : i32
    %rem3A_90 = vector.broadcast %rem3A_89 : i32 to vector<16xi32>
    %rem3A_91 = arith.remsi %add3A_88, %rem3A_90 : vector<16xi32>
    %add3A_92 = arith.constant 15 : i32
    %add3A_93 = vector.broadcast %add3A_92 : i32 to vector<16xi32>
    %add3A_94 = arith.addi %iota3A, %add3A_93 : vector<16xi32>
    %rem3A_95 = arith.constant 16 : i32
    %rem3A_96 = vector.broadcast %rem3A_95 : i32 to vector<16xi32>
    %rem3A_97 = arith.remsi %add3A_94, %rem3A_96 : vector<16xi32>
    %mul3A_98 = arith.constant 64 : i32
    %mul3A_99 = vector.broadcast %mul3A_98 : i32 to vector<16xi32>
    %mul3A_100 = arith.muli %rem3A_7, %mul3A_99 : vector<16xi32>
    %add3A_101 = arith.addi %mul3A_100, %iota3A : vector<16xi32>
    %mul3A_102 = arith.constant 64 : i32
    %mul3A_103 = vector.broadcast %mul3A_102 : i32 to vector<16xi32>
    %mul3A_104 = arith.muli %rem3A_13, %mul3A_103 : vector<16xi32>
    %add3A_105 = arith.addi %mul3A_104, %iota3A : vector<16xi32>
    %mul3A_106 = arith.constant 64 : i32
    %mul3A_107 = vector.broadcast %mul3A_106 : i32 to vector<16xi32>
    %mul3A_108 = arith.muli %rem3A_19, %mul3A_107 : vector<16xi32>
    %add3A_109 = arith.addi %mul3A_108, %iota3A : vector<16xi32>
    %mul3A_110 = arith.constant 64 : i32
    %mul3A_111 = vector.broadcast %mul3A_110 : i32 to vector<16xi32>
    %mul3A_112 = arith.muli %rem3A_25, %mul3A_111 : vector<16xi32>
    %add3A_113 = arith.addi %mul3A_112, %iota3A : vector<16xi32>
    %mul3A_114 = arith.constant 64 : i32
    %mul3A_115 = vector.broadcast %mul3A_114 : i32 to vector<16xi32>
    %mul3A_116 = arith.muli %rem3A_31, %mul3A_115 : vector<16xi32>
    %add3A_117 = arith.addi %mul3A_116, %iota3A : vector<16xi32>
    %mul3A_118 = arith.constant 64 : i32
    %mul3A_119 = vector.broadcast %mul3A_118 : i32 to vector<16xi32>
    %mul3A_120 = arith.muli %rem3A_37, %mul3A_119 : vector<16xi32>
    %add3A_121 = arith.addi %mul3A_120, %iota3A : vector<16xi32>
    %mul3A_122 = arith.constant 64 : i32
    %mul3A_123 = vector.broadcast %mul3A_122 : i32 to vector<16xi32>
    %mul3A_124 = arith.muli %rem3A_43, %mul3A_123 : vector<16xi32>
    %add3A_125 = arith.addi %mul3A_124, %iota3A : vector<16xi32>
    %mul3A_126 = arith.constant 64 : i32
    %mul3A_127 = vector.broadcast %mul3A_126 : i32 to vector<16xi32>
    %mul3A_128 = arith.muli %rem3A_49, %mul3A_127 : vector<16xi32>
    %add3A_129 = arith.addi %mul3A_128, %iota3A : vector<16xi32>
    %mul3A_130 = arith.constant 64 : i32
    %mul3A_131 = vector.broadcast %mul3A_130 : i32 to vector<16xi32>
    %mul3A_132 = arith.muli %rem3A_55, %mul3A_131 : vector<16xi32>
    %add3A_133 = arith.addi %mul3A_132, %iota3A : vector<16xi32>
    %mul3A_134 = arith.constant 64 : i32
    %mul3A_135 = vector.broadcast %mul3A_134 : i32 to vector<16xi32>
    %mul3A_136 = arith.muli %rem3A_61, %mul3A_135 : vector<16xi32>
    %add3A_137 = arith.addi %mul3A_136, %iota3A : vector<16xi32>
    %mul3A_138 = arith.constant 64 : i32
    %mul3A_139 = vector.broadcast %mul3A_138 : i32 to vector<16xi32>
    %mul3A_140 = arith.muli %rem3A_67, %mul3A_139 : vector<16xi32>
    %add3A_141 = arith.addi %mul3A_140, %iota3A : vector<16xi32>
    %mul3A_142 = arith.constant 64 : i32
    %mul3A_143 = vector.broadcast %mul3A_142 : i32 to vector<16xi32>
    %mul3A_144 = arith.muli %rem3A_73, %mul3A_143 : vector<16xi32>
    %add3A_145 = arith.addi %mul3A_144, %iota3A : vector<16xi32>
    %mul3A_146 = arith.constant 64 : i32
    %mul3A_147 = vector.broadcast %mul3A_146 : i32 to vector<16xi32>
    %mul3A_148 = arith.muli %rem3A_79, %mul3A_147 : vector<16xi32>
    %add3A_149 = arith.addi %mul3A_148, %iota3A : vector<16xi32>
    %mul3A_150 = arith.constant 64 : i32
    %mul3A_151 = vector.broadcast %mul3A_150 : i32 to vector<16xi32>
    %mul3A_152 = arith.muli %rem3A_85, %mul3A_151 : vector<16xi32>
    %add3A_153 = arith.addi %mul3A_152, %iota3A : vector<16xi32>
    %mul3A_154 = arith.constant 64 : i32
    %mul3A_155 = vector.broadcast %mul3A_154 : i32 to vector<16xi32>
    %mul3A_156 = arith.muli %rem3A_91, %mul3A_155 : vector<16xi32>
    %add3A_157 = arith.addi %mul3A_156, %iota3A : vector<16xi32>
    %mul3A_158 = arith.constant 64 : i32
    %mul3A_159 = vector.broadcast %mul3A_158 : i32 to vector<16xi32>
    %mul3A_160 = arith.muli %rem3A_97, %mul3A_159 : vector<16xi32>
    %add3A_161 = arith.addi %mul3A_160, %iota3A : vector<16xi32>
    %add3A_162 = arith.constant 0 : i32
    %add3A_163 = arith.addi %mul3A_2, %add3A_162 : i32
    %mul3A_164 = arith.constant 128 : i32
    %mul3A_165 = arith.muli %add3A_163, %mul3A_164 : i32
    %dma_start3A = arith.constant 0 : i32
    %dma_start3A_166 = tpu.memref_slice %arg2[%dma_start3A, %mul3A_165] : memref<64x1000000xf32, #tpu.memory_space<hbm>> -> memref<64x128xf32, #tpu.memory_space<hbm>>
    %dma_start3A_167 = arith.constant 0 : i32
    %dma_start3A_168 = tpu.memref_slice %arg2[%dma_start3A_167, %mul3A_165] : memref<64x1000000xf32, #tpu.memory_space<hbm>> -> memref<64x128xf32, #tpu.memory_space<hbm>>
    tpu.enqueue_dma source(%dma_start3A_168 : memref<64x128xf32, #tpu.memory_space<hbm>>) target(%arg5 : memref<64x128xf32, #tpu.memory_space<vmem>>) target_semaphore(%arg9 : memref<!tpu.dma_semaphore, #tpu.memory_space<semaphore_mem>>)
    %add3A_169 = arith.constant 1 : i32
    %add3A_170 = arith.addi %mul3A_2, %add3A_169 : i32
    %mul3A_171 = arith.constant 128 : i32
    %mul3A_172 = arith.muli %add3A_170, %mul3A_171 : i32
    %dma_start3A_173 = arith.constant 0 : i32
    %dma_start3A_174 = tpu.memref_slice %arg2[%dma_start3A_173, %mul3A_172] : memref<64x1000000xf32, #tpu.memory_space<hbm>> -> memref<64x128xf32, #tpu.memory_space<hbm>>
    %dma_start3A_175 = arith.constant 0 : i32
    %dma_start3A_176 = tpu.memref_slice %arg2[%dma_start3A_175, %mul3A_172] : memref<64x1000000xf32, #tpu.memory_space<hbm>> -> memref<64x128xf32, #tpu.memory_space<hbm>>
    tpu.enqueue_dma source(%dma_start3A_176 : memref<64x128xf32, #tpu.memory_space<hbm>>) target(%arg6 : memref<64x128xf32, #tpu.memory_space<vmem>>) target_semaphore(%arg10 : memref<!tpu.dma_semaphore, #tpu.memory_space<semaphore_mem>>)
    %scan3A = arith.constant 0 : i32
    %scan3A_177 = arith.constant 0 : i32
    %scan3A_178 = arith.constant 122 : i32
    %scan3A_179 = arith.addi %scan3A_177, %scan3A_178 : i32
    %scan3A_180 = arith.constant 1 : i32
    %scan3A_181 = scf.for %scan3A_204 = %scan3A_177 to %scan3A_179 step %scan3A_180 iter_args(%scan3A_205 = %scan3A) -> (i32)  : i32 {
      %mul3A_206 = arith.constant 2 : i32
      %mul3A_207 = arith.muli %scan3A_204, %mul3A_206 : i32
      %add3A_208 = arith.constant 0 : i32
      %add3A_209 = arith.addi %mul3A_207, %add3A_208 : i32
      %dma_wait3A_210 = arith.constant 0 : i32
      %dma_wait3A_211 = arith.constant 0 : i32
      %dma_wait3A_212 = tpu.memref_slice %arg2[%dma_wait3A_210, %dma_wait3A_211] : memref<64x1000000xf32, #tpu.memory_space<hbm>> -> memref<64x128xf32, #tpu.memory_space<hbm>>
      %dma_wait3A_213 = arith.constant 0 : i32
      %dma_wait3A_214 = arith.constant 0 : i32
      %dma_wait3A_215 = tpu.memref_slice %arg2[%dma_wait3A_213, %dma_wait3A_214] : memref<64x1000000xf32, #tpu.memory_space<hbm>> -> memref<64x128xf32, #tpu.memory_space<hbm>>
      tpu.wait_dma2 semaphore(%arg9 : memref<!tpu.dma_semaphore, #tpu.memory_space<semaphore_mem>>) src(%dma_wait3A_215 : memref<64x128xf32, #tpu.memory_space<hbm>>) dst(%arg5 : memref<64x128xf32, #tpu.memory_space<vmem>>)
      %ge3A = arith.constant 2 : i32
      %ge3A_216 = arith.cmpi sge, %add3A_209, %ge3A : i32
      %convert_element_type3A_217 = arith.extui %ge3A_216 : i1 to i32
      %cond3A_218 = arith.constant 0 : i32
      %cond3A_219 = arith.cmpi ne, %convert_element_type3A_217, %cond3A_218 : i32
      scf.if %cond3A_219 {
        %dma_wait3A_346 = arith.constant 0 : i32
        %dma_wait3A_347 = tpu.memref_slice %arg8[%dma_wait3A_346] : memref<16384xf32, #tpu.memory_space<vmem>> -> memref<8192xf32, #tpu.memory_space<vmem>>
        %dma_wait3A_348 = arith.constant 0 : i32
        %dma_wait3A_349 = tpu.memref_slice %arg4[%dma_wait3A_348] : memref<64000000xf32, #tpu.memory_space<hbm>> -> memref<8192xf32, #tpu.memory_space<hbm>>
        %dma_wait3A_350 = arith.constant 0 : i32
        %dma_wait3A_351 = tpu.memref_slice %arg4[%dma_wait3A_350] : memref<64000000xf32, #tpu.memory_space<hbm>> -> memref<8192xf32, #tpu.memory_space<hbm>>
        %dma_wait3A_352 = arith.constant 0 : i32
        %dma_wait3A_353 = tpu.memref_slice %arg8[%dma_wait3A_352] : memref<16384xf32, #tpu.memory_space<vmem>> -> memref<8192xf32, #tpu.memory_space<vmem>>
        tpu.wait_dma2 semaphore(%arg11 : memref<!tpu.dma_semaphore, #tpu.memory_space<semaphore_mem>>) src(%dma_wait3A_353 : memref<8192xf32, #tpu.memory_space<vmem>>) dst(%dma_wait3A_351 : memref<8192xf32, #tpu.memory_space<hbm>>)
      } else {
      }
      %add3A_220 = arith.constant 0 : i32
      %add3A_221 = vector.broadcast %add3A_220 : i32 to vector<16xi32>
      %add3A_222 = arith.addi %iota3A, %add3A_221 : vector<16xi32>
      %scan3A_223 = arith.constant 0 : i32
      %scan3A_224 = arith.constant 0 : i32
      %scan3A_225 = arith.constant 8 : i32
      %scan3A_226 = arith.addi %scan3A_224, %scan3A_225 : i32
      %scan3A_227 = arith.constant 1 : i32
      %scan3A_228 = scf.for %scan3A_346 = %scan3A_224 to %scan3A_226 step %scan3A_227 iter_args(%scan3A_347 = %scan3A_223) -> (i32)  : i32 {
        %mul3A_348 = arith.constant 16 : i32
        %mul3A_349 = arith.muli %scan3A_346, %mul3A_348 : i32
        %mul3A_350 = arith.constant 64 : i32
        %mul3A_351 = arith.muli %mul3A_349, %mul3A_350 : i32
        %add3A_352 = arith.constant 0 : i32
        %add3A_353 = arith.addi %add3A_352, %mul3A_351 : i32
        %add3A_354 = arith.constant 0 : i32
        %add3A_355 = arith.addi %add3A_353, %add3A_354 : i32
        %add3A_356 = vector.broadcast %mul3A_349 : i32 to vector<16xi32>
        %add3A_357 = arith.addi %rem3A_7, %add3A_356 : vector<16xi32>
        %gather3A = tpu.vector_load_idx %arg5[%add3A_222, %add3A_357] : memref<64x128xf32, #tpu.memory_space<vmem>>[vector<16xi32>, vector<16xi32>], vector<16xf32>,
        %add3A_358 = vector.broadcast %add3A_355 : i32 to vector<16xi32>
        %add3A_359 = arith.addi %add3A_101, %add3A_358 : vector<16xi32>
        tpu.vector_store_idx %arg8[%add3A_359], %gather3A : memref<16384xf32, #tpu.memory_space<vmem>>[vector<16xi32>], vector<16xf32>,
        %add3A_360 = vector.broadcast %mul3A_349 : i32 to vector<16xi32>
        %add3A_361 = arith.addi %rem3A_13, %add3A_360 : vector<16xi32>
        %gather3A_362 = tpu.vector_load_idx %arg5[%add3A_222, %add3A_361] : memref<64x128xf32, #tpu.memory_space<vmem>>[vector<16xi32>, vector<16xi32>], vector<16xf32>,
        %add3A_363 = vector.broadcast %add3A_355 : i32 to vector<16xi32>
        %add3A_364 = arith.addi %add3A_105, %add3A_363 : vector<16xi32>
        tpu.vector_store_idx %arg8[%add3A_364], %gather3A_362 : memref<16384xf32, #tpu.memory_space<vmem>>[vector<16xi32>], vector<16xf32>,
        %add3A_365 = vector.broadcast %mul3A_349 : i32 to vector<16xi32>
        %add3A_366 = arith.addi %rem3A_19, %add3A_365 : vector<16xi32>
        %gather3A_367 = tpu.vector_load_idx %arg5[%add3A_222, %add3A_366] : memref<64x128xf32, #tpu.memory_space<vmem>>[vector<16xi32>, vector<16xi32>], vector<16xf32>,
        %add3A_368 = vector.broadcast %add3A_355 : i32 to vector<16xi32>
        %add3A_369 = arith.addi %add3A_109, %add3A_368 : vector<16xi32>
        tpu.vector_store_idx %arg8[%add3A_369], %gather3A_367 : memref<16384xf32, #tpu.memory_space<vmem>>[vector<16xi32>], vector<16xf32>,
        %add3A_370 = vector.broadcast %mul3A_349 : i32 to vector<16xi32>
        %add3A_371 = arith.addi %rem3A_25, %add3A_370 : vector<16xi32>
        %gather3A_372 = tpu.vector_load_idx %arg5[%add3A_222, %add3A_371] : memref<64x128xf32, #tpu.memory_space<vmem>>[vector<16xi32>, vector<16xi32>], vector<16xf32>,
        %add3A_373 = vector.broadcast %add3A_355 : i32 to vector<16xi32>
        %add3A_374 = arith.addi %add3A_113, %add3A_373 : vector<16xi32>
        tpu.vector_store_idx %arg8[%add3A_374], %gather3A_372 : memref<16384xf32, #tpu.memory_space<vmem>>[vector<16xi32>], vector<16xf32>,
        %add3A_375 = vector.broadcast %mul3A_349 : i32 to vector<16xi32>
        %add3A_376 = arith.addi %rem3A_31, %add3A_375 : vector<16xi32>
        %gather3A_377 = tpu.vector_load_idx %arg5[%add3A_222, %add3A_376] : memref<64x128xf32, #tpu.memory_space<vmem>>[vector<16xi32>, vector<16xi32>], vector<16xf32>,
        %add3A_378 = vector.broadcast %add3A_355 : i32 to vector<16xi32>
        %add3A_379 = arith.addi %add3A_117, %add3A_378 : vector<16xi32>
        tpu.vector_store_idx %arg8[%add3A_379], %gather3A_377 : memref<16384xf32, #tpu.memory_space<vmem>>[vector<16xi32>], vector<16xf32>,
        %add3A_380 = vector.broadcast %mul3A_349 : i32 to vector<16xi32>
        %add3A_381 = arith.addi %rem3A_37, %add3A_380 : vector<16xi32>
        %gather3A_382 = tpu.vector_load_idx %arg5[%add3A_222, %add3A_381] : memref<64x128xf32, #tpu.memory_space<vmem>>[vector<16xi32>, vector<16xi32>], vector<16xf32>,
        %add3A_383 = vector.broadcast %add3A_355 : i32 to vector<16xi32>
        %add3A_384 = arith.addi %add3A_121, %add3A_383 : vector<16xi32>
        tpu.vector_store_idx %arg8[%add3A_384], %gather3A_382 : memref<16384xf32, #tpu.memory_space<vmem>>[vector<16xi32>], vector<16xf32>,
        %add3A_385 = vector.broadcast %mul3A_349 : i32 to vector<16xi32>
        %add3A_386 = arith.addi %rem3A_43, %add3A_385 : vector<16xi32>
        %gather3A_387 = tpu.vector_load_idx %arg5[%add3A_222, %add3A_386] : memref<64x128xf32, #tpu.memory_space<vmem>>[vector<16xi32>, vector<16xi32>], vector<16xf32>,
        %add3A_388 = vector.broadcast %add3A_355 : i32 to vector<16xi32>
        %add3A_389 = arith.addi %add3A_125, %add3A_388 : vector<16xi32>
        tpu.vector_store_idx %arg8[%add3A_389], %gather3A_387 : memref<16384xf32, #tpu.memory_space<vmem>>[vector<16xi32>], vector<16xf32>,
        %add3A_390 = vector.broadcast %mul3A_349 : i32 to vector<16xi32>
        %add3A_391 = arith.addi %rem3A_49, %add3A_390 : vector<16xi32>
        %gather3A_392 = tpu.vector_load_idx %arg5[%add3A_222, %add3A_391] : memref<64x128xf32, #tpu.memory_space<vmem>>[vector<16xi32>, vector<16xi32>], vector<16xf32>,
        %add3A_393 = vector.broadcast %add3A_355 : i32 to vector<16xi32>
        %add3A_394 = arith.addi %add3A_129, %add3A_393 : vector<16xi32>
        tpu.vector_store_idx %arg8[%add3A_394], %gather3A_392 : memref<16384xf32, #tpu.memory_space<vmem>>[vector<16xi32>], vector<16xf32>,
        %add3A_395 = vector.broadcast %mul3A_349 : i32 to vector<16xi32>
        %add3A_396 = arith.addi %rem3A_55, %add3A_395 : vector<16xi32>
        %gather3A_397 = tpu.vector_load_idx %arg5[%add3A_222, %add3A_396] : memref<64x128xf32, #tpu.memory_space<vmem>>[vector<16xi32>, vector<16xi32>], vector<16xf32>,
        %add3A_398 = vector.broadcast %add3A_355 : i32 to vector<16xi32>
        %add3A_399 = arith.addi %add3A_133, %add3A_398 : vector<16xi32>
        tpu.vector_store_idx %arg8[%add3A_399], %gather3A_397 : memref<16384xf32, #tpu.memory_space<vmem>>[vector<16xi32>], vector<16xf32>,
        %add3A_400 = vector.broadcast %mul3A_349 : i32 to vector<16xi32>
        %add3A_401 = arith.addi %rem3A_61, %add3A_400 : vector<16xi32>
        %gather3A_402 = tpu.vector_load_idx %arg5[%add3A_222, %add3A_401] : memref<64x128xf32, #tpu.memory_space<vmem>>[vector<16xi32>, vector<16xi32>], vector<16xf32>,
        %add3A_403 = vector.broadcast %add3A_355 : i32 to vector<16xi32>
        %add3A_404 = arith.addi %add3A_137, %add3A_403 : vector<16xi32>
        tpu.vector_store_idx %arg8[%add3A_404], %gather3A_402 : memref<16384xf32, #tpu.memory_space<vmem>>[vector<16xi32>], vector<16xf32>,
        %add3A_405 = vector.broadcast %mul3A_349 : i32 to vector<16xi32>
        %add3A_406 = arith.addi %rem3A_67, %add3A_405 : vector<16xi32>
        %gather3A_407 = tpu.vector_load_idx %arg5[%add3A_222, %add3A_406] : memref<64x128xf32, #tpu.memory_space<vmem>>[vector<16xi32>, vector<16xi32>], vector<16xf32>,
        %add3A_408 = vector.broadcast %add3A_355 : i32 to vector<16xi32>
        %add3A_409 = arith.addi %add3A_141, %add3A_408 : vector<16xi32>
        tpu.vector_store_idx %arg8[%add3A_409], %gather3A_407 : memref<16384xf32, #tpu.memory_space<vmem>>[vector<16xi32>], vector<16xf32>,
        %add3A_410 = vector.broadcast %mul3A_349 : i32 to vector<16xi32>
        %add3A_411 = arith.addi %rem3A_73, %add3A_410 : vector<16xi32>
        %gather3A_412 = tpu.vector_load_idx %arg5[%add3A_222, %add3A_411] : memref<64x128xf32, #tpu.memory_space<vmem>>[vector<16xi32>, vector<16xi32>], vector<16xf32>,
        %add3A_413 = vector.broadcast %add3A_355 : i32 to vector<16xi32>
        %add3A_414 = arith.addi %add3A_145, %add3A_413 : vector<16xi32>
        tpu.vector_store_idx %arg8[%add3A_414], %gather3A_412 : memref<16384xf32, #tpu.memory_space<vmem>>[vector<16xi32>], vector<16xf32>,
        %add3A_415 = vector.broadcast %mul3A_349 : i32 to vector<16xi32>
        %add3A_416 = arith.addi %rem3A_79, %add3A_415 : vector<16xi32>
        %gather3A_417 = tpu.vector_load_idx %arg5[%add3A_222, %add3A_416] : memref<64x128xf32, #tpu.memory_space<vmem>>[vector<16xi32>, vector<16xi32>], vector<16xf32>,
        %add3A_418 = vector.broadcast %add3A_355 : i32 to vector<16xi32>
        %add3A_419 = arith.addi %add3A_149, %add3A_418 : vector<16xi32>
        tpu.vector_store_idx %arg8[%add3A_419], %gather3A_417 : memref<16384xf32, #tpu.memory_space<vmem>>[vector<16xi32>], vector<16xf32>,
        %add3A_420 = vector.broadcast %mul3A_349 : i32 to vector<16xi32>
        %add3A_421 = arith.addi %rem3A_85, %add3A_420 : vector<16xi32>
        %gather3A_422 = tpu.vector_load_idx %arg5[%add3A_222, %add3A_421] : memref<64x128xf32, #tpu.memory_space<vmem>>[vector<16xi32>, vector<16xi32>], vector<16xf32>,
        %add3A_423 = vector.broadcast %add3A_355 : i32 to vector<16xi32>
        %add3A_424 = arith.addi %add3A_153, %add3A_423 : vector<16xi32>
        tpu.vector_store_idx %arg8[%add3A_424], %gather3A_422 : memref<16384xf32, #tpu.memory_space<vmem>>[vector<16xi32>], vector<16xf32>,
        %add3A_425 = vector.broadcast %mul3A_349 : i32 to vector<16xi32>
        %add3A_426 = arith.addi %rem3A_91, %add3A_425 : vector<16xi32>
        %gather3A_427 = tpu.vector_load_idx %arg5[%add3A_222, %add3A_426] : memref<64x128xf32, #tpu.memory_space<vmem>>[vector<16xi32>, vector<16xi32>], vector<16xf32>,
        %add3A_428 = vector.broadcast %add3A_355 : i32 to vector<16xi32>
        %add3A_429 = arith.addi %add3A_157, %add3A_428 : vector<16xi32>
        tpu.vector_store_idx %arg8[%add3A_429], %gather3A_427 : memref<16384xf32, #tpu.memory_space<vmem>>[vector<16xi32>], vector<16xf32>,
        %add3A_430 = vector.broadcast %mul3A_349 : i32 to vector<16xi32>
        %add3A_431 = arith.addi %rem3A_97, %add3A_430 : vector<16xi32>
        %gather3A_432 = tpu.vector_load_idx %arg5[%add3A_222, %add3A_431] : memref<64x128xf32, #tpu.memory_space<vmem>>[vector<16xi32>, vector<16xi32>], vector<16xf32>,
        %add3A_433 = vector.broadcast %add3A_355 : i32 to vector<16xi32>
        %add3A_434 = arith.addi %add3A_161, %add3A_433 : vector<16xi32>
        tpu.vector_store_idx %arg8[%add3A_434], %gather3A_432 : memref<16384xf32, #tpu.memory_space<vmem>>[vector<16xi32>], vector<16xf32>,
        %scan3A_435 = arith.constant 0 : i32
        scf.yield %scan3A_435 : i32
      }
      %scan3A_229 = arith.constant 8 : i32
      %add3A_230 = arith.constant 16 : i32
      %add3A_231 = vector.broadcast %add3A_230 : i32 to vector<16xi32>
      %add3A_232 = arith.addi %iota3A, %add3A_231 : vector<16xi32>
      %scan3A_233 = arith.constant 0 : i32
      %scan3A_234 = arith.constant 0 : i32
      %scan3A_235 = arith.constant 8 : i32
      %scan3A_236 = arith.addi %scan3A_234, %scan3A_235 : i32
      %scan3A_237 = arith.constant 1 : i32
      %scan3A_238 = scf.for %scan3A_346 = %scan3A_234 to %scan3A_236 step %scan3A_237 iter_args(%scan3A_347 = %scan3A_233) -> (i32)  : i32 {
        %mul3A_348 = arith.constant 16 : i32
        %mul3A_349 = arith.muli %scan3A_346, %mul3A_348 : i32
        %mul3A_350 = arith.constant 64 : i32
        %mul3A_351 = arith.muli %mul3A_349, %mul3A_350 : i32
        %add3A_352 = arith.constant 0 : i32
        %add3A_353 = arith.addi %add3A_352, %mul3A_351 : i32
        %add3A_354 = arith.constant 16 : i32
        %add3A_355 = arith.addi %add3A_353, %add3A_354 : i32
        %add3A_356 = vector.broadcast %mul3A_349 : i32 to vector<16xi32>
        %add3A_357 = arith.addi %rem3A_7, %add3A_356 : vector<16xi32>
        %gather3A = tpu.vector_load_idx %arg5[%add3A_232, %add3A_357] : memref<64x128xf32, #tpu.memory_space<vmem>>[vector<16xi32>, vector<16xi32>], vector<16xf32>,
        %add3A_358 = vector.broadcast %add3A_355 : i32 to vector<16xi32>
        %add3A_359 = arith.addi %add3A_101, %add3A_358 : vector<16xi32>
        tpu.vector_store_idx %arg8[%add3A_359], %gather3A : memref<16384xf32, #tpu.memory_space<vmem>>[vector<16xi32>], vector<16xf32>,
        %add3A_360 = vector.broadcast %mul3A_349 : i32 to vector<16xi32>
        %add3A_361 = arith.addi %rem3A_13, %add3A_360 : vector<16xi32>
        %gather3A_362 = tpu.vector_load_idx %arg5[%add3A_232, %add3A_361] : memref<64x128xf32, #tpu.memory_space<vmem>>[vector<16xi32>, vector<16xi32>], vector<16xf32>,
        %add3A_363 = vector.broadcast %add3A_355 : i32 to vector<16xi32>
        %add3A_364 = arith.addi %add3A_105, %add3A_363 : vector<16xi32>
        tpu.vector_store_idx %arg8[%add3A_364], %gather3A_362 : memref<16384xf32, #tpu.memory_space<vmem>>[vector<16xi32>], vector<16xf32>,
        %add3A_365 = vector.broadcast %mul3A_349 : i32 to vector<16xi32>
        %add3A_366 = arith.addi %rem3A_19, %add3A_365 : vector<16xi32>
        %gather3A_367 = tpu.vector_load_idx %arg5[%add3A_232, %add3A_366] : memref<64x128xf32, #tpu.memory_space<vmem>>[vector<16xi32>, vector<16xi32>], vector<16xf32>,
        %add3A_368 = vector.broadcast %add3A_355 : i32 to vector<16xi32>
        %add3A_369 = arith.addi %add3A_109, %add3A_368 : vector<16xi32>
        tpu.vector_store_idx %arg8[%add3A_369], %gather3A_367 : memref<16384xf32, #tpu.memory_space<vmem>>[vector<16xi32>], vector<16xf32>,
        %add3A_370 = vector.broadcast %mul3A_349 : i32 to vector<16xi32>
        %add3A_371 = arith.addi %rem3A_25, %add3A_370 : vector<16xi32>
        %gather3A_372 = tpu.vector_load_idx %arg5[%add3A_232, %add3A_371] : memref<64x128xf32, #tpu.memory_space<vmem>>[vector<16xi32>, vector<16xi32>], vector<16xf32>,
        %add3A_373 = vector.broadcast %add3A_355 : i32 to vector<16xi32>
        %add3A_374 = arith.addi %add3A_113, %add3A_373 : vector<16xi32>
        tpu.vector_store_idx %arg8[%add3A_374], %gather3A_372 : memref<16384xf32, #tpu.memory_space<vmem>>[vector<16xi32>], vector<16xf32>,
        %add3A_375 = vector.broadcast %mul3A_349 : i32 to vector<16xi32>
        %add3A_376 = arith.addi %rem3A_31, %add3A_375 : vector<16xi32>
        %gather3A_377 = tpu.vector_load_idx %arg5[%add3A_232, %add3A_376] : memref<64x128xf32, #tpu.memory_space<vmem>>[vector<16xi32>, vector<16xi32>], vector<16xf32>,
        %add3A_378 = vector.broadcast %add3A_355 : i32 to vector<16xi32>
        %add3A_379 = arith.addi %add3A_117, %add3A_378 : vector<16xi32>
        tpu.vector_store_idx %arg8[%add3A_379], %gather3A_377 : memref<16384xf32, #tpu.memory_space<vmem>>[vector<16xi32>], vector<16xf32>,
        %add3A_380 = vector.broadcast %mul3A_349 : i32 to vector<16xi32>
        %add3A_381 = arith.addi %rem3A_37, %add3A_380 : vector<16xi32>
        %gather3A_382 = tpu.vector_load_idx %arg5[%add3A_232, %add3A_381] : memref<64x128xf32, #tpu.memory_space<vmem>>[vector<16xi32>, vector<16xi32>], vector<16xf32>,
        %add3A_383 = vector.broadcast %add3A_355 : i32 to vector<16xi32>
        %add3A_384 = arith.addi %add3A_121, %add3A_383 : vector<16xi32>
        tpu.vector_store_idx %arg8[%add3A_384], %gather3A_382 : memref<16384xf32, #tpu.memory_space<vmem>>[vector<16xi32>], vector<16xf32>,
        %add3A_385 = vector.broadcast %mul3A_349 : i32 to vector<16xi32>
        %add3A_386 = arith.addi %rem3A_43, %add3A_385 : vector<16xi32>
        %gather3A_387 = tpu.vector_load_idx %arg5[%add3A_232, %add3A_386] : memref<64x128xf32, #tpu.memory_space<vmem>>[vector<16xi32>, vector<16xi32>], vector<16xf32>,
        %add3A_388 = vector.broadcast %add3A_355 : i32 to vector<16xi32>
        %add3A_389 = arith.addi %add3A_125, %add3A_388 : vector<16xi32>
        tpu.vector_store_idx %arg8[%add3A_389], %gather3A_387 : memref<16384xf32, #tpu.memory_space<vmem>>[vector<16xi32>], vector<16xf32>,
        %add3A_390 = vector.broadcast %mul3A_349 : i32 to vector<16xi32>
        %add3A_391 = arith.addi %rem3A_49, %add3A_390 : vector<16xi32>
        %gather3A_392 = tpu.vector_load_idx %arg5[%add3A_232, %add3A_391] : memref<64x128xf32, #tpu.memory_space<vmem>>[vector<16xi32>, vector<16xi32>], vector<16xf32>,
        %add3A_393 = vector.broadcast %add3A_355 : i32 to vector<16xi32>
        %add3A_394 = arith.addi %add3A_129, %add3A_393 : vector<16xi32>
        tpu.vector_store_idx %arg8[%add3A_394], %gather3A_392 : memref<16384xf32, #tpu.memory_space<vmem>>[vector<16xi32>], vector<16xf32>,
        %add3A_395 = vector.broadcast %mul3A_349 : i32 to vector<16xi32>
        %add3A_396 = arith.addi %rem3A_55, %add3A_395 : vector<16xi32>
        %gather3A_397 = tpu.vector_load_idx %arg5[%add3A_232, %add3A_396] : memref<64x128xf32, #tpu.memory_space<vmem>>[vector<16xi32>, vector<16xi32>], vector<16xf32>,
        %add3A_398 = vector.broadcast %add3A_355 : i32 to vector<16xi32>
        %add3A_399 = arith.addi %add3A_133, %add3A_398 : vector<16xi32>
        tpu.vector_store_idx %arg8[%add3A_399], %gather3A_397 : memref<16384xf32, #tpu.memory_space<vmem>>[vector<16xi32>], vector<16xf32>,
        %add3A_400 = vector.broadcast %mul3A_349 : i32 to vector<16xi32>
        %add3A_401 = arith.addi %rem3A_61, %add3A_400 : vector<16xi32>
        %gather3A_402 = tpu.vector_load_idx %arg5[%add3A_232, %add3A_401] : memref<64x128xf32, #tpu.memory_space<vmem>>[vector<16xi32>, vector<16xi32>], vector<16xf32>,
        %add3A_403 = vector.broadcast %add3A_355 : i32 to vector<16xi32>
        %add3A_404 = arith.addi %add3A_137, %add3A_403 : vector<16xi32>
        tpu.vector_store_idx %arg8[%add3A_404], %gather3A_402 : memref<16384xf32, #tpu.memory_space<vmem>>[vector<16xi32>], vector<16xf32>,
        %add3A_405 = vector.broadcast %mul3A_349 : i32 to vector<16xi32>
        %add3A_406 = arith.addi %rem3A_67, %add3A_405 : vector<16xi32>
        %gather3A_407 = tpu.vector_load_idx %arg5[%add3A_232, %add3A_406] : memref<64x128xf32, #tpu.memory_space<vmem>>[vector<16xi32>, vector<16xi32>], vector<16xf32>,
        %add3A_408 = vector.broadcast %add3A_355 : i32 to vector<16xi32>
        %add3A_409 = arith.addi %add3A_141, %add3A_408 : vector<16xi32>
        tpu.vector_store_idx %arg8[%add3A_409], %gather3A_407 : memref<16384xf32, #tpu.memory_space<vmem>>[vector<16xi32>], vector<16xf32>,
        %add3A_410 = vector.broadcast %mul3A_349 : i32 to vector<16xi32>
        %add3A_411 = arith.addi %rem3A_73, %add3A_410 : vector<16xi32>
        %gather3A_412 = tpu.vector_load_idx %arg5[%add3A_232, %add3A_411] : memref<64x128xf32, #tpu.memory_space<vmem>>[vector<16xi32>, vector<16xi32>], vector<16xf32>,
        %add3A_413 = vector.broadcast %add3A_355 : i32 to vector<16xi32>
        %add3A_414 = arith.addi %add3A_145, %add3A_413 : vector<16xi32>
        tpu.vector_store_idx %arg8[%add3A_414], %gather3A_412 : memref<16384xf32, #tpu.memory_space<vmem>>[vector<16xi32>], vector<16xf32>,
        %add3A_415 = vector.broadcast %mul3A_349 : i32 to vector<16xi32>
        %add3A_416 = arith.addi %rem3A_79, %add3A_415 : vector<16xi32>
        %gather3A_417 = tpu.vector_load_idx %arg5[%add3A_232, %add3A_416] : memref<64x128xf32, #tpu.memory_space<vmem>>[vector<16xi32>, vector<16xi32>], vector<16xf32>,
        %add3A_418 = vector.broadcast %add3A_355 : i32 to vector<16xi32>
        %add3A_419 = arith.addi %add3A_149, %add3A_418 : vector<16xi32>
        tpu.vector_store_idx %arg8[%add3A_419], %gather3A_417 : memref<16384xf32, #tpu.memory_space<vmem>>[vector<16xi32>], vector<16xf32>,
        %add3A_420 = vector.broadcast %mul3A_349 : i32 to vector<16xi32>
        %add3A_421 = arith.addi %rem3A_85, %add3A_420 : vector<16xi32>
        %gather3A_422 = tpu.vector_load_idx %arg5[%add3A_232, %add3A_421] : memref<64x128xf32, #tpu.memory_space<vmem>>[vector<16xi32>, vector<16xi32>], vector<16xf32>,
        %add3A_423 = vector.broadcast %add3A_355 : i32 to vector<16xi32>
        %add3A_424 = arith.addi %add3A_153, %add3A_423 : vector<16xi32>
        tpu.vector_store_idx %arg8[%add3A_424], %gather3A_422 : memref<16384xf32, #tpu.memory_space<vmem>>[vector<16xi32>], vector<16xf32>,
        %add3A_425 = vector.broadcast %mul3A_349 : i32 to vector<16xi32>
        %add3A_426 = arith.addi %rem3A_91, %add3A_425 : vector<16xi32>
        %gather3A_427 = tpu.vector_load_idx %arg5[%add3A_232, %add3A_426] : memref<64x128xf32, #tpu.memory_space<vmem>>[vector<16xi32>, vector<16xi32>], vector<16xf32>,
        %add3A_428 = vector.broadcast %add3A_355 : i32 to vector<16xi32>
        %add3A_429 = arith.addi %add3A_157, %add3A_428 : vector<16xi32>
        tpu.vector_store_idx %arg8[%add3A_429], %gather3A_427 : memref<16384xf32, #tpu.memory_space<vmem>>[vector<16xi32>], vector<16xf32>,
        %add3A_430 = vector.broadcast %mul3A_349 : i32 to vector<16xi32>
        %add3A_431 = arith.addi %rem3A_97, %add3A_430 : vector<16xi32>
        %gather3A_432 = tpu.vector_load_idx %arg5[%add3A_232, %add3A_431] : memref<64x128xf32, #tpu.memory_space<vmem>>[vector<16xi32>, vector<16xi32>], vector<16xf32>,
        %add3A_433 = vector.broadcast %add3A_355 : i32 to vector<16xi32>
        %add3A_434 = arith.addi %add3A_161, %add3A_433 : vector<16xi32>
        tpu.vector_store_idx %arg8[%add3A_434], %gather3A_432 : memref<16384xf32, #tpu.memory_space<vmem>>[vector<16xi32>], vector<16xf32>,
        %scan3A_435 = arith.constant 0 : i32
        scf.yield %scan3A_435 : i32
      }
      %scan3A_239 = arith.constant 8 : i32
      %add3A_240 = arith.constant 32 : i32
      %add3A_241 = vector.broadcast %add3A_240 : i32 to vector<16xi32>
      %add3A_242 = arith.addi %iota3A, %add3A_241 : vector<16xi32>
      %scan3A_243 = arith.constant 0 : i32
      %scan3A_244 = arith.constant 0 : i32
      %scan3A_245 = arith.constant 8 : i32
      %scan3A_246 = arith.addi %scan3A_244, %scan3A_245 : i32
      %scan3A_247 = arith.constant 1 : i32
      %scan3A_248 = scf.for %scan3A_346 = %scan3A_244 to %scan3A_246 step %scan3A_247 iter_args(%scan3A_347 = %scan3A_243) -> (i32)  : i32 {
        %mul3A_348 = arith.constant 16 : i32
        %mul3A_349 = arith.muli %scan3A_346, %mul3A_348 : i32
        %mul3A_350 = arith.constant 64 : i32
        %mul3A_351 = arith.muli %mul3A_349, %mul3A_350 : i32
        %add3A_352 = arith.constant 0 : i32
        %add3A_353 = arith.addi %add3A_352, %mul3A_351 : i32
        %add3A_354 = arith.constant 32 : i32
        %add3A_355 = arith.addi %add3A_353, %add3A_354 : i32
        %add3A_356 = vector.broadcast %mul3A_349 : i32 to vector<16xi32>
        %add3A_357 = arith.addi %rem3A_7, %add3A_356 : vector<16xi32>
        %gather3A = tpu.vector_load_idx %arg5[%add3A_242, %add3A_357] : memref<64x128xf32, #tpu.memory_space<vmem>>[vector<16xi32>, vector<16xi32>], vector<16xf32>,
        %add3A_358 = vector.broadcast %add3A_355 : i32 to vector<16xi32>
        %add3A_359 = arith.addi %add3A_101, %add3A_358 : vector<16xi32>
        tpu.vector_store_idx %arg8[%add3A_359], %gather3A : memref<16384xf32, #tpu.memory_space<vmem>>[vector<16xi32>], vector<16xf32>,
        %add3A_360 = vector.broadcast %mul3A_349 : i32 to vector<16xi32>
        %add3A_361 = arith.addi %rem3A_13, %add3A_360 : vector<16xi32>
        %gather3A_362 = tpu.vector_load_idx %arg5[%add3A_242, %add3A_361] : memref<64x128xf32, #tpu.memory_space<vmem>>[vector<16xi32>, vector<16xi32>], vector<16xf32>,
        %add3A_363 = vector.broadcast %add3A_355 : i32 to vector<16xi32>
        %add3A_364 = arith.addi %add3A_105, %add3A_363 : vector<16xi32>
        tpu.vector_store_idx %arg8[%add3A_364], %gather3A_362 : memref<16384xf32, #tpu.memory_space<vmem>>[vector<16xi32>], vector<16xf32>,
        %add3A_365 = vector.broadcast %mul3A_349 : i32 to vector<16xi32>
        %add3A_366 = arith.addi %rem3A_19, %add3A_365 : vector<16xi32>
        %gather3A_367 = tpu.vector_load_idx %arg5[%add3A_242, %add3A_366] : memref<64x128xf32, #tpu.memory_space<vmem>>[vector<16xi32>, vector<16xi32>], vector<16xf32>,
        %add3A_368 = vector.broadcast %add3A_355 : i32 to vector<16xi32>
        %add3A_369 = arith.addi %add3A_109, %add3A_368 : vector<16xi32>
        tpu.vector_store_idx %arg8[%add3A_369], %gather3A_367 : memref<16384xf32, #tpu.memory_space<vmem>>[vector<16xi32>], vector<16xf32>,
        %add3A_370 = vector.broadcast %mul3A_349 : i32 to vector<16xi32>
        %add3A_371 = arith.addi %rem3A_25, %add3A_370 : vector<16xi32>
        %gather3A_372 = tpu.vector_load_idx %arg5[%add3A_242, %add3A_371] : memref<64x128xf32, #tpu.memory_space<vmem>>[vector<16xi32>, vector<16xi32>], vector<16xf32>,
        %add3A_373 = vector.broadcast %add3A_355 : i32 to vector<16xi32>
        %add3A_374 = arith.addi %add3A_113, %add3A_373 : vector<16xi32>
        tpu.vector_store_idx %arg8[%add3A_374], %gather3A_372 : memref<16384xf32, #tpu.memory_space<vmem>>[vector<16xi32>], vector<16xf32>,
        %add3A_375 = vector.broadcast %mul3A_349 : i32 to vector<16xi32>
        %add3A_376 = arith.addi %rem3A_31, %add3A_375 : vector<16xi32>
        %gather3A_377 = tpu.vector_load_idx %arg5[%add3A_242, %add3A_376] : memref<64x128xf32, #tpu.memory_space<vmem>>[vector<16xi32>, vector<16xi32>], vector<16xf32>,
        %add3A_378 = vector.broadcast %add3A_355 : i32 to vector<16xi32>
        %add3A_379 = arith.addi %add3A_117, %add3A_378 : vector<16xi32>
        tpu.vector_store_idx %arg8[%add3A_379], %gather3A_377 : memref<16384xf32, #tpu.memory_space<vmem>>[vector<16xi32>], vector<16xf32>,
        %add3A_380 = vector.broadcast %mul3A_349 : i32 to vector<16xi32>
        %add3A_381 = arith.addi %rem3A_37, %add3A_380 : vector<16xi32>
        %gather3A_382 = tpu.vector_load_idx %arg5[%add3A_242, %add3A_381] : memref<64x128xf32, #tpu.memory_space<vmem>>[vector<16xi32>, vector<16xi32>], vector<16xf32>,
        %add3A_383 = vector.broadcast %add3A_355 : i32 to vector<16xi32>
        %add3A_384 = arith.addi %add3A_121, %add3A_383 : vector<16xi32>
        tpu.vector_store_idx %arg8[%add3A_384], %gather3A_382 : memref<16384xf32, #tpu.memory_space<vmem>>[vector<16xi32>], vector<16xf32>,
        %add3A_385 = vector.broadcast %mul3A_349 : i32 to vector<16xi32>
        %add3A_386 = arith.addi %rem3A_43, %add3A_385 : vector<16xi32>
        %gather3A_387 = tpu.vector_load_idx %arg5[%add3A_242, %add3A_386] : memref<64x128xf32, #tpu.memory_space<vmem>>[vector<16xi32>, vector<16xi32>], vector<16xf32>,
        %add3A_388 = vector.broadcast %add3A_355 : i32 to vector<16xi32>
        %add3A_389 = arith.addi %add3A_125, %add3A_388 : vector<16xi32>
        tpu.vector_store_idx %arg8[%add3A_389], %gather3A_387 : memref<16384xf32, #tpu.memory_space<vmem>>[vector<16xi32>], vector<16xf32>,
        %add3A_390 = vector.broadcast %mul3A_349 : i32 to vector<16xi32>
        %add3A_391 = arith.addi %rem3A_49, %add3A_390 : vector<16xi32>
        %gather3A_392 = tpu.vector_load_idx %arg5[%add3A_242, %add3A_391] : memref<64x128xf32, #tpu.memory_space<vmem>>[vector<16xi32>, vector<16xi32>], vector<16xf32>,
        %add3A_393 = vector.broadcast %add3A_355 : i32 to vector<16xi32>
        %add3A_394 = arith.addi %add3A_129, %add3A_393 : vector<16xi32>
        tpu.vector_store_idx %arg8[%add3A_394], %gather3A_392 : memref<16384xf32, #tpu.memory_space<vmem>>[vector<16xi32>], vector<16xf32>,
        %add3A_395 = vector.broadcast %mul3A_349 : i32 to vector<16xi32>
        %add3A_396 = arith.addi %rem3A_55, %add3A_395 : vector<16xi32>
        %gather3A_397 = tpu.vector_load_idx %arg5[%add3A_242, %add3A_396] : memref<64x128xf32, #tpu.memory_space<vmem>>[vector<16xi32>, vector<16xi32>], vector<16xf32>,
        %add3A_398 = vector.broadcast %add3A_355 : i32 to vector<16xi32>
        %add3A_399 = arith.addi %add3A_133, %add3A_398 : vector<16xi32>
        tpu.vector_store_idx %arg8[%add3A_399], %gather3A_397 : memref<16384xf32, #tpu.memory_space<vmem>>[vector<16xi32>], vector<16xf32>,
        %add3A_400 = vector.broadcast %mul3A_349 : i32 to vector<16xi32>
        %add3A_401 = arith.addi %rem3A_61, %add3A_400 : vector<16xi32>
        %gather3A_402 = tpu.vector_load_idx %arg5[%add3A_242, %add3A_401] : memref<64x128xf32, #tpu.memory_space<vmem>>[vector<16xi32>, vector<16xi32>], vector<16xf32>,
        %add3A_403 = vector.broadcast %add3A_355 : i32 to vector<16xi32>
        %add3A_404 = arith.addi %add3A_137, %add3A_403 : vector<16xi32>
        tpu.vector_store_idx %arg8[%add3A_404], %gather3A_402 : memref<16384xf32, #tpu.memory_space<vmem>>[vector<16xi32>], vector<16xf32>,
        %add3A_405 = vector.broadcast %mul3A_349 : i32 to vector<16xi32>
        %add3A_406 = arith.addi %rem3A_67, %add3A_405 : vector<16xi32>
        %gather3A_407 = tpu.vector_load_idx %arg5[%add3A_242, %add3A_406] : memref<64x128xf32, #tpu.memory_space<vmem>>[vector<16xi32>, vector<16xi32>], vector<16xf32>,
        %add3A_408 = vector.broadcast %add3A_355 : i32 to vector<16xi32>
        %add3A_409 = arith.addi %add3A_141, %add3A_408 : vector<16xi32>
        tpu.vector_store_idx %arg8[%add3A_409], %gather3A_407 : memref<16384xf32, #tpu.memory_space<vmem>>[vector<16xi32>], vector<16xf32>,
        %add3A_410 = vector.broadcast %mul3A_349 : i32 to vector<16xi32>
        %add3A_411 = arith.addi %rem3A_73, %add3A_410 : vector<16xi32>
        %gather3A_412 = tpu.vector_load_idx %arg5[%add3A_242, %add3A_411] : memref<64x128xf32, #tpu.memory_space<vmem>>[vector<16xi32>, vector<16xi32>], vector<16xf32>,
        %add3A_413 = vector.broadcast %add3A_355 : i32 to vector<16xi32>
        %add3A_414 = arith.addi %add3A_145, %add3A_413 : vector<16xi32>
        tpu.vector_store_idx %arg8[%add3A_414], %gather3A_412 : memref<16384xf32, #tpu.memory_space<vmem>>[vector<16xi32>], vector<16xf32>,
        %add3A_415 = vector.broadcast %mul3A_349 : i32 to vector<16xi32>
        %add3A_416 = arith.addi %rem3A_79, %add3A_415 : vector<16xi32>
        %gather3A_417 = tpu.vector_load_idx %arg5[%add3A_242, %add3A_416] : memref<64x128xf32, #tpu.memory_space<vmem>>[vector<16xi32>, vector<16xi32>], vector<16xf32>,
        %add3A_418 = vector.broadcast %add3A_355 : i32 to vector<16xi32>
        %add3A_419 = arith.addi %add3A_149, %add3A_418 : vector<16xi32>
        tpu.vector_store_idx %arg8[%add3A_419], %gather3A_417 : memref<16384xf32, #tpu.memory_space<vmem>>[vector<16xi32>], vector<16xf32>,
        %add3A_420 = vector.broadcast %mul3A_349 : i32 to vector<16xi32>
        %add3A_421 = arith.addi %rem3A_85, %add3A_420 : vector<16xi32>
        %gather3A_422 = tpu.vector_load_idx %arg5[%add3A_242, %add3A_421] : memref<64x128xf32, #tpu.memory_space<vmem>>[vector<16xi32>, vector<16xi32>], vector<16xf32>,
        %add3A_423 = vector.broadcast %add3A_355 : i32 to vector<16xi32>
        %add3A_424 = arith.addi %add3A_153, %add3A_423 : vector<16xi32>
        tpu.vector_store_idx %arg8[%add3A_424], %gather3A_422 : memref<16384xf32, #tpu.memory_space<vmem>>[vector<16xi32>], vector<16xf32>,
        %add3A_425 = vector.broadcast %mul3A_349 : i32 to vector<16xi32>
        %add3A_426 = arith.addi %rem3A_91, %add3A_425 : vector<16xi32>
        %gather3A_427 = tpu.vector_load_idx %arg5[%add3A_242, %add3A_426] : memref<64x128xf32, #tpu.memory_space<vmem>>[vector<16xi32>, vector<16xi32>], vector<16xf32>,
        %add3A_428 = vector.broadcast %add3A_355 : i32 to vector<16xi32>
        %add3A_429 = arith.addi %add3A_157, %add3A_428 : vector<16xi32>
        tpu.vector_store_idx %arg8[%add3A_429], %gather3A_427 : memref<16384xf32, #tpu.memory_space<vmem>>[vector<16xi32>], vector<16xf32>,
        %add3A_430 = vector.broadcast %mul3A_349 : i32 to vector<16xi32>
        %add3A_431 = arith.addi %rem3A_97, %add3A_430 : vector<16xi32>
        %gather3A_432 = tpu.vector_load_idx %arg5[%add3A_242, %add3A_431] : memref<64x128xf32, #tpu.memory_space<vmem>>[vector<16xi32>, vector<16xi32>], vector<16xf32>,
        %add3A_433 = vector.broadcast %add3A_355 : i32 to vector<16xi32>
        %add3A_434 = arith.addi %add3A_161, %add3A_433 : vector<16xi32>
        tpu.vector_store_idx %arg8[%add3A_434], %gather3A_432 : memref<16384xf32, #tpu.memory_space<vmem>>[vector<16xi32>], vector<16xf32>,
        %scan3A_435 = arith.constant 0 : i32
        scf.yield %scan3A_435 : i32
      }
      %scan3A_249 = arith.constant 8 : i32
      %add3A_250 = arith.constant 48 : i32
      %add3A_251 = vector.broadcast %add3A_250 : i32 to vector<16xi32>
      %add3A_252 = arith.addi %iota3A, %add3A_251 : vector<16xi32>
      %scan3A_253 = arith.constant 0 : i32
      %scan3A_254 = arith.constant 0 : i32
      %scan3A_255 = arith.constant 8 : i32
      %scan3A_256 = arith.addi %scan3A_254, %scan3A_255 : i32
      %scan3A_257 = arith.constant 1 : i32
      %scan3A_258 = scf.for %scan3A_346 = %scan3A_254 to %scan3A_256 step %scan3A_257 iter_args(%scan3A_347 = %scan3A_253) -> (i32)  : i32 {
        %mul3A_348 = arith.constant 16 : i32
        %mul3A_349 = arith.muli %scan3A_346, %mul3A_348 : i32
        %mul3A_350 = arith.constant 64 : i32
        %mul3A_351 = arith.muli %mul3A_349, %mul3A_350 : i32
        %add3A_352 = arith.constant 0 : i32
        %add3A_353 = arith.addi %add3A_352, %mul3A_351 : i32
        %add3A_354 = arith.constant 48 : i32
        %add3A_355 = arith.addi %add3A_353, %add3A_354 : i32
        %add3A_356 = vector.broadcast %mul3A_349 : i32 to vector<16xi32>
        %add3A_357 = arith.addi %rem3A_7, %add3A_356 : vector<16xi32>
        %gather3A = tpu.vector_load_idx %arg5[%add3A_252, %add3A_357] : memref<64x128xf32, #tpu.memory_space<vmem>>[vector<16xi32>, vector<16xi32>], vector<16xf32>,
        %add3A_358 = vector.broadcast %add3A_355 : i32 to vector<16xi32>
        %add3A_359 = arith.addi %add3A_101, %add3A_358 : vector<16xi32>
        tpu.vector_store_idx %arg8[%add3A_359], %gather3A : memref<16384xf32, #tpu.memory_space<vmem>>[vector<16xi32>], vector<16xf32>,
        %add3A_360 = vector.broadcast %mul3A_349 : i32 to vector<16xi32>
        %add3A_361 = arith.addi %rem3A_13, %add3A_360 : vector<16xi32>
        %gather3A_362 = tpu.vector_load_idx %arg5[%add3A_252, %add3A_361] : memref<64x128xf32, #tpu.memory_space<vmem>>[vector<16xi32>, vector<16xi32>], vector<16xf32>,
        %add3A_363 = vector.broadcast %add3A_355 : i32 to vector<16xi32>
        %add3A_364 = arith.addi %add3A_105, %add3A_363 : vector<16xi32>
        tpu.vector_store_idx %arg8[%add3A_364], %gather3A_362 : memref<16384xf32, #tpu.memory_space<vmem>>[vector<16xi32>], vector<16xf32>,
        %add3A_365 = vector.broadcast %mul3A_349 : i32 to vector<16xi32>
        %add3A_366 = arith.addi %rem3A_19, %add3A_365 : vector<16xi32>
        %gather3A_367 = tpu.vector_load_idx %arg5[%add3A_252, %add3A_366] : memref<64x128xf32, #tpu.memory_space<vmem>>[vector<16xi32>, vector<16xi32>], vector<16xf32>,
        %add3A_368 = vector.broadcast %add3A_355 : i32 to vector<16xi32>
        %add3A_369 = arith.addi %add3A_109, %add3A_368 : vector<16xi32>
        tpu.vector_store_idx %arg8[%add3A_369], %gather3A_367 : memref<16384xf32, #tpu.memory_space<vmem>>[vector<16xi32>], vector<16xf32>,
        %add3A_370 = vector.broadcast %mul3A_349 : i32 to vector<16xi32>
        %add3A_371 = arith.addi %rem3A_25, %add3A_370 : vector<16xi32>
        %gather3A_372 = tpu.vector_load_idx %arg5[%add3A_252, %add3A_371] : memref<64x128xf32, #tpu.memory_space<vmem>>[vector<16xi32>, vector<16xi32>], vector<16xf32>,
        %add3A_373 = vector.broadcast %add3A_355 : i32 to vector<16xi32>
        %add3A_374 = arith.addi %add3A_113, %add3A_373 : vector<16xi32>
        tpu.vector_store_idx %arg8[%add3A_374], %gather3A_372 : memref<16384xf32, #tpu.memory_space<vmem>>[vector<16xi32>], vector<16xf32>,
        %add3A_375 = vector.broadcast %mul3A_349 : i32 to vector<16xi32>
        %add3A_376 = arith.addi %rem3A_31, %add3A_375 : vector<16xi32>
        %gather3A_377 = tpu.vector_load_idx %arg5[%add3A_252, %add3A_376] : memref<64x128xf32, #tpu.memory_space<vmem>>[vector<16xi32>, vector<16xi32>], vector<16xf32>,
        %add3A_378 = vector.broadcast %add3A_355 : i32 to vector<16xi32>
        %add3A_379 = arith.addi %add3A_117, %add3A_378 : vector<16xi32>
        tpu.vector_store_idx %arg8[%add3A_379], %gather3A_377 : memref<16384xf32, #tpu.memory_space<vmem>>[vector<16xi32>], vector<16xf32>,
        %add3A_380 = vector.broadcast %mul3A_349 : i32 to vector<16xi32>
        %add3A_381 = arith.addi %rem3A_37, %add3A_380 : vector<16xi32>
        %gather3A_382 = tpu.vector_load_idx %arg5[%add3A_252, %add3A_381] : memref<64x128xf32, #tpu.memory_space<vmem>>[vector<16xi32>, vector<16xi32>], vector<16xf32>,
        %add3A_383 = vector.broadcast %add3A_355 : i32 to vector<16xi32>
        %add3A_384 = arith.addi %add3A_121, %add3A_383 : vector<16xi32>
        tpu.vector_store_idx %arg8[%add3A_384], %gather3A_382 : memref<16384xf32, #tpu.memory_space<vmem>>[vector<16xi32>], vector<16xf32>,
        %add3A_385 = vector.broadcast %mul3A_349 : i32 to vector<16xi32>
        %add3A_386 = arith.addi %rem3A_43, %add3A_385 : vector<16xi32>
        %gather3A_387 = tpu.vector_load_idx %arg5[%add3A_252, %add3A_386] : memref<64x128xf32, #tpu.memory_space<vmem>>[vector<16xi32>, vector<16xi32>], vector<16xf32>,
        %add3A_388 = vector.broadcast %add3A_355 : i32 to vector<16xi32>
        %add3A_389 = arith.addi %add3A_125, %add3A_388 : vector<16xi32>
        tpu.vector_store_idx %arg8[%add3A_389], %gather3A_387 : memref<16384xf32, #tpu.memory_space<vmem>>[vector<16xi32>], vector<16xf32>,
        %add3A_390 = vector.broadcast %mul3A_349 : i32 to vector<16xi32>
        %add3A_391 = arith.addi %rem3A_49, %add3A_390 : vector<16xi32>
        %gather3A_392 = tpu.vector_load_idx %arg5[%add3A_252, %add3A_391] : memref<64x128xf32, #tpu.memory_space<vmem>>[vector<16xi32>, vector<16xi32>], vector<16xf32>,
        %add3A_393 = vector.broadcast %add3A_355 : i32 to vector<16xi32>
        %add3A_394 = arith.addi %add3A_129, %add3A_393 : vector<16xi32>
        tpu.vector_store_idx %arg8[%add3A_394], %gather3A_392 : memref<16384xf32, #tpu.memory_space<vmem>>[vector<16xi32>], vector<16xf32>,
        %add3A_395 = vector.broadcast %mul3A_349 : i32 to vector<16xi32>
        %add3A_396 = arith.addi %rem3A_55, %add3A_395 : vector<16xi32>
        %gather3A_397 = tpu.vector_load_idx %arg5[%add3A_252, %add3A_396] : memref<64x128xf32, #tpu.memory_space<vmem>>[vector<16xi32>, vector<16xi32>], vector<16xf32>,
        %add3A_398 = vector.broadcast %add3A_355 : i32 to vector<16xi32>
        %add3A_399 = arith.addi %add3A_133, %add3A_398 : vector<16xi32>
        tpu.vector_store_idx %arg8[%add3A_399], %gather3A_397 : memref<16384xf32, #tpu.memory_space<vmem>>[vector<16xi32>], vector<16xf32>,
        %add3A_400 = vector.broadcast %mul3A_349 : i32 to vector<16xi32>
        %add3A_401 = arith.addi %rem3A_61, %add3A_400 : vector<16xi32>
        %gather3A_402 = tpu.vector_load_idx %arg5[%add3A_252, %add3A_401] : memref<64x128xf32, #tpu.memory_space<vmem>>[vector<16xi32>, vector<16xi32>], vector<16xf32>,
        %add3A_403 = vector.broadcast %add3A_355 : i32 to vector<16xi32>
        %add3A_404 = arith.addi %add3A_137, %add3A_403 : vector<16xi32>
        tpu.vector_store_idx %arg8[%add3A_404], %gather3A_402 : memref<16384xf32, #tpu.memory_space<vmem>>[vector<16xi32>], vector<16xf32>,
        %add3A_405 = vector.broadcast %mul3A_349 : i32 to vector<16xi32>
        %add3A_406 = arith.addi %rem3A_67, %add3A_405 : vector<16xi32>
        %gather3A_407 = tpu.vector_load_idx %arg5[%add3A_252, %add3A_406] : memref<64x128xf32, #tpu.memory_space<vmem>>[vector<16xi32>, vector<16xi32>], vector<16xf32>,
        %add3A_408 = vector.broadcast %add3A_355 : i32 to vector<16xi32>
        %add3A_409 = arith.addi %add3A_141, %add3A_408 : vector<16xi32>
        tpu.vector_store_idx %arg8[%add3A_409], %gather3A_407 : memref<16384xf32, #tpu.memory_space<vmem>>[vector<16xi32>], vector<16xf32>,
        %add3A_410 = vector.broadcast %mul3A_349 : i32 to vector<16xi32>
        %add3A_411 = arith.addi %rem3A_73, %add3A_410 : vector<16xi32>
        %gather3A_412 = tpu.vector_load_idx %arg5[%add3A_252, %add3A_411] : memref<64x128xf32, #tpu.memory_space<vmem>>[vector<16xi32>, vector<16xi32>], vector<16xf32>,
        %add3A_413 = vector.broadcast %add3A_355 : i32 to vector<16xi32>
        %add3A_414 = arith.addi %add3A_145, %add3A_413 : vector<16xi32>
        tpu.vector_store_idx %arg8[%add3A_414], %gather3A_412 : memref<16384xf32, #tpu.memory_space<vmem>>[vector<16xi32>], vector<16xf32>,
        %add3A_415 = vector.broadcast %mul3A_349 : i32 to vector<16xi32>
        %add3A_416 = arith.addi %rem3A_79, %add3A_415 : vector<16xi32>
        %gather3A_417 = tpu.vector_load_idx %arg5[%add3A_252, %add3A_416] : memref<64x128xf32, #tpu.memory_space<vmem>>[vector<16xi32>, vector<16xi32>], vector<16xf32>,
        %add3A_418 = vector.broadcast %add3A_355 : i32 to vector<16xi32>
        %add3A_419 = arith.addi %add3A_149, %add3A_418 : vector<16xi32>
        tpu.vector_store_idx %arg8[%add3A_419], %gather3A_417 : memref<16384xf32, #tpu.memory_space<vmem>>[vector<16xi32>], vector<16xf32>,
        %add3A_420 = vector.broadcast %mul3A_349 : i32 to vector<16xi32>
        %add3A_421 = arith.addi %rem3A_85, %add3A_420 : vector<16xi32>
        %gather3A_422 = tpu.vector_load_idx %arg5[%add3A_252, %add3A_421] : memref<64x128xf32, #tpu.memory_space<vmem>>[vector<16xi32>, vector<16xi32>], vector<16xf32>,
        %add3A_423 = vector.broadcast %add3A_355 : i32 to vector<16xi32>
        %add3A_424 = arith.addi %add3A_153, %add3A_423 : vector<16xi32>
        tpu.vector_store_idx %arg8[%add3A_424], %gather3A_422 : memref<16384xf32, #tpu.memory_space<vmem>>[vector<16xi32>], vector<16xf32>,
        %add3A_425 = vector.broadcast %mul3A_349 : i32 to vector<16xi32>
        %add3A_426 = arith.addi %rem3A_91, %add3A_425 : vector<16xi32>
        %gather3A_427 = tpu.vector_load_idx %arg5[%add3A_252, %add3A_426] : memref<64x128xf32, #tpu.memory_space<vmem>>[vector<16xi32>, vector<16xi32>], vector<16xf32>,
        %add3A_428 = vector.broadcast %add3A_355 : i32 to vector<16xi32>
        %add3A_429 = arith.addi %add3A_157, %add3A_428 : vector<16xi32>
        tpu.vector_store_idx %arg8[%add3A_429], %gather3A_427 : memref<16384xf32, #tpu.memory_space<vmem>>[vector<16xi32>], vector<16xf32>,
        %add3A_430 = vector.broadcast %mul3A_349 : i32 to vector<16xi32>
        %add3A_431 = arith.addi %rem3A_97, %add3A_430 : vector<16xi32>
        %gather3A_432 = tpu.vector_load_idx %arg5[%add3A_252, %add3A_431] : memref<64x128xf32, #tpu.memory_space<vmem>>[vector<16xi32>, vector<16xi32>], vector<16xf32>,
        %add3A_433 = vector.broadcast %add3A_355 : i32 to vector<16xi32>
        %add3A_434 = arith.addi %add3A_161, %add3A_433 : vector<16xi32>
        tpu.vector_store_idx %arg8[%add3A_434], %gather3A_432 : memref<16384xf32, #tpu.memory_space<vmem>>[vector<16xi32>], vector<16xf32>,
        %scan3A_435 = arith.constant 0 : i32
        scf.yield %scan3A_435 : i32
      }
      %scan3A_259 = arith.constant 8 : i32
      %add3A_260 = arith.addi %mul3A_2, %add3A_209 : i32
      %mul3A_261 = arith.constant 8192 : i32
      %mul3A_262 = arith.muli %add3A_260, %mul3A_261 : i32
      %dma_start3A_263 = arith.constant 0 : i32
      %dma_start3A_264 = tpu.memref_slice %arg8[%dma_start3A_263] : memref<16384xf32, #tpu.memory_space<vmem>> -> memref<8192xf32, #tpu.memory_space<vmem>>
      %dma_start3A_265 = tpu.memref_slice %arg4[%mul3A_262] : memref<64000000xf32, #tpu.memory_space<hbm>> -> memref<8192xf32, #tpu.memory_space<hbm>>
      %dma_start3A_266 = tpu.memref_slice %arg4[%mul3A_262] : memref<64000000xf32, #tpu.memory_space<hbm>> -> memref<8192xf32, #tpu.memory_space<hbm>>
      %dma_start3A_267 = arith.constant 0 : i32
      %dma_start3A_268 = tpu.memref_slice %arg8[%dma_start3A_267] : memref<16384xf32, #tpu.memory_space<vmem>> -> memref<8192xf32, #tpu.memory_space<vmem>>
      tpu.enqueue_dma source(%dma_start3A_268 : memref<8192xf32, #tpu.memory_space<vmem>>) target(%dma_start3A_266 : memref<8192xf32, #tpu.memory_space<hbm>>) target_semaphore(%arg11 : memref<!tpu.dma_semaphore, #tpu.memory_space<semaphore_mem>>)
      %add3A_269 = arith.constant 2 : i32
      %add3A_270 = arith.addi %add3A_209, %add3A_269 : i32
      %lt3A_271 = arith.constant 244 : i32
      %lt3A_272 = arith.cmpi slt, %add3A_270, %lt3A_271 : i32
      %convert_element_type3A_273 = arith.extui %lt3A_272 : i1 to i32
      %cond3A_274 = arith.constant 0 : i32
      %cond3A_275 = arith.cmpi ne, %convert_element_type3A_273, %cond3A_274 : i32
      scf.if %cond3A_275 {
        %add3A_346 = arith.constant 2 : i32
        %add3A_347 = arith.addi %add3A_209, %add3A_346 : i32
        %add3A_348 = arith.addi %mul3A_2, %add3A_347 : i32
        %mul3A_349 = arith.constant 128 : i32
        %mul3A_350 = arith.muli %add3A_348, %mul3A_349 : i32
        %dma_start3A_351 = arith.constant 0 : i32
        %dma_start3A_352 = tpu.memref_slice %arg2[%dma_start3A_351, %mul3A_350] : memref<64x1000000xf32, #tpu.memory_space<hbm>> -> memref<64x128xf32, #tpu.memory_space<hbm>>
        %dma_start3A_353 = arith.constant 0 : i32
        %dma_start3A_354 = tpu.memref_slice %arg2[%dma_start3A_353, %mul3A_350] : memref<64x1000000xf32, #tpu.memory_space<hbm>> -> memref<64x128xf32, #tpu.memory_space<hbm>>
        tpu.enqueue_dma source(%dma_start3A_354 : memref<64x128xf32, #tpu.memory_space<hbm>>) target(%arg5 : memref<64x128xf32, #tpu.memory_space<vmem>>) target_semaphore(%arg9 : memref<!tpu.dma_semaphore, #tpu.memory_space<semaphore_mem>>)
      } else {
      }
      %add3A_276 = arith.constant 1 : i32
      %add3A_277 = arith.addi %mul3A_207, %add3A_276 : i32
      %dma_wait3A_278 = arith.constant 0 : i32
      %dma_wait3A_279 = arith.constant 0 : i32
      %dma_wait3A_280 = tpu.memref_slice %arg2[%dma_wait3A_278, %dma_wait3A_279] : memref<64x1000000xf32, #tpu.memory_space<hbm>> -> memref<64x128xf32, #tpu.memory_space<hbm>>
      %dma_wait3A_281 = arith.constant 0 : i32
      %dma_wait3A_282 = arith.constant 0 : i32
      %dma_wait3A_283 = tpu.memref_slice %arg2[%dma_wait3A_281, %dma_wait3A_282] : memref<64x1000000xf32, #tpu.memory_space<hbm>> -> memref<64x128xf32, #tpu.memory_space<hbm>>
      tpu.wait_dma2 semaphore(%arg10 : memref<!tpu.dma_semaphore, #tpu.memory_space<semaphore_mem>>) src(%dma_wait3A_283 : memref<64x128xf32, #tpu.memory_space<hbm>>) dst(%arg6 : memref<64x128xf32, #tpu.memory_space<vmem>>)
      %ge3A_284 = arith.constant 2 : i32
      %ge3A_285 = arith.cmpi sge, %add3A_277, %ge3A_284 : i32
      %convert_element_type3A_286 = arith.extui %ge3A_285 : i1 to i32
      %cond3A_287 = arith.constant 0 : i32
      %cond3A_288 = arith.cmpi ne, %convert_element_type3A_286, %cond3A_287 : i32
      scf.if %cond3A_288 {
        %dma_wait3A_346 = arith.constant 8192 : i32
        %dma_wait3A_347 = tpu.memref_slice %arg8[%dma_wait3A_346] : memref<16384xf32, #tpu.memory_space<vmem>> -> memref<8192xf32, #tpu.memory_space<vmem>>
        %dma_wait3A_348 = arith.constant 0 : i32
        %dma_wait3A_349 = tpu.memref_slice %arg4[%dma_wait3A_348] : memref<64000000xf32, #tpu.memory_space<hbm>> -> memref<8192xf32, #tpu.memory_space<hbm>>
        %dma_wait3A_350 = arith.constant 0 : i32
        %dma_wait3A_351 = tpu.memref_slice %arg4[%dma_wait3A_350] : memref<64000000xf32, #tpu.memory_space<hbm>> -> memref<8192xf32, #tpu.memory_space<hbm>>
        %dma_wait3A_352 = arith.constant 8192 : i32
        %dma_wait3A_353 = tpu.memref_slice %arg8[%dma_wait3A_352] : memref<16384xf32, #tpu.memory_space<vmem>> -> memref<8192xf32, #tpu.memory_space<vmem>>
        tpu.wait_dma2 semaphore(%arg12 : memref<!tpu.dma_semaphore, #tpu.memory_space<semaphore_mem>>) src(%dma_wait3A_353 : memref<8192xf32, #tpu.memory_space<vmem>>) dst(%dma_wait3A_351 : memref<8192xf32, #tpu.memory_space<hbm>>)
      } else {
      }
      %add3A_289 = arith.constant 0 : i32
      %add3A_290 = vector.broadcast %add3A_289 : i32 to vector<16xi32>
      %add3A_291 = arith.addi %iota3A, %add3A_290 : vector<16xi32>
      %scan3A_292 = arith.constant 0 : i32
      %scan3A_293 = arith.constant 0 : i32
      %scan3A_294 = arith.constant 8 : i32
      %scan3A_295 = arith.addi %scan3A_293, %scan3A_294 : i32
      %scan3A_296 = arith.constant 1 : i32
      %scan3A_297 = scf.for %scan3A_346 = %scan3A_293 to %scan3A_295 step %scan3A_296 iter_args(%scan3A_347 = %scan3A_292) -> (i32)  : i32 {
        %mul3A_348 = arith.constant 16 : i32
        %mul3A_349 = arith.muli %scan3A_346, %mul3A_348 : i32
        %mul3A_350 = arith.constant 64 : i32
        %mul3A_351 = arith.muli %mul3A_349, %mul3A_350 : i32
        %add3A_352 = arith.constant 8192 : i32
        %add3A_353 = arith.addi %add3A_352, %mul3A_351 : i32
        %add3A_354 = arith.constant 0 : i32
        %add3A_355 = arith.addi %add3A_353, %add3A_354 : i32
        %add3A_356 = vector.broadcast %mul3A_349 : i32 to vector<16xi32>
        %add3A_357 = arith.addi %rem3A_7, %add3A_356 : vector<16xi32>
        %gather3A = tpu.vector_load_idx %arg6[%add3A_291, %add3A_357] : memref<64x128xf32, #tpu.memory_space<vmem>>[vector<16xi32>, vector<16xi32>], vector<16xf32>,
        %add3A_358 = vector.broadcast %add3A_355 : i32 to vector<16xi32>
        %add3A_359 = arith.addi %add3A_101, %add3A_358 : vector<16xi32>
        tpu.vector_store_idx %arg8[%add3A_359], %gather3A : memref<16384xf32, #tpu.memory_space<vmem>>[vector<16xi32>], vector<16xf32>,
        %add3A_360 = vector.broadcast %mul3A_349 : i32 to vector<16xi32>
        %add3A_361 = arith.addi %rem3A_13, %add3A_360 : vector<16xi32>
        %gather3A_362 = tpu.vector_load_idx %arg6[%add3A_291, %add3A_361] : memref<64x128xf32, #tpu.memory_space<vmem>>[vector<16xi32>, vector<16xi32>], vector<16xf32>,
        %add3A_363 = vector.broadcast %add3A_355 : i32 to vector<16xi32>
        %add3A_364 = arith.addi %add3A_105, %add3A_363 : vector<16xi32>
        tpu.vector_store_idx %arg8[%add3A_364], %gather3A_362 : memref<16384xf32, #tpu.memory_space<vmem>>[vector<16xi32>], vector<16xf32>,
        %add3A_365 = vector.broadcast %mul3A_349 : i32 to vector<16xi32>
        %add3A_366 = arith.addi %rem3A_19, %add3A_365 : vector<16xi32>
        %gather3A_367 = tpu.vector_load_idx %arg6[%add3A_291, %add3A_366] : memref<64x128xf32, #tpu.memory_space<vmem>>[vector<16xi32>, vector<16xi32>], vector<16xf32>,
        %add3A_368 = vector.broadcast %add3A_355 : i32 to vector<16xi32>
        %add3A_369 = arith.addi %add3A_109, %add3A_368 : vector<16xi32>
        tpu.vector_store_idx %arg8[%add3A_369], %gather3A_367 : memref<16384xf32, #tpu.memory_space<vmem>>[vector<16xi32>], vector<16xf32>,
        %add3A_370 = vector.broadcast %mul3A_349 : i32 to vector<16xi32>
        %add3A_371 = arith.addi %rem3A_25, %add3A_370 : vector<16xi32>
        %gather3A_372 = tpu.vector_load_idx %arg6[%add3A_291, %add3A_371] : memref<64x128xf32, #tpu.memory_space<vmem>>[vector<16xi32>, vector<16xi32>], vector<16xf32>,
        %add3A_373 = vector.broadcast %add3A_355 : i32 to vector<16xi32>
        %add3A_374 = arith.addi %add3A_113, %add3A_373 : vector<16xi32>
        tpu.vector_store_idx %arg8[%add3A_374], %gather3A_372 : memref<16384xf32, #tpu.memory_space<vmem>>[vector<16xi32>], vector<16xf32>,
        %add3A_375 = vector.broadcast %mul3A_349 : i32 to vector<16xi32>
        %add3A_376 = arith.addi %rem3A_31, %add3A_375 : vector<16xi32>
        %gather3A_377 = tpu.vector_load_idx %arg6[%add3A_291, %add3A_376] : memref<64x128xf32, #tpu.memory_space<vmem>>[vector<16xi32>, vector<16xi32>], vector<16xf32>,
        %add3A_378 = vector.broadcast %add3A_355 : i32 to vector<16xi32>
        %add3A_379 = arith.addi %add3A_117, %add3A_378 : vector<16xi32>
        tpu.vector_store_idx %arg8[%add3A_379], %gather3A_377 : memref<16384xf32, #tpu.memory_space<vmem>>[vector<16xi32>], vector<16xf32>,
        %add3A_380 = vector.broadcast %mul3A_349 : i32 to vector<16xi32>
        %add3A_381 = arith.addi %rem3A_37, %add3A_380 : vector<16xi32>
        %gather3A_382 = tpu.vector_load_idx %arg6[%add3A_291, %add3A_381] : memref<64x128xf32, #tpu.memory_space<vmem>>[vector<16xi32>, vector<16xi32>], vector<16xf32>,
        %add3A_383 = vector.broadcast %add3A_355 : i32 to vector<16xi32>
        %add3A_384 = arith.addi %add3A_121, %add3A_383 : vector<16xi32>
        tpu.vector_store_idx %arg8[%add3A_384], %gather3A_382 : memref<16384xf32, #tpu.memory_space<vmem>>[vector<16xi32>], vector<16xf32>,
        %add3A_385 = vector.broadcast %mul3A_349 : i32 to vector<16xi32>
        %add3A_386 = arith.addi %rem3A_43, %add3A_385 : vector<16xi32>
        %gather3A_387 = tpu.vector_load_idx %arg6[%add3A_291, %add3A_386] : memref<64x128xf32, #tpu.memory_space<vmem>>[vector<16xi32>, vector<16xi32>], vector<16xf32>,
        %add3A_388 = vector.broadcast %add3A_355 : i32 to vector<16xi32>
        %add3A_389 = arith.addi %add3A_125, %add3A_388 : vector<16xi32>
        tpu.vector_store_idx %arg8[%add3A_389], %gather3A_387 : memref<16384xf32, #tpu.memory_space<vmem>>[vector<16xi32>], vector<16xf32>,
        %add3A_390 = vector.broadcast %mul3A_349 : i32 to vector<16xi32>
        %add3A_391 = arith.addi %rem3A_49, %add3A_390 : vector<16xi32>
        %gather3A_392 = tpu.vector_load_idx %arg6[%add3A_291, %add3A_391] : memref<64x128xf32, #tpu.memory_space<vmem>>[vector<16xi32>, vector<16xi32>], vector<16xf32>,
        %add3A_393 = vector.broadcast %add3A_355 : i32 to vector<16xi32>
        %add3A_394 = arith.addi %add3A_129, %add3A_393 : vector<16xi32>
        tpu.vector_store_idx %arg8[%add3A_394], %gather3A_392 : memref<16384xf32, #tpu.memory_space<vmem>>[vector<16xi32>], vector<16xf32>,
        %add3A_395 = vector.broadcast %mul3A_349 : i32 to vector<16xi32>
        %add3A_396 = arith.addi %rem3A_55, %add3A_395 : vector<16xi32>
        %gather3A_397 = tpu.vector_load_idx %arg6[%add3A_291, %add3A_396] : memref<64x128xf32, #tpu.memory_space<vmem>>[vector<16xi32>, vector<16xi32>], vector<16xf32>,
        %add3A_398 = vector.broadcast %add3A_355 : i32 to vector<16xi32>
        %add3A_399 = arith.addi %add3A_133, %add3A_398 : vector<16xi32>
        tpu.vector_store_idx %arg8[%add3A_399], %gather3A_397 : memref<16384xf32, #tpu.memory_space<vmem>>[vector<16xi32>], vector<16xf32>,
        %add3A_400 = vector.broadcast %mul3A_349 : i32 to vector<16xi32>
        %add3A_401 = arith.addi %rem3A_61, %add3A_400 : vector<16xi32>
        %gather3A_402 = tpu.vector_load_idx %arg6[%add3A_291, %add3A_401] : memref<64x128xf32, #tpu.memory_space<vmem>>[vector<16xi32>, vector<16xi32>], vector<16xf32>,
        %add3A_403 = vector.broadcast %add3A_355 : i32 to vector<16xi32>
        %add3A_404 = arith.addi %add3A_137, %add3A_403 : vector<16xi32>
        tpu.vector_store_idx %arg8[%add3A_404], %gather3A_402 : memref<16384xf32, #tpu.memory_space<vmem>>[vector<16xi32>], vector<16xf32>,
        %add3A_405 = vector.broadcast %mul3A_349 : i32 to vector<16xi32>
        %add3A_406 = arith.addi %rem3A_67, %add3A_405 : vector<16xi32>
        %gather3A_407 = tpu.vector_load_idx %arg6[%add3A_291, %add3A_406] : memref<64x128xf32, #tpu.memory_space<vmem>>[vector<16xi32>, vector<16xi32>], vector<16xf32>,
        %add3A_408 = vector.broadcast %add3A_355 : i32 to vector<16xi32>
        %add3A_409 = arith.addi %add3A_141, %add3A_408 : vector<16xi32>
        tpu.vector_store_idx %arg8[%add3A_409], %gather3A_407 : memref<16384xf32, #tpu.memory_space<vmem>>[vector<16xi32>], vector<16xf32>,
        %add3A_410 = vector.broadcast %mul3A_349 : i32 to vector<16xi32>
        %add3A_411 = arith.addi %rem3A_73, %add3A_410 : vector<16xi32>
        %gather3A_412 = tpu.vector_load_idx %arg6[%add3A_291, %add3A_411] : memref<64x128xf32, #tpu.memory_space<vmem>>[vector<16xi32>, vector<16xi32>], vector<16xf32>,
        %add3A_413 = vector.broadcast %add3A_355 : i32 to vector<16xi32>
        %add3A_414 = arith.addi %add3A_145, %add3A_413 : vector<16xi32>
        tpu.vector_store_idx %arg8[%add3A_414], %gather3A_412 : memref<16384xf32, #tpu.memory_space<vmem>>[vector<16xi32>], vector<16xf32>,
        %add3A_415 = vector.broadcast %mul3A_349 : i32 to vector<16xi32>
        %add3A_416 = arith.addi %rem3A_79, %add3A_415 : vector<16xi32>
        %gather3A_417 = tpu.vector_load_idx %arg6[%add3A_291, %add3A_416] : memref<64x128xf32, #tpu.memory_space<vmem>>[vector<16xi32>, vector<16xi32>], vector<16xf32>,
        %add3A_418 = vector.broadcast %add3A_355 : i32 to vector<16xi32>
        %add3A_419 = arith.addi %add3A_149, %add3A_418 : vector<16xi32>
        tpu.vector_store_idx %arg8[%add3A_419], %gather3A_417 : memref<16384xf32, #tpu.memory_space<vmem>>[vector<16xi32>], vector<16xf32>,
        %add3A_420 = vector.broadcast %mul3A_349 : i32 to vector<16xi32>
        %add3A_421 = arith.addi %rem3A_85, %add3A_420 : vector<16xi32>
        %gather3A_422 = tpu.vector_load_idx %arg6[%add3A_291, %add3A_421] : memref<64x128xf32, #tpu.memory_space<vmem>>[vector<16xi32>, vector<16xi32>], vector<16xf32>,
        %add3A_423 = vector.broadcast %add3A_355 : i32 to vector<16xi32>
        %add3A_424 = arith.addi %add3A_153, %add3A_423 : vector<16xi32>
        tpu.vector_store_idx %arg8[%add3A_424], %gather3A_422 : memref<16384xf32, #tpu.memory_space<vmem>>[vector<16xi32>], vector<16xf32>,
        %add3A_425 = vector.broadcast %mul3A_349 : i32 to vector<16xi32>
        %add3A_426 = arith.addi %rem3A_91, %add3A_425 : vector<16xi32>
        %gather3A_427 = tpu.vector_load_idx %arg6[%add3A_291, %add3A_426] : memref<64x128xf32, #tpu.memory_space<vmem>>[vector<16xi32>, vector<16xi32>], vector<16xf32>,
        %add3A_428 = vector.broadcast %add3A_355 : i32 to vector<16xi32>
        %add3A_429 = arith.addi %add3A_157, %add3A_428 : vector<16xi32>
        tpu.vector_store_idx %arg8[%add3A_429], %gather3A_427 : memref<16384xf32, #tpu.memory_space<vmem>>[vector<16xi32>], vector<16xf32>,
        %add3A_430 = vector.broadcast %mul3A_349 : i32 to vector<16xi32>
        %add3A_431 = arith.addi %rem3A_97, %add3A_430 : vector<16xi32>
        %gather3A_432 = tpu.vector_load_idx %arg6[%add3A_291, %add3A_431] : memref<64x128xf32, #tpu.memory_space<vmem>>[vector<16xi32>, vector<16xi32>], vector<16xf32>,
        %add3A_433 = vector.broadcast %add3A_355 : i32 to vector<16xi32>
        %add3A_434 = arith.addi %add3A_161, %add3A_433 : vector<16xi32>
        tpu.vector_store_idx %arg8[%add3A_434], %gather3A_432 : memref<16384xf32, #tpu.memory_space<vmem>>[vector<16xi32>], vector<16xf32>,
        %scan3A_435 = arith.constant 0 : i32
        scf.yield %scan3A_435 : i32
      }
      %scan3A_298 = arith.constant 8 : i32
      %add3A_299 = arith.constant 16 : i32
      %add3A_300 = vector.broadcast %add3A_299 : i32 to vector<16xi32>
      %add3A_301 = arith.addi %iota3A, %add3A_300 : vector<16xi32>
      %scan3A_302 = arith.constant 0 : i32
      %scan3A_303 = arith.constant 0 : i32
      %scan3A_304 = arith.constant 8 : i32
      %scan3A_305 = arith.addi %scan3A_303, %scan3A_304 : i32
      %scan3A_306 = arith.constant 1 : i32
      %scan3A_307 = scf.for %scan3A_346 = %scan3A_303 to %scan3A_305 step %scan3A_306 iter_args(%scan3A_347 = %scan3A_302) -> (i32)  : i32 {
        %mul3A_348 = arith.constant 16 : i32
        %mul3A_349 = arith.muli %scan3A_346, %mul3A_348 : i32
        %mul3A_350 = arith.constant 64 : i32
        %mul3A_351 = arith.muli %mul3A_349, %mul3A_350 : i32
        %add3A_352 = arith.constant 8192 : i32
        %add3A_353 = arith.addi %add3A_352, %mul3A_351 : i32
        %add3A_354 = arith.constant 16 : i32
        %add3A_355 = arith.addi %add3A_353, %add3A_354 : i32
        %add3A_356 = vector.broadcast %mul3A_349 : i32 to vector<16xi32>
        %add3A_357 = arith.addi %rem3A_7, %add3A_356 : vector<16xi32>
        %gather3A = tpu.vector_load_idx %arg6[%add3A_301, %add3A_357] : memref<64x128xf32, #tpu.memory_space<vmem>>[vector<16xi32>, vector<16xi32>], vector<16xf32>,
        %add3A_358 = vector.broadcast %add3A_355 : i32 to vector<16xi32>
        %add3A_359 = arith.addi %add3A_101, %add3A_358 : vector<16xi32>
        tpu.vector_store_idx %arg8[%add3A_359], %gather3A : memref<16384xf32, #tpu.memory_space<vmem>>[vector<16xi32>], vector<16xf32>,
        %add3A_360 = vector.broadcast %mul3A_349 : i32 to vector<16xi32>
        %add3A_361 = arith.addi %rem3A_13, %add3A_360 : vector<16xi32>
        %gather3A_362 = tpu.vector_load_idx %arg6[%add3A_301, %add3A_361] : memref<64x128xf32, #tpu.memory_space<vmem>>[vector<16xi32>, vector<16xi32>], vector<16xf32>,
        %add3A_363 = vector.broadcast %add3A_355 : i32 to vector<16xi32>
        %add3A_364 = arith.addi %add3A_105, %add3A_363 : vector<16xi32>
        tpu.vector_store_idx %arg8[%add3A_364], %gather3A_362 : memref<16384xf32, #tpu.memory_space<vmem>>[vector<16xi32>], vector<16xf32>,
        %add3A_365 = vector.broadcast %mul3A_349 : i32 to vector<16xi32>
        %add3A_366 = arith.addi %rem3A_19, %add3A_365 : vector<16xi32>
        %gather3A_367 = tpu.vector_load_idx %arg6[%add3A_301, %add3A_366] : memref<64x128xf32, #tpu.memory_space<vmem>>[vector<16xi32>, vector<16xi32>], vector<16xf32>,
        %add3A_368 = vector.broadcast %add3A_355 : i32 to vector<16xi32>
        %add3A_369 = arith.addi %add3A_109, %add3A_368 : vector<16xi32>
        tpu.vector_store_idx %arg8[%add3A_369], %gather3A_367 : memref<16384xf32, #tpu.memory_space<vmem>>[vector<16xi32>], vector<16xf32>,
        %add3A_370 = vector.broadcast %mul3A_349 : i32 to vector<16xi32>
        %add3A_371 = arith.addi %rem3A_25, %add3A_370 : vector<16xi32>
        %gather3A_372 = tpu.vector_load_idx %arg6[%add3A_301, %add3A_371] : memref<64x128xf32, #tpu.memory_space<vmem>>[vector<16xi32>, vector<16xi32>], vector<16xf32>,
        %add3A_373 = vector.broadcast %add3A_355 : i32 to vector<16xi32>
        %add3A_374 = arith.addi %add3A_113, %add3A_373 : vector<16xi32>
        tpu.vector_store_idx %arg8[%add3A_374], %gather3A_372 : memref<16384xf32, #tpu.memory_space<vmem>>[vector<16xi32>], vector<16xf32>,
        %add3A_375 = vector.broadcast %mul3A_349 : i32 to vector<16xi32>
        %add3A_376 = arith.addi %rem3A_31, %add3A_375 : vector<16xi32>
        %gather3A_377 = tpu.vector_load_idx %arg6[%add3A_301, %add3A_376] : memref<64x128xf32, #tpu.memory_space<vmem>>[vector<16xi32>, vector<16xi32>], vector<16xf32>,
        %add3A_378 = vector.broadcast %add3A_355 : i32 to vector<16xi32>
        %add3A_379 = arith.addi %add3A_117, %add3A_378 : vector<16xi32>
        tpu.vector_store_idx %arg8[%add3A_379], %gather3A_377 : memref<16384xf32, #tpu.memory_space<vmem>>[vector<16xi32>], vector<16xf32>,
        %add3A_380 = vector.broadcast %mul3A_349 : i32 to vector<16xi32>
        %add3A_381 = arith.addi %rem3A_37, %add3A_380 : vector<16xi32>
        %gather3A_382 = tpu.vector_load_idx %arg6[%add3A_301, %add3A_381] : memref<64x128xf32, #tpu.memory_space<vmem>>[vector<16xi32>, vector<16xi32>], vector<16xf32>,
        %add3A_383 = vector.broadcast %add3A_355 : i32 to vector<16xi32>
        %add3A_384 = arith.addi %add3A_121, %add3A_383 : vector<16xi32>
        tpu.vector_store_idx %arg8[%add3A_384], %gather3A_382 : memref<16384xf32, #tpu.memory_space<vmem>>[vector<16xi32>], vector<16xf32>,
        %add3A_385 = vector.broadcast %mul3A_349 : i32 to vector<16xi32>
        %add3A_386 = arith.addi %rem3A_43, %add3A_385 : vector<16xi32>
        %gather3A_387 = tpu.vector_load_idx %arg6[%add3A_301, %add3A_386] : memref<64x128xf32, #tpu.memory_space<vmem>>[vector<16xi32>, vector<16xi32>], vector<16xf32>,
        %add3A_388 = vector.broadcast %add3A_355 : i32 to vector<16xi32>
        %add3A_389 = arith.addi %add3A_125, %add3A_388 : vector<16xi32>
        tpu.vector_store_idx %arg8[%add3A_389], %gather3A_387 : memref<16384xf32, #tpu.memory_space<vmem>>[vector<16xi32>], vector<16xf32>,
        %add3A_390 = vector.broadcast %mul3A_349 : i32 to vector<16xi32>
        %add3A_391 = arith.addi %rem3A_49, %add3A_390 : vector<16xi32>
        %gather3A_392 = tpu.vector_load_idx %arg6[%add3A_301, %add3A_391] : memref<64x128xf32, #tpu.memory_space<vmem>>[vector<16xi32>, vector<16xi32>], vector<16xf32>,
        %add3A_393 = vector.broadcast %add3A_355 : i32 to vector<16xi32>
        %add3A_394 = arith.addi %add3A_129, %add3A_393 : vector<16xi32>
        tpu.vector_store_idx %arg8[%add3A_394], %gather3A_392 : memref<16384xf32, #tpu.memory_space<vmem>>[vector<16xi32>], vector<16xf32>,
        %add3A_395 = vector.broadcast %mul3A_349 : i32 to vector<16xi32>
        %add3A_396 = arith.addi %rem3A_55, %add3A_395 : vector<16xi32>
        %gather3A_397 = tpu.vector_load_idx %arg6[%add3A_301, %add3A_396] : memref<64x128xf32, #tpu.memory_space<vmem>>[vector<16xi32>, vector<16xi32>], vector<16xf32>,
        %add3A_398 = vector.broadcast %add3A_355 : i32 to vector<16xi32>
        %add3A_399 = arith.addi %add3A_133, %add3A_398 : vector<16xi32>
        tpu.vector_store_idx %arg8[%add3A_399], %gather3A_397 : memref<16384xf32, #tpu.memory_space<vmem>>[vector<16xi32>], vector<16xf32>,
        %add3A_400 = vector.broadcast %mul3A_349 : i32 to vector<16xi32>
        %add3A_401 = arith.addi %rem3A_61, %add3A_400 : vector<16xi32>
        %gather3A_402 = tpu.vector_load_idx %arg6[%add3A_301, %add3A_401] : memref<64x128xf32, #tpu.memory_space<vmem>>[vector<16xi32>, vector<16xi32>], vector<16xf32>,
        %add3A_403 = vector.broadcast %add3A_355 : i32 to vector<16xi32>
        %add3A_404 = arith.addi %add3A_137, %add3A_403 : vector<16xi32>
        tpu.vector_store_idx %arg8[%add3A_404], %gather3A_402 : memref<16384xf32, #tpu.memory_space<vmem>>[vector<16xi32>], vector<16xf32>,
        %add3A_405 = vector.broadcast %mul3A_349 : i32 to vector<16xi32>
        %add3A_406 = arith.addi %rem3A_67, %add3A_405 : vector<16xi32>
        %gather3A_407 = tpu.vector_load_idx %arg6[%add3A_301, %add3A_406] : memref<64x128xf32, #tpu.memory_space<vmem>>[vector<16xi32>, vector<16xi32>], vector<16xf32>,
        %add3A_408 = vector.broadcast %add3A_355 : i32 to vector<16xi32>
        %add3A_409 = arith.addi %add3A_141, %add3A_408 : vector<16xi32>
        tpu.vector_store_idx %arg8[%add3A_409], %gather3A_407 : memref<16384xf32, #tpu.memory_space<vmem>>[vector<16xi32>], vector<16xf32>,
        %add3A_410 = vector.broadcast %mul3A_349 : i32 to vector<16xi32>
        %add3A_411 = arith.addi %rem3A_73, %add3A_410 : vector<16xi32>
        %gather3A_412 = tpu.vector_load_idx %arg6[%add3A_301, %add3A_411] : memref<64x128xf32, #tpu.memory_space<vmem>>[vector<16xi32>, vector<16xi32>], vector<16xf32>,
        %add3A_413 = vector.broadcast %add3A_355 : i32 to vector<16xi32>
        %add3A_414 = arith.addi %add3A_145, %add3A_413 : vector<16xi32>
        tpu.vector_store_idx %arg8[%add3A_414], %gather3A_412 : memref<16384xf32, #tpu.memory_space<vmem>>[vector<16xi32>], vector<16xf32>,
        %add3A_415 = vector.broadcast %mul3A_349 : i32 to vector<16xi32>
        %add3A_416 = arith.addi %rem3A_79, %add3A_415 : vector<16xi32>
        %gather3A_417 = tpu.vector_load_idx %arg6[%add3A_301, %add3A_416] : memref<64x128xf32, #tpu.memory_space<vmem>>[vector<16xi32>, vector<16xi32>], vector<16xf32>,
        %add3A_418 = vector.broadcast %add3A_355 : i32 to vector<16xi32>
        %add3A_419 = arith.addi %add3A_149, %add3A_418 : vector<16xi32>
        tpu.vector_store_idx %arg8[%add3A_419], %gather3A_417 : memref<16384xf32, #tpu.memory_space<vmem>>[vector<16xi32>], vector<16xf32>,
        %add3A_420 = vector.broadcast %mul3A_349 : i32 to vector<16xi32>
        %add3A_421 = arith.addi %rem3A_85, %add3A_420 : vector<16xi32>
        %gather3A_422 = tpu.vector_load_idx %arg6[%add3A_301, %add3A_421] : memref<64x128xf32, #tpu.memory_space<vmem>>[vector<16xi32>, vector<16xi32>], vector<16xf32>,
        %add3A_423 = vector.broadcast %add3A_355 : i32 to vector<16xi32>
        %add3A_424 = arith.addi %add3A_153, %add3A_423 : vector<16xi32>
        tpu.vector_store_idx %arg8[%add3A_424], %gather3A_422 : memref<16384xf32, #tpu.memory_space<vmem>>[vector<16xi32>], vector<16xf32>,
        %add3A_425 = vector.broadcast %mul3A_349 : i32 to vector<16xi32>
        %add3A_426 = arith.addi %rem3A_91, %add3A_425 : vector<16xi32>
        %gather3A_427 = tpu.vector_load_idx %arg6[%add3A_301, %add3A_426] : memref<64x128xf32, #tpu.memory_space<vmem>>[vector<16xi32>, vector<16xi32>], vector<16xf32>,
        %add3A_428 = vector.broadcast %add3A_355 : i32 to vector<16xi32>
        %add3A_429 = arith.addi %add3A_157, %add3A_428 : vector<16xi32>
        tpu.vector_store_idx %arg8[%add3A_429], %gather3A_427 : memref<16384xf32, #tpu.memory_space<vmem>>[vector<16xi32>], vector<16xf32>,
        %add3A_430 = vector.broadcast %mul3A_349 : i32 to vector<16xi32>
        %add3A_431 = arith.addi %rem3A_97, %add3A_430 : vector<16xi32>
        %gather3A_432 = tpu.vector_load_idx %arg6[%add3A_301, %add3A_431] : memref<64x128xf32, #tpu.memory_space<vmem>>[vector<16xi32>, vector<16xi32>], vector<16xf32>,
        %add3A_433 = vector.broadcast %add3A_355 : i32 to vector<16xi32>
        %add3A_434 = arith.addi %add3A_161, %add3A_433 : vector<16xi32>
        tpu.vector_store_idx %arg8[%add3A_434], %gather3A_432 : memref<16384xf32, #tpu.memory_space<vmem>>[vector<16xi32>], vector<16xf32>,
        %scan3A_435 = arith.constant 0 : i32
        scf.yield %scan3A_435 : i32
      }
      %scan3A_308 = arith.constant 8 : i32
      %add3A_309 = arith.constant 32 : i32
      %add3A_310 = vector.broadcast %add3A_309 : i32 to vector<16xi32>
      %add3A_311 = arith.addi %iota3A, %add3A_310 : vector<16xi32>
      %scan3A_312 = arith.constant 0 : i32
      %scan3A_313 = arith.constant 0 : i32
      %scan3A_314 = arith.constant 8 : i32
      %scan3A_315 = arith.addi %scan3A_313, %scan3A_314 : i32
      %scan3A_316 = arith.constant 1 : i32
      %scan3A_317 = scf.for %scan3A_346 = %scan3A_313 to %scan3A_315 step %scan3A_316 iter_args(%scan3A_347 = %scan3A_312) -> (i32)  : i32 {
        %mul3A_348 = arith.constant 16 : i32
        %mul3A_349 = arith.muli %scan3A_346, %mul3A_348 : i32
        %mul3A_350 = arith.constant 64 : i32
        %mul3A_351 = arith.muli %mul3A_349, %mul3A_350 : i32
        %add3A_352 = arith.constant 8192 : i32
        %add3A_353 = arith.addi %add3A_352, %mul3A_351 : i32
        %add3A_354 = arith.constant 32 : i32
        %add3A_355 = arith.addi %add3A_353, %add3A_354 : i32
        %add3A_356 = vector.broadcast %mul3A_349 : i32 to vector<16xi32>
        %add3A_357 = arith.addi %rem3A_7, %add3A_356 : vector<16xi32>
        %gather3A = tpu.vector_load_idx %arg6[%add3A_311, %add3A_357] : memref<64x128xf32, #tpu.memory_space<vmem>>[vector<16xi32>, vector<16xi32>], vector<16xf32>,
        %add3A_358 = vector.broadcast %add3A_355 : i32 to vector<16xi32>
        %add3A_359 = arith.addi %add3A_101, %add3A_358 : vector<16xi32>
        tpu.vector_store_idx %arg8[%add3A_359], %gather3A : memref<16384xf32, #tpu.memory_space<vmem>>[vector<16xi32>], vector<16xf32>,
        %add3A_360 = vector.broadcast %mul3A_349 : i32 to vector<16xi32>
        %add3A_361 = arith.addi %rem3A_13, %add3A_360 : vector<16xi32>
        %gather3A_362 = tpu.vector_load_idx %arg6[%add3A_311, %add3A_361] : memref<64x128xf32, #tpu.memory_space<vmem>>[vector<16xi32>, vector<16xi32>], vector<16xf32>,
        %add3A_363 = vector.broadcast %add3A_355 : i32 to vector<16xi32>
        %add3A_364 = arith.addi %add3A_105, %add3A_363 : vector<16xi32>
        tpu.vector_store_idx %arg8[%add3A_364], %gather3A_362 : memref<16384xf32, #tpu.memory_space<vmem>>[vector<16xi32>], vector<16xf32>,
        %add3A_365 = vector.broadcast %mul3A_349 : i32 to vector<16xi32>
        %add3A_366 = arith.addi %rem3A_19, %add3A_365 : vector<16xi32>
        %gather3A_367 = tpu.vector_load_idx %arg6[%add3A_311, %add3A_366] : memref<64x128xf32, #tpu.memory_space<vmem>>[vector<16xi32>, vector<16xi32>], vector<16xf32>,
        %add3A_368 = vector.broadcast %add3A_355 : i32 to vector<16xi32>
        %add3A_369 = arith.addi %add3A_109, %add3A_368 : vector<16xi32>
        tpu.vector_store_idx %arg8[%add3A_369], %gather3A_367 : memref<16384xf32, #tpu.memory_space<vmem>>[vector<16xi32>], vector<16xf32>,
        %add3A_370 = vector.broadcast %mul3A_349 : i32 to vector<16xi32>
        %add3A_371 = arith.addi %rem3A_25, %add3A_370 : vector<16xi32>
        %gather3A_372 = tpu.vector_load_idx %arg6[%add3A_311, %add3A_371] : memref<64x128xf32, #tpu.memory_space<vmem>>[vector<16xi32>, vector<16xi32>], vector<16xf32>,
        %add3A_373 = vector.broadcast %add3A_355 : i32 to vector<16xi32>
        %add3A_374 = arith.addi %add3A_113, %add3A_373 : vector<16xi32>
        tpu.vector_store_idx %arg8[%add3A_374], %gather3A_372 : memref<16384xf32, #tpu.memory_space<vmem>>[vector<16xi32>], vector<16xf32>,
        %add3A_375 = vector.broadcast %mul3A_349 : i32 to vector<16xi32>
        %add3A_376 = arith.addi %rem3A_31, %add3A_375 : vector<16xi32>
        %gather3A_377 = tpu.vector_load_idx %arg6[%add3A_311, %add3A_376] : memref<64x128xf32, #tpu.memory_space<vmem>>[vector<16xi32>, vector<16xi32>], vector<16xf32>,
        %add3A_378 = vector.broadcast %add3A_355 : i32 to vector<16xi32>
        %add3A_379 = arith.addi %add3A_117, %add3A_378 : vector<16xi32>
        tpu.vector_store_idx %arg8[%add3A_379], %gather3A_377 : memref<16384xf32, #tpu.memory_space<vmem>>[vector<16xi32>], vector<16xf32>,
        %add3A_380 = vector.broadcast %mul3A_349 : i32 to vector<16xi32>
        %add3A_381 = arith.addi %rem3A_37, %add3A_380 : vector<16xi32>
        %gather3A_382 = tpu.vector_load_idx %arg6[%add3A_311, %add3A_381] : memref<64x128xf32, #tpu.memory_space<vmem>>[vector<16xi32>, vector<16xi32>], vector<16xf32>,
        %add3A_383 = vector.broadcast %add3A_355 : i32 to vector<16xi32>
        %add3A_384 = arith.addi %add3A_121, %add3A_383 : vector<16xi32>
        tpu.vector_store_idx %arg8[%add3A_384], %gather3A_382 : memref<16384xf32, #tpu.memory_space<vmem>>[vector<16xi32>], vector<16xf32>,
        %add3A_385 = vector.broadcast %mul3A_349 : i32 to vector<16xi32>
        %add3A_386 = arith.addi %rem3A_43, %add3A_385 : vector<16xi32>
        %gather3A_387 = tpu.vector_load_idx %arg6[%add3A_311, %add3A_386] : memref<64x128xf32, #tpu.memory_space<vmem>>[vector<16xi32>, vector<16xi32>], vector<16xf32>,
        %add3A_388 = vector.broadcast %add3A_355 : i32 to vector<16xi32>
        %add3A_389 = arith.addi %add3A_125, %add3A_388 : vector<16xi32>
        tpu.vector_store_idx %arg8[%add3A_389], %gather3A_387 : memref<16384xf32, #tpu.memory_space<vmem>>[vector<16xi32>], vector<16xf32>,
        %add3A_390 = vector.broadcast %mul3A_349 : i32 to vector<16xi32>
        %add3A_391 = arith.addi %rem3A_49, %add3A_390 : vector<16xi32>
        %gather3A_392 = tpu.vector_load_idx %arg6[%add3A_311, %add3A_391] : memref<64x128xf32, #tpu.memory_space<vmem>>[vector<16xi32>, vector<16xi32>], vector<16xf32>,
        %add3A_393 = vector.broadcast %add3A_355 : i32 to vector<16xi32>
        %add3A_394 = arith.addi %add3A_129, %add3A_393 : vector<16xi32>
        tpu.vector_store_idx %arg8[%add3A_394], %gather3A_392 : memref<16384xf32, #tpu.memory_space<vmem>>[vector<16xi32>], vector<16xf32>,
        %add3A_395 = vector.broadcast %mul3A_349 : i32 to vector<16xi32>
        %add3A_396 = arith.addi %rem3A_55, %add3A_395 : vector<16xi32>
        %gather3A_397 = tpu.vector_load_idx %arg6[%add3A_311, %add3A_396] : memref<64x128xf32, #tpu.memory_space<vmem>>[vector<16xi32>, vector<16xi32>], vector<16xf32>,
        %add3A_398 = vector.broadcast %add3A_355 : i32 to vector<16xi32>
        %add3A_399 = arith.addi %add3A_133, %add3A_398 : vector<16xi32>
        tpu.vector_store_idx %arg8[%add3A_399], %gather3A_397 : memref<16384xf32, #tpu.memory_space<vmem>>[vector<16xi32>], vector<16xf32>,
        %add3A_400 = vector.broadcast %mul3A_349 : i32 to vector<16xi32>
        %add3A_401 = arith.addi %rem3A_61, %add3A_400 : vector<16xi32>
        %gather3A_402 = tpu.vector_load_idx %arg6[%add3A_311, %add3A_401] : memref<64x128xf32, #tpu.memory_space<vmem>>[vector<16xi32>, vector<16xi32>], vector<16xf32>,
        %add3A_403 = vector.broadcast %add3A_355 : i32 to vector<16xi32>
        %add3A_404 = arith.addi %add3A_137, %add3A_403 : vector<16xi32>
        tpu.vector_store_idx %arg8[%add3A_404], %gather3A_402 : memref<16384xf32, #tpu.memory_space<vmem>>[vector<16xi32>], vector<16xf32>,
        %add3A_405 = vector.broadcast %mul3A_349 : i32 to vector<16xi32>
        %add3A_406 = arith.addi %rem3A_67, %add3A_405 : vector<16xi32>
        %gather3A_407 = tpu.vector_load_idx %arg6[%add3A_311, %add3A_406] : memref<64x128xf32, #tpu.memory_space<vmem>>[vector<16xi32>, vector<16xi32>], vector<16xf32>,
        %add3A_408 = vector.broadcast %add3A_355 : i32 to vector<16xi32>
        %add3A_409 = arith.addi %add3A_141, %add3A_408 : vector<16xi32>
        tpu.vector_store_idx %arg8[%add3A_409], %gather3A_407 : memref<16384xf32, #tpu.memory_space<vmem>>[vector<16xi32>], vector<16xf32>,
        %add3A_410 = vector.broadcast %mul3A_349 : i32 to vector<16xi32>
        %add3A_411 = arith.addi %rem3A_73, %add3A_410 : vector<16xi32>
        %gather3A_412 = tpu.vector_load_idx %arg6[%add3A_311, %add3A_411] : memref<64x128xf32, #tpu.memory_space<vmem>>[vector<16xi32>, vector<16xi32>], vector<16xf32>,
        %add3A_413 = vector.broadcast %add3A_355 : i32 to vector<16xi32>
        %add3A_414 = arith.addi %add3A_145, %add3A_413 : vector<16xi32>
        tpu.vector_store_idx %arg8[%add3A_414], %gather3A_412 : memref<16384xf32, #tpu.memory_space<vmem>>[vector<16xi32>], vector<16xf32>,
        %add3A_415 = vector.broadcast %mul3A_349 : i32 to vector<16xi32>
        %add3A_416 = arith.addi %rem3A_79, %add3A_415 : vector<16xi32>
        %gather3A_417 = tpu.vector_load_idx %arg6[%add3A_311, %add3A_416] : memref<64x128xf32, #tpu.memory_space<vmem>>[vector<16xi32>, vector<16xi32>], vector<16xf32>,
        %add3A_418 = vector.broadcast %add3A_355 : i32 to vector<16xi32>
        %add3A_419 = arith.addi %add3A_149, %add3A_418 : vector<16xi32>
        tpu.vector_store_idx %arg8[%add3A_419], %gather3A_417 : memref<16384xf32, #tpu.memory_space<vmem>>[vector<16xi32>], vector<16xf32>,
        %add3A_420 = vector.broadcast %mul3A_349 : i32 to vector<16xi32>
        %add3A_421 = arith.addi %rem3A_85, %add3A_420 : vector<16xi32>
        %gather3A_422 = tpu.vector_load_idx %arg6[%add3A_311, %add3A_421] : memref<64x128xf32, #tpu.memory_space<vmem>>[vector<16xi32>, vector<16xi32>], vector<16xf32>,
        %add3A_423 = vector.broadcast %add3A_355 : i32 to vector<16xi32>
        %add3A_424 = arith.addi %add3A_153, %add3A_423 : vector<16xi32>
        tpu.vector_store_idx %arg8[%add3A_424], %gather3A_422 : memref<16384xf32, #tpu.memory_space<vmem>>[vector<16xi32>], vector<16xf32>,
        %add3A_425 = vector.broadcast %mul3A_349 : i32 to vector<16xi32>
        %add3A_426 = arith.addi %rem3A_91, %add3A_425 : vector<16xi32>
        %gather3A_427 = tpu.vector_load_idx %arg6[%add3A_311, %add3A_426] : memref<64x128xf32, #tpu.memory_space<vmem>>[vector<16xi32>, vector<16xi32>], vector<16xf32>,
        %add3A_428 = vector.broadcast %add3A_355 : i32 to vector<16xi32>
        %add3A_429 = arith.addi %add3A_157, %add3A_428 : vector<16xi32>
        tpu.vector_store_idx %arg8[%add3A_429], %gather3A_427 : memref<16384xf32, #tpu.memory_space<vmem>>[vector<16xi32>], vector<16xf32>,
        %add3A_430 = vector.broadcast %mul3A_349 : i32 to vector<16xi32>
        %add3A_431 = arith.addi %rem3A_97, %add3A_430 : vector<16xi32>
        %gather3A_432 = tpu.vector_load_idx %arg6[%add3A_311, %add3A_431] : memref<64x128xf32, #tpu.memory_space<vmem>>[vector<16xi32>, vector<16xi32>], vector<16xf32>,
        %add3A_433 = vector.broadcast %add3A_355 : i32 to vector<16xi32>
        %add3A_434 = arith.addi %add3A_161, %add3A_433 : vector<16xi32>
        tpu.vector_store_idx %arg8[%add3A_434], %gather3A_432 : memref<16384xf32, #tpu.memory_space<vmem>>[vector<16xi32>], vector<16xf32>,
        %scan3A_435 = arith.constant 0 : i32
        scf.yield %scan3A_435 : i32
      }
      %scan3A_318 = arith.constant 8 : i32
      %add3A_319 = arith.constant 48 : i32
      %add3A_320 = vector.broadcast %add3A_319 : i32 to vector<16xi32>
      %add3A_321 = arith.addi %iota3A, %add3A_320 : vector<16xi32>
      %scan3A_322 = arith.constant 0 : i32
      %scan3A_323 = arith.constant 0 : i32
      %scan3A_324 = arith.constant 8 : i32
      %scan3A_325 = arith.addi %scan3A_323, %scan3A_324 : i32
      %scan3A_326 = arith.constant 1 : i32
      %scan3A_327 = scf.for %scan3A_346 = %scan3A_323 to %scan3A_325 step %scan3A_326 iter_args(%scan3A_347 = %scan3A_322) -> (i32)  : i32 {
        %mul3A_348 = arith.constant 16 : i32
        %mul3A_349 = arith.muli %scan3A_346, %mul3A_348 : i32
        %mul3A_350 = arith.constant 64 : i32
        %mul3A_351 = arith.muli %mul3A_349, %mul3A_350 : i32
        %add3A_352 = arith.constant 8192 : i32
        %add3A_353 = arith.addi %add3A_352, %mul3A_351 : i32
        %add3A_354 = arith.constant 48 : i32
        %add3A_355 = arith.addi %add3A_353, %add3A_354 : i32
        %add3A_356 = vector.broadcast %mul3A_349 : i32 to vector<16xi32>
        %add3A_357 = arith.addi %rem3A_7, %add3A_356 : vector<16xi32>
        %gather3A = tpu.vector_load_idx %arg6[%add3A_321, %add3A_357] : memref<64x128xf32, #tpu.memory_space<vmem>>[vector<16xi32>, vector<16xi32>], vector<16xf32>,
        %add3A_358 = vector.broadcast %add3A_355 : i32 to vector<16xi32>
        %add3A_359 = arith.addi %add3A_101, %add3A_358 : vector<16xi32>
        tpu.vector_store_idx %arg8[%add3A_359], %gather3A : memref<16384xf32, #tpu.memory_space<vmem>>[vector<16xi32>], vector<16xf32>,
        %add3A_360 = vector.broadcast %mul3A_349 : i32 to vector<16xi32>
        %add3A_361 = arith.addi %rem3A_13, %add3A_360 : vector<16xi32>
        %gather3A_362 = tpu.vector_load_idx %arg6[%add3A_321, %add3A_361] : memref<64x128xf32, #tpu.memory_space<vmem>>[vector<16xi32>, vector<16xi32>], vector<16xf32>,
        %add3A_363 = vector.broadcast %add3A_355 : i32 to vector<16xi32>
        %add3A_364 = arith.addi %add3A_105, %add3A_363 : vector<16xi32>
        tpu.vector_store_idx %arg8[%add3A_364], %gather3A_362 : memref<16384xf32, #tpu.memory_space<vmem>>[vector<16xi32>], vector<16xf32>,
        %add3A_365 = vector.broadcast %mul3A_349 : i32 to vector<16xi32>
        %add3A_366 = arith.addi %rem3A_19, %add3A_365 : vector<16xi32>
        %gather3A_367 = tpu.vector_load_idx %arg6[%add3A_321, %add3A_366] : memref<64x128xf32, #tpu.memory_space<vmem>>[vector<16xi32>, vector<16xi32>], vector<16xf32>,
        %add3A_368 = vector.broadcast %add3A_355 : i32 to vector<16xi32>
        %add3A_369 = arith.addi %add3A_109, %add3A_368 : vector<16xi32>
        tpu.vector_store_idx %arg8[%add3A_369], %gather3A_367 : memref<16384xf32, #tpu.memory_space<vmem>>[vector<16xi32>], vector<16xf32>,
        %add3A_370 = vector.broadcast %mul3A_349 : i32 to vector<16xi32>
        %add3A_371 = arith.addi %rem3A_25, %add3A_370 : vector<16xi32>
        %gather3A_372 = tpu.vector_load_idx %arg6[%add3A_321, %add3A_371] : memref<64x128xf32, #tpu.memory_space<vmem>>[vector<16xi32>, vector<16xi32>], vector<16xf32>,
        %add3A_373 = vector.broadcast %add3A_355 : i32 to vector<16xi32>
        %add3A_374 = arith.addi %add3A_113, %add3A_373 : vector<16xi32>
        tpu.vector_store_idx %arg8[%add3A_374], %gather3A_372 : memref<16384xf32, #tpu.memory_space<vmem>>[vector<16xi32>], vector<16xf32>,
        %add3A_375 = vector.broadcast %mul3A_349 : i32 to vector<16xi32>
        %add3A_376 = arith.addi %rem3A_31, %add3A_375 : vector<16xi32>
        %gather3A_377 = tpu.vector_load_idx %arg6[%add3A_321, %add3A_376] : memref<64x128xf32, #tpu.memory_space<vmem>>[vector<16xi32>, vector<16xi32>], vector<16xf32>,
        %add3A_378 = vector.broadcast %add3A_355 : i32 to vector<16xi32>
        %add3A_379 = arith.addi %add3A_117, %add3A_378 : vector<16xi32>
        tpu.vector_store_idx %arg8[%add3A_379], %gather3A_377 : memref<16384xf32, #tpu.memory_space<vmem>>[vector<16xi32>], vector<16xf32>,
        %add3A_380 = vector.broadcast %mul3A_349 : i32 to vector<16xi32>
        %add3A_381 = arith.addi %rem3A_37, %add3A_380 : vector<16xi32>
        %gather3A_382 = tpu.vector_load_idx %arg6[%add3A_321, %add3A_381] : memref<64x128xf32, #tpu.memory_space<vmem>>[vector<16xi32>, vector<16xi32>], vector<16xf32>,
        %add3A_383 = vector.broadcast %add3A_355 : i32 to vector<16xi32>
        %add3A_384 = arith.addi %add3A_121, %add3A_383 : vector<16xi32>
        tpu.vector_store_idx %arg8[%add3A_384], %gather3A_382 : memref<16384xf32, #tpu.memory_space<vmem>>[vector<16xi32>], vector<16xf32>,
        %add3A_385 = vector.broadcast %mul3A_349 : i32 to vector<16xi32>
        %add3A_386 = arith.addi %rem3A_43, %add3A_385 : vector<16xi32>
        %gather3A_387 = tpu.vector_load_idx %arg6[%add3A_321, %add3A_386] : memref<64x128xf32, #tpu.memory_space<vmem>>[vector<16xi32>, vector<16xi32>], vector<16xf32>,
        %add3A_388 = vector.broadcast %add3A_355 : i32 to vector<16xi32>
        %add3A_389 = arith.addi %add3A_125, %add3A_388 : vector<16xi32>
        tpu.vector_store_idx %arg8[%add3A_389], %gather3A_387 : memref<16384xf32, #tpu.memory_space<vmem>>[vector<16xi32>], vector<16xf32>,
        %add3A_390 = vector.broadcast %mul3A_349 : i32 to vector<16xi32>
        %add3A_391 = arith.addi %rem3A_49, %add3A_390 : vector<16xi32>
        %gather3A_392 = tpu.vector_load_idx %arg6[%add3A_321, %add3A_391] : memref<64x128xf32, #tpu.memory_space<vmem>>[vector<16xi32>, vector<16xi32>], vector<16xf32>,
        %add3A_393 = vector.broadcast %add3A_355 : i32 to vector<16xi32>
        %add3A_394 = arith.addi %add3A_129, %add3A_393 : vector<16xi32>
        tpu.vector_store_idx %arg8[%add3A_394], %gather3A_392 : memref<16384xf32, #tpu.memory_space<vmem>>[vector<16xi32>], vector<16xf32>,
        %add3A_395 = vector.broadcast %mul3A_349 : i32 to vector<16xi32>
        %add3A_396 = arith.addi %rem3A_55, %add3A_395 : vector<16xi32>
        %gather3A_397 = tpu.vector_load_idx %arg6[%add3A_321, %add3A_396] : memref<64x128xf32, #tpu.memory_space<vmem>>[vector<16xi32>, vector<16xi32>], vector<16xf32>,
        %add3A_398 = vector.broadcast %add3A_355 : i32 to vector<16xi32>
        %add3A_399 = arith.addi %add3A_133, %add3A_398 : vector<16xi32>
        tpu.vector_store_idx %arg8[%add3A_399], %gather3A_397 : memref<16384xf32, #tpu.memory_space<vmem>>[vector<16xi32>], vector<16xf32>,
        %add3A_400 = vector.broadcast %mul3A_349 : i32 to vector<16xi32>
        %add3A_401 = arith.addi %rem3A_61, %add3A_400 : vector<16xi32>
        %gather3A_402 = tpu.vector_load_idx %arg6[%add3A_321, %add3A_401] : memref<64x128xf32, #tpu.memory_space<vmem>>[vector<16xi32>, vector<16xi32>], vector<16xf32>,
        %add3A_403 = vector.broadcast %add3A_355 : i32 to vector<16xi32>
        %add3A_404 = arith.addi %add3A_137, %add3A_403 : vector<16xi32>
        tpu.vector_store_idx %arg8[%add3A_404], %gather3A_402 : memref<16384xf32, #tpu.memory_space<vmem>>[vector<16xi32>], vector<16xf32>,
        %add3A_405 = vector.broadcast %mul3A_349 : i32 to vector<16xi32>
        %add3A_406 = arith.addi %rem3A_67, %add3A_405 : vector<16xi32>
        %gather3A_407 = tpu.vector_load_idx %arg6[%add3A_321, %add3A_406] : memref<64x128xf32, #tpu.memory_space<vmem>>[vector<16xi32>, vector<16xi32>], vector<16xf32>,
        %add3A_408 = vector.broadcast %add3A_355 : i32 to vector<16xi32>
        %add3A_409 = arith.addi %add3A_141, %add3A_408 : vector<16xi32>
        tpu.vector_store_idx %arg8[%add3A_409], %gather3A_407 : memref<16384xf32, #tpu.memory_space<vmem>>[vector<16xi32>], vector<16xf32>,
        %add3A_410 = vector.broadcast %mul3A_349 : i32 to vector<16xi32>
        %add3A_411 = arith.addi %rem3A_73, %add3A_410 : vector<16xi32>
        %gather3A_412 = tpu.vector_load_idx %arg6[%add3A_321, %add3A_411] : memref<64x128xf32, #tpu.memory_space<vmem>>[vector<16xi32>, vector<16xi32>], vector<16xf32>,
        %add3A_413 = vector.broadcast %add3A_355 : i32 to vector<16xi32>
        %add3A_414 = arith.addi %add3A_145, %add3A_413 : vector<16xi32>
        tpu.vector_store_idx %arg8[%add3A_414], %gather3A_412 : memref<16384xf32, #tpu.memory_space<vmem>>[vector<16xi32>], vector<16xf32>,
        %add3A_415 = vector.broadcast %mul3A_349 : i32 to vector<16xi32>
        %add3A_416 = arith.addi %rem3A_79, %add3A_415 : vector<16xi32>
        %gather3A_417 = tpu.vector_load_idx %arg6[%add3A_321, %add3A_416] : memref<64x128xf32, #tpu.memory_space<vmem>>[vector<16xi32>, vector<16xi32>], vector<16xf32>,
        %add3A_418 = vector.broadcast %add3A_355 : i32 to vector<16xi32>
        %add3A_419 = arith.addi %add3A_149, %add3A_418 : vector<16xi32>
        tpu.vector_store_idx %arg8[%add3A_419], %gather3A_417 : memref<16384xf32, #tpu.memory_space<vmem>>[vector<16xi32>], vector<16xf32>,
        %add3A_420 = vector.broadcast %mul3A_349 : i32 to vector<16xi32>
        %add3A_421 = arith.addi %rem3A_85, %add3A_420 : vector<16xi32>
        %gather3A_422 = tpu.vector_load_idx %arg6[%add3A_321, %add3A_421] : memref<64x128xf32, #tpu.memory_space<vmem>>[vector<16xi32>, vector<16xi32>], vector<16xf32>,
        %add3A_423 = vector.broadcast %add3A_355 : i32 to vector<16xi32>
        %add3A_424 = arith.addi %add3A_153, %add3A_423 : vector<16xi32>
        tpu.vector_store_idx %arg8[%add3A_424], %gather3A_422 : memref<16384xf32, #tpu.memory_space<vmem>>[vector<16xi32>], vector<16xf32>,
        %add3A_425 = vector.broadcast %mul3A_349 : i32 to vector<16xi32>
        %add3A_426 = arith.addi %rem3A_91, %add3A_425 : vector<16xi32>
        %gather3A_427 = tpu.vector_load_idx %arg6[%add3A_321, %add3A_426] : memref<64x128xf32, #tpu.memory_space<vmem>>[vector<16xi32>, vector<16xi32>], vector<16xf32>,
        %add3A_428 = vector.broadcast %add3A_355 : i32 to vector<16xi32>
        %add3A_429 = arith.addi %add3A_157, %add3A_428 : vector<16xi32>
        tpu.vector_store_idx %arg8[%add3A_429], %gather3A_427 : memref<16384xf32, #tpu.memory_space<vmem>>[vector<16xi32>], vector<16xf32>,
        %add3A_430 = vector.broadcast %mul3A_349 : i32 to vector<16xi32>
        %add3A_431 = arith.addi %rem3A_97, %add3A_430 : vector<16xi32>
        %gather3A_432 = tpu.vector_load_idx %arg6[%add3A_321, %add3A_431] : memref<64x128xf32, #tpu.memory_space<vmem>>[vector<16xi32>, vector<16xi32>], vector<16xf32>,
        %add3A_433 = vector.broadcast %add3A_355 : i32 to vector<16xi32>
        %add3A_434 = arith.addi %add3A_161, %add3A_433 : vector<16xi32>
        tpu.vector_store_idx %arg8[%add3A_434], %gather3A_432 : memref<16384xf32, #tpu.memory_space<vmem>>[vector<16xi32>], vector<16xf32>,
        %scan3A_435 = arith.constant 0 : i32
        scf.yield %scan3A_435 : i32
      }
      %scan3A_328 = arith.constant 8 : i32
      %add3A_329 = arith.addi %mul3A_2, %add3A_277 : i32
      %mul3A_330 = arith.constant 8192 : i32
      %mul3A_331 = arith.muli %add3A_329, %mul3A_330 : i32
      %dma_start3A_332 = arith.constant 8192 : i32
      %dma_start3A_333 = tpu.memref_slice %arg8[%dma_start3A_332] : memref<16384xf32, #tpu.memory_space<vmem>> -> memref<8192xf32, #tpu.memory_space<vmem>>
      %dma_start3A_334 = tpu.memref_slice %arg4[%mul3A_331] : memref<64000000xf32, #tpu.memory_space<hbm>> -> memref<8192xf32, #tpu.memory_space<hbm>>
      %dma_start3A_335 = tpu.memref_slice %arg4[%mul3A_331] : memref<64000000xf32, #tpu.memory_space<hbm>> -> memref<8192xf32, #tpu.memory_space<hbm>>
      %dma_start3A_336 = arith.constant 8192 : i32
      %dma_start3A_337 = tpu.memref_slice %arg8[%dma_start3A_336] : memref<16384xf32, #tpu.memory_space<vmem>> -> memref<8192xf32, #tpu.memory_space<vmem>>
      tpu.enqueue_dma source(%dma_start3A_337 : memref<8192xf32, #tpu.memory_space<vmem>>) target(%dma_start3A_335 : memref<8192xf32, #tpu.memory_space<hbm>>) target_semaphore(%arg12 : memref<!tpu.dma_semaphore, #tpu.memory_space<semaphore_mem>>)
      %add3A_338 = arith.constant 2 : i32
      %add3A_339 = arith.addi %add3A_277, %add3A_338 : i32
      %lt3A_340 = arith.constant 244 : i32
      %lt3A_341 = arith.cmpi slt, %add3A_339, %lt3A_340 : i32
      %convert_element_type3A_342 = arith.extui %lt3A_341 : i1 to i32
      %cond3A_343 = arith.constant 0 : i32
      %cond3A_344 = arith.cmpi ne, %convert_element_type3A_342, %cond3A_343 : i32
      scf.if %cond3A_344 {
        %add3A_346 = arith.constant 2 : i32
        %add3A_347 = arith.addi %add3A_277, %add3A_346 : i32
        %add3A_348 = arith.addi %mul3A_2, %add3A_347 : i32
        %mul3A_349 = arith.constant 128 : i32
        %mul3A_350 = arith.muli %add3A_348, %mul3A_349 : i32
        %dma_start3A_351 = arith.constant 0 : i32
        %dma_start3A_352 = tpu.memref_slice %arg2[%dma_start3A_351, %mul3A_350] : memref<64x1000000xf32, #tpu.memory_space<hbm>> -> memref<64x128xf32, #tpu.memory_space<hbm>>
        %dma_start3A_353 = arith.constant 0 : i32
        %dma_start3A_354 = tpu.memref_slice %arg2[%dma_start3A_353, %mul3A_350] : memref<64x1000000xf32, #tpu.memory_space<hbm>> -> memref<64x128xf32, #tpu.memory_space<hbm>>
        tpu.enqueue_dma source(%dma_start3A_354 : memref<64x128xf32, #tpu.memory_space<hbm>>) target(%arg6 : memref<64x128xf32, #tpu.memory_space<vmem>>) target_semaphore(%arg10 : memref<!tpu.dma_semaphore, #tpu.memory_space<semaphore_mem>>)
      } else {
      }
      %scan3A_345 = arith.constant 0 : i32
      scf.yield %scan3A_345 : i32
    }
    %scan3A_182 = arith.constant 122 : i32
    %dma_wait3A = arith.constant 0 : i32
    %dma_wait3A_183 = tpu.memref_slice %arg8[%dma_wait3A] : memref<16384xf32, #tpu.memory_space<vmem>> -> memref<8192xf32, #tpu.memory_space<vmem>>
    %dma_wait3A_184 = arith.constant 0 : i32
    %dma_wait3A_185 = tpu.memref_slice %arg4[%dma_wait3A_184] : memref<64000000xf32, #tpu.memory_space<hbm>> -> memref<8192xf32, #tpu.memory_space<hbm>>
    %dma_wait3A_186 = arith.constant 0 : i32
    %dma_wait3A_187 = tpu.memref_slice %arg4[%dma_wait3A_186] : memref<64000000xf32, #tpu.memory_space<hbm>> -> memref<8192xf32, #tpu.memory_space<hbm>>
    %dma_wait3A_188 = arith.constant 0 : i32
    %dma_wait3A_189 = tpu.memref_slice %arg8[%dma_wait3A_188] : memref<16384xf32, #tpu.memory_space<vmem>> -> memref<8192xf32, #tpu.memory_space<vmem>>
    tpu.wait_dma2 semaphore(%arg11 : memref<!tpu.dma_semaphore, #tpu.memory_space<semaphore_mem>>) src(%dma_wait3A_189 : memref<8192xf32, #tpu.memory_space<vmem>>) dst(%dma_wait3A_187 : memref<8192xf32, #tpu.memory_space<hbm>>)
    %dma_wait3A_190 = arith.constant 8192 : i32
    %dma_wait3A_191 = tpu.memref_slice %arg8[%dma_wait3A_190] : memref<16384xf32, #tpu.memory_space<vmem>> -> memref<8192xf32, #tpu.memory_space<vmem>>
    %dma_wait3A_192 = arith.constant 0 : i32
    %dma_wait3A_193 = tpu.memref_slice %arg4[%dma_wait3A_192] : memref<64000000xf32, #tpu.memory_space<hbm>> -> memref<8192xf32, #tpu.memory_space<hbm>>
    %dma_wait3A_194 = arith.constant 0 : i32
    %dma_wait3A_195 = tpu.memref_slice %arg4[%dma_wait3A_194] : memref<64000000xf32, #tpu.memory_space<hbm>> -> memref<8192xf32, #tpu.memory_space<hbm>>
    %dma_wait3A_196 = arith.constant 8192 : i32
    %dma_wait3A_197 = tpu.memref_slice %arg8[%dma_wait3A_196] : memref<16384xf32, #tpu.memory_space<vmem>> -> memref<8192xf32, #tpu.memory_space<vmem>>
    tpu.wait_dma2 semaphore(%arg12 : memref<!tpu.dma_semaphore, #tpu.memory_space<semaphore_mem>>) src(%dma_wait3A_197 : memref<8192xf32, #tpu.memory_space<vmem>>) dst(%dma_wait3A_195 : memref<8192xf32, #tpu.memory_space<hbm>>)
    %lt3A = arith.constant 4 : i32
    %lt3A_198 = arith.cmpi slt, %add3A, %lt3A : i32
    %convert_element_type3A = arith.extui %lt3A_198 : i1 to i32
    %cond3A = arith.constant 0 : i32
    %cond3A_199 = arith.cmpi ne, %convert_element_type3A, %cond3A : i32
    scf.if %cond3A_199 {
      %add3A_204 = arith.constant 7808 : i32
      %add3A_205 = arith.addi %add3A_204, %add3A : i32
      %mul3A_206 = arith.constant 128 : i32
      %mul3A_207 = arith.muli %add3A_205, %mul3A_206 : i32
      "tpu.region"() ({
        %run_scoped3A = tpu.sem_alloc : memref<!tpu.dma_semaphore, #tpu.memory_space<semaphore_mem>>
        %dma_start3A_250 = arith.constant 0 : i32
        %dma_start3A_251 = tpu.memref_slice %arg2[%dma_start3A_250, %mul3A_207] : memref<64x1000000xf32, #tpu.memory_space<hbm>> -> memref<64x128xf32, #tpu.memory_space<hbm>>
        %dma_start3A_252 = arith.constant 0 : i32
        %dma_start3A_253 = tpu.memref_slice %arg2[%dma_start3A_252, %mul3A_207] : memref<64x1000000xf32, #tpu.memory_space<hbm>> -> memref<64x128xf32, #tpu.memory_space<hbm>>
        tpu.enqueue_dma source(%dma_start3A_253 : memref<64x128xf32, #tpu.memory_space<hbm>>) target(%arg5 : memref<64x128xf32, #tpu.memory_space<vmem>>) target_semaphore(%run_scoped3A : memref<!tpu.dma_semaphore, #tpu.memory_space<semaphore_mem>>)
        %dma_wait3A_254 = arith.constant 0 : i32
        %dma_wait3A_255 = tpu.memref_slice %arg2[%dma_wait3A_254, %mul3A_207] : memref<64x1000000xf32, #tpu.memory_space<hbm>> -> memref<64x128xf32, #tpu.memory_space<hbm>>
        %dma_wait3A_256 = arith.constant 0 : i32
        %dma_wait3A_257 = tpu.memref_slice %arg2[%dma_wait3A_256, %mul3A_207] : memref<64x1000000xf32, #tpu.memory_space<hbm>> -> memref<64x128xf32, #tpu.memory_space<hbm>>
        tpu.wait_dma2 semaphore(%run_scoped3A : memref<!tpu.dma_semaphore, #tpu.memory_space<semaphore_mem>>) src(%dma_wait3A_257 : memref<64x128xf32, #tpu.memory_space<hbm>>) dst(%arg5 : memref<64x128xf32, #tpu.memory_space<vmem>>)
        tpu.yield
      }) : () -> ()
      %add3A_208 = arith.constant 0 : i32
      %add3A_209 = vector.broadcast %add3A_208 : i32 to vector<16xi32>
      %add3A_210 = arith.addi %iota3A, %add3A_209 : vector<16xi32>
      %scan3A_211 = arith.constant 0 : i32
      %scan3A_212 = arith.constant 0 : i32
      %scan3A_213 = arith.constant 8 : i32
      %scan3A_214 = arith.addi %scan3A_212, %scan3A_213 : i32
      %scan3A_215 = arith.constant 1 : i32
      %scan3A_216 = scf.for %scan3A_250 = %scan3A_212 to %scan3A_214 step %scan3A_215 iter_args(%scan3A_251 = %scan3A_211) -> (i32)  : i32 {
        %mul3A_252 = arith.constant 16 : i32
        %mul3A_253 = arith.muli %scan3A_250, %mul3A_252 : i32
        %mul3A_254 = arith.constant 64 : i32
        %mul3A_255 = arith.muli %mul3A_253, %mul3A_254 : i32
        %add3A_256 = arith.constant 0 : i32
        %add3A_257 = arith.addi %add3A_256, %mul3A_255 : i32
        %add3A_258 = arith.constant 0 : i32
        %add3A_259 = arith.addi %add3A_257, %add3A_258 : i32
        %add3A_260 = vector.broadcast %mul3A_253 : i32 to vector<16xi32>
        %add3A_261 = arith.addi %rem3A_7, %add3A_260 : vector<16xi32>
        %gather3A = tpu.vector_load_idx %arg5[%add3A_210, %add3A_261] : memref<64x128xf32, #tpu.memory_space<vmem>>[vector<16xi32>, vector<16xi32>], vector<16xf32>,
        %add3A_262 = vector.broadcast %add3A_259 : i32 to vector<16xi32>
        %add3A_263 = arith.addi %add3A_101, %add3A_262 : vector<16xi32>
        tpu.vector_store_idx %arg8[%add3A_263], %gather3A : memref<16384xf32, #tpu.memory_space<vmem>>[vector<16xi32>], vector<16xf32>,
        %add3A_264 = vector.broadcast %mul3A_253 : i32 to vector<16xi32>
        %add3A_265 = arith.addi %rem3A_13, %add3A_264 : vector<16xi32>
        %gather3A_266 = tpu.vector_load_idx %arg5[%add3A_210, %add3A_265] : memref<64x128xf32, #tpu.memory_space<vmem>>[vector<16xi32>, vector<16xi32>], vector<16xf32>,
        %add3A_267 = vector.broadcast %add3A_259 : i32 to vector<16xi32>
        %add3A_268 = arith.addi %add3A_105, %add3A_267 : vector<16xi32>
        tpu.vector_store_idx %arg8[%add3A_268], %gather3A_266 : memref<16384xf32, #tpu.memory_space<vmem>>[vector<16xi32>], vector<16xf32>,
        %add3A_269 = vector.broadcast %mul3A_253 : i32 to vector<16xi32>
        %add3A_270 = arith.addi %rem3A_19, %add3A_269 : vector<16xi32>
        %gather3A_271 = tpu.vector_load_idx %arg5[%add3A_210, %add3A_270] : memref<64x128xf32, #tpu.memory_space<vmem>>[vector<16xi32>, vector<16xi32>], vector<16xf32>,
        %add3A_272 = vector.broadcast %add3A_259 : i32 to vector<16xi32>
        %add3A_273 = arith.addi %add3A_109, %add3A_272 : vector<16xi32>
        tpu.vector_store_idx %arg8[%add3A_273], %gather3A_271 : memref<16384xf32, #tpu.memory_space<vmem>>[vector<16xi32>], vector<16xf32>,
        %add3A_274 = vector.broadcast %mul3A_253 : i32 to vector<16xi32>
        %add3A_275 = arith.addi %rem3A_25, %add3A_274 : vector<16xi32>
        %gather3A_276 = tpu.vector_load_idx %arg5[%add3A_210, %add3A_275] : memref<64x128xf32, #tpu.memory_space<vmem>>[vector<16xi32>, vector<16xi32>], vector<16xf32>,
        %add3A_277 = vector.broadcast %add3A_259 : i32 to vector<16xi32>
        %add3A_278 = arith.addi %add3A_113, %add3A_277 : vector<16xi32>
        tpu.vector_store_idx %arg8[%add3A_278], %gather3A_276 : memref<16384xf32, #tpu.memory_space<vmem>>[vector<16xi32>], vector<16xf32>,
        %add3A_279 = vector.broadcast %mul3A_253 : i32 to vector<16xi32>
        %add3A_280 = arith.addi %rem3A_31, %add3A_279 : vector<16xi32>
        %gather3A_281 = tpu.vector_load_idx %arg5[%add3A_210, %add3A_280] : memref<64x128xf32, #tpu.memory_space<vmem>>[vector<16xi32>, vector<16xi32>], vector<16xf32>,
        %add3A_282 = vector.broadcast %add3A_259 : i32 to vector<16xi32>
        %add3A_283 = arith.addi %add3A_117, %add3A_282 : vector<16xi32>
        tpu.vector_store_idx %arg8[%add3A_283], %gather3A_281 : memref<16384xf32, #tpu.memory_space<vmem>>[vector<16xi32>], vector<16xf32>,
        %add3A_284 = vector.broadcast %mul3A_253 : i32 to vector<16xi32>
        %add3A_285 = arith.addi %rem3A_37, %add3A_284 : vector<16xi32>
        %gather3A_286 = tpu.vector_load_idx %arg5[%add3A_210, %add3A_285] : memref<64x128xf32, #tpu.memory_space<vmem>>[vector<16xi32>, vector<16xi32>], vector<16xf32>,
        %add3A_287 = vector.broadcast %add3A_259 : i32 to vector<16xi32>
        %add3A_288 = arith.addi %add3A_121, %add3A_287 : vector<16xi32>
        tpu.vector_store_idx %arg8[%add3A_288], %gather3A_286 : memref<16384xf32, #tpu.memory_space<vmem>>[vector<16xi32>], vector<16xf32>,
        %add3A_289 = vector.broadcast %mul3A_253 : i32 to vector<16xi32>
        %add3A_290 = arith.addi %rem3A_43, %add3A_289 : vector<16xi32>
        %gather3A_291 = tpu.vector_load_idx %arg5[%add3A_210, %add3A_290] : memref<64x128xf32, #tpu.memory_space<vmem>>[vector<16xi32>, vector<16xi32>], vector<16xf32>,
        %add3A_292 = vector.broadcast %add3A_259 : i32 to vector<16xi32>
        %add3A_293 = arith.addi %add3A_125, %add3A_292 : vector<16xi32>
        tpu.vector_store_idx %arg8[%add3A_293], %gather3A_291 : memref<16384xf32, #tpu.memory_space<vmem>>[vector<16xi32>], vector<16xf32>,
        %add3A_294 = vector.broadcast %mul3A_253 : i32 to vector<16xi32>
        %add3A_295 = arith.addi %rem3A_49, %add3A_294 : vector<16xi32>
        %gather3A_296 = tpu.vector_load_idx %arg5[%add3A_210, %add3A_295] : memref<64x128xf32, #tpu.memory_space<vmem>>[vector<16xi32>, vector<16xi32>], vector<16xf32>,
        %add3A_297 = vector.broadcast %add3A_259 : i32 to vector<16xi32>
        %add3A_298 = arith.addi %add3A_129, %add3A_297 : vector<16xi32>
        tpu.vector_store_idx %arg8[%add3A_298], %gather3A_296 : memref<16384xf32, #tpu.memory_space<vmem>>[vector<16xi32>], vector<16xf32>,
        %add3A_299 = vector.broadcast %mul3A_253 : i32 to vector<16xi32>
        %add3A_300 = arith.addi %rem3A_55, %add3A_299 : vector<16xi32>
        %gather3A_301 = tpu.vector_load_idx %arg5[%add3A_210, %add3A_300] : memref<64x128xf32, #tpu.memory_space<vmem>>[vector<16xi32>, vector<16xi32>], vector<16xf32>,
        %add3A_302 = vector.broadcast %add3A_259 : i32 to vector<16xi32>
        %add3A_303 = arith.addi %add3A_133, %add3A_302 : vector<16xi32>
        tpu.vector_store_idx %arg8[%add3A_303], %gather3A_301 : memref<16384xf32, #tpu.memory_space<vmem>>[vector<16xi32>], vector<16xf32>,
        %add3A_304 = vector.broadcast %mul3A_253 : i32 to vector<16xi32>
        %add3A_305 = arith.addi %rem3A_61, %add3A_304 : vector<16xi32>
        %gather3A_306 = tpu.vector_load_idx %arg5[%add3A_210, %add3A_305] : memref<64x128xf32, #tpu.memory_space<vmem>>[vector<16xi32>, vector<16xi32>], vector<16xf32>,
        %add3A_307 = vector.broadcast %add3A_259 : i32 to vector<16xi32>
        %add3A_308 = arith.addi %add3A_137, %add3A_307 : vector<16xi32>
        tpu.vector_store_idx %arg8[%add3A_308], %gather3A_306 : memref<16384xf32, #tpu.memory_space<vmem>>[vector<16xi32>], vector<16xf32>,
        %add3A_309 = vector.broadcast %mul3A_253 : i32 to vector<16xi32>
        %add3A_310 = arith.addi %rem3A_67, %add3A_309 : vector<16xi32>
        %gather3A_311 = tpu.vector_load_idx %arg5[%add3A_210, %add3A_310] : memref<64x128xf32, #tpu.memory_space<vmem>>[vector<16xi32>, vector<16xi32>], vector<16xf32>,
        %add3A_312 = vector.broadcast %add3A_259 : i32 to vector<16xi32>
        %add3A_313 = arith.addi %add3A_141, %add3A_312 : vector<16xi32>
        tpu.vector_store_idx %arg8[%add3A_313], %gather3A_311 : memref<16384xf32, #tpu.memory_space<vmem>>[vector<16xi32>], vector<16xf32>,
        %add3A_314 = vector.broadcast %mul3A_253 : i32 to vector<16xi32>
        %add3A_315 = arith.addi %rem3A_73, %add3A_314 : vector<16xi32>
        %gather3A_316 = tpu.vector_load_idx %arg5[%add3A_210, %add3A_315] : memref<64x128xf32, #tpu.memory_space<vmem>>[vector<16xi32>, vector<16xi32>], vector<16xf32>,
        %add3A_317 = vector.broadcast %add3A_259 : i32 to vector<16xi32>
        %add3A_318 = arith.addi %add3A_145, %add3A_317 : vector<16xi32>
        tpu.vector_store_idx %arg8[%add3A_318], %gather3A_316 : memref<16384xf32, #tpu.memory_space<vmem>>[vector<16xi32>], vector<16xf32>,
        %add3A_319 = vector.broadcast %mul3A_253 : i32 to vector<16xi32>
        %add3A_320 = arith.addi %rem3A_79, %add3A_319 : vector<16xi32>
        %gather3A_321 = tpu.vector_load_idx %arg5[%add3A_210, %add3A_320] : memref<64x128xf32, #tpu.memory_space<vmem>>[vector<16xi32>, vector<16xi32>], vector<16xf32>,
        %add3A_322 = vector.broadcast %add3A_259 : i32 to vector<16xi32>
        %add3A_323 = arith.addi %add3A_149, %add3A_322 : vector<16xi32>
        tpu.vector_store_idx %arg8[%add3A_323], %gather3A_321 : memref<16384xf32, #tpu.memory_space<vmem>>[vector<16xi32>], vector<16xf32>,
        %add3A_324 = vector.broadcast %mul3A_253 : i32 to vector<16xi32>
        %add3A_325 = arith.addi %rem3A_85, %add3A_324 : vector<16xi32>
        %gather3A_326 = tpu.vector_load_idx %arg5[%add3A_210, %add3A_325] : memref<64x128xf32, #tpu.memory_space<vmem>>[vector<16xi32>, vector<16xi32>], vector<16xf32>,
        %add3A_327 = vector.broadcast %add3A_259 : i32 to vector<16xi32>
        %add3A_328 = arith.addi %add3A_153, %add3A_327 : vector<16xi32>
        tpu.vector_store_idx %arg8[%add3A_328], %gather3A_326 : memref<16384xf32, #tpu.memory_space<vmem>>[vector<16xi32>], vector<16xf32>,
        %add3A_329 = vector.broadcast %mul3A_253 : i32 to vector<16xi32>
        %add3A_330 = arith.addi %rem3A_91, %add3A_329 : vector<16xi32>
        %gather3A_331 = tpu.vector_load_idx %arg5[%add3A_210, %add3A_330] : memref<64x128xf32, #tpu.memory_space<vmem>>[vector<16xi32>, vector<16xi32>], vector<16xf32>,
        %add3A_332 = vector.broadcast %add3A_259 : i32 to vector<16xi32>
        %add3A_333 = arith.addi %add3A_157, %add3A_332 : vector<16xi32>
        tpu.vector_store_idx %arg8[%add3A_333], %gather3A_331 : memref<16384xf32, #tpu.memory_space<vmem>>[vector<16xi32>], vector<16xf32>,
        %add3A_334 = vector.broadcast %mul3A_253 : i32 to vector<16xi32>
        %add3A_335 = arith.addi %rem3A_97, %add3A_334 : vector<16xi32>
        %gather3A_336 = tpu.vector_load_idx %arg5[%add3A_210, %add3A_335] : memref<64x128xf32, #tpu.memory_space<vmem>>[vector<16xi32>, vector<16xi32>], vector<16xf32>,
        %add3A_337 = vector.broadcast %add3A_259 : i32 to vector<16xi32>
        %add3A_338 = arith.addi %add3A_161, %add3A_337 : vector<16xi32>
        tpu.vector_store_idx %arg8[%add3A_338], %gather3A_336 : memref<16384xf32, #tpu.memory_space<vmem>>[vector<16xi32>], vector<16xf32>,
        %scan3A_339 = arith.constant 0 : i32
        scf.yield %scan3A_339 : i32
      }
      %scan3A_217 = arith.constant 8 : i32
      %add3A_218 = arith.constant 16 : i32
      %add3A_219 = vector.broadcast %add3A_218 : i32 to vector<16xi32>
      %add3A_220 = arith.addi %iota3A, %add3A_219 : vector<16xi32>
      %scan3A_221 = arith.constant 0 : i32
      %scan3A_222 = arith.constant 0 : i32
      %scan3A_223 = arith.constant 8 : i32
      %scan3A_224 = arith.addi %scan3A_222, %scan3A_223 : i32
      %scan3A_225 = arith.constant 1 : i32
      %scan3A_226 = scf.for %scan3A_250 = %scan3A_222 to %scan3A_224 step %scan3A_225 iter_args(%scan3A_251 = %scan3A_221) -> (i32)  : i32 {
        %mul3A_252 = arith.constant 16 : i32
        %mul3A_253 = arith.muli %scan3A_250, %mul3A_252 : i32
        %mul3A_254 = arith.constant 64 : i32
        %mul3A_255 = arith.muli %mul3A_253, %mul3A_254 : i32
        %add3A_256 = arith.constant 0 : i32
        %add3A_257 = arith.addi %add3A_256, %mul3A_255 : i32
        %add3A_258 = arith.constant 16 : i32
        %add3A_259 = arith.addi %add3A_257, %add3A_258 : i32
        %add3A_260 = vector.broadcast %mul3A_253 : i32 to vector<16xi32>
        %add3A_261 = arith.addi %rem3A_7, %add3A_260 : vector<16xi32>
        %gather3A = tpu.vector_load_idx %arg5[%add3A_220, %add3A_261] : memref<64x128xf32, #tpu.memory_space<vmem>>[vector<16xi32>, vector<16xi32>], vector<16xf32>,
        %add3A_262 = vector.broadcast %add3A_259 : i32 to vector<16xi32>
        %add3A_263 = arith.addi %add3A_101, %add3A_262 : vector<16xi32>
        tpu.vector_store_idx %arg8[%add3A_263], %gather3A : memref<16384xf32, #tpu.memory_space<vmem>>[vector<16xi32>], vector<16xf32>,
        %add3A_264 = vector.broadcast %mul3A_253 : i32 to vector<16xi32>
        %add3A_265 = arith.addi %rem3A_13, %add3A_264 : vector<16xi32>
        %gather3A_266 = tpu.vector_load_idx %arg5[%add3A_220, %add3A_265] : memref<64x128xf32, #tpu.memory_space<vmem>>[vector<16xi32>, vector<16xi32>], vector<16xf32>,
        %add3A_267 = vector.broadcast %add3A_259 : i32 to vector<16xi32>
        %add3A_268 = arith.addi %add3A_105, %add3A_267 : vector<16xi32>
        tpu.vector_store_idx %arg8[%add3A_268], %gather3A_266 : memref<16384xf32, #tpu.memory_space<vmem>>[vector<16xi32>], vector<16xf32>,
        %add3A_269 = vector.broadcast %mul3A_253 : i32 to vector<16xi32>
        %add3A_270 = arith.addi %rem3A_19, %add3A_269 : vector<16xi32>
        %gather3A_271 = tpu.vector_load_idx %arg5[%add3A_220, %add3A_270] : memref<64x128xf32, #tpu.memory_space<vmem>>[vector<16xi32>, vector<16xi32>], vector<16xf32>,
        %add3A_272 = vector.broadcast %add3A_259 : i32 to vector<16xi32>
        %add3A_273 = arith.addi %add3A_109, %add3A_272 : vector<16xi32>
        tpu.vector_store_idx %arg8[%add3A_273], %gather3A_271 : memref<16384xf32, #tpu.memory_space<vmem>>[vector<16xi32>], vector<16xf32>,
        %add3A_274 = vector.broadcast %mul3A_253 : i32 to vector<16xi32>
        %add3A_275 = arith.addi %rem3A_25, %add3A_274 : vector<16xi32>
        %gather3A_276 = tpu.vector_load_idx %arg5[%add3A_220, %add3A_275] : memref<64x128xf32, #tpu.memory_space<vmem>>[vector<16xi32>, vector<16xi32>], vector<16xf32>,
        %add3A_277 = vector.broadcast %add3A_259 : i32 to vector<16xi32>
        %add3A_278 = arith.addi %add3A_113, %add3A_277 : vector<16xi32>
        tpu.vector_store_idx %arg8[%add3A_278], %gather3A_276 : memref<16384xf32, #tpu.memory_space<vmem>>[vector<16xi32>], vector<16xf32>,
        %add3A_279 = vector.broadcast %mul3A_253 : i32 to vector<16xi32>
        %add3A_280 = arith.addi %rem3A_31, %add3A_279 : vector<16xi32>
        %gather3A_281 = tpu.vector_load_idx %arg5[%add3A_220, %add3A_280] : memref<64x128xf32, #tpu.memory_space<vmem>>[vector<16xi32>, vector<16xi32>], vector<16xf32>,
        %add3A_282 = vector.broadcast %add3A_259 : i32 to vector<16xi32>
        %add3A_283 = arith.addi %add3A_117, %add3A_282 : vector<16xi32>
        tpu.vector_store_idx %arg8[%add3A_283], %gather3A_281 : memref<16384xf32, #tpu.memory_space<vmem>>[vector<16xi32>], vector<16xf32>,
        %add3A_284 = vector.broadcast %mul3A_253 : i32 to vector<16xi32>
        %add3A_285 = arith.addi %rem3A_37, %add3A_284 : vector<16xi32>
        %gather3A_286 = tpu.vector_load_idx %arg5[%add3A_220, %add3A_285] : memref<64x128xf32, #tpu.memory_space<vmem>>[vector<16xi32>, vector<16xi32>], vector<16xf32>,
        %add3A_287 = vector.broadcast %add3A_259 : i32 to vector<16xi32>
        %add3A_288 = arith.addi %add3A_121, %add3A_287 : vector<16xi32>
        tpu.vector_store_idx %arg8[%add3A_288], %gather3A_286 : memref<16384xf32, #tpu.memory_space<vmem>>[vector<16xi32>], vector<16xf32>,
        %add3A_289 = vector.broadcast %mul3A_253 : i32 to vector<16xi32>
        %add3A_290 = arith.addi %rem3A_43, %add3A_289 : vector<16xi32>
        %gather3A_291 = tpu.vector_load_idx %arg5[%add3A_220, %add3A_290] : memref<64x128xf32, #tpu.memory_space<vmem>>[vector<16xi32>, vector<16xi32>], vector<16xf32>,
        %add3A_292 = vector.broadcast %add3A_259 : i32 to vector<16xi32>
        %add3A_293 = arith.addi %add3A_125, %add3A_292 : vector<16xi32>
        tpu.vector_store_idx %arg8[%add3A_293], %gather3A_291 : memref<16384xf32, #tpu.memory_space<vmem>>[vector<16xi32>], vector<16xf32>,
        %add3A_294 = vector.broadcast %mul3A_253 : i32 to vector<16xi32>
        %add3A_295 = arith.addi %rem3A_49, %add3A_294 : vector<16xi32>
        %gather3A_296 = tpu.vector_load_idx %arg5[%add3A_220, %add3A_295] : memref<64x128xf32, #tpu.memory_space<vmem>>[vector<16xi32>, vector<16xi32>], vector<16xf32>,
        %add3A_297 = vector.broadcast %add3A_259 : i32 to vector<16xi32>
        %add3A_298 = arith.addi %add3A_129, %add3A_297 : vector<16xi32>
        tpu.vector_store_idx %arg8[%add3A_298], %gather3A_296 : memref<16384xf32, #tpu.memory_space<vmem>>[vector<16xi32>], vector<16xf32>,
        %add3A_299 = vector.broadcast %mul3A_253 : i32 to vector<16xi32>
        %add3A_300 = arith.addi %rem3A_55, %add3A_299 : vector<16xi32>
        %gather3A_301 = tpu.vector_load_idx %arg5[%add3A_220, %add3A_300] : memref<64x128xf32, #tpu.memory_space<vmem>>[vector<16xi32>, vector<16xi32>], vector<16xf32>,
        %add3A_302 = vector.broadcast %add3A_259 : i32 to vector<16xi32>
        %add3A_303 = arith.addi %add3A_133, %add3A_302 : vector<16xi32>
        tpu.vector_store_idx %arg8[%add3A_303], %gather3A_301 : memref<16384xf32, #tpu.memory_space<vmem>>[vector<16xi32>], vector<16xf32>,
        %add3A_304 = vector.broadcast %mul3A_253 : i32 to vector<16xi32>
        %add3A_305 = arith.addi %rem3A_61, %add3A_304 : vector<16xi32>
        %gather3A_306 = tpu.vector_load_idx %arg5[%add3A_220, %add3A_305] : memref<64x128xf32, #tpu.memory_space<vmem>>[vector<16xi32>, vector<16xi32>], vector<16xf32>,
        %add3A_307 = vector.broadcast %add3A_259 : i32 to vector<16xi32>
        %add3A_308 = arith.addi %add3A_137, %add3A_307 : vector<16xi32>
        tpu.vector_store_idx %arg8[%add3A_308], %gather3A_306 : memref<16384xf32, #tpu.memory_space<vmem>>[vector<16xi32>], vector<16xf32>,
        %add3A_309 = vector.broadcast %mul3A_253 : i32 to vector<16xi32>
        %add3A_310 = arith.addi %rem3A_67, %add3A_309 : vector<16xi32>
        %gather3A_311 = tpu.vector_load_idx %arg5[%add3A_220, %add3A_310] : memref<64x128xf32, #tpu.memory_space<vmem>>[vector<16xi32>, vector<16xi32>], vector<16xf32>,
        %add3A_312 = vector.broadcast %add3A_259 : i32 to vector<16xi32>
        %add3A_313 = arith.addi %add3A_141, %add3A_312 : vector<16xi32>
        tpu.vector_store_idx %arg8[%add3A_313], %gather3A_311 : memref<16384xf32, #tpu.memory_space<vmem>>[vector<16xi32>], vector<16xf32>,
        %add3A_314 = vector.broadcast %mul3A_253 : i32 to vector<16xi32>
        %add3A_315 = arith.addi %rem3A_73, %add3A_314 : vector<16xi32>
        %gather3A_316 = tpu.vector_load_idx %arg5[%add3A_220, %add3A_315] : memref<64x128xf32, #tpu.memory_space<vmem>>[vector<16xi32>, vector<16xi32>], vector<16xf32>,
        %add3A_317 = vector.broadcast %add3A_259 : i32 to vector<16xi32>
        %add3A_318 = arith.addi %add3A_145, %add3A_317 : vector<16xi32>
        tpu.vector_store_idx %arg8[%add3A_318], %gather3A_316 : memref<16384xf32, #tpu.memory_space<vmem>>[vector<16xi32>], vector<16xf32>,
        %add3A_319 = vector.broadcast %mul3A_253 : i32 to vector<16xi32>
        %add3A_320 = arith.addi %rem3A_79, %add3A_319 : vector<16xi32>
        %gather3A_321 = tpu.vector_load_idx %arg5[%add3A_220, %add3A_320] : memref<64x128xf32, #tpu.memory_space<vmem>>[vector<16xi32>, vector<16xi32>], vector<16xf32>,
        %add3A_322 = vector.broadcast %add3A_259 : i32 to vector<16xi32>
        %add3A_323 = arith.addi %add3A_149, %add3A_322 : vector<16xi32>
        tpu.vector_store_idx %arg8[%add3A_323], %gather3A_321 : memref<16384xf32, #tpu.memory_space<vmem>>[vector<16xi32>], vector<16xf32>,
        %add3A_324 = vector.broadcast %mul3A_253 : i32 to vector<16xi32>
        %add3A_325 = arith.addi %rem3A_85, %add3A_324 : vector<16xi32>
        %gather3A_326 = tpu.vector_load_idx %arg5[%add3A_220, %add3A_325] : memref<64x128xf32, #tpu.memory_space<vmem>>[vector<16xi32>, vector<16xi32>], vector<16xf32>,
        %add3A_327 = vector.broadcast %add3A_259 : i32 to vector<16xi32>
        %add3A_328 = arith.addi %add3A_153, %add3A_327 : vector<16xi32>
        tpu.vector_store_idx %arg8[%add3A_328], %gather3A_326 : memref<16384xf32, #tpu.memory_space<vmem>>[vector<16xi32>], vector<16xf32>,
        %add3A_329 = vector.broadcast %mul3A_253 : i32 to vector<16xi32>
        %add3A_330 = arith.addi %rem3A_91, %add3A_329 : vector<16xi32>
        %gather3A_331 = tpu.vector_load_idx %arg5[%add3A_220, %add3A_330] : memref<64x128xf32, #tpu.memory_space<vmem>>[vector<16xi32>, vector<16xi32>], vector<16xf32>,
        %add3A_332 = vector.broadcast %add3A_259 : i32 to vector<16xi32>
        %add3A_333 = arith.addi %add3A_157, %add3A_332 : vector<16xi32>
        tpu.vector_store_idx %arg8[%add3A_333], %gather3A_331 : memref<16384xf32, #tpu.memory_space<vmem>>[vector<16xi32>], vector<16xf32>,
        %add3A_334 = vector.broadcast %mul3A_253 : i32 to vector<16xi32>
        %add3A_335 = arith.addi %rem3A_97, %add3A_334 : vector<16xi32>
        %gather3A_336 = tpu.vector_load_idx %arg5[%add3A_220, %add3A_335] : memref<64x128xf32, #tpu.memory_space<vmem>>[vector<16xi32>, vector<16xi32>], vector<16xf32>,
        %add3A_337 = vector.broadcast %add3A_259 : i32 to vector<16xi32>
        %add3A_338 = arith.addi %add3A_161, %add3A_337 : vector<16xi32>
        tpu.vector_store_idx %arg8[%add3A_338], %gather3A_336 : memref<16384xf32, #tpu.memory_space<vmem>>[vector<16xi32>], vector<16xf32>,
        %scan3A_339 = arith.constant 0 : i32
        scf.yield %scan3A_339 : i32
      }
      %scan3A_227 = arith.constant 8 : i32
      %add3A_228 = arith.constant 32 : i32
      %add3A_229 = vector.broadcast %add3A_228 : i32 to vector<16xi32>
      %add3A_230 = arith.addi %iota3A, %add3A_229 : vector<16xi32>
      %scan3A_231 = arith.constant 0 : i32
      %scan3A_232 = arith.constant 0 : i32
      %scan3A_233 = arith.constant 8 : i32
      %scan3A_234 = arith.addi %scan3A_232, %scan3A_233 : i32
      %scan3A_235 = arith.constant 1 : i32
      %scan3A_236 = scf.for %scan3A_250 = %scan3A_232 to %scan3A_234 step %scan3A_235 iter_args(%scan3A_251 = %scan3A_231) -> (i32)  : i32 {
        %mul3A_252 = arith.constant 16 : i32
        %mul3A_253 = arith.muli %scan3A_250, %mul3A_252 : i32
        %mul3A_254 = arith.constant 64 : i32
        %mul3A_255 = arith.muli %mul3A_253, %mul3A_254 : i32
        %add3A_256 = arith.constant 0 : i32
        %add3A_257 = arith.addi %add3A_256, %mul3A_255 : i32
        %add3A_258 = arith.constant 32 : i32
        %add3A_259 = arith.addi %add3A_257, %add3A_258 : i32
        %add3A_260 = vector.broadcast %mul3A_253 : i32 to vector<16xi32>
        %add3A_261 = arith.addi %rem3A_7, %add3A_260 : vector<16xi32>
        %gather3A = tpu.vector_load_idx %arg5[%add3A_230, %add3A_261] : memref<64x128xf32, #tpu.memory_space<vmem>>[vector<16xi32>, vector<16xi32>], vector<16xf32>,
        %add3A_262 = vector.broadcast %add3A_259 : i32 to vector<16xi32>
        %add3A_263 = arith.addi %add3A_101, %add3A_262 : vector<16xi32>
        tpu.vector_store_idx %arg8[%add3A_263], %gather3A : memref<16384xf32, #tpu.memory_space<vmem>>[vector<16xi32>], vector<16xf32>,
        %add3A_264 = vector.broadcast %mul3A_253 : i32 to vector<16xi32>
        %add3A_265 = arith.addi %rem3A_13, %add3A_264 : vector<16xi32>
        %gather3A_266 = tpu.vector_load_idx %arg5[%add3A_230, %add3A_265] : memref<64x128xf32, #tpu.memory_space<vmem>>[vector<16xi32>, vector<16xi32>], vector<16xf32>,
        %add3A_267 = vector.broadcast %add3A_259 : i32 to vector<16xi32>
        %add3A_268 = arith.addi %add3A_105, %add3A_267 : vector<16xi32>
        tpu.vector_store_idx %arg8[%add3A_268], %gather3A_266 : memref<16384xf32, #tpu.memory_space<vmem>>[vector<16xi32>], vector<16xf32>,
        %add3A_269 = vector.broadcast %mul3A_253 : i32 to vector<16xi32>
        %add3A_270 = arith.addi %rem3A_19, %add3A_269 : vector<16xi32>
        %gather3A_271 = tpu.vector_load_idx %arg5[%add3A_230, %add3A_270] : memref<64x128xf32, #tpu.memory_space<vmem>>[vector<16xi32>, vector<16xi32>], vector<16xf32>,
        %add3A_272 = vector.broadcast %add3A_259 : i32 to vector<16xi32>
        %add3A_273 = arith.addi %add3A_109, %add3A_272 : vector<16xi32>
        tpu.vector_store_idx %arg8[%add3A_273], %gather3A_271 : memref<16384xf32, #tpu.memory_space<vmem>>[vector<16xi32>], vector<16xf32>,
        %add3A_274 = vector.broadcast %mul3A_253 : i32 to vector<16xi32>
        %add3A_275 = arith.addi %rem3A_25, %add3A_274 : vector<16xi32>
        %gather3A_276 = tpu.vector_load_idx %arg5[%add3A_230, %add3A_275] : memref<64x128xf32, #tpu.memory_space<vmem>>[vector<16xi32>, vector<16xi32>], vector<16xf32>,
        %add3A_277 = vector.broadcast %add3A_259 : i32 to vector<16xi32>
        %add3A_278 = arith.addi %add3A_113, %add3A_277 : vector<16xi32>
        tpu.vector_store_idx %arg8[%add3A_278], %gather3A_276 : memref<16384xf32, #tpu.memory_space<vmem>>[vector<16xi32>], vector<16xf32>,
        %add3A_279 = vector.broadcast %mul3A_253 : i32 to vector<16xi32>
        %add3A_280 = arith.addi %rem3A_31, %add3A_279 : vector<16xi32>
        %gather3A_281 = tpu.vector_load_idx %arg5[%add3A_230, %add3A_280] : memref<64x128xf32, #tpu.memory_space<vmem>>[vector<16xi32>, vector<16xi32>], vector<16xf32>,
        %add3A_282 = vector.broadcast %add3A_259 : i32 to vector<16xi32>
        %add3A_283 = arith.addi %add3A_117, %add3A_282 : vector<16xi32>
        tpu.vector_store_idx %arg8[%add3A_283], %gather3A_281 : memref<16384xf32, #tpu.memory_space<vmem>>[vector<16xi32>], vector<16xf32>,
        %add3A_284 = vector.broadcast %mul3A_253 : i32 to vector<16xi32>
        %add3A_285 = arith.addi %rem3A_37, %add3A_284 : vector<16xi32>
        %gather3A_286 = tpu.vector_load_idx %arg5[%add3A_230, %add3A_285] : memref<64x128xf32, #tpu.memory_space<vmem>>[vector<16xi32>, vector<16xi32>], vector<16xf32>,
        %add3A_287 = vector.broadcast %add3A_259 : i32 to vector<16xi32>
        %add3A_288 = arith.addi %add3A_121, %add3A_287 : vector<16xi32>
        tpu.vector_store_idx %arg8[%add3A_288], %gather3A_286 : memref<16384xf32, #tpu.memory_space<vmem>>[vector<16xi32>], vector<16xf32>,
        %add3A_289 = vector.broadcast %mul3A_253 : i32 to vector<16xi32>
        %add3A_290 = arith.addi %rem3A_43, %add3A_289 : vector<16xi32>
        %gather3A_291 = tpu.vector_load_idx %arg5[%add3A_230, %add3A_290] : memref<64x128xf32, #tpu.memory_space<vmem>>[vector<16xi32>, vector<16xi32>], vector<16xf32>,
        %add3A_292 = vector.broadcast %add3A_259 : i32 to vector<16xi32>
        %add3A_293 = arith.addi %add3A_125, %add3A_292 : vector<16xi32>
        tpu.vector_store_idx %arg8[%add3A_293], %gather3A_291 : memref<16384xf32, #tpu.memory_space<vmem>>[vector<16xi32>], vector<16xf32>,
        %add3A_294 = vector.broadcast %mul3A_253 : i32 to vector<16xi32>
        %add3A_295 = arith.addi %rem3A_49, %add3A_294 : vector<16xi32>
        %gather3A_296 = tpu.vector_load_idx %arg5[%add3A_230, %add3A_295] : memref<64x128xf32, #tpu.memory_space<vmem>>[vector<16xi32>, vector<16xi32>], vector<16xf32>,
        %add3A_297 = vector.broadcast %add3A_259 : i32 to vector<16xi32>
        %add3A_298 = arith.addi %add3A_129, %add3A_297 : vector<16xi32>
        tpu.vector_store_idx %arg8[%add3A_298], %gather3A_296 : memref<16384xf32, #tpu.memory_space<vmem>>[vector<16xi32>], vector<16xf32>,
        %add3A_299 = vector.broadcast %mul3A_253 : i32 to vector<16xi32>
        %add3A_300 = arith.addi %rem3A_55, %add3A_299 : vector<16xi32>
        %gather3A_301 = tpu.vector_load_idx %arg5[%add3A_230, %add3A_300] : memref<64x128xf32, #tpu.memory_space<vmem>>[vector<16xi32>, vector<16xi32>], vector<16xf32>,
        %add3A_302 = vector.broadcast %add3A_259 : i32 to vector<16xi32>
        %add3A_303 = arith.addi %add3A_133, %add3A_302 : vector<16xi32>
        tpu.vector_store_idx %arg8[%add3A_303], %gather3A_301 : memref<16384xf32, #tpu.memory_space<vmem>>[vector<16xi32>], vector<16xf32>,
        %add3A_304 = vector.broadcast %mul3A_253 : i32 to vector<16xi32>
        %add3A_305 = arith.addi %rem3A_61, %add3A_304 : vector<16xi32>
        %gather3A_306 = tpu.vector_load_idx %arg5[%add3A_230, %add3A_305] : memref<64x128xf32, #tpu.memory_space<vmem>>[vector<16xi32>, vector<16xi32>], vector<16xf32>,
        %add3A_307 = vector.broadcast %add3A_259 : i32 to vector<16xi32>
        %add3A_308 = arith.addi %add3A_137, %add3A_307 : vector<16xi32>
        tpu.vector_store_idx %arg8[%add3A_308], %gather3A_306 : memref<16384xf32, #tpu.memory_space<vmem>>[vector<16xi32>], vector<16xf32>,
        %add3A_309 = vector.broadcast %mul3A_253 : i32 to vector<16xi32>
        %add3A_310 = arith.addi %rem3A_67, %add3A_309 : vector<16xi32>
        %gather3A_311 = tpu.vector_load_idx %arg5[%add3A_230, %add3A_310] : memref<64x128xf32, #tpu.memory_space<vmem>>[vector<16xi32>, vector<16xi32>], vector<16xf32>,
        %add3A_312 = vector.broadcast %add3A_259 : i32 to vector<16xi32>
        %add3A_313 = arith.addi %add3A_141, %add3A_312 : vector<16xi32>
        tpu.vector_store_idx %arg8[%add3A_313], %gather3A_311 : memref<16384xf32, #tpu.memory_space<vmem>>[vector<16xi32>], vector<16xf32>,
        %add3A_314 = vector.broadcast %mul3A_253 : i32 to vector<16xi32>
        %add3A_315 = arith.addi %rem3A_73, %add3A_314 : vector<16xi32>
        %gather3A_316 = tpu.vector_load_idx %arg5[%add3A_230, %add3A_315] : memref<64x128xf32, #tpu.memory_space<vmem>>[vector<16xi32>, vector<16xi32>], vector<16xf32>,
        %add3A_317 = vector.broadcast %add3A_259 : i32 to vector<16xi32>
        %add3A_318 = arith.addi %add3A_145, %add3A_317 : vector<16xi32>
        tpu.vector_store_idx %arg8[%add3A_318], %gather3A_316 : memref<16384xf32, #tpu.memory_space<vmem>>[vector<16xi32>], vector<16xf32>,
        %add3A_319 = vector.broadcast %mul3A_253 : i32 to vector<16xi32>
        %add3A_320 = arith.addi %rem3A_79, %add3A_319 : vector<16xi32>
        %gather3A_321 = tpu.vector_load_idx %arg5[%add3A_230, %add3A_320] : memref<64x128xf32, #tpu.memory_space<vmem>>[vector<16xi32>, vector<16xi32>], vector<16xf32>,
        %add3A_322 = vector.broadcast %add3A_259 : i32 to vector<16xi32>
        %add3A_323 = arith.addi %add3A_149, %add3A_322 : vector<16xi32>
        tpu.vector_store_idx %arg8[%add3A_323], %gather3A_321 : memref<16384xf32, #tpu.memory_space<vmem>>[vector<16xi32>], vector<16xf32>,
        %add3A_324 = vector.broadcast %mul3A_253 : i32 to vector<16xi32>
        %add3A_325 = arith.addi %rem3A_85, %add3A_324 : vector<16xi32>
        %gather3A_326 = tpu.vector_load_idx %arg5[%add3A_230, %add3A_325] : memref<64x128xf32, #tpu.memory_space<vmem>>[vector<16xi32>, vector<16xi32>], vector<16xf32>,
        %add3A_327 = vector.broadcast %add3A_259 : i32 to vector<16xi32>
        %add3A_328 = arith.addi %add3A_153, %add3A_327 : vector<16xi32>
        tpu.vector_store_idx %arg8[%add3A_328], %gather3A_326 : memref<16384xf32, #tpu.memory_space<vmem>>[vector<16xi32>], vector<16xf32>,
        %add3A_329 = vector.broadcast %mul3A_253 : i32 to vector<16xi32>
        %add3A_330 = arith.addi %rem3A_91, %add3A_329 : vector<16xi32>
        %gather3A_331 = tpu.vector_load_idx %arg5[%add3A_230, %add3A_330] : memref<64x128xf32, #tpu.memory_space<vmem>>[vector<16xi32>, vector<16xi32>], vector<16xf32>,
        %add3A_332 = vector.broadcast %add3A_259 : i32 to vector<16xi32>
        %add3A_333 = arith.addi %add3A_157, %add3A_332 : vector<16xi32>
        tpu.vector_store_idx %arg8[%add3A_333], %gather3A_331 : memref<16384xf32, #tpu.memory_space<vmem>>[vector<16xi32>], vector<16xf32>,
        %add3A_334 = vector.broadcast %mul3A_253 : i32 to vector<16xi32>
        %add3A_335 = arith.addi %rem3A_97, %add3A_334 : vector<16xi32>
        %gather3A_336 = tpu.vector_load_idx %arg5[%add3A_230, %add3A_335] : memref<64x128xf32, #tpu.memory_space<vmem>>[vector<16xi32>, vector<16xi32>], vector<16xf32>,
        %add3A_337 = vector.broadcast %add3A_259 : i32 to vector<16xi32>
        %add3A_338 = arith.addi %add3A_161, %add3A_337 : vector<16xi32>
        tpu.vector_store_idx %arg8[%add3A_338], %gather3A_336 : memref<16384xf32, #tpu.memory_space<vmem>>[vector<16xi32>], vector<16xf32>,
        %scan3A_339 = arith.constant 0 : i32
        scf.yield %scan3A_339 : i32
      }
      %scan3A_237 = arith.constant 8 : i32
      %add3A_238 = arith.constant 48 : i32
      %add3A_239 = vector.broadcast %add3A_238 : i32 to vector<16xi32>
      %add3A_240 = arith.addi %iota3A, %add3A_239 : vector<16xi32>
      %scan3A_241 = arith.constant 0 : i32
      %scan3A_242 = arith.constant 0 : i32
      %scan3A_243 = arith.constant 8 : i32
      %scan3A_244 = arith.addi %scan3A_242, %scan3A_243 : i32
      %scan3A_245 = arith.constant 1 : i32
      %scan3A_246 = scf.for %scan3A_250 = %scan3A_242 to %scan3A_244 step %scan3A_245 iter_args(%scan3A_251 = %scan3A_241) -> (i32)  : i32 {
        %mul3A_252 = arith.constant 16 : i32
        %mul3A_253 = arith.muli %scan3A_250, %mul3A_252 : i32
        %mul3A_254 = arith.constant 64 : i32
        %mul3A_255 = arith.muli %mul3A_253, %mul3A_254 : i32
        %add3A_256 = arith.constant 0 : i32
        %add3A_257 = arith.addi %add3A_256, %mul3A_255 : i32
        %add3A_258 = arith.constant 48 : i32
        %add3A_259 = arith.addi %add3A_257, %add3A_258 : i32
        %add3A_260 = vector.broadcast %mul3A_253 : i32 to vector<16xi32>
        %add3A_261 = arith.addi %rem3A_7, %add3A_260 : vector<16xi32>
        %gather3A = tpu.vector_load_idx %arg5[%add3A_240, %add3A_261] : memref<64x128xf32, #tpu.memory_space<vmem>>[vector<16xi32>, vector<16xi32>], vector<16xf32>,
        %add3A_262 = vector.broadcast %add3A_259 : i32 to vector<16xi32>
        %add3A_263 = arith.addi %add3A_101, %add3A_262 : vector<16xi32>
        tpu.vector_store_idx %arg8[%add3A_263], %gather3A : memref<16384xf32, #tpu.memory_space<vmem>>[vector<16xi32>], vector<16xf32>,
        %add3A_264 = vector.broadcast %mul3A_253 : i32 to vector<16xi32>
        %add3A_265 = arith.addi %rem3A_13, %add3A_264 : vector<16xi32>
        %gather3A_266 = tpu.vector_load_idx %arg5[%add3A_240, %add3A_265] : memref<64x128xf32, #tpu.memory_space<vmem>>[vector<16xi32>, vector<16xi32>], vector<16xf32>,
        %add3A_267 = vector.broadcast %add3A_259 : i32 to vector<16xi32>
        %add3A_268 = arith.addi %add3A_105, %add3A_267 : vector<16xi32>
        tpu.vector_store_idx %arg8[%add3A_268], %gather3A_266 : memref<16384xf32, #tpu.memory_space<vmem>>[vector<16xi32>], vector<16xf32>,
        %add3A_269 = vector.broadcast %mul3A_253 : i32 to vector<16xi32>
        %add3A_270 = arith.addi %rem3A_19, %add3A_269 : vector<16xi32>
        %gather3A_271 = tpu.vector_load_idx %arg5[%add3A_240, %add3A_270] : memref<64x128xf32, #tpu.memory_space<vmem>>[vector<16xi32>, vector<16xi32>], vector<16xf32>,
        %add3A_272 = vector.broadcast %add3A_259 : i32 to vector<16xi32>
        %add3A_273 = arith.addi %add3A_109, %add3A_272 : vector<16xi32>
        tpu.vector_store_idx %arg8[%add3A_273], %gather3A_271 : memref<16384xf32, #tpu.memory_space<vmem>>[vector<16xi32>], vector<16xf32>,
        %add3A_274 = vector.broadcast %mul3A_253 : i32 to vector<16xi32>
        %add3A_275 = arith.addi %rem3A_25, %add3A_274 : vector<16xi32>
        %gather3A_276 = tpu.vector_load_idx %arg5[%add3A_240, %add3A_275] : memref<64x128xf32, #tpu.memory_space<vmem>>[vector<16xi32>, vector<16xi32>], vector<16xf32>,
        %add3A_277 = vector.broadcast %add3A_259 : i32 to vector<16xi32>
        %add3A_278 = arith.addi %add3A_113, %add3A_277 : vector<16xi32>
        tpu.vector_store_idx %arg8[%add3A_278], %gather3A_276 : memref<16384xf32, #tpu.memory_space<vmem>>[vector<16xi32>], vector<16xf32>,
        %add3A_279 = vector.broadcast %mul3A_253 : i32 to vector<16xi32>
        %add3A_280 = arith.addi %rem3A_31, %add3A_279 : vector<16xi32>
        %gather3A_281 = tpu.vector_load_idx %arg5[%add3A_240, %add3A_280] : memref<64x128xf32, #tpu.memory_space<vmem>>[vector<16xi32>, vector<16xi32>], vector<16xf32>,
        %add3A_282 = vector.broadcast %add3A_259 : i32 to vector<16xi32>
        %add3A_283 = arith.addi %add3A_117, %add3A_282 : vector<16xi32>
        tpu.vector_store_idx %arg8[%add3A_283], %gather3A_281 : memref<16384xf32, #tpu.memory_space<vmem>>[vector<16xi32>], vector<16xf32>,
        %add3A_284 = vector.broadcast %mul3A_253 : i32 to vector<16xi32>
        %add3A_285 = arith.addi %rem3A_37, %add3A_284 : vector<16xi32>
        %gather3A_286 = tpu.vector_load_idx %arg5[%add3A_240, %add3A_285] : memref<64x128xf32, #tpu.memory_space<vmem>>[vector<16xi32>, vector<16xi32>], vector<16xf32>,
        %add3A_287 = vector.broadcast %add3A_259 : i32 to vector<16xi32>
        %add3A_288 = arith.addi %add3A_121, %add3A_287 : vector<16xi32>
        tpu.vector_store_idx %arg8[%add3A_288], %gather3A_286 : memref<16384xf32, #tpu.memory_space<vmem>>[vector<16xi32>], vector<16xf32>,
        %add3A_289 = vector.broadcast %mul3A_253 : i32 to vector<16xi32>
        %add3A_290 = arith.addi %rem3A_43, %add3A_289 : vector<16xi32>
        %gather3A_291 = tpu.vector_load_idx %arg5[%add3A_240, %add3A_290] : memref<64x128xf32, #tpu.memory_space<vmem>>[vector<16xi32>, vector<16xi32>], vector<16xf32>,
        %add3A_292 = vector.broadcast %add3A_259 : i32 to vector<16xi32>
        %add3A_293 = arith.addi %add3A_125, %add3A_292 : vector<16xi32>
        tpu.vector_store_idx %arg8[%add3A_293], %gather3A_291 : memref<16384xf32, #tpu.memory_space<vmem>>[vector<16xi32>], vector<16xf32>,
        %add3A_294 = vector.broadcast %mul3A_253 : i32 to vector<16xi32>
        %add3A_295 = arith.addi %rem3A_49, %add3A_294 : vector<16xi32>
        %gather3A_296 = tpu.vector_load_idx %arg5[%add3A_240, %add3A_295] : memref<64x128xf32, #tpu.memory_space<vmem>>[vector<16xi32>, vector<16xi32>], vector<16xf32>,
        %add3A_297 = vector.broadcast %add3A_259 : i32 to vector<16xi32>
        %add3A_298 = arith.addi %add3A_129, %add3A_297 : vector<16xi32>
        tpu.vector_store_idx %arg8[%add3A_298], %gather3A_296 : memref<16384xf32, #tpu.memory_space<vmem>>[vector<16xi32>], vector<16xf32>,
        %add3A_299 = vector.broadcast %mul3A_253 : i32 to vector<16xi32>
        %add3A_300 = arith.addi %rem3A_55, %add3A_299 : vector<16xi32>
        %gather3A_301 = tpu.vector_load_idx %arg5[%add3A_240, %add3A_300] : memref<64x128xf32, #tpu.memory_space<vmem>>[vector<16xi32>, vector<16xi32>], vector<16xf32>,
        %add3A_302 = vector.broadcast %add3A_259 : i32 to vector<16xi32>
        %add3A_303 = arith.addi %add3A_133, %add3A_302 : vector<16xi32>
        tpu.vector_store_idx %arg8[%add3A_303], %gather3A_301 : memref<16384xf32, #tpu.memory_space<vmem>>[vector<16xi32>], vector<16xf32>,
        %add3A_304 = vector.broadcast %mul3A_253 : i32 to vector<16xi32>
        %add3A_305 = arith.addi %rem3A_61, %add3A_304 : vector<16xi32>
        %gather3A_306 = tpu.vector_load_idx %arg5[%add3A_240, %add3A_305] : memref<64x128xf32, #tpu.memory_space<vmem>>[vector<16xi32>, vector<16xi32>], vector<16xf32>,
        %add3A_307 = vector.broadcast %add3A_259 : i32 to vector<16xi32>
        %add3A_308 = arith.addi %add3A_137, %add3A_307 : vector<16xi32>
        tpu.vector_store_idx %arg8[%add3A_308], %gather3A_306 : memref<16384xf32, #tpu.memory_space<vmem>>[vector<16xi32>], vector<16xf32>,
        %add3A_309 = vector.broadcast %mul3A_253 : i32 to vector<16xi32>
        %add3A_310 = arith.addi %rem3A_67, %add3A_309 : vector<16xi32>
        %gather3A_311 = tpu.vector_load_idx %arg5[%add3A_240, %add3A_310] : memref<64x128xf32, #tpu.memory_space<vmem>>[vector<16xi32>, vector<16xi32>], vector<16xf32>,
        %add3A_312 = vector.broadcast %add3A_259 : i32 to vector<16xi32>
        %add3A_313 = arith.addi %add3A_141, %add3A_312 : vector<16xi32>
        tpu.vector_store_idx %arg8[%add3A_313], %gather3A_311 : memref<16384xf32, #tpu.memory_space<vmem>>[vector<16xi32>], vector<16xf32>,
        %add3A_314 = vector.broadcast %mul3A_253 : i32 to vector<16xi32>
        %add3A_315 = arith.addi %rem3A_73, %add3A_314 : vector<16xi32>
        %gather3A_316 = tpu.vector_load_idx %arg5[%add3A_240, %add3A_315] : memref<64x128xf32, #tpu.memory_space<vmem>>[vector<16xi32>, vector<16xi32>], vector<16xf32>,
        %add3A_317 = vector.broadcast %add3A_259 : i32 to vector<16xi32>
        %add3A_318 = arith.addi %add3A_145, %add3A_317 : vector<16xi32>
        tpu.vector_store_idx %arg8[%add3A_318], %gather3A_316 : memref<16384xf32, #tpu.memory_space<vmem>>[vector<16xi32>], vector<16xf32>,
        %add3A_319 = vector.broadcast %mul3A_253 : i32 to vector<16xi32>
        %add3A_320 = arith.addi %rem3A_79, %add3A_319 : vector<16xi32>
        %gather3A_321 = tpu.vector_load_idx %arg5[%add3A_240, %add3A_320] : memref<64x128xf32, #tpu.memory_space<vmem>>[vector<16xi32>, vector<16xi32>], vector<16xf32>,
        %add3A_322 = vector.broadcast %add3A_259 : i32 to vector<16xi32>
        %add3A_323 = arith.addi %add3A_149, %add3A_322 : vector<16xi32>
        tpu.vector_store_idx %arg8[%add3A_323], %gather3A_321 : memref<16384xf32, #tpu.memory_space<vmem>>[vector<16xi32>], vector<16xf32>,
        %add3A_324 = vector.broadcast %mul3A_253 : i32 to vector<16xi32>
        %add3A_325 = arith.addi %rem3A_85, %add3A_324 : vector<16xi32>
        %gather3A_326 = tpu.vector_load_idx %arg5[%add3A_240, %add3A_325] : memref<64x128xf32, #tpu.memory_space<vmem>>[vector<16xi32>, vector<16xi32>], vector<16xf32>,
        %add3A_327 = vector.broadcast %add3A_259 : i32 to vector<16xi32>
        %add3A_328 = arith.addi %add3A_153, %add3A_327 : vector<16xi32>
        tpu.vector_store_idx %arg8[%add3A_328], %gather3A_326 : memref<16384xf32, #tpu.memory_space<vmem>>[vector<16xi32>], vector<16xf32>,
        %add3A_329 = vector.broadcast %mul3A_253 : i32 to vector<16xi32>
        %add3A_330 = arith.addi %rem3A_91, %add3A_329 : vector<16xi32>
        %gather3A_331 = tpu.vector_load_idx %arg5[%add3A_240, %add3A_330] : memref<64x128xf32, #tpu.memory_space<vmem>>[vector<16xi32>, vector<16xi32>], vector<16xf32>,
        %add3A_332 = vector.broadcast %add3A_259 : i32 to vector<16xi32>
        %add3A_333 = arith.addi %add3A_157, %add3A_332 : vector<16xi32>
        tpu.vector_store_idx %arg8[%add3A_333], %gather3A_331 : memref<16384xf32, #tpu.memory_space<vmem>>[vector<16xi32>], vector<16xf32>,
        %add3A_334 = vector.broadcast %mul3A_253 : i32 to vector<16xi32>
        %add3A_335 = arith.addi %rem3A_97, %add3A_334 : vector<16xi32>
        %gather3A_336 = tpu.vector_load_idx %arg5[%add3A_240, %add3A_335] : memref<64x128xf32, #tpu.memory_space<vmem>>[vector<16xi32>, vector<16xi32>], vector<16xf32>,
        %add3A_337 = vector.broadcast %add3A_259 : i32 to vector<16xi32>
        %add3A_338 = arith.addi %add3A_161, %add3A_337 : vector<16xi32>
        tpu.vector_store_idx %arg8[%add3A_338], %gather3A_336 : memref<16384xf32, #tpu.memory_space<vmem>>[vector<16xi32>], vector<16xf32>,
        %scan3A_339 = arith.constant 0 : i32
        scf.yield %scan3A_339 : i32
      }
      %scan3A_247 = arith.constant 8 : i32
      %mul3A_248 = arith.constant 8192 : i32
      %mul3A_249 = arith.muli %add3A_205, %mul3A_248 : i32
      "tpu.region"() ({
        %run_scoped3A = tpu.sem_alloc : memref<!tpu.dma_semaphore, #tpu.memory_space<semaphore_mem>>
        %dma_start3A_250 = arith.constant 0 : i32
        %dma_start3A_251 = tpu.memref_slice %arg8[%dma_start3A_250] : memref<16384xf32, #tpu.memory_space<vmem>> -> memref<8192xf32, #tpu.memory_space<vmem>>
        %dma_start3A_252 = tpu.memref_slice %arg4[%mul3A_249] : memref<64000000xf32, #tpu.memory_space<hbm>> -> memref<8192xf32, #tpu.memory_space<hbm>>
        %dma_start3A_253 = tpu.memref_slice %arg4[%mul3A_249] : memref<64000000xf32, #tpu.memory_space<hbm>> -> memref<8192xf32, #tpu.memory_space<hbm>>
        %dma_start3A_254 = arith.constant 0 : i32
        %dma_start3A_255 = tpu.memref_slice %arg8[%dma_start3A_254] : memref<16384xf32, #tpu.memory_space<vmem>> -> memref<8192xf32, #tpu.memory_space<vmem>>
        tpu.enqueue_dma source(%dma_start3A_255 : memref<8192xf32, #tpu.memory_space<vmem>>) target(%dma_start3A_253 : memref<8192xf32, #tpu.memory_space<hbm>>) target_semaphore(%run_scoped3A : memref<!tpu.dma_semaphore, #tpu.memory_space<semaphore_mem>>)
        %dma_wait3A_256 = arith.constant 0 : i32
        %dma_wait3A_257 = tpu.memref_slice %arg8[%dma_wait3A_256] : memref<16384xf32, #tpu.memory_space<vmem>> -> memref<8192xf32, #tpu.memory_space<vmem>>
        %dma_wait3A_258 = tpu.memref_slice %arg4[%mul3A_249] : memref<64000000xf32, #tpu.memory_space<hbm>> -> memref<8192xf32, #tpu.memory_space<hbm>>
        %dma_wait3A_259 = tpu.memref_slice %arg4[%mul3A_249] : memref<64000000xf32, #tpu.memory_space<hbm>> -> memref<8192xf32, #tpu.memory_space<hbm>>
        %dma_wait3A_260 = arith.constant 0 : i32
        %dma_wait3A_261 = tpu.memref_slice %arg8[%dma_wait3A_260] : memref<16384xf32, #tpu.memory_space<vmem>> -> memref<8192xf32, #tpu.memory_space<vmem>>
        tpu.wait_dma2 semaphore(%run_scoped3A : memref<!tpu.dma_semaphore, #tpu.memory_space<semaphore_mem>>) src(%dma_wait3A_261 : memref<8192xf32, #tpu.memory_space<vmem>>) dst(%dma_wait3A_259 : memref<8192xf32, #tpu.memory_space<hbm>>)
        tpu.yield
      }) : () -> ()
    } else {
    }
    %eq3A = arith.constant 4 : i32
    %eq3A_200 = arith.cmpi eq, %add3A, %eq3A : i32
    %convert_element_type3A_201 = arith.extui %eq3A_200 : i1 to i32
    %cond3A_202 = arith.constant 0 : i32
    %cond3A_203 = arith.cmpi ne, %convert_element_type3A_201, %cond3A_202 : i32
    scf.if %cond3A_203 {
      "tpu.region"() ({
        %run_scoped3A = tpu.sem_alloc : memref<!tpu.dma_semaphore, #tpu.memory_space<semaphore_mem>>
        tpu.enqueue_dma source(%arg3 : memref<64x64xf32, #tpu.memory_space<hbm>>) target(%arg7 : memref<64x64xf32, #tpu.memory_space<vmem>>) target_semaphore(%run_scoped3A : memref<!tpu.dma_semaphore, #tpu.memory_space<semaphore_mem>>)
        tpu.wait_dma2 semaphore(%run_scoped3A : memref<!tpu.dma_semaphore, #tpu.memory_space<semaphore_mem>>) src(%arg3 : memref<64x64xf32, #tpu.memory_space<hbm>>) dst(%arg7 : memref<64x64xf32, #tpu.memory_space<vmem>>)
        tpu.yield
      }) : () -> ()
      %mul3A_204 = arith.constant 64 : i32
      %mul3A_205 = vector.broadcast %mul3A_204 : i32 to vector<16xi32>
      %mul3A_206 = arith.muli %iota3A, %mul3A_205 : vector<16xi32>
      %scan3A_207 = arith.constant 0 : i32
      %scan3A_208 = arith.constant 0 : i32
      %scan3A_209 = arith.constant 64 : i32
      %scan3A_210 = arith.addi %scan3A_208, %scan3A_209 : i32
      %scan3A_211 = arith.constant 1 : i32
      %scan3A_212 = scf.for %scan3A_214 = %scan3A_208 to %scan3A_210 step %scan3A_211 iter_args(%scan3A_215 = %scan3A_207) -> (i32)  : i32 {
        %get3A = arith.index_cast %scan3A_214 : i32 to index
        %get3A_216 = arith.constant 0 : index
        %get3A_217 = tpu.vector_load %arg7[%get3A, %get3A_216] {strides = array<i32>} : memref<64x64xf32, #tpu.memory_space<vmem>>, vector<16xf32>,
        %add3A_218 = arith.constant 0 : i32
        %add3A_219 = arith.addi %add3A_218, %scan3A_214 : i32
        %add3A_220 = vector.broadcast %add3A_219 : i32 to vector<16xi32>
        %add3A_221 = arith.addi %mul3A_206, %add3A_220 : vector<16xi32>
        %scatter3A = arith.constant 0 : i32
        %scatter3A_222 = tpu.memref_slice %arg8[%scatter3A] : memref<16384xf32, #tpu.memory_space<vmem>> -> memref<4096xf32, #tpu.memory_space<vmem>>
        tpu.vector_store_idx %scatter3A_222[%add3A_221], %get3A_217 : memref<4096xf32, #tpu.memory_space<vmem>>[vector<16xi32>], vector<16xf32>,
        %get3A_223 = arith.index_cast %scan3A_214 : i32 to index
        %get3A_224 = arith.constant 16 : index
        %get3A_225 = tpu.vector_load %arg7[%get3A_223, %get3A_224] {strides = array<i32>} : memref<64x64xf32, #tpu.memory_space<vmem>>, vector<16xf32>,
        %add3A_226 = arith.constant 1024 : i32
        %add3A_227 = arith.addi %add3A_226, %scan3A_214 : i32
        %add3A_228 = vector.broadcast %add3A_227 : i32 to vector<16xi32>
        %add3A_229 = arith.addi %mul3A_206, %add3A_228 : vector<16xi32>
        %scatter3A_230 = arith.constant 0 : i32
        %scatter3A_231 = tpu.memref_slice %arg8[%scatter3A_230] : memref<16384xf32, #tpu.memory_space<vmem>> -> memref<4096xf32, #tpu.memory_space<vmem>>
        tpu.vector_store_idx %scatter3A_231[%add3A_229], %get3A_225 : memref<4096xf32, #tpu.memory_space<vmem>>[vector<16xi32>], vector<16xf32>,
        %get3A_232 = arith.index_cast %scan3A_214 : i32 to index
        %get3A_233 = arith.constant 32 : index
        %get3A_234 = tpu.vector_load %arg7[%get3A_232, %get3A_233] {strides = array<i32>} : memref<64x64xf32, #tpu.memory_space<vmem>>, vector<16xf32>,
        %add3A_235 = arith.constant 2048 : i32
        %add3A_236 = arith.addi %add3A_235, %scan3A_214 : i32
        %add3A_237 = vector.broadcast %add3A_236 : i32 to vector<16xi32>
        %add3A_238 = arith.addi %mul3A_206, %add3A_237 : vector<16xi32>
        %scatter3A_239 = arith.constant 0 : i32
        %scatter3A_240 = tpu.memref_slice %arg8[%scatter3A_239] : memref<16384xf32, #tpu.memory_space<vmem>> -> memref<4096xf32, #tpu.memory_space<vmem>>
        tpu.vector_store_idx %scatter3A_240[%add3A_238], %get3A_234 : memref<4096xf32, #tpu.memory_space<vmem>>[vector<16xi32>], vector<16xf32>,
        %get3A_241 = arith.index_cast %scan3A_214 : i32 to index
        %get3A_242 = arith.constant 48 : index
        %get3A_243 = tpu.vector_load %arg7[%get3A_241, %get3A_242] {strides = array<i32>} : memref<64x64xf32, #tpu.memory_space<vmem>>, vector<16xf32>,
        %add3A_244 = arith.constant 3072 : i32
        %add3A_245 = arith.addi %add3A_244, %scan3A_214 : i32
        %add3A_246 = vector.broadcast %add3A_245 : i32 to vector<16xi32>
        %add3A_247 = arith.addi %mul3A_206, %add3A_246 : vector<16xi32>
        %scatter3A_248 = arith.constant 0 : i32
        %scatter3A_249 = tpu.memref_slice %arg8[%scatter3A_248] : memref<16384xf32, #tpu.memory_space<vmem>> -> memref<4096xf32, #tpu.memory_space<vmem>>
        tpu.vector_store_idx %scatter3A_249[%add3A_247], %get3A_243 : memref<4096xf32, #tpu.memory_space<vmem>>[vector<16xi32>], vector<16xf32>,
        %scan3A_250 = arith.constant 0 : i32
        scf.yield %scan3A_250 : i32
      }
      %scan3A_213 = arith.constant 64 : i32
      "tpu.region"() ({
        %run_scoped3A = tpu.sem_alloc : memref<!tpu.dma_semaphore, #tpu.memory_space<semaphore_mem>>
        %dma_start3A_214 = arith.constant 0 : i32
        %dma_start3A_215 = tpu.memref_slice %arg8[%dma_start3A_214] : memref<16384xf32, #tpu.memory_space<vmem>> -> memref<4096xf32, #tpu.memory_space<vmem>>
        %dma_start3A_216 = arith.constant 63995904 : i32
        %dma_start3A_217 = tpu.memref_slice %arg4[%dma_start3A_216] : memref<64000000xf32, #tpu.memory_space<hbm>> -> memref<4096xf32, #tpu.memory_space<hbm>>
        %dma_start3A_218 = arith.constant 63995904 : i32
        %dma_start3A_219 = tpu.memref_slice %arg4[%dma_start3A_218] : memref<64000000xf32, #tpu.memory_space<hbm>> -> memref<4096xf32, #tpu.memory_space<hbm>>
        %dma_start3A_220 = arith.constant 0 : i32
        %dma_start3A_221 = tpu.memref_slice %arg8[%dma_start3A_220] : memref<16384xf32, #tpu.memory_space<vmem>> -> memref<4096xf32, #tpu.memory_space<vmem>>
        tpu.enqueue_dma source(%dma_start3A_221 : memref<4096xf32, #tpu.memory_space<vmem>>) target(%dma_start3A_219 : memref<4096xf32, #tpu.memory_space<hbm>>) target_semaphore(%run_scoped3A : memref<!tpu.dma_semaphore, #tpu.memory_space<semaphore_mem>>)
        %dma_wait3A_222 = arith.constant 0 : i32
        %dma_wait3A_223 = tpu.memref_slice %arg8[%dma_wait3A_222] : memref<16384xf32, #tpu.memory_space<vmem>> -> memref<4096xf32, #tpu.memory_space<vmem>>
        %dma_wait3A_224 = arith.constant 63995904 : i32
        %dma_wait3A_225 = tpu.memref_slice %arg4[%dma_wait3A_224] : memref<64000000xf32, #tpu.memory_space<hbm>> -> memref<4096xf32, #tpu.memory_space<hbm>>
        %dma_wait3A_226 = arith.constant 63995904 : i32
        %dma_wait3A_227 = tpu.memref_slice %arg4[%dma_wait3A_226] : memref<64000000xf32, #tpu.memory_space<hbm>> -> memref<4096xf32, #tpu.memory_space<hbm>>
        %dma_wait3A_228 = arith.constant 0 : i32
        %dma_wait3A_229 = tpu.memref_slice %arg8[%dma_wait3A_228] : memref<16384xf32, #tpu.memory_space<vmem>> -> memref<4096xf32, #tpu.memory_space<vmem>>
        tpu.wait_dma2 semaphore(%run_scoped3A : memref<!tpu.dma_semaphore, #tpu.memory_space<semaphore_mem>>) src(%dma_wait3A_229 : memref<4096xf32, #tpu.memory_space<vmem>>) dst(%dma_wait3A_227 : memref<4096xf32, #tpu.memory_space<hbm>>)
        tpu.yield
      }) : () -> ()
    } else {
    }
    return
  }
}

#map = affine_map<(d0, d1) -> (0)>
#map1 = affine_map<(d0, d1) -> (0, 0)>
module attributes {stable_mosaic.version = 14 : i64} {
  func.func @_pool_body(%arg0: i32, %arg1: i32, %arg2: memref<819200xi32, #tpu.memory_space<hbm>>, %arg3: memref<1000000x64xf32, #tpu.memory_space<hbm>>, %arg4: memref<262144xf32, #tpu.memory_space<hbm>>, %arg5: memref<25600xi32, #tpu.memory_space<vmem>>, %arg6: memref<400x64xf32, #tpu.memory_space<vmem>>, %arg7: memref<8192xf32, #tpu.memory_space<vmem>>, %arg8: memref<!tpu.dma_semaphore, #tpu.memory_space<semaphore_mem>>, %arg9: memref<!tpu.dma_semaphore, #tpu.memory_space<semaphore_mem>>) attributes {dimension_semantics = [#tpu.dimension_semantics<core_parallel>, #tpu.dimension_semantics<subcore_parallel>], iteration_bounds = array<i64: 2, 16>, scalar_prefetch = 0 : i64, scratch_operands = 5 : i64, tpu.core_type = #tpu.core_type<sc_vector_subcore>, window_params = [{transform_indices = #map}, {transform_indices = #map1}, {transform_indices = #map}]} {
    %mul3A = arith.constant 2 : i32
    %mul3A_0 = arith.muli %arg1, %mul3A : i32
    %add3A = arith.addi %mul3A_0, %arg0 : i32
    %mul3A_1 = arith.constant 128 : i32
    %mul3A_2 = arith.muli %add3A, %mul3A_1 : i32
    %mul3A_3 = arith.constant 200 : i32
    %mul3A_4 = arith.muli %mul3A_2, %mul3A_3 : i32
    "tpu.region"() ({
      %run_scoped3A = tpu.sem_alloc : memref<!tpu.dma_semaphore, #tpu.memory_space<semaphore_mem>>
      %dma_start3A_150 = tpu.memref_slice %arg2[%mul3A_4] : memref<819200xi32, #tpu.memory_space<hbm>> -> memref<25600xi32, #tpu.memory_space<hbm>>
      %dma_start3A_151 = tpu.memref_slice %arg2[%mul3A_4] : memref<819200xi32, #tpu.memory_space<hbm>> -> memref<25600xi32, #tpu.memory_space<hbm>>
      tpu.enqueue_dma source(%dma_start3A_151 : memref<25600xi32, #tpu.memory_space<hbm>>) target(%arg5 : memref<25600xi32, #tpu.memory_space<vmem>>) target_semaphore(%run_scoped3A : memref<!tpu.dma_semaphore, #tpu.memory_space<semaphore_mem>>)
      %dma_wait3A_152 = tpu.memref_slice %arg2[%mul3A_4] : memref<819200xi32, #tpu.memory_space<hbm>> -> memref<25600xi32, #tpu.memory_space<hbm>>
      %dma_wait3A_153 = tpu.memref_slice %arg2[%mul3A_4] : memref<819200xi32, #tpu.memory_space<hbm>> -> memref<25600xi32, #tpu.memory_space<hbm>>
      tpu.wait_dma2 semaphore(%run_scoped3A : memref<!tpu.dma_semaphore, #tpu.memory_space<semaphore_mem>>) src(%dma_wait3A_153 : memref<25600xi32, #tpu.memory_space<hbm>>) dst(%arg5 : memref<25600xi32, #tpu.memory_space<vmem>>)
      tpu.yield
    }) : () -> ()
    %dma_start3A = arith.constant 0 : i32
    %dma_start3A_5 = arith.constant 0 : i32
    %dma_start3A_6 = tpu.memref_slice %arg6[%dma_start3A, %dma_start3A_5] : memref<400x64xf32, #tpu.memory_space<vmem>> -> memref<104x64xf32, #tpu.memory_space<vmem>>
    %dma_start3A_7 = arith.constant 0 : i32
    %dma_start3A_8 = tpu.memref_slice %arg5[%dma_start3A_7] : memref<25600xi32, #tpu.memory_space<vmem>> -> memref<104xi32, #tpu.memory_space<vmem>>
    %dma_start3A_9 = arith.constant 0 : i32
    %dma_start3A_10 = arith.constant 0 : i32
    %dma_start3A_11 = tpu.memref_slice %arg3[%dma_start3A_9, %dma_start3A_10] : memref<1000000x64xf32, #tpu.memory_space<hbm>> -> memref<1000000x64xf32, #tpu.memory_space<hbm>>
    tpu.enqueue_indirect_dma source(%dma_start3A_11 : memref<1000000x64xf32, #tpu.memory_space<hbm>>) target(%dma_start3A_6 : memref<104x64xf32, #tpu.memory_space<vmem>>) offsets(%dma_start3A_8 : memref<104xi32, #tpu.memory_space<vmem>>) semaphore(%arg8 : memref<!tpu.dma_semaphore, #tpu.memory_space<semaphore_mem>>)
    %dma_start3A_12 = arith.constant 104 : i32
    %dma_start3A_13 = arith.constant 0 : i32
    %dma_start3A_14 = tpu.memref_slice %arg6[%dma_start3A_12, %dma_start3A_13] : memref<400x64xf32, #tpu.memory_space<vmem>> -> memref<96x64xf32, #tpu.memory_space<vmem>>
    %dma_start3A_15 = arith.constant 104 : i32
    %dma_start3A_16 = tpu.memref_slice %arg5[%dma_start3A_15] : memref<25600xi32, #tpu.memory_space<vmem>> -> memref<96xi32, #tpu.memory_space<vmem>>
    %dma_start3A_17 = arith.constant 0 : i32
    %dma_start3A_18 = arith.constant 0 : i32
    %dma_start3A_19 = tpu.memref_slice %arg3[%dma_start3A_17, %dma_start3A_18] : memref<1000000x64xf32, #tpu.memory_space<hbm>> -> memref<1000000x64xf32, #tpu.memory_space<hbm>>
    tpu.enqueue_indirect_dma source(%dma_start3A_19 : memref<1000000x64xf32, #tpu.memory_space<hbm>>) target(%dma_start3A_14 : memref<96x64xf32, #tpu.memory_space<vmem>>) offsets(%dma_start3A_16 : memref<96xi32, #tpu.memory_space<vmem>>) semaphore(%arg8 : memref<!tpu.dma_semaphore, #tpu.memory_space<semaphore_mem>>)
    %dma_start3A_20 = arith.constant 200 : i32
    %dma_start3A_21 = arith.constant 0 : i32
    %dma_start3A_22 = tpu.memref_slice %arg6[%dma_start3A_20, %dma_start3A_21] : memref<400x64xf32, #tpu.memory_space<vmem>> -> memref<104x64xf32, #tpu.memory_space<vmem>>
    %dma_start3A_23 = arith.constant 200 : i32
    %dma_start3A_24 = tpu.memref_slice %arg5[%dma_start3A_23] : memref<25600xi32, #tpu.memory_space<vmem>> -> memref<104xi32, #tpu.memory_space<vmem>>
    %dma_start3A_25 = arith.constant 0 : i32
    %dma_start3A_26 = arith.constant 0 : i32
    %dma_start3A_27 = tpu.memref_slice %arg3[%dma_start3A_25, %dma_start3A_26] : memref<1000000x64xf32, #tpu.memory_space<hbm>> -> memref<1000000x64xf32, #tpu.memory_space<hbm>>
    tpu.enqueue_indirect_dma source(%dma_start3A_27 : memref<1000000x64xf32, #tpu.memory_space<hbm>>) target(%dma_start3A_22 : memref<104x64xf32, #tpu.memory_space<vmem>>) offsets(%dma_start3A_24 : memref<104xi32, #tpu.memory_space<vmem>>) semaphore(%arg9 : memref<!tpu.dma_semaphore, #tpu.memory_space<semaphore_mem>>)
    %dma_start3A_28 = arith.constant 304 : i32
    %dma_start3A_29 = arith.constant 0 : i32
    %dma_start3A_30 = tpu.memref_slice %arg6[%dma_start3A_28, %dma_start3A_29] : memref<400x64xf32, #tpu.memory_space<vmem>> -> memref<96x64xf32, #tpu.memory_space<vmem>>
    %dma_start3A_31 = arith.constant 304 : i32
    %dma_start3A_32 = tpu.memref_slice %arg5[%dma_start3A_31] : memref<25600xi32, #tpu.memory_space<vmem>> -> memref<96xi32, #tpu.memory_space<vmem>>
    %dma_start3A_33 = arith.constant 0 : i32
    %dma_start3A_34 = arith.constant 0 : i32
    %dma_start3A_35 = tpu.memref_slice %arg3[%dma_start3A_33, %dma_start3A_34] : memref<1000000x64xf32, #tpu.memory_space<hbm>> -> memref<1000000x64xf32, #tpu.memory_space<hbm>>
    tpu.enqueue_indirect_dma source(%dma_start3A_35 : memref<1000000x64xf32, #tpu.memory_space<hbm>>) target(%dma_start3A_30 : memref<96x64xf32, #tpu.memory_space<vmem>>) offsets(%dma_start3A_32 : memref<96xi32, #tpu.memory_space<vmem>>) semaphore(%arg9 : memref<!tpu.dma_semaphore, #tpu.memory_space<semaphore_mem>>)
    %scan3A = arith.constant 5.000000e-03 : f32
    %scan3A_36 = arith.constant 0 : i32
    %scan3A_37 = arith.constant 0 : i32
    %scan3A_38 = arith.constant 63 : i32
    %scan3A_39 = arith.addi %scan3A_37, %scan3A_38 : i32
    %scan3A_40 = arith.constant 1 : i32
    %scan3A_41 = scf.for %scan3A_150 = %scan3A_37 to %scan3A_39 step %scan3A_40 iter_args(%scan3A_151 = %scan3A_36) -> (i32)  : i32 {
      %mul3A_152 = arith.constant 2 : i32
      %mul3A_153 = arith.muli %scan3A_150, %mul3A_152 : i32
      %add3A_154 = arith.constant 0 : i32
      %add3A_155 = arith.addi %mul3A_153, %add3A_154 : i32
      %dma_wait3A_156 = arith.constant 0 : i32
      %dma_wait3A_157 = arith.constant 0 : i32
      %dma_wait3A_158 = tpu.memref_slice %arg6[%dma_wait3A_156, %dma_wait3A_157] : memref<400x64xf32, #tpu.memory_space<vmem>> -> memref<200x64xf32, #tpu.memory_space<vmem>>
      %dma_wait3A_159 = arith.constant 0 : i32
      %dma_wait3A_160 = arith.constant 0 : i32
      %dma_wait3A_161 = tpu.memref_slice %arg3[%dma_wait3A_159, %dma_wait3A_160] : memref<1000000x64xf32, #tpu.memory_space<hbm>> -> memref<200x64xf32, #tpu.memory_space<hbm>>
      %dma_wait3A_162 = arith.constant 0 : i32
      %dma_wait3A_163 = arith.constant 0 : i32
      %dma_wait3A_164 = tpu.memref_slice %arg6[%dma_wait3A_162, %dma_wait3A_163] : memref<400x64xf32, #tpu.memory_space<vmem>> -> memref<200x64xf32, #tpu.memory_space<vmem>>
      %dma_wait3A_165 = arith.constant 0 : i32
      %dma_wait3A_166 = arith.constant 0 : i32
      %dma_wait3A_167 = tpu.memref_slice %arg3[%dma_wait3A_165, %dma_wait3A_166] : memref<1000000x64xf32, #tpu.memory_space<hbm>> -> memref<200x64xf32, #tpu.memory_space<hbm>>
      tpu.wait_dma2 semaphore(%arg8 : memref<!tpu.dma_semaphore, #tpu.memory_space<semaphore_mem>>) src(%dma_wait3A_167 : memref<200x64xf32, #tpu.memory_space<hbm>>) dst(%dma_wait3A_164 : memref<200x64xf32, #tpu.memory_space<vmem>>)
      %broadcast_in_dim3A_168 = arith.constant 0.000000e+00 : f32
      %broadcast_in_dim3A_169 = vector.broadcast %broadcast_in_dim3A_168 : f32 to vector<16xf32>
      %broadcast_in_dim3A_170 = arith.constant 0.000000e+00 : f32
      %broadcast_in_dim3A_171 = vector.broadcast %broadcast_in_dim3A_170 : f32 to vector<16xf32>
      %broadcast_in_dim3A_172 = arith.constant 0.000000e+00 : f32
      %broadcast_in_dim3A_173 = vector.broadcast %broadcast_in_dim3A_172 : f32 to vector<16xf32>
      %broadcast_in_dim3A_174 = arith.constant 0.000000e+00 : f32
      %broadcast_in_dim3A_175 = vector.broadcast %broadcast_in_dim3A_174 : f32 to vector<16xf32>
      %scan3A_176 = arith.constant 0 : i32
      %scan3A_177 = arith.constant 200 : i32
      %scan3A_178 = arith.addi %scan3A_176, %scan3A_177 : i32
      %scan3A_179 = arith.constant 4 : i32
      %scan3A_180:4 = scf.for %scan3A_335 = %scan3A_176 to %scan3A_178 step %scan3A_179 iter_args(%scan3A_336 = %broadcast_in_dim3A_169, %scan3A_337 = %broadcast_in_dim3A_171, %scan3A_338 = %broadcast_in_dim3A_173, %scan3A_339 = %broadcast_in_dim3A_175) -> (vector<16xf32>, vector<16xf32>, vector<16xf32>, vector<16xf32>)  : i32 {
        %add3A_340 = arith.constant 0 : i32
        %add3A_341 = arith.addi %add3A_340, %scan3A_335 : i32
        %get3A = arith.index_cast %add3A_341 : i32 to index
        %get3A_342 = arith.constant 0 : index
        %get3A_343 = tpu.vector_load %arg6[%get3A, %get3A_342] {strides = array<i32>} : memref<400x64xf32, #tpu.memory_space<vmem>>, vector<1x16xf32>,
        %get3A_344 = vector.shape_cast %get3A_343 : vector<1x16xf32> to vector<16xf32>
        %add3A_345 = arith.addf %scan3A_336, %get3A_344 : vector<16xf32>
        %add3A_346 = arith.constant 0 : i32
        %add3A_347 = arith.addi %add3A_346, %scan3A_335 : i32
        %get3A_348 = arith.index_cast %add3A_347 : i32 to index
        %get3A_349 = arith.constant 16 : index
        %get3A_350 = tpu.vector_load %arg6[%get3A_348, %get3A_349] {strides = array<i32>} : memref<400x64xf32, #tpu.memory_space<vmem>>, vector<1x16xf32>,
        %get3A_351 = vector.shape_cast %get3A_350 : vector<1x16xf32> to vector<16xf32>
        %add3A_352 = arith.addf %scan3A_337, %get3A_351 : vector<16xf32>
        %add3A_353 = arith.constant 0 : i32
        %add3A_354 = arith.addi %add3A_353, %scan3A_335 : i32
        %get3A_355 = arith.index_cast %add3A_354 : i32 to index
        %get3A_356 = arith.constant 32 : index
        %get3A_357 = tpu.vector_load %arg6[%get3A_355, %get3A_356] {strides = array<i32>} : memref<400x64xf32, #tpu.memory_space<vmem>>, vector<1x16xf32>,
        %get3A_358 = vector.shape_cast %get3A_357 : vector<1x16xf32> to vector<16xf32>
        %add3A_359 = arith.addf %scan3A_338, %get3A_358 : vector<16xf32>
        %add3A_360 = arith.constant 0 : i32
        %add3A_361 = arith.addi %add3A_360, %scan3A_335 : i32
        %get3A_362 = arith.index_cast %add3A_361 : i32 to index
        %get3A_363 = arith.constant 48 : index
        %get3A_364 = tpu.vector_load %arg6[%get3A_362, %get3A_363] {strides = array<i32>} : memref<400x64xf32, #tpu.memory_space<vmem>>, vector<1x16xf32>,
        %get3A_365 = vector.shape_cast %get3A_364 : vector<1x16xf32> to vector<16xf32>
        %add3A_366 = arith.addf %scan3A_339, %get3A_365 : vector<16xf32>
        %scan3A_367 = arith.constant 1 : i32
        %scan3A_368 = arith.addi %scan3A_335, %scan3A_367 : i32
        %add3A_369 = arith.constant 0 : i32
        %add3A_370 = arith.addi %add3A_369, %scan3A_368 : i32
        %get3A_371 = arith.index_cast %add3A_370 : i32 to index
        %get3A_372 = arith.constant 0 : index
        %get3A_373 = tpu.vector_load %arg6[%get3A_371, %get3A_372] {strides = array<i32>} : memref<400x64xf32, #tpu.memory_space<vmem>>, vector<1x16xf32>,
        %get3A_374 = vector.shape_cast %get3A_373 : vector<1x16xf32> to vector<16xf32>
        %add3A_375 = arith.addf %add3A_345, %get3A_374 : vector<16xf32>
        %add3A_376 = arith.constant 0 : i32
        %add3A_377 = arith.addi %add3A_376, %scan3A_368 : i32
        %get3A_378 = arith.index_cast %add3A_377 : i32 to index
        %get3A_379 = arith.constant 16 : index
        %get3A_380 = tpu.vector_load %arg6[%get3A_378, %get3A_379] {strides = array<i32>} : memref<400x64xf32, #tpu.memory_space<vmem>>, vector<1x16xf32>,
        %get3A_381 = vector.shape_cast %get3A_380 : vector<1x16xf32> to vector<16xf32>
        %add3A_382 = arith.addf %add3A_352, %get3A_381 : vector<16xf32>
        %add3A_383 = arith.constant 0 : i32
        %add3A_384 = arith.addi %add3A_383, %scan3A_368 : i32
        %get3A_385 = arith.index_cast %add3A_384 : i32 to index
        %get3A_386 = arith.constant 32 : index
        %get3A_387 = tpu.vector_load %arg6[%get3A_385, %get3A_386] {strides = array<i32>} : memref<400x64xf32, #tpu.memory_space<vmem>>, vector<1x16xf32>,
        %get3A_388 = vector.shape_cast %get3A_387 : vector<1x16xf32> to vector<16xf32>
        %add3A_389 = arith.addf %add3A_359, %get3A_388 : vector<16xf32>
        %add3A_390 = arith.constant 0 : i32
        %add3A_391 = arith.addi %add3A_390, %scan3A_368 : i32
        %get3A_392 = arith.index_cast %add3A_391 : i32 to index
        %get3A_393 = arith.constant 48 : index
        %get3A_394 = tpu.vector_load %arg6[%get3A_392, %get3A_393] {strides = array<i32>} : memref<400x64xf32, #tpu.memory_space<vmem>>, vector<1x16xf32>,
        %get3A_395 = vector.shape_cast %get3A_394 : vector<1x16xf32> to vector<16xf32>
        %add3A_396 = arith.addf %add3A_366, %get3A_395 : vector<16xf32>
        %scan3A_397 = arith.constant 2 : i32
        %scan3A_398 = arith.addi %scan3A_335, %scan3A_397 : i32
        %add3A_399 = arith.constant 0 : i32
        %add3A_400 = arith.addi %add3A_399, %scan3A_398 : i32
        %get3A_401 = arith.index_cast %add3A_400 : i32 to index
        %get3A_402 = arith.constant 0 : index
        %get3A_403 = tpu.vector_load %arg6[%get3A_401, %get3A_402] {strides = array<i32>} : memref<400x64xf32, #tpu.memory_space<vmem>>, vector<1x16xf32>,
        %get3A_404 = vector.shape_cast %get3A_403 : vector<1x16xf32> to vector<16xf32>
        %add3A_405 = arith.addf %add3A_375, %get3A_404 : vector<16xf32>
        %add3A_406 = arith.constant 0 : i32
        %add3A_407 = arith.addi %add3A_406, %scan3A_398 : i32
        %get3A_408 = arith.index_cast %add3A_407 : i32 to index
        %get3A_409 = arith.constant 16 : index
        %get3A_410 = tpu.vector_load %arg6[%get3A_408, %get3A_409] {strides = array<i32>} : memref<400x64xf32, #tpu.memory_space<vmem>>, vector<1x16xf32>,
        %get3A_411 = vector.shape_cast %get3A_410 : vector<1x16xf32> to vector<16xf32>
        %add3A_412 = arith.addf %add3A_382, %get3A_411 : vector<16xf32>
        %add3A_413 = arith.constant 0 : i32
        %add3A_414 = arith.addi %add3A_413, %scan3A_398 : i32
        %get3A_415 = arith.index_cast %add3A_414 : i32 to index
        %get3A_416 = arith.constant 32 : index
        %get3A_417 = tpu.vector_load %arg6[%get3A_415, %get3A_416] {strides = array<i32>} : memref<400x64xf32, #tpu.memory_space<vmem>>, vector<1x16xf32>,
        %get3A_418 = vector.shape_cast %get3A_417 : vector<1x16xf32> to vector<16xf32>
        %add3A_419 = arith.addf %add3A_389, %get3A_418 : vector<16xf32>
        %add3A_420 = arith.constant 0 : i32
        %add3A_421 = arith.addi %add3A_420, %scan3A_398 : i32
        %get3A_422 = arith.index_cast %add3A_421 : i32 to index
        %get3A_423 = arith.constant 48 : index
        %get3A_424 = tpu.vector_load %arg6[%get3A_422, %get3A_423] {strides = array<i32>} : memref<400x64xf32, #tpu.memory_space<vmem>>, vector<1x16xf32>,
        %get3A_425 = vector.shape_cast %get3A_424 : vector<1x16xf32> to vector<16xf32>
        %add3A_426 = arith.addf %add3A_396, %get3A_425 : vector<16xf32>
        %scan3A_427 = arith.constant 3 : i32
        %scan3A_428 = arith.addi %scan3A_335, %scan3A_427 : i32
        %add3A_429 = arith.constant 0 : i32
        %add3A_430 = arith.addi %add3A_429, %scan3A_428 : i32
        %get3A_431 = arith.index_cast %add3A_430 : i32 to index
        %get3A_432 = arith.constant 0 : index
        %get3A_433 = tpu.vector_load %arg6[%get3A_431, %get3A_432] {strides = array<i32>} : memref<400x64xf32, #tpu.memory_space<vmem>>, vector<1x16xf32>,
        %get3A_434 = vector.shape_cast %get3A_433 : vector<1x16xf32> to vector<16xf32>
        %add3A_435 = arith.addf %add3A_405, %get3A_434 : vector<16xf32>
        %add3A_436 = arith.constant 0 : i32
        %add3A_437 = arith.addi %add3A_436, %scan3A_428 : i32
        %get3A_438 = arith.index_cast %add3A_437 : i32 to index
        %get3A_439 = arith.constant 16 : index
        %get3A_440 = tpu.vector_load %arg6[%get3A_438, %get3A_439] {strides = array<i32>} : memref<400x64xf32, #tpu.memory_space<vmem>>, vector<1x16xf32>,
        %get3A_441 = vector.shape_cast %get3A_440 : vector<1x16xf32> to vector<16xf32>
        %add3A_442 = arith.addf %add3A_412, %get3A_441 : vector<16xf32>
        %add3A_443 = arith.constant 0 : i32
        %add3A_444 = arith.addi %add3A_443, %scan3A_428 : i32
        %get3A_445 = arith.index_cast %add3A_444 : i32 to index
        %get3A_446 = arith.constant 32 : index
        %get3A_447 = tpu.vector_load %arg6[%get3A_445, %get3A_446] {strides = array<i32>} : memref<400x64xf32, #tpu.memory_space<vmem>>, vector<1x16xf32>,
        %get3A_448 = vector.shape_cast %get3A_447 : vector<1x16xf32> to vector<16xf32>
        %add3A_449 = arith.addf %add3A_419, %get3A_448 : vector<16xf32>
        %add3A_450 = arith.constant 0 : i32
        %add3A_451 = arith.addi %add3A_450, %scan3A_428 : i32
        %get3A_452 = arith.index_cast %add3A_451 : i32 to index
        %get3A_453 = arith.constant 48 : index
        %get3A_454 = tpu.vector_load %arg6[%get3A_452, %get3A_453] {strides = array<i32>} : memref<400x64xf32, #tpu.memory_space<vmem>>, vector<1x16xf32>,
        %get3A_455 = vector.shape_cast %get3A_454 : vector<1x16xf32> to vector<16xf32>
        %add3A_456 = arith.addf %add3A_426, %get3A_455 : vector<16xf32>
        scf.yield %add3A_435, %add3A_442, %add3A_449, %add3A_456 : vector<16xf32>, vector<16xf32>, vector<16xf32>, vector<16xf32>
      }
      %scan3A_181 = arith.constant 200 : i32
      %mul3A_182 = vector.broadcast %scan3A : f32 to vector<16xf32>
      %mul3A_183 = arith.mulf %scan3A_180#0, %mul3A_182 : vector<16xf32>
      %mul3A_184 = arith.constant 64 : i32
      %mul3A_185 = arith.muli %add3A_155, %mul3A_184 : i32
      %add3A_186 = arith.constant 0 : i32
      %add3A_187 = arith.addi %mul3A_185, %add3A_186 : i32
      %swap3A_188 = arith.index_cast %add3A_187 : i32 to index
      %swap3A_189 = tpu.vector_load %arg7[%swap3A_188] {strides = array<i32>} : memref<8192xf32, #tpu.memory_space<vmem>>, vector<16xf32>,
      %swap3A_190 = vector.shape_cast %swap3A_189 : vector<16xf32> to vector<16xf32>
      %swap3A_191 = vector.shape_cast %mul3A_183 : vector<16xf32> to vector<16xf32>
      tpu.vector_store %arg7[%swap3A_188], %swap3A_191 {strides = array<i32>} : memref<8192xf32, #tpu.memory_space<vmem>>, vector<16xf32>,
      %mul3A_192 = vector.broadcast %scan3A : f32 to vector<16xf32>
      %mul3A_193 = arith.mulf %scan3A_180#1, %mul3A_192 : vector<16xf32>
      %mul3A_194 = arith.constant 64 : i32
      %mul3A_195 = arith.muli %add3A_155, %mul3A_194 : i32
      %add3A_196 = arith.constant 16 : i32
      %add3A_197 = arith.addi %mul3A_195, %add3A_196 : i32
      %swap3A_198 = arith.index_cast %add3A_197 : i32 to index
      %swap3A_199 = tpu.vector_load %arg7[%swap3A_198] {strides = array<i32>} : memref<8192xf32, #tpu.memory_space<vmem>>, vector<16xf32>,
      %swap3A_200 = vector.shape_cast %swap3A_199 : vector<16xf32> to vector<16xf32>
      %swap3A_201 = vector.shape_cast %mul3A_193 : vector<16xf32> to vector<16xf32>
      tpu.vector_store %arg7[%swap3A_198], %swap3A_201 {strides = array<i32>} : memref<8192xf32, #tpu.memory_space<vmem>>, vector<16xf32>,
      %mul3A_202 = vector.broadcast %scan3A : f32 to vector<16xf32>
      %mul3A_203 = arith.mulf %scan3A_180#2, %mul3A_202 : vector<16xf32>
      %mul3A_204 = arith.constant 64 : i32
      %mul3A_205 = arith.muli %add3A_155, %mul3A_204 : i32
      %add3A_206 = arith.constant 32 : i32
      %add3A_207 = arith.addi %mul3A_205, %add3A_206 : i32
      %swap3A_208 = arith.index_cast %add3A_207 : i32 to index
      %swap3A_209 = tpu.vector_load %arg7[%swap3A_208] {strides = array<i32>} : memref<8192xf32, #tpu.memory_space<vmem>>, vector<16xf32>,
      %swap3A_210 = vector.shape_cast %swap3A_209 : vector<16xf32> to vector<16xf32>
      %swap3A_211 = vector.shape_cast %mul3A_203 : vector<16xf32> to vector<16xf32>
      tpu.vector_store %arg7[%swap3A_208], %swap3A_211 {strides = array<i32>} : memref<8192xf32, #tpu.memory_space<vmem>>, vector<16xf32>,
      %mul3A_212 = vector.broadcast %scan3A : f32 to vector<16xf32>
      %mul3A_213 = arith.mulf %scan3A_180#3, %mul3A_212 : vector<16xf32>
      %mul3A_214 = arith.constant 64 : i32
      %mul3A_215 = arith.muli %add3A_155, %mul3A_214 : i32
      %add3A_216 = arith.constant 48 : i32
      %add3A_217 = arith.addi %mul3A_215, %add3A_216 : i32
      %swap3A_218 = arith.index_cast %add3A_217 : i32 to index
      %swap3A_219 = tpu.vector_load %arg7[%swap3A_218] {strides = array<i32>} : memref<8192xf32, #tpu.memory_space<vmem>>, vector<16xf32>,
      %swap3A_220 = vector.shape_cast %swap3A_219 : vector<16xf32> to vector<16xf32>
      %swap3A_221 = vector.shape_cast %mul3A_213 : vector<16xf32> to vector<16xf32>
      tpu.vector_store %arg7[%swap3A_218], %swap3A_221 {strides = array<i32>} : memref<8192xf32, #tpu.memory_space<vmem>>, vector<16xf32>,
      %add3A_222 = arith.constant 2 : i32
      %add3A_223 = arith.addi %add3A_155, %add3A_222 : i32
      %mul3A_224 = arith.constant 200 : i32
      %mul3A_225 = arith.muli %add3A_223, %mul3A_224 : i32
      %dma_start3A_226 = arith.constant 0 : i32
      %dma_start3A_227 = arith.constant 0 : i32
      %dma_start3A_228 = tpu.memref_slice %arg6[%dma_start3A_226, %dma_start3A_227] : memref<400x64xf32, #tpu.memory_space<vmem>> -> memref<104x64xf32, #tpu.memory_space<vmem>>
      %dma_start3A_229 = tpu.memref_slice %arg5[%mul3A_225] : memref<25600xi32, #tpu.memory_space<vmem>> -> memref<104xi32, #tpu.memory_space<vmem>>
      %dma_start3A_230 = arith.constant 0 : i32
      %dma_start3A_231 = arith.constant 0 : i32
      %dma_start3A_232 = tpu.memref_slice %arg3[%dma_start3A_230, %dma_start3A_231] : memref<1000000x64xf32, #tpu.memory_space<hbm>> -> memref<1000000x64xf32, #tpu.memory_space<hbm>>
      tpu.enqueue_indirect_dma source(%dma_start3A_232 : memref<1000000x64xf32, #tpu.memory_space<hbm>>) target(%dma_start3A_228 : memref<104x64xf32, #tpu.memory_space<vmem>>) offsets(%dma_start3A_229 : memref<104xi32, #tpu.memory_space<vmem>>) semaphore(%arg8 : memref<!tpu.dma_semaphore, #tpu.memory_space<semaphore_mem>>)
      %mul3A_233 = arith.constant 200 : i32
      %mul3A_234 = arith.muli %add3A_223, %mul3A_233 : i32
      %add3A_235 = arith.constant 104 : i32
      %add3A_236 = arith.addi %mul3A_234, %add3A_235 : i32
      %dma_start3A_237 = arith.constant 104 : i32
      %dma_start3A_238 = arith.constant 0 : i32
      %dma_start3A_239 = tpu.memref_slice %arg6[%dma_start3A_237, %dma_start3A_238] : memref<400x64xf32, #tpu.memory_space<vmem>> -> memref<96x64xf32, #tpu.memory_space<vmem>>
      %dma_start3A_240 = tpu.memref_slice %arg5[%add3A_236] : memref<25600xi32, #tpu.memory_space<vmem>> -> memref<96xi32, #tpu.memory_space<vmem>>
      %dma_start3A_241 = arith.constant 0 : i32
      %dma_start3A_242 = arith.constant 0 : i32
      %dma_start3A_243 = tpu.memref_slice %arg3[%dma_start3A_241, %dma_start3A_242] : memref<1000000x64xf32, #tpu.memory_space<hbm>> -> memref<1000000x64xf32, #tpu.memory_space<hbm>>
      tpu.enqueue_indirect_dma source(%dma_start3A_243 : memref<1000000x64xf32, #tpu.memory_space<hbm>>) target(%dma_start3A_239 : memref<96x64xf32, #tpu.memory_space<vmem>>) offsets(%dma_start3A_240 : memref<96xi32, #tpu.memory_space<vmem>>) semaphore(%arg8 : memref<!tpu.dma_semaphore, #tpu.memory_space<semaphore_mem>>)
      %add3A_244 = arith.constant 1 : i32
      %add3A_245 = arith.addi %mul3A_153, %add3A_244 : i32
      %dma_wait3A_246 = arith.constant 200 : i32
      %dma_wait3A_247 = arith.constant 0 : i32
      %dma_wait3A_248 = tpu.memref_slice %arg6[%dma_wait3A_246, %dma_wait3A_247] : memref<400x64xf32, #tpu.memory_space<vmem>> -> memref<200x64xf32, #tpu.memory_space<vmem>>
      %dma_wait3A_249 = arith.constant 0 : i32
      %dma_wait3A_250 = arith.constant 0 : i32
      %dma_wait3A_251 = tpu.memref_slice %arg3[%dma_wait3A_249, %dma_wait3A_250] : memref<1000000x64xf32, #tpu.memory_space<hbm>> -> memref<200x64xf32, #tpu.memory_space<hbm>>
      %dma_wait3A_252 = arith.constant 200 : i32
      %dma_wait3A_253 = arith.constant 0 : i32
      %dma_wait3A_254 = tpu.memref_slice %arg6[%dma_wait3A_252, %dma_wait3A_253] : memref<400x64xf32, #tpu.memory_space<vmem>> -> memref<200x64xf32, #tpu.memory_space<vmem>>
      %dma_wait3A_255 = arith.constant 0 : i32
      %dma_wait3A_256 = arith.constant 0 : i32
      %dma_wait3A_257 = tpu.memref_slice %arg3[%dma_wait3A_255, %dma_wait3A_256] : memref<1000000x64xf32, #tpu.memory_space<hbm>> -> memref<200x64xf32, #tpu.memory_space<hbm>>
      tpu.wait_dma2 semaphore(%arg9 : memref<!tpu.dma_semaphore, #tpu.memory_space<semaphore_mem>>) src(%dma_wait3A_257 : memref<200x64xf32, #tpu.memory_space<hbm>>) dst(%dma_wait3A_254 : memref<200x64xf32, #tpu.memory_space<vmem>>)
      %broadcast_in_dim3A_258 = arith.constant 0.000000e+00 : f32
      %broadcast_in_dim3A_259 = vector.broadcast %broadcast_in_dim3A_258 : f32 to vector<16xf32>
      %broadcast_in_dim3A_260 = arith.constant 0.000000e+00 : f32
      %broadcast_in_dim3A_261 = vector.broadcast %broadcast_in_dim3A_260 : f32 to vector<16xf32>
      %broadcast_in_dim3A_262 = arith.constant 0.000000e+00 : f32
      %broadcast_in_dim3A_263 = vector.broadcast %broadcast_in_dim3A_262 : f32 to vector<16xf32>
      %broadcast_in_dim3A_264 = arith.constant 0.000000e+00 : f32
      %broadcast_in_dim3A_265 = vector.broadcast %broadcast_in_dim3A_264 : f32 to vector<16xf32>
      %scan3A_266 = arith.constant 0 : i32
      %scan3A_267 = arith.constant 200 : i32
      %scan3A_268 = arith.addi %scan3A_266, %scan3A_267 : i32
      %scan3A_269 = arith.constant 4 : i32
      %scan3A_270:4 = scf.for %scan3A_335 = %scan3A_266 to %scan3A_268 step %scan3A_269 iter_args(%scan3A_336 = %broadcast_in_dim3A_259, %scan3A_337 = %broadcast_in_dim3A_261, %scan3A_338 = %broadcast_in_dim3A_263, %scan3A_339 = %broadcast_in_dim3A_265) -> (vector<16xf32>, vector<16xf32>, vector<16xf32>, vector<16xf32>)  : i32 {
        %add3A_340 = arith.constant 200 : i32
        %add3A_341 = arith.addi %add3A_340, %scan3A_335 : i32
        %get3A = arith.index_cast %add3A_341 : i32 to index
        %get3A_342 = arith.constant 0 : index
        %get3A_343 = tpu.vector_load %arg6[%get3A, %get3A_342] {strides = array<i32>} : memref<400x64xf32, #tpu.memory_space<vmem>>, vector<1x16xf32>,
        %get3A_344 = vector.shape_cast %get3A_343 : vector<1x16xf32> to vector<16xf32>
        %add3A_345 = arith.addf %scan3A_336, %get3A_344 : vector<16xf32>
        %add3A_346 = arith.constant 200 : i32
        %add3A_347 = arith.addi %add3A_346, %scan3A_335 : i32
        %get3A_348 = arith.index_cast %add3A_347 : i32 to index
        %get3A_349 = arith.constant 16 : index
        %get3A_350 = tpu.vector_load %arg6[%get3A_348, %get3A_349] {strides = array<i32>} : memref<400x64xf32, #tpu.memory_space<vmem>>, vector<1x16xf32>,
        %get3A_351 = vector.shape_cast %get3A_350 : vector<1x16xf32> to vector<16xf32>
        %add3A_352 = arith.addf %scan3A_337, %get3A_351 : vector<16xf32>
        %add3A_353 = arith.constant 200 : i32
        %add3A_354 = arith.addi %add3A_353, %scan3A_335 : i32
        %get3A_355 = arith.index_cast %add3A_354 : i32 to index
        %get3A_356 = arith.constant 32 : index
        %get3A_357 = tpu.vector_load %arg6[%get3A_355, %get3A_356] {strides = array<i32>} : memref<400x64xf32, #tpu.memory_space<vmem>>, vector<1x16xf32>,
        %get3A_358 = vector.shape_cast %get3A_357 : vector<1x16xf32> to vector<16xf32>
        %add3A_359 = arith.addf %scan3A_338, %get3A_358 : vector<16xf32>
        %add3A_360 = arith.constant 200 : i32
        %add3A_361 = arith.addi %add3A_360, %scan3A_335 : i32
        %get3A_362 = arith.index_cast %add3A_361 : i32 to index
        %get3A_363 = arith.constant 48 : index
        %get3A_364 = tpu.vector_load %arg6[%get3A_362, %get3A_363] {strides = array<i32>} : memref<400x64xf32, #tpu.memory_space<vmem>>, vector<1x16xf32>,
        %get3A_365 = vector.shape_cast %get3A_364 : vector<1x16xf32> to vector<16xf32>
        %add3A_366 = arith.addf %scan3A_339, %get3A_365 : vector<16xf32>
        %scan3A_367 = arith.constant 1 : i32
        %scan3A_368 = arith.addi %scan3A_335, %scan3A_367 : i32
        %add3A_369 = arith.constant 200 : i32
        %add3A_370 = arith.addi %add3A_369, %scan3A_368 : i32
        %get3A_371 = arith.index_cast %add3A_370 : i32 to index
        %get3A_372 = arith.constant 0 : index
        %get3A_373 = tpu.vector_load %arg6[%get3A_371, %get3A_372] {strides = array<i32>} : memref<400x64xf32, #tpu.memory_space<vmem>>, vector<1x16xf32>,
        %get3A_374 = vector.shape_cast %get3A_373 : vector<1x16xf32> to vector<16xf32>
        %add3A_375 = arith.addf %add3A_345, %get3A_374 : vector<16xf32>
        %add3A_376 = arith.constant 200 : i32
        %add3A_377 = arith.addi %add3A_376, %scan3A_368 : i32
        %get3A_378 = arith.index_cast %add3A_377 : i32 to index
        %get3A_379 = arith.constant 16 : index
        %get3A_380 = tpu.vector_load %arg6[%get3A_378, %get3A_379] {strides = array<i32>} : memref<400x64xf32, #tpu.memory_space<vmem>>, vector<1x16xf32>,
        %get3A_381 = vector.shape_cast %get3A_380 : vector<1x16xf32> to vector<16xf32>
        %add3A_382 = arith.addf %add3A_352, %get3A_381 : vector<16xf32>
        %add3A_383 = arith.constant 200 : i32
        %add3A_384 = arith.addi %add3A_383, %scan3A_368 : i32
        %get3A_385 = arith.index_cast %add3A_384 : i32 to index
        %get3A_386 = arith.constant 32 : index
        %get3A_387 = tpu.vector_load %arg6[%get3A_385, %get3A_386] {strides = array<i32>} : memref<400x64xf32, #tpu.memory_space<vmem>>, vector<1x16xf32>,
        %get3A_388 = vector.shape_cast %get3A_387 : vector<1x16xf32> to vector<16xf32>
        %add3A_389 = arith.addf %add3A_359, %get3A_388 : vector<16xf32>
        %add3A_390 = arith.constant 200 : i32
        %add3A_391 = arith.addi %add3A_390, %scan3A_368 : i32
        %get3A_392 = arith.index_cast %add3A_391 : i32 to index
        %get3A_393 = arith.constant 48 : index
        %get3A_394 = tpu.vector_load %arg6[%get3A_392, %get3A_393] {strides = array<i32>} : memref<400x64xf32, #tpu.memory_space<vmem>>, vector<1x16xf32>,
        %get3A_395 = vector.shape_cast %get3A_394 : vector<1x16xf32> to vector<16xf32>
        %add3A_396 = arith.addf %add3A_366, %get3A_395 : vector<16xf32>
        %scan3A_397 = arith.constant 2 : i32
        %scan3A_398 = arith.addi %scan3A_335, %scan3A_397 : i32
        %add3A_399 = arith.constant 200 : i32
        %add3A_400 = arith.addi %add3A_399, %scan3A_398 : i32
        %get3A_401 = arith.index_cast %add3A_400 : i32 to index
        %get3A_402 = arith.constant 0 : index
        %get3A_403 = tpu.vector_load %arg6[%get3A_401, %get3A_402] {strides = array<i32>} : memref<400x64xf32, #tpu.memory_space<vmem>>, vector<1x16xf32>,
        %get3A_404 = vector.shape_cast %get3A_403 : vector<1x16xf32> to vector<16xf32>
        %add3A_405 = arith.addf %add3A_375, %get3A_404 : vector<16xf32>
        %add3A_406 = arith.constant 200 : i32
        %add3A_407 = arith.addi %add3A_406, %scan3A_398 : i32
        %get3A_408 = arith.index_cast %add3A_407 : i32 to index
        %get3A_409 = arith.constant 16 : index
        %get3A_410 = tpu.vector_load %arg6[%get3A_408, %get3A_409] {strides = array<i32>} : memref<400x64xf32, #tpu.memory_space<vmem>>, vector<1x16xf32>,
        %get3A_411 = vector.shape_cast %get3A_410 : vector<1x16xf32> to vector<16xf32>
        %add3A_412 = arith.addf %add3A_382, %get3A_411 : vector<16xf32>
        %add3A_413 = arith.constant 200 : i32
        %add3A_414 = arith.addi %add3A_413, %scan3A_398 : i32
        %get3A_415 = arith.index_cast %add3A_414 : i32 to index
        %get3A_416 = arith.constant 32 : index
        %get3A_417 = tpu.vector_load %arg6[%get3A_415, %get3A_416] {strides = array<i32>} : memref<400x64xf32, #tpu.memory_space<vmem>>, vector<1x16xf32>,
        %get3A_418 = vector.shape_cast %get3A_417 : vector<1x16xf32> to vector<16xf32>
        %add3A_419 = arith.addf %add3A_389, %get3A_418 : vector<16xf32>
        %add3A_420 = arith.constant 200 : i32
        %add3A_421 = arith.addi %add3A_420, %scan3A_398 : i32
        %get3A_422 = arith.index_cast %add3A_421 : i32 to index
        %get3A_423 = arith.constant 48 : index
        %get3A_424 = tpu.vector_load %arg6[%get3A_422, %get3A_423] {strides = array<i32>} : memref<400x64xf32, #tpu.memory_space<vmem>>, vector<1x16xf32>,
        %get3A_425 = vector.shape_cast %get3A_424 : vector<1x16xf32> to vector<16xf32>
        %add3A_426 = arith.addf %add3A_396, %get3A_425 : vector<16xf32>
        %scan3A_427 = arith.constant 3 : i32
        %scan3A_428 = arith.addi %scan3A_335, %scan3A_427 : i32
        %add3A_429 = arith.constant 200 : i32
        %add3A_430 = arith.addi %add3A_429, %scan3A_428 : i32
        %get3A_431 = arith.index_cast %add3A_430 : i32 to index
        %get3A_432 = arith.constant 0 : index
        %get3A_433 = tpu.vector_load %arg6[%get3A_431, %get3A_432] {strides = array<i32>} : memref<400x64xf32, #tpu.memory_space<vmem>>, vector<1x16xf32>,
        %get3A_434 = vector.shape_cast %get3A_433 : vector<1x16xf32> to vector<16xf32>
        %add3A_435 = arith.addf %add3A_405, %get3A_434 : vector<16xf32>
        %add3A_436 = arith.constant 200 : i32
        %add3A_437 = arith.addi %add3A_436, %scan3A_428 : i32
        %get3A_438 = arith.index_cast %add3A_437 : i32 to index
        %get3A_439 = arith.constant 16 : index
        %get3A_440 = tpu.vector_load %arg6[%get3A_438, %get3A_439] {strides = array<i32>} : memref<400x64xf32, #tpu.memory_space<vmem>>, vector<1x16xf32>,
        %get3A_441 = vector.shape_cast %get3A_440 : vector<1x16xf32> to vector<16xf32>
        %add3A_442 = arith.addf %add3A_412, %get3A_441 : vector<16xf32>
        %add3A_443 = arith.constant 200 : i32
        %add3A_444 = arith.addi %add3A_443, %scan3A_428 : i32
        %get3A_445 = arith.index_cast %add3A_444 : i32 to index
        %get3A_446 = arith.constant 32 : index
        %get3A_447 = tpu.vector_load %arg6[%get3A_445, %get3A_446] {strides = array<i32>} : memref<400x64xf32, #tpu.memory_space<vmem>>, vector<1x16xf32>,
        %get3A_448 = vector.shape_cast %get3A_447 : vector<1x16xf32> to vector<16xf32>
        %add3A_449 = arith.addf %add3A_419, %get3A_448 : vector<16xf32>
        %add3A_450 = arith.constant 200 : i32
        %add3A_451 = arith.addi %add3A_450, %scan3A_428 : i32
        %get3A_452 = arith.index_cast %add3A_451 : i32 to index
        %get3A_453 = arith.constant 48 : index
        %get3A_454 = tpu.vector_load %arg6[%get3A_452, %get3A_453] {strides = array<i32>} : memref<400x64xf32, #tpu.memory_space<vmem>>, vector<1x16xf32>,
        %get3A_455 = vector.shape_cast %get3A_454 : vector<1x16xf32> to vector<16xf32>
        %add3A_456 = arith.addf %add3A_426, %get3A_455 : vector<16xf32>
        scf.yield %add3A_435, %add3A_442, %add3A_449, %add3A_456 : vector<16xf32>, vector<16xf32>, vector<16xf32>, vector<16xf32>
      }
      %scan3A_271 = arith.constant 200 : i32
      %mul3A_272 = vector.broadcast %scan3A : f32 to vector<16xf32>
      %mul3A_273 = arith.mulf %scan3A_270#0, %mul3A_272 : vector<16xf32>
      %mul3A_274 = arith.constant 64 : i32
      %mul3A_275 = arith.muli %add3A_245, %mul3A_274 : i32
      %add3A_276 = arith.constant 0 : i32
      %add3A_277 = arith.addi %mul3A_275, %add3A_276 : i32
      %swap3A_278 = arith.index_cast %add3A_277 : i32 to index
      %swap3A_279 = tpu.vector_load %arg7[%swap3A_278] {strides = array<i32>} : memref<8192xf32, #tpu.memory_space<vmem>>, vector<16xf32>,
      %swap3A_280 = vector.shape_cast %swap3A_279 : vector<16xf32> to vector<16xf32>
      %swap3A_281 = vector.shape_cast %mul3A_273 : vector<16xf32> to vector<16xf32>
      tpu.vector_store %arg7[%swap3A_278], %swap3A_281 {strides = array<i32>} : memref<8192xf32, #tpu.memory_space<vmem>>, vector<16xf32>,
      %mul3A_282 = vector.broadcast %scan3A : f32 to vector<16xf32>
      %mul3A_283 = arith.mulf %scan3A_270#1, %mul3A_282 : vector<16xf32>
      %mul3A_284 = arith.constant 64 : i32
      %mul3A_285 = arith.muli %add3A_245, %mul3A_284 : i32
      %add3A_286 = arith.constant 16 : i32
      %add3A_287 = arith.addi %mul3A_285, %add3A_286 : i32
      %swap3A_288 = arith.index_cast %add3A_287 : i32 to index
      %swap3A_289 = tpu.vector_load %arg7[%swap3A_288] {strides = array<i32>} : memref<8192xf32, #tpu.memory_space<vmem>>, vector<16xf32>,
      %swap3A_290 = vector.shape_cast %swap3A_289 : vector<16xf32> to vector<16xf32>
      %swap3A_291 = vector.shape_cast %mul3A_283 : vector<16xf32> to vector<16xf32>
      tpu.vector_store %arg7[%swap3A_288], %swap3A_291 {strides = array<i32>} : memref<8192xf32, #tpu.memory_space<vmem>>, vector<16xf32>,
      %mul3A_292 = vector.broadcast %scan3A : f32 to vector<16xf32>
      %mul3A_293 = arith.mulf %scan3A_270#2, %mul3A_292 : vector<16xf32>
      %mul3A_294 = arith.constant 64 : i32
      %mul3A_295 = arith.muli %add3A_245, %mul3A_294 : i32
      %add3A_296 = arith.constant 32 : i32
      %add3A_297 = arith.addi %mul3A_295, %add3A_296 : i32
      %swap3A_298 = arith.index_cast %add3A_297 : i32 to index
      %swap3A_299 = tpu.vector_load %arg7[%swap3A_298] {strides = array<i32>} : memref<8192xf32, #tpu.memory_space<vmem>>, vector<16xf32>,
      %swap3A_300 = vector.shape_cast %swap3A_299 : vector<16xf32> to vector<16xf32>
      %swap3A_301 = vector.shape_cast %mul3A_293 : vector<16xf32> to vector<16xf32>
      tpu.vector_store %arg7[%swap3A_298], %swap3A_301 {strides = array<i32>} : memref<8192xf32, #tpu.memory_space<vmem>>, vector<16xf32>,
      %mul3A_302 = vector.broadcast %scan3A : f32 to vector<16xf32>
      %mul3A_303 = arith.mulf %scan3A_270#3, %mul3A_302 : vector<16xf32>
      %mul3A_304 = arith.constant 64 : i32
      %mul3A_305 = arith.muli %add3A_245, %mul3A_304 : i32
      %add3A_306 = arith.constant 48 : i32
      %add3A_307 = arith.addi %mul3A_305, %add3A_306 : i32
      %swap3A_308 = arith.index_cast %add3A_307 : i32 to index
      %swap3A_309 = tpu.vector_load %arg7[%swap3A_308] {strides = array<i32>} : memref<8192xf32, #tpu.memory_space<vmem>>, vector<16xf32>,
      %swap3A_310 = vector.shape_cast %swap3A_309 : vector<16xf32> to vector<16xf32>
      %swap3A_311 = vector.shape_cast %mul3A_303 : vector<16xf32> to vector<16xf32>
      tpu.vector_store %arg7[%swap3A_308], %swap3A_311 {strides = array<i32>} : memref<8192xf32, #tpu.memory_space<vmem>>, vector<16xf32>,
      %add3A_312 = arith.constant 2 : i32
      %add3A_313 = arith.addi %add3A_245, %add3A_312 : i32
      %mul3A_314 = arith.constant 200 : i32
      %mul3A_315 = arith.muli %add3A_313, %mul3A_314 : i32
      %dma_start3A_316 = arith.constant 200 : i32
      %dma_start3A_317 = arith.constant 0 : i32
      %dma_start3A_318 = tpu.memref_slice %arg6[%dma_start3A_316, %dma_start3A_317] : memref<400x64xf32, #tpu.memory_space<vmem>> -> memref<104x64xf32, #tpu.memory_space<vmem>>
      %dma_start3A_319 = tpu.memref_slice %arg5[%mul3A_315] : memref<25600xi32, #tpu.memory_space<vmem>> -> memref<104xi32, #tpu.memory_space<vmem>>
      %dma_start3A_320 = arith.constant 0 : i32
      %dma_start3A_321 = arith.constant 0 : i32
      %dma_start3A_322 = tpu.memref_slice %arg3[%dma_start3A_320, %dma_start3A_321] : memref<1000000x64xf32, #tpu.memory_space<hbm>> -> memref<1000000x64xf32, #tpu.memory_space<hbm>>
      tpu.enqueue_indirect_dma source(%dma_start3A_322 : memref<1000000x64xf32, #tpu.memory_space<hbm>>) target(%dma_start3A_318 : memref<104x64xf32, #tpu.memory_space<vmem>>) offsets(%dma_start3A_319 : memref<104xi32, #tpu.memory_space<vmem>>) semaphore(%arg9 : memref<!tpu.dma_semaphore, #tpu.memory_space<semaphore_mem>>)
      %mul3A_323 = arith.constant 200 : i32
      %mul3A_324 = arith.muli %add3A_313, %mul3A_323 : i32
      %add3A_325 = arith.constant 104 : i32
      %add3A_326 = arith.addi %mul3A_324, %add3A_325 : i32
      %dma_start3A_327 = arith.constant 304 : i32
      %dma_start3A_328 = arith.constant 0 : i32
      %dma_start3A_329 = tpu.memref_slice %arg6[%dma_start3A_327, %dma_start3A_328] : memref<400x64xf32, #tpu.memory_space<vmem>> -> memref<96x64xf32, #tpu.memory_space<vmem>>
      %dma_start3A_330 = tpu.memref_slice %arg5[%add3A_326] : memref<25600xi32, #tpu.memory_space<vmem>> -> memref<96xi32, #tpu.memory_space<vmem>>
      %dma_start3A_331 = arith.constant 0 : i32
      %dma_start3A_332 = arith.constant 0 : i32
      %dma_start3A_333 = tpu.memref_slice %arg3[%dma_start3A_331, %dma_start3A_332] : memref<1000000x64xf32, #tpu.memory_space<hbm>> -> memref<1000000x64xf32, #tpu.memory_space<hbm>>
      tpu.enqueue_indirect_dma source(%dma_start3A_333 : memref<1000000x64xf32, #tpu.memory_space<hbm>>) target(%dma_start3A_329 : memref<96x64xf32, #tpu.memory_space<vmem>>) offsets(%dma_start3A_330 : memref<96xi32, #tpu.memory_space<vmem>>) semaphore(%arg9 : memref<!tpu.dma_semaphore, #tpu.memory_space<semaphore_mem>>)
      %scan3A_334 = arith.constant 0 : i32
      scf.yield %scan3A_334 : i32
    }
    %scan3A_42 = arith.constant 63 : i32
    %dma_wait3A = arith.constant 0 : i32
    %dma_wait3A_43 = arith.constant 0 : i32
    %dma_wait3A_44 = tpu.memref_slice %arg6[%dma_wait3A, %dma_wait3A_43] : memref<400x64xf32, #tpu.memory_space<vmem>> -> memref<200x64xf32, #tpu.memory_space<vmem>>
    %dma_wait3A_45 = arith.constant 0 : i32
    %dma_wait3A_46 = arith.constant 0 : i32
    %dma_wait3A_47 = tpu.memref_slice %arg3[%dma_wait3A_45, %dma_wait3A_46] : memref<1000000x64xf32, #tpu.memory_space<hbm>> -> memref<200x64xf32, #tpu.memory_space<hbm>>
    %dma_wait3A_48 = arith.constant 0 : i32
    %dma_wait3A_49 = arith.constant 0 : i32
    %dma_wait3A_50 = tpu.memref_slice %arg6[%dma_wait3A_48, %dma_wait3A_49] : memref<400x64xf32, #tpu.memory_space<vmem>> -> memref<200x64xf32, #tpu.memory_space<vmem>>
    %dma_wait3A_51 = arith.constant 0 : i32
    %dma_wait3A_52 = arith.constant 0 : i32
    %dma_wait3A_53 = tpu.memref_slice %arg3[%dma_wait3A_51, %dma_wait3A_52] : memref<1000000x64xf32, #tpu.memory_space<hbm>> -> memref<200x64xf32, #tpu.memory_space<hbm>>
    tpu.wait_dma2 semaphore(%arg8 : memref<!tpu.dma_semaphore, #tpu.memory_space<semaphore_mem>>) src(%dma_wait3A_53 : memref<200x64xf32, #tpu.memory_space<hbm>>) dst(%dma_wait3A_50 : memref<200x64xf32, #tpu.memory_space<vmem>>)
    %broadcast_in_dim3A = arith.constant 0.000000e+00 : f32
    %broadcast_in_dim3A_54 = vector.broadcast %broadcast_in_dim3A : f32 to vector<16xf32>
    %broadcast_in_dim3A_55 = arith.constant 0.000000e+00 : f32
    %broadcast_in_dim3A_56 = vector.broadcast %broadcast_in_dim3A_55 : f32 to vector<16xf32>
    %broadcast_in_dim3A_57 = arith.constant 0.000000e+00 : f32
    %broadcast_in_dim3A_58 = vector.broadcast %broadcast_in_dim3A_57 : f32 to vector<16xf32>
    %broadcast_in_dim3A_59 = arith.constant 0.000000e+00 : f32
    %broadcast_in_dim3A_60 = vector.broadcast %broadcast_in_dim3A_59 : f32 to vector<16xf32>
    %scan3A_61 = arith.constant 0 : i32
    %scan3A_62 = arith.constant 200 : i32
    %scan3A_63 = arith.addi %scan3A_61, %scan3A_62 : i32
    %scan3A_64 = arith.constant 4 : i32
    %scan3A_65:4 = scf.for %scan3A_150 = %scan3A_61 to %scan3A_63 step %scan3A_64 iter_args(%scan3A_151 = %broadcast_in_dim3A_54, %scan3A_152 = %broadcast_in_dim3A_56, %scan3A_153 = %broadcast_in_dim3A_58, %scan3A_154 = %broadcast_in_dim3A_60) -> (vector<16xf32>, vector<16xf32>, vector<16xf32>, vector<16xf32>)  : i32 {
      %add3A_155 = arith.constant 0 : i32
      %add3A_156 = arith.addi %add3A_155, %scan3A_150 : i32
      %get3A = arith.index_cast %add3A_156 : i32 to index
      %get3A_157 = arith.constant 0 : index
      %get3A_158 = tpu.vector_load %arg6[%get3A, %get3A_157] {strides = array<i32>} : memref<400x64xf32, #tpu.memory_space<vmem>>, vector<1x16xf32>,
      %get3A_159 = vector.shape_cast %get3A_158 : vector<1x16xf32> to vector<16xf32>
      %add3A_160 = arith.addf %scan3A_151, %get3A_159 : vector<16xf32>
      %add3A_161 = arith.constant 0 : i32
      %add3A_162 = arith.addi %add3A_161, %scan3A_150 : i32
      %get3A_163 = arith.index_cast %add3A_162 : i32 to index
      %get3A_164 = arith.constant 16 : index
      %get3A_165 = tpu.vector_load %arg6[%get3A_163, %get3A_164] {strides = array<i32>} : memref<400x64xf32, #tpu.memory_space<vmem>>, vector<1x16xf32>,
      %get3A_166 = vector.shape_cast %get3A_165 : vector<1x16xf32> to vector<16xf32>
      %add3A_167 = arith.addf %scan3A_152, %get3A_166 : vector<16xf32>
      %add3A_168 = arith.constant 0 : i32
      %add3A_169 = arith.addi %add3A_168, %scan3A_150 : i32
      %get3A_170 = arith.index_cast %add3A_169 : i32 to index
      %get3A_171 = arith.constant 32 : index
      %get3A_172 = tpu.vector_load %arg6[%get3A_170, %get3A_171] {strides = array<i32>} : memref<400x64xf32, #tpu.memory_space<vmem>>, vector<1x16xf32>,
      %get3A_173 = vector.shape_cast %get3A_172 : vector<1x16xf32> to vector<16xf32>
      %add3A_174 = arith.addf %scan3A_153, %get3A_173 : vector<16xf32>
      %add3A_175 = arith.constant 0 : i32
      %add3A_176 = arith.addi %add3A_175, %scan3A_150 : i32
      %get3A_177 = arith.index_cast %add3A_176 : i32 to index
      %get3A_178 = arith.constant 48 : index
      %get3A_179 = tpu.vector_load %arg6[%get3A_177, %get3A_178] {strides = array<i32>} : memref<400x64xf32, #tpu.memory_space<vmem>>, vector<1x16xf32>,
      %get3A_180 = vector.shape_cast %get3A_179 : vector<1x16xf32> to vector<16xf32>
      %add3A_181 = arith.addf %scan3A_154, %get3A_180 : vector<16xf32>
      %scan3A_182 = arith.constant 1 : i32
      %scan3A_183 = arith.addi %scan3A_150, %scan3A_182 : i32
      %add3A_184 = arith.constant 0 : i32
      %add3A_185 = arith.addi %add3A_184, %scan3A_183 : i32
      %get3A_186 = arith.index_cast %add3A_185 : i32 to index
      %get3A_187 = arith.constant 0 : index
      %get3A_188 = tpu.vector_load %arg6[%get3A_186, %get3A_187] {strides = array<i32>} : memref<400x64xf32, #tpu.memory_space<vmem>>, vector<1x16xf32>,
      %get3A_189 = vector.shape_cast %get3A_188 : vector<1x16xf32> to vector<16xf32>
      %add3A_190 = arith.addf %add3A_160, %get3A_189 : vector<16xf32>
      %add3A_191 = arith.constant 0 : i32
      %add3A_192 = arith.addi %add3A_191, %scan3A_183 : i32
      %get3A_193 = arith.index_cast %add3A_192 : i32 to index
      %get3A_194 = arith.constant 16 : index
      %get3A_195 = tpu.vector_load %arg6[%get3A_193, %get3A_194] {strides = array<i32>} : memref<400x64xf32, #tpu.memory_space<vmem>>, vector<1x16xf32>,
      %get3A_196 = vector.shape_cast %get3A_195 : vector<1x16xf32> to vector<16xf32>
      %add3A_197 = arith.addf %add3A_167, %get3A_196 : vector<16xf32>
      %add3A_198 = arith.constant 0 : i32
      %add3A_199 = arith.addi %add3A_198, %scan3A_183 : i32
      %get3A_200 = arith.index_cast %add3A_199 : i32 to index
      %get3A_201 = arith.constant 32 : index
      %get3A_202 = tpu.vector_load %arg6[%get3A_200, %get3A_201] {strides = array<i32>} : memref<400x64xf32, #tpu.memory_space<vmem>>, vector<1x16xf32>,
      %get3A_203 = vector.shape_cast %get3A_202 : vector<1x16xf32> to vector<16xf32>
      %add3A_204 = arith.addf %add3A_174, %get3A_203 : vector<16xf32>
      %add3A_205 = arith.constant 0 : i32
      %add3A_206 = arith.addi %add3A_205, %scan3A_183 : i32
      %get3A_207 = arith.index_cast %add3A_206 : i32 to index
      %get3A_208 = arith.constant 48 : index
      %get3A_209 = tpu.vector_load %arg6[%get3A_207, %get3A_208] {strides = array<i32>} : memref<400x64xf32, #tpu.memory_space<vmem>>, vector<1x16xf32>,
      %get3A_210 = vector.shape_cast %get3A_209 : vector<1x16xf32> to vector<16xf32>
      %add3A_211 = arith.addf %add3A_181, %get3A_210 : vector<16xf32>
      %scan3A_212 = arith.constant 2 : i32
      %scan3A_213 = arith.addi %scan3A_150, %scan3A_212 : i32
      %add3A_214 = arith.constant 0 : i32
      %add3A_215 = arith.addi %add3A_214, %scan3A_213 : i32
      %get3A_216 = arith.index_cast %add3A_215 : i32 to index
      %get3A_217 = arith.constant 0 : index
      %get3A_218 = tpu.vector_load %arg6[%get3A_216, %get3A_217] {strides = array<i32>} : memref<400x64xf32, #tpu.memory_space<vmem>>, vector<1x16xf32>,
      %get3A_219 = vector.shape_cast %get3A_218 : vector<1x16xf32> to vector<16xf32>
      %add3A_220 = arith.addf %add3A_190, %get3A_219 : vector<16xf32>
      %add3A_221 = arith.constant 0 : i32
      %add3A_222 = arith.addi %add3A_221, %scan3A_213 : i32
      %get3A_223 = arith.index_cast %add3A_222 : i32 to index
      %get3A_224 = arith.constant 16 : index
      %get3A_225 = tpu.vector_load %arg6[%get3A_223, %get3A_224] {strides = array<i32>} : memref<400x64xf32, #tpu.memory_space<vmem>>, vector<1x16xf32>,
      %get3A_226 = vector.shape_cast %get3A_225 : vector<1x16xf32> to vector<16xf32>
      %add3A_227 = arith.addf %add3A_197, %get3A_226 : vector<16xf32>
      %add3A_228 = arith.constant 0 : i32
      %add3A_229 = arith.addi %add3A_228, %scan3A_213 : i32
      %get3A_230 = arith.index_cast %add3A_229 : i32 to index
      %get3A_231 = arith.constant 32 : index
      %get3A_232 = tpu.vector_load %arg6[%get3A_230, %get3A_231] {strides = array<i32>} : memref<400x64xf32, #tpu.memory_space<vmem>>, vector<1x16xf32>,
      %get3A_233 = vector.shape_cast %get3A_232 : vector<1x16xf32> to vector<16xf32>
      %add3A_234 = arith.addf %add3A_204, %get3A_233 : vector<16xf32>
      %add3A_235 = arith.constant 0 : i32
      %add3A_236 = arith.addi %add3A_235, %scan3A_213 : i32
      %get3A_237 = arith.index_cast %add3A_236 : i32 to index
      %get3A_238 = arith.constant 48 : index
      %get3A_239 = tpu.vector_load %arg6[%get3A_237, %get3A_238] {strides = array<i32>} : memref<400x64xf32, #tpu.memory_space<vmem>>, vector<1x16xf32>,
      %get3A_240 = vector.shape_cast %get3A_239 : vector<1x16xf32> to vector<16xf32>
      %add3A_241 = arith.addf %add3A_211, %get3A_240 : vector<16xf32>
      %scan3A_242 = arith.constant 3 : i32
      %scan3A_243 = arith.addi %scan3A_150, %scan3A_242 : i32
      %add3A_244 = arith.constant 0 : i32
      %add3A_245 = arith.addi %add3A_244, %scan3A_243 : i32
      %get3A_246 = arith.index_cast %add3A_245 : i32 to index
      %get3A_247 = arith.constant 0 : index
      %get3A_248 = tpu.vector_load %arg6[%get3A_246, %get3A_247] {strides = array<i32>} : memref<400x64xf32, #tpu.memory_space<vmem>>, vector<1x16xf32>,
      %get3A_249 = vector.shape_cast %get3A_248 : vector<1x16xf32> to vector<16xf32>
      %add3A_250 = arith.addf %add3A_220, %get3A_249 : vector<16xf32>
      %add3A_251 = arith.constant 0 : i32
      %add3A_252 = arith.addi %add3A_251, %scan3A_243 : i32
      %get3A_253 = arith.index_cast %add3A_252 : i32 to index
      %get3A_254 = arith.constant 16 : index
      %get3A_255 = tpu.vector_load %arg6[%get3A_253, %get3A_254] {strides = array<i32>} : memref<400x64xf32, #tpu.memory_space<vmem>>, vector<1x16xf32>,
      %get3A_256 = vector.shape_cast %get3A_255 : vector<1x16xf32> to vector<16xf32>
      %add3A_257 = arith.addf %add3A_227, %get3A_256 : vector<16xf32>
      %add3A_258 = arith.constant 0 : i32
      %add3A_259 = arith.addi %add3A_258, %scan3A_243 : i32
      %get3A_260 = arith.index_cast %add3A_259 : i32 to index
      %get3A_261 = arith.constant 32 : index
      %get3A_262 = tpu.vector_load %arg6[%get3A_260, %get3A_261] {strides = array<i32>} : memref<400x64xf32, #tpu.memory_space<vmem>>, vector<1x16xf32>,
      %get3A_263 = vector.shape_cast %get3A_262 : vector<1x16xf32> to vector<16xf32>
      %add3A_264 = arith.addf %add3A_234, %get3A_263 : vector<16xf32>
      %add3A_265 = arith.constant 0 : i32
      %add3A_266 = arith.addi %add3A_265, %scan3A_243 : i32
      %get3A_267 = arith.index_cast %add3A_266 : i32 to index
      %get3A_268 = arith.constant 48 : index
      %get3A_269 = tpu.vector_load %arg6[%get3A_267, %get3A_268] {strides = array<i32>} : memref<400x64xf32, #tpu.memory_space<vmem>>, vector<1x16xf32>,
      %get3A_270 = vector.shape_cast %get3A_269 : vector<1x16xf32> to vector<16xf32>
      %add3A_271 = arith.addf %add3A_241, %get3A_270 : vector<16xf32>
      scf.yield %add3A_250, %add3A_257, %add3A_264, %add3A_271 : vector<16xf32>, vector<16xf32>, vector<16xf32>, vector<16xf32>
    }
    %scan3A_66 = arith.constant 200 : i32
    %mul3A_67 = arith.constant 5.000000e-03 : f32
    %mul3A_68 = vector.broadcast %mul3A_67 : f32 to vector<16xf32>
    %mul3A_69 = arith.mulf %scan3A_65#0, %mul3A_68 : vector<16xf32>
    %swap3A = arith.constant 8064 : index
    %swap3A_70 = tpu.vector_load %arg7[%swap3A] {strides = array<i32>} : memref<8192xf32, #tpu.memory_space<vmem>>, vector<16xf32>,
    %swap3A_71 = vector.shape_cast %swap3A_70 : vector<16xf32> to vector<16xf32>
    %swap3A_72 = vector.shape_cast %mul3A_69 : vector<16xf32> to vector<16xf32>
    tpu.vector_store %arg7[%swap3A], %swap3A_72 {strides = array<i32>} : memref<8192xf32, #tpu.memory_space<vmem>>, vector<16xf32>,
    %mul3A_73 = arith.constant 5.000000e-03 : f32
    %mul3A_74 = vector.broadcast %mul3A_73 : f32 to vector<16xf32>
    %mul3A_75 = arith.mulf %scan3A_65#1, %mul3A_74 : vector<16xf32>
    %swap3A_76 = arith.constant 8080 : index
    %swap3A_77 = tpu.vector_load %arg7[%swap3A_76] {strides = array<i32>} : memref<8192xf32, #tpu.memory_space<vmem>>, vector<16xf32>,
    %swap3A_78 = vector.shape_cast %swap3A_77 : vector<16xf32> to vector<16xf32>
    %swap3A_79 = vector.shape_cast %mul3A_75 : vector<16xf32> to vector<16xf32>
    tpu.vector_store %arg7[%swap3A_76], %swap3A_79 {strides = array<i32>} : memref<8192xf32, #tpu.memory_space<vmem>>, vector<16xf32>,
    %mul3A_80 = arith.constant 5.000000e-03 : f32
    %mul3A_81 = vector.broadcast %mul3A_80 : f32 to vector<16xf32>
    %mul3A_82 = arith.mulf %scan3A_65#2, %mul3A_81 : vector<16xf32>
    %swap3A_83 = arith.constant 8096 : index
    %swap3A_84 = tpu.vector_load %arg7[%swap3A_83] {strides = array<i32>} : memref<8192xf32, #tpu.memory_space<vmem>>, vector<16xf32>,
    %swap3A_85 = vector.shape_cast %swap3A_84 : vector<16xf32> to vector<16xf32>
    %swap3A_86 = vector.shape_cast %mul3A_82 : vector<16xf32> to vector<16xf32>
    tpu.vector_store %arg7[%swap3A_83], %swap3A_86 {strides = array<i32>} : memref<8192xf32, #tpu.memory_space<vmem>>, vector<16xf32>,
    %mul3A_87 = arith.constant 5.000000e-03 : f32
    %mul3A_88 = vector.broadcast %mul3A_87 : f32 to vector<16xf32>
    %mul3A_89 = arith.mulf %scan3A_65#3, %mul3A_88 : vector<16xf32>
    %swap3A_90 = arith.constant 8112 : index
    %swap3A_91 = tpu.vector_load %arg7[%swap3A_90] {strides = array<i32>} : memref<8192xf32, #tpu.memory_space<vmem>>, vector<16xf32>,
    %swap3A_92 = vector.shape_cast %swap3A_91 : vector<16xf32> to vector<16xf32>
    %swap3A_93 = vector.shape_cast %mul3A_89 : vector<16xf32> to vector<16xf32>
    tpu.vector_store %arg7[%swap3A_90], %swap3A_93 {strides = array<i32>} : memref<8192xf32, #tpu.memory_space<vmem>>, vector<16xf32>,
    %dma_wait3A_94 = arith.constant 200 : i32
    %dma_wait3A_95 = arith.constant 0 : i32
    %dma_wait3A_96 = tpu.memref_slice %arg6[%dma_wait3A_94, %dma_wait3A_95] : memref<400x64xf32, #tpu.memory_space<vmem>> -> memref<200x64xf32, #tpu.memory_space<vmem>>
    %dma_wait3A_97 = arith.constant 0 : i32
    %dma_wait3A_98 = arith.constant 0 : i32
    %dma_wait3A_99 = tpu.memref_slice %arg3[%dma_wait3A_97, %dma_wait3A_98] : memref<1000000x64xf32, #tpu.memory_space<hbm>> -> memref<200x64xf32, #tpu.memory_space<hbm>>
    %dma_wait3A_100 = arith.constant 200 : i32
    %dma_wait3A_101 = arith.constant 0 : i32
    %dma_wait3A_102 = tpu.memref_slice %arg6[%dma_wait3A_100, %dma_wait3A_101] : memref<400x64xf32, #tpu.memory_space<vmem>> -> memref<200x64xf32, #tpu.memory_space<vmem>>
    %dma_wait3A_103 = arith.constant 0 : i32
    %dma_wait3A_104 = arith.constant 0 : i32
    %dma_wait3A_105 = tpu.memref_slice %arg3[%dma_wait3A_103, %dma_wait3A_104] : memref<1000000x64xf32, #tpu.memory_space<hbm>> -> memref<200x64xf32, #tpu.memory_space<hbm>>
    tpu.wait_dma2 semaphore(%arg9 : memref<!tpu.dma_semaphore, #tpu.memory_space<semaphore_mem>>) src(%dma_wait3A_105 : memref<200x64xf32, #tpu.memory_space<hbm>>) dst(%dma_wait3A_102 : memref<200x64xf32, #tpu.memory_space<vmem>>)
    %broadcast_in_dim3A_106 = arith.constant 0.000000e+00 : f32
    %broadcast_in_dim3A_107 = vector.broadcast %broadcast_in_dim3A_106 : f32 to vector<16xf32>
    %broadcast_in_dim3A_108 = arith.constant 0.000000e+00 : f32
    %broadcast_in_dim3A_109 = vector.broadcast %broadcast_in_dim3A_108 : f32 to vector<16xf32>
    %broadcast_in_dim3A_110 = arith.constant 0.000000e+00 : f32
    %broadcast_in_dim3A_111 = vector.broadcast %broadcast_in_dim3A_110 : f32 to vector<16xf32>
    %broadcast_in_dim3A_112 = arith.constant 0.000000e+00 : f32
    %broadcast_in_dim3A_113 = vector.broadcast %broadcast_in_dim3A_112 : f32 to vector<16xf32>
    %scan3A_114 = arith.constant 0 : i32
    %scan3A_115 = arith.constant 200 : i32
    %scan3A_116 = arith.addi %scan3A_114, %scan3A_115 : i32
    %scan3A_117 = arith.constant 4 : i32
    %scan3A_118:4 = scf.for %scan3A_150 = %scan3A_114 to %scan3A_116 step %scan3A_117 iter_args(%scan3A_151 = %broadcast_in_dim3A_107, %scan3A_152 = %broadcast_in_dim3A_109, %scan3A_153 = %broadcast_in_dim3A_111, %scan3A_154 = %broadcast_in_dim3A_113) -> (vector<16xf32>, vector<16xf32>, vector<16xf32>, vector<16xf32>)  : i32 {
      %add3A_155 = arith.constant 200 : i32
      %add3A_156 = arith.addi %add3A_155, %scan3A_150 : i32
      %get3A = arith.index_cast %add3A_156 : i32 to index
      %get3A_157 = arith.constant 0 : index
      %get3A_158 = tpu.vector_load %arg6[%get3A, %get3A_157] {strides = array<i32>} : memref<400x64xf32, #tpu.memory_space<vmem>>, vector<1x16xf32>,
      %get3A_159 = vector.shape_cast %get3A_158 : vector<1x16xf32> to vector<16xf32>
      %add3A_160 = arith.addf %scan3A_151, %get3A_159 : vector<16xf32>
      %add3A_161 = arith.constant 200 : i32
      %add3A_162 = arith.addi %add3A_161, %scan3A_150 : i32
      %get3A_163 = arith.index_cast %add3A_162 : i32 to index
      %get3A_164 = arith.constant 16 : index
      %get3A_165 = tpu.vector_load %arg6[%get3A_163, %get3A_164] {strides = array<i32>} : memref<400x64xf32, #tpu.memory_space<vmem>>, vector<1x16xf32>,
      %get3A_166 = vector.shape_cast %get3A_165 : vector<1x16xf32> to vector<16xf32>
      %add3A_167 = arith.addf %scan3A_152, %get3A_166 : vector<16xf32>
      %add3A_168 = arith.constant 200 : i32
      %add3A_169 = arith.addi %add3A_168, %scan3A_150 : i32
      %get3A_170 = arith.index_cast %add3A_169 : i32 to index
      %get3A_171 = arith.constant 32 : index
      %get3A_172 = tpu.vector_load %arg6[%get3A_170, %get3A_171] {strides = array<i32>} : memref<400x64xf32, #tpu.memory_space<vmem>>, vector<1x16xf32>,
      %get3A_173 = vector.shape_cast %get3A_172 : vector<1x16xf32> to vector<16xf32>
      %add3A_174 = arith.addf %scan3A_153, %get3A_173 : vector<16xf32>
      %add3A_175 = arith.constant 200 : i32
      %add3A_176 = arith.addi %add3A_175, %scan3A_150 : i32
      %get3A_177 = arith.index_cast %add3A_176 : i32 to index
      %get3A_178 = arith.constant 48 : index
      %get3A_179 = tpu.vector_load %arg6[%get3A_177, %get3A_178] {strides = array<i32>} : memref<400x64xf32, #tpu.memory_space<vmem>>, vector<1x16xf32>,
      %get3A_180 = vector.shape_cast %get3A_179 : vector<1x16xf32> to vector<16xf32>
      %add3A_181 = arith.addf %scan3A_154, %get3A_180 : vector<16xf32>
      %scan3A_182 = arith.constant 1 : i32
      %scan3A_183 = arith.addi %scan3A_150, %scan3A_182 : i32
      %add3A_184 = arith.constant 200 : i32
      %add3A_185 = arith.addi %add3A_184, %scan3A_183 : i32
      %get3A_186 = arith.index_cast %add3A_185 : i32 to index
      %get3A_187 = arith.constant 0 : index
      %get3A_188 = tpu.vector_load %arg6[%get3A_186, %get3A_187] {strides = array<i32>} : memref<400x64xf32, #tpu.memory_space<vmem>>, vector<1x16xf32>,
      %get3A_189 = vector.shape_cast %get3A_188 : vector<1x16xf32> to vector<16xf32>
      %add3A_190 = arith.addf %add3A_160, %get3A_189 : vector<16xf32>
      %add3A_191 = arith.constant 200 : i32
      %add3A_192 = arith.addi %add3A_191, %scan3A_183 : i32
      %get3A_193 = arith.index_cast %add3A_192 : i32 to index
      %get3A_194 = arith.constant 16 : index
      %get3A_195 = tpu.vector_load %arg6[%get3A_193, %get3A_194] {strides = array<i32>} : memref<400x64xf32, #tpu.memory_space<vmem>>, vector<1x16xf32>,
      %get3A_196 = vector.shape_cast %get3A_195 : vector<1x16xf32> to vector<16xf32>
      %add3A_197 = arith.addf %add3A_167, %get3A_196 : vector<16xf32>
      %add3A_198 = arith.constant 200 : i32
      %add3A_199 = arith.addi %add3A_198, %scan3A_183 : i32
      %get3A_200 = arith.index_cast %add3A_199 : i32 to index
      %get3A_201 = arith.constant 32 : index
      %get3A_202 = tpu.vector_load %arg6[%get3A_200, %get3A_201] {strides = array<i32>} : memref<400x64xf32, #tpu.memory_space<vmem>>, vector<1x16xf32>,
      %get3A_203 = vector.shape_cast %get3A_202 : vector<1x16xf32> to vector<16xf32>
      %add3A_204 = arith.addf %add3A_174, %get3A_203 : vector<16xf32>
      %add3A_205 = arith.constant 200 : i32
      %add3A_206 = arith.addi %add3A_205, %scan3A_183 : i32
      %get3A_207 = arith.index_cast %add3A_206 : i32 to index
      %get3A_208 = arith.constant 48 : index
      %get3A_209 = tpu.vector_load %arg6[%get3A_207, %get3A_208] {strides = array<i32>} : memref<400x64xf32, #tpu.memory_space<vmem>>, vector<1x16xf32>,
      %get3A_210 = vector.shape_cast %get3A_209 : vector<1x16xf32> to vector<16xf32>
      %add3A_211 = arith.addf %add3A_181, %get3A_210 : vector<16xf32>
      %scan3A_212 = arith.constant 2 : i32
      %scan3A_213 = arith.addi %scan3A_150, %scan3A_212 : i32
      %add3A_214 = arith.constant 200 : i32
      %add3A_215 = arith.addi %add3A_214, %scan3A_213 : i32
      %get3A_216 = arith.index_cast %add3A_215 : i32 to index
      %get3A_217 = arith.constant 0 : index
      %get3A_218 = tpu.vector_load %arg6[%get3A_216, %get3A_217] {strides = array<i32>} : memref<400x64xf32, #tpu.memory_space<vmem>>, vector<1x16xf32>,
      %get3A_219 = vector.shape_cast %get3A_218 : vector<1x16xf32> to vector<16xf32>
      %add3A_220 = arith.addf %add3A_190, %get3A_219 : vector<16xf32>
      %add3A_221 = arith.constant 200 : i32
      %add3A_222 = arith.addi %add3A_221, %scan3A_213 : i32
      %get3A_223 = arith.index_cast %add3A_222 : i32 to index
      %get3A_224 = arith.constant 16 : index
      %get3A_225 = tpu.vector_load %arg6[%get3A_223, %get3A_224] {strides = array<i32>} : memref<400x64xf32, #tpu.memory_space<vmem>>, vector<1x16xf32>,
      %get3A_226 = vector.shape_cast %get3A_225 : vector<1x16xf32> to vector<16xf32>
      %add3A_227 = arith.addf %add3A_197, %get3A_226 : vector<16xf32>
      %add3A_228 = arith.constant 200 : i32
      %add3A_229 = arith.addi %add3A_228, %scan3A_213 : i32
      %get3A_230 = arith.index_cast %add3A_229 : i32 to index
      %get3A_231 = arith.constant 32 : index
      %get3A_232 = tpu.vector_load %arg6[%get3A_230, %get3A_231] {strides = array<i32>} : memref<400x64xf32, #tpu.memory_space<vmem>>, vector<1x16xf32>,
      %get3A_233 = vector.shape_cast %get3A_232 : vector<1x16xf32> to vector<16xf32>
      %add3A_234 = arith.addf %add3A_204, %get3A_233 : vector<16xf32>
      %add3A_235 = arith.constant 200 : i32
      %add3A_236 = arith.addi %add3A_235, %scan3A_213 : i32
      %get3A_237 = arith.index_cast %add3A_236 : i32 to index
      %get3A_238 = arith.constant 48 : index
      %get3A_239 = tpu.vector_load %arg6[%get3A_237, %get3A_238] {strides = array<i32>} : memref<400x64xf32, #tpu.memory_space<vmem>>, vector<1x16xf32>,
      %get3A_240 = vector.shape_cast %get3A_239 : vector<1x16xf32> to vector<16xf32>
      %add3A_241 = arith.addf %add3A_211, %get3A_240 : vector<16xf32>
      %scan3A_242 = arith.constant 3 : i32
      %scan3A_243 = arith.addi %scan3A_150, %scan3A_242 : i32
      %add3A_244 = arith.constant 200 : i32
      %add3A_245 = arith.addi %add3A_244, %scan3A_243 : i32
      %get3A_246 = arith.index_cast %add3A_245 : i32 to index
      %get3A_247 = arith.constant 0 : index
      %get3A_248 = tpu.vector_load %arg6[%get3A_246, %get3A_247] {strides = array<i32>} : memref<400x64xf32, #tpu.memory_space<vmem>>, vector<1x16xf32>,
      %get3A_249 = vector.shape_cast %get3A_248 : vector<1x16xf32> to vector<16xf32>
      %add3A_250 = arith.addf %add3A_220, %get3A_249 : vector<16xf32>
      %add3A_251 = arith.constant 200 : i32
      %add3A_252 = arith.addi %add3A_251, %scan3A_243 : i32
      %get3A_253 = arith.index_cast %add3A_252 : i32 to index
      %get3A_254 = arith.constant 16 : index
      %get3A_255 = tpu.vector_load %arg6[%get3A_253, %get3A_254] {strides = array<i32>} : memref<400x64xf32, #tpu.memory_space<vmem>>, vector<1x16xf32>,
      %get3A_256 = vector.shape_cast %get3A_255 : vector<1x16xf32> to vector<16xf32>
      %add3A_257 = arith.addf %add3A_227, %get3A_256 : vector<16xf32>
      %add3A_258 = arith.constant 200 : i32
      %add3A_259 = arith.addi %add3A_258, %scan3A_243 : i32
      %get3A_260 = arith.index_cast %add3A_259 : i32 to index
      %get3A_261 = arith.constant 32 : index
      %get3A_262 = tpu.vector_load %arg6[%get3A_260, %get3A_261] {strides = array<i32>} : memref<400x64xf32, #tpu.memory_space<vmem>>, vector<1x16xf32>,
      %get3A_263 = vector.shape_cast %get3A_262 : vector<1x16xf32> to vector<16xf32>
      %add3A_264 = arith.addf %add3A_234, %get3A_263 : vector<16xf32>
      %add3A_265 = arith.constant 200 : i32
      %add3A_266 = arith.addi %add3A_265, %scan3A_243 : i32
      %get3A_267 = arith.index_cast %add3A_266 : i32 to index
      %get3A_268 = arith.constant 48 : index
      %get3A_269 = tpu.vector_load %arg6[%get3A_267, %get3A_268] {strides = array<i32>} : memref<400x64xf32, #tpu.memory_space<vmem>>, vector<1x16xf32>,
      %get3A_270 = vector.shape_cast %get3A_269 : vector<1x16xf32> to vector<16xf32>
      %add3A_271 = arith.addf %add3A_241, %get3A_270 : vector<16xf32>
      scf.yield %add3A_250, %add3A_257, %add3A_264, %add3A_271 : vector<16xf32>, vector<16xf32>, vector<16xf32>, vector<16xf32>
    }
    %scan3A_119 = arith.constant 200 : i32
    %mul3A_120 = arith.constant 5.000000e-03 : f32
    %mul3A_121 = vector.broadcast %mul3A_120 : f32 to vector<16xf32>
    %mul3A_122 = arith.mulf %scan3A_118#0, %mul3A_121 : vector<16xf32>
    %swap3A_123 = arith.constant 8128 : index
    %swap3A_124 = tpu.vector_load %arg7[%swap3A_123] {strides = array<i32>} : memref<8192xf32, #tpu.memory_space<vmem>>, vector<16xf32>,
    %swap3A_125 = vector.shape_cast %swap3A_124 : vector<16xf32> to vector<16xf32>
    %swap3A_126 = vector.shape_cast %mul3A_122 : vector<16xf32> to vector<16xf32>
    tpu.vector_store %arg7[%swap3A_123], %swap3A_126 {strides = array<i32>} : memref<8192xf32, #tpu.memory_space<vmem>>, vector<16xf32>,
    %mul3A_127 = arith.constant 5.000000e-03 : f32
    %mul3A_128 = vector.broadcast %mul3A_127 : f32 to vector<16xf32>
    %mul3A_129 = arith.mulf %scan3A_118#1, %mul3A_128 : vector<16xf32>
    %swap3A_130 = arith.constant 8144 : index
    %swap3A_131 = tpu.vector_load %arg7[%swap3A_130] {strides = array<i32>} : memref<8192xf32, #tpu.memory_space<vmem>>, vector<16xf32>,
    %swap3A_132 = vector.shape_cast %swap3A_131 : vector<16xf32> to vector<16xf32>
    %swap3A_133 = vector.shape_cast %mul3A_129 : vector<16xf32> to vector<16xf32>
    tpu.vector_store %arg7[%swap3A_130], %swap3A_133 {strides = array<i32>} : memref<8192xf32, #tpu.memory_space<vmem>>, vector<16xf32>,
    %mul3A_134 = arith.constant 5.000000e-03 : f32
    %mul3A_135 = vector.broadcast %mul3A_134 : f32 to vector<16xf32>
    %mul3A_136 = arith.mulf %scan3A_118#2, %mul3A_135 : vector<16xf32>
    %swap3A_137 = arith.constant 8160 : index
    %swap3A_138 = tpu.vector_load %arg7[%swap3A_137] {strides = array<i32>} : memref<8192xf32, #tpu.memory_space<vmem>>, vector<16xf32>,
    %swap3A_139 = vector.shape_cast %swap3A_138 : vector<16xf32> to vector<16xf32>
    %swap3A_140 = vector.shape_cast %mul3A_136 : vector<16xf32> to vector<16xf32>
    tpu.vector_store %arg7[%swap3A_137], %swap3A_140 {strides = array<i32>} : memref<8192xf32, #tpu.memory_space<vmem>>, vector<16xf32>,
    %mul3A_141 = arith.constant 5.000000e-03 : f32
    %mul3A_142 = vector.broadcast %mul3A_141 : f32 to vector<16xf32>
    %mul3A_143 = arith.mulf %scan3A_118#3, %mul3A_142 : vector<16xf32>
    %swap3A_144 = arith.constant 8176 : index
    %swap3A_145 = tpu.vector_load %arg7[%swap3A_144] {strides = array<i32>} : memref<8192xf32, #tpu.memory_space<vmem>>, vector<16xf32>,
    %swap3A_146 = vector.shape_cast %swap3A_145 : vector<16xf32> to vector<16xf32>
    %swap3A_147 = vector.shape_cast %mul3A_143 : vector<16xf32> to vector<16xf32>
    tpu.vector_store %arg7[%swap3A_144], %swap3A_147 {strides = array<i32>} : memref<8192xf32, #tpu.memory_space<vmem>>, vector<16xf32>,
    %mul3A_148 = arith.constant 64 : i32
    %mul3A_149 = arith.muli %mul3A_2, %mul3A_148 : i32
    "tpu.region"() ({
      %run_scoped3A = tpu.sem_alloc : memref<!tpu.dma_semaphore, #tpu.memory_space<semaphore_mem>>
      %dma_start3A_150 = tpu.memref_slice %arg4[%mul3A_149] : memref<262144xf32, #tpu.memory_space<hbm>> -> memref<8192xf32, #tpu.memory_space<hbm>>
      %dma_start3A_151 = tpu.memref_slice %arg4[%mul3A_149] : memref<262144xf32, #tpu.memory_space<hbm>> -> memref<8192xf32, #tpu.memory_space<hbm>>
      tpu.enqueue_dma source(%arg7 : memref<8192xf32, #tpu.memory_space<vmem>>) target(%dma_start3A_151 : memref<8192xf32, #tpu.memory_space<hbm>>) target_semaphore(%run_scoped3A : memref<!tpu.dma_semaphore, #tpu.memory_space<semaphore_mem>>)
      %dma_wait3A_152 = tpu.memref_slice %arg4[%mul3A_149] : memref<262144xf32, #tpu.memory_space<hbm>> -> memref<8192xf32, #tpu.memory_space<hbm>>
      %dma_wait3A_153 = tpu.memref_slice %arg4[%mul3A_149] : memref<262144xf32, #tpu.memory_space<hbm>> -> memref<8192xf32, #tpu.memory_space<hbm>>
      tpu.wait_dma2 semaphore(%run_scoped3A : memref<!tpu.dma_semaphore, #tpu.memory_space<semaphore_mem>>) src(%arg7 : memref<8192xf32, #tpu.memory_space<vmem>>) dst(%dma_wait3A_153 : memref<8192xf32, #tpu.memory_space<hbm>>)
      tpu.yield
    }) : () -> ()
    return
  }
}

module attributes {stable_mosaic.version = 14 : i64} {
  func.func @_mlp_body(%arg0: i32, %arg1: memref<512x64xf32, #tpu.memory_space<vmem>>, %arg2: memref<64x256xf32, #tpu.memory_space<vmem>>, %arg3: memref<1x256xf32, #tpu.memory_space<vmem>>, %arg4: memref<256x50xf32, #tpu.memory_space<vmem>>, %arg5: memref<1x50xf32, #tpu.memory_space<vmem>>, %arg6: memref<512x50xf32, #tpu.memory_space<vmem>>) attributes {dimension_semantics = [#tpu.dimension_semantics<arbitrary>], iteration_bounds = array<i64: 8>, scalar_prefetch = 0 : i64, scratch_operands = 0 : i64, tpu.core_type = #tpu.core_type<tc>, window_params = [{transform_indices = @transform_0, window_bounds = array<i64: 512, 64>}, {pipeline_mode = #tpu.pipeline_mode<synchronous>, transform_indices = @transform_1, window_bounds = array<i64: 64, 256>}, {pipeline_mode = #tpu.pipeline_mode<synchronous>, transform_indices = @transform_2, window_bounds = array<i64: 1, 256>}, {pipeline_mode = #tpu.pipeline_mode<synchronous>, transform_indices = @transform_3, window_bounds = array<i64: 256, 50>}, {pipeline_mode = #tpu.pipeline_mode<synchronous>, transform_indices = @transform_4, window_bounds = array<i64: 1, 50>}, {transform_indices = @transform_5, window_bounds = array<i64: 512, 50>}]} {
    %get3A = arith.constant 0 : index
    %get3A_0 = arith.constant 0 : index
    %get3A_1 = vector.load %arg1[%get3A, %get3A_0] : memref<512x64xf32, #tpu.memory_space<vmem>>, vector<512x64xf32>
    %get3A_2 = arith.constant 0 : index
    %get3A_3 = arith.constant 0 : index
    %get3A_4 = vector.load %arg2[%get3A_2, %get3A_3] : memref<64x256xf32, #tpu.memory_space<vmem>>, vector<64x256xf32>
    %dot_general3A = arith.constant dense<0.000000e+00> : vector<512x256xf32>
    %dot_general3A_5 = tpu.matmul %get3A_1, %get3A_4, %dot_general3A {dimension_numbers = #tpu.dot_dimension_numbers<[1], [0], [0], [1], [0, 0, 1, 1], [], []>, transpose_lhs_hint = false} : vector<512x64xf32>, vector<64x256xf32>, vector<512x256xf32> -> vector<512x256xf32>
    %get3A_6 = arith.constant 0 : index
    %get3A_7 = arith.constant 0 : index
    %get3A_8 = vector.load %arg3[%get3A_6, %get3A_7] : memref<1x256xf32, #tpu.memory_space<vmem>>, vector<1x256xf32>
    %add3A = vector.broadcast %get3A_8 : vector<1x256xf32> to vector<512x256xf32>
    %add3A_9 = arith.addf %dot_general3A_5, %add3A : vector<512x256xf32>
    %max3A = arith.constant 0.000000e+00 : f32
    %max3A_10 = vector.broadcast %max3A : f32 to vector<512x256xf32>
    %max3A_11 = arith.maximumf %add3A_9, %max3A_10 : vector<512x256xf32>
    %get3A_12 = arith.constant 0 : index
    %get3A_13 = arith.constant 0 : index
    %get3A_14 = vector.load %arg4[%get3A_12, %get3A_13] : memref<256x50xf32, #tpu.memory_space<vmem>>, vector<256x50xf32>
    %dot_general3A_15 = arith.constant dense<0.000000e+00> : vector<512x50xf32>
    %dot_general3A_16 = tpu.matmul %max3A_11, %get3A_14, %dot_general3A_15 {dimension_numbers = #tpu.dot_dimension_numbers<[1], [0], [0], [1], [0, 0, 1, 1], [], []>, transpose_lhs_hint = false} : vector<512x256xf32>, vector<256x50xf32>, vector<512x50xf32> -> vector<512x50xf32>
    %get3A_17 = arith.constant 0 : index
    %get3A_18 = arith.constant 0 : index
    %get3A_19 = vector.load %arg5[%get3A_17, %get3A_18] : memref<1x50xf32, #tpu.memory_space<vmem>>, vector<1x50xf32>
    %add3A_20 = vector.broadcast %get3A_19 : vector<1x50xf32> to vector<512x50xf32>
    %add3A_21 = arith.addf %dot_general3A_16, %add3A_20 : vector<512x50xf32>
    %swap3A = arith.constant 0 : index
    %swap3A_22 = arith.constant 0 : index
    %swap3A_23 = vector.load %arg6[%swap3A, %swap3A_22] : memref<512x50xf32, #tpu.memory_space<vmem>>, vector<512x50xf32>
    tpu.vector_store %arg6[%swap3A, %swap3A_22], %add3A_21 {strides = array<i32>} : memref<512x50xf32, #tpu.memory_space<vmem>>, vector<512x50xf32>,
    return
  }
  func.func @transform_0(%arg0: i32) -> (i32, i32) {
    %c0_i32 = arith.constant 0 : i32
    %c0_i32_0 = arith.constant 0 : i32
    return %arg0, %c0_i32 : i32, i32
  }
  func.func @transform_1(%arg0: i32) -> (i32, i32) {
    %c0_i32 = arith.constant 0 : i32
    %c0_i32_0 = arith.constant 0 : i32
    %c0_i32_1 = arith.constant 0 : i32
    return %c0_i32, %c0_i32_0 : i32, i32
  }
  func.func @transform_2(%arg0: i32) -> (i32, i32) {
    %c0_i32 = arith.constant 0 : i32
    %c0_i32_0 = arith.constant 0 : i32
    %c0_i32_1 = arith.constant 0 : i32
    return %c0_i32, %c0_i32_0 : i32, i32
  }
  func.func @transform_3(%arg0: i32) -> (i32, i32) {
    %c0_i32 = arith.constant 0 : i32
    %c0_i32_0 = arith.constant 0 : i32
    %c0_i32_1 = arith.constant 0 : i32
    return %c0_i32, %c0_i32_0 : i32, i32
  }
  func.func @transform_4(%arg0: i32) -> (i32, i32) {
    %c0_i32 = arith.constant 0 : i32
    %c0_i32_0 = arith.constant 0 : i32
    %c0_i32_1 = arith.constant 0 : i32
    return %c0_i32, %c0_i32_0 : i32, i32
  }
  func.func @transform_5(%arg0: i32) -> (i32, i32) {
    %c0_i32 = arith.constant 0 : i32
    %c0_i32_0 = arith.constant 0 : i32
    return %arg0, %c0_i32 : i32, i32
  }
}

</mosaic_0001>

<sc_bundles>
// kernel: kernel.5.cloned.1.call-start
scs
__scs_entry_jumppad:
0x0: {  	(pc) =	sbr.rel $0x88, $3  }
0x1: {  	(tag) =	ssettag $0x0;
	lr =	simm.s32 $0x1  }
0x2: {  	[smem:$0x3F9B] =	sst lr;
	_ =	strace $0xD0000000  }
0x3: {  	_ = 	snop  }
0x4: {  	_ = 	snop  }
0x5: {  	_ = 	snop  }
0x6: {  	_ = 	snop  }
0x7: {  	_ = 	snop  }
__scs_overlays_trampoline_lowered:
0x8: {  	[smem:$0x3FAA] =	sst s0  }
0x9: {  	[smem:$0x3FAB] =	sst s1  }
0xa: {  	[smem:$0x3FAC] =	sst s2  }
0xb: {  	[smem:$0x3FAD] =	sst s3  }
0xc: {  	[smem:$0x3FAE] =	sst s4  }
0xd: {  	[smem:$0x3FAF] =	sst s5  }
0xe: {  	[smem:$0x3FB0] =	sst s6  }
0xf: {  	[smem:$0x3FB1] =	sst s7  }
0x10: {  	[smem:$0x3FB2] =	sst s8  }
0x11: {  	[smem:$0x3FB3] =	sst s9;
	s0 =	simm.s32 @!p0 $0x0  }
0x12: {  	s1 =	sld [smem:$0x3F99];
	s0 =	simm.s32 @p0 $0x1  }
0x13: {  	[smem:$0x3FB4] =	sst s0;
	s0 =	simm.s32 @!p1 $0x0  }
0x14: {  	s2 =	sld [smem:$0x3F98];
	s0 =	simm.s32 @p1 $0x1  }
0x15: {  	[smem:$0x3FB5] =	sst s0;
	s0 =	simm.s32 @!p2 $0x0  }
0x16: {  	s3 =	sld [smem:$0x3FDB];
	s0 =	simm.s32 @p2 $0x1  }
0x17: {  	s4 =	simm.s32 $0x1BF5;
	[smem:$0x3FB7] =	sst s0  }
0x18: {  	s0 =	sld [smem:$0x3F9A];
	_ =	swait.ge [sflag:s4], $0x0  }
0x19: {  	s7 =	sld [smem:$0x3F9B]  }
0x1a: {  	s8 =	sadd.s32 $0xFFFFE003, lr  }
0x1b: {  	s9 =	sadd.s32 $0xFFFFFEF7, lr;
	s5 =	simm.s32 $0xFFFFFFFF;
	p2 =	slt.u32 s8, $0xFFFFF086  }
0x1c: {  	p1 =	slt.u32 s9, $0xF7A;
	s5 =	simm.s32 @!p2 $0x0  }
0x1d: {  	s5 =	simm.s32 @p1 $0x1;
	p0 =	seq.s32 s7, s2  }
0x1e: {  	s7 =	smul.u32 @!p0 $0xF7A, s2;
	p2 =	seq.s32 @!p0 s5, $0x0  }
0x1f: {  	s9 =	smul.u32 $0xF7A, s1;
	s8 =	simm.s32 @!p0 $0x1BF5;
	p2 =	por !p2, p0  }
0x20: {  	[sflag:s8] =	ssyncset.s32 @!p0 $0xFFFFF086;
	s6 =	sadd.s32 @!p0 s3, s7;
	s7 =	simm.s32 @!p0 $0x108  }
0x21: {  	s3 =	sadd.s32 s3, s9;
	s6 =	sadd.s32 @!p0 $0x88, s6;
	s7 =	simm.s32 @p2 $0x1082  }
0x22: {  	[simem:s7], [sflag:s8] =	dma.local @!p0 [hbm:s6], $0xF7A  }
0x23: {  	s9 =	sor.u32 $0xD0000000, s2;
	s6 =	simm.s32 $0x108;
	_ =	swait.ge @!p0 [sflag:s8], $0x0  }
0x24: {  	s3 =	sadd.s32 $0x88, s3;
	s6 =	simm.s32 @!p1 $0x1082;
	[sflag:s4] =	ssyncset.s32 $0xFFFFF086  }
0x25: {  	[simem:s6], [sflag:s4] =	dma.local [hbm:s3], $0xF7A  }
0x26: {  	[smem:$0x3F9B] =	sst s1;
	(tag) =	ssettag s2;
	_ =	strace s9  }
0x27: {  	s1 =	sld [smem:$0x3FAB]  }
0x28: {  	s2 =	sld [smem:$0x3FAC]  }
0x29: {  	s4 =	sld [smem:$0x3FAE]  }
0x2a: {  	p0 =	seq.s32 s5, $0x0;
	s5 =	sld [smem:$0x3FAF]  }
0x2b: {  	s6 =	sld [smem:$0x3FB0]  }
0x2c: {  	s7 =	sld [smem:$0x3FB1]  }
0x2d: {  	s3 =	simm.s32 $0x108;
	s8 =	sld [smem:$0x3FB2]  }
0x2e: {  	s3 =	simm.s32 @!p0 $0x1082;
	s9 =	sld [smem:$0x3FB3]  }
0x2f: {  	lr =	sadd.s32 s0, s3;
	s0 =	sld [smem:$0x3FAA]  }
0x30: {  	s3 =	sld [smem:$0x3FAD]  }
0x31: {  	[smem:$0x3FB6] =	sst s10  }
0x32: {  	s10 =	sld [smem:$0x3FB4];
	_ =	sdelay $0x3  }
0x33: {  	p0 =	seq.s32 s10, $0x1;
	s10 =	sld [smem:$0x3FB6];
	_ =	sdelay $0x3  }
0x34: {  	[smem:$0x3FB6] =	sst s10  }
0x35: {  	s10 =	sld [smem:$0x3FB5];
	_ =	sdelay $0x3  }
0x36: {  	p1 =	seq.s32 s10, $0x1;
	s10 =	sld [smem:$0x3FB6];
	_ =	sdelay $0x3  }
0x37: {  	[smem:$0x3FB6] =	sst s10  }
0x38: {  	s10 =	sld [smem:$0x3FB7]  }
0x39: {  	_ = 	snop;
	(pc) =	sbr.ind lr, $3  }
0x3a: {  	_ = 	snop  }
0x3b: {  	_ = 	snop  }
0x3c: {  	p2 =	seq.s32 s10, $0x1;
	s10 =	sld [smem:$0x3FB6]  }
0x3d: {  	_ =	shalt  }
0x3e: {  	_ =	shalt  }
0x3f: {  	_ =	shalt  }
0x40: {  	_ =	shalt  }
0x41: {  	_ =	shalt  }
0x42: {  	_ =	shalt  }
0x43: {  	_ =	shalt  }
0x44: {  	_ =	shalt  }
0x45: {  	_ =	shalt  }
0x46: {  	_ =	shalt  }
0x47: {  	_ =	shalt  }
0x48: {  	_ =	shalt  }
0x49: {  	_ =	shalt  }
0x4a: {  	_ =	shalt  }
0x4b: {  	_ =	shalt  }
0x4c: {  	_ =	shalt  }
0x4d: {  	_ =	shalt  }
0x4e: {  	_ =	shalt  }
0x4f: {  	_ =	shalt  }
0x50: {  	_ =	shalt  }
0x51: {  	_ =	shalt  }
0x52: {  	_ =	shalt  }
0x53: {  	_ =	shalt  }
0x54: {  	_ =	shalt  }
0x55: {  	_ =	shalt  }
0x56: {  	_ =	shalt  }
0x57: {  	_ =	shalt  }
0x58: {  	_ =	shalt  }
0x59: {  	_ =	shalt  }
0x5a: {  	_ =	shalt  }
0x5b: {  	_ =	shalt  }
0x5c: {  	_ =	shalt  }
0x5d: {  	_ =	shalt  }
0x5e: {  	_ =	shalt  }
0x5f: {  	_ =	shalt  }
0x60: {  	_ =	shalt  }
0x61: {  	_ =	shalt  }
0x62: {  	_ =	shalt  }
0x63: {  	_ =	shalt  }
0x64: {  	_ =	shalt  }
0x65: {  	_ =	shalt  }
0x66: {  	_ =	shalt  }
0x67: {  	_ =	shalt  }
0x68: {  	_ =	shalt  }
0x69: {  	_ =	shalt  }
0x6a: {  	_ =	shalt  }
0x6b: {  	_ =	shalt  }
0x6c: {  	_ =	shalt  }
0x6d: {  	_ =	shalt  }
0x6e: {  	_ =	shalt  }
0x6f: {  	_ =	shalt  }
0x70: {  	_ =	shalt  }
0x71: {  	_ =	shalt  }
0x72: {  	_ =	shalt  }
0x73: {  	_ =	shalt  }
0x74: {  	_ =	shalt  }
0x75: {  	_ =	shalt  }
0x76: {  	_ =	shalt  }
0x77: {  	_ =	shalt  }
0x78: {  	_ =	shalt  }
0x79: {  	_ =	shalt  }
0x7a: {  	_ =	shalt  }
0x7b: {  	_ =	shalt  }
0x7c: {  	_ =	shalt  }
0x7d: {  	_ =	shalt  }
0x7e: {  	_ =	shalt  }
0x7f: {  	_ =	shalt  }
0x80: {  	_ =	shalt  }
0x81: {  	_ =	shalt  }
0x82: {  	_ =	shalt  }
0x83: {  	_ =	shalt  }
0x84: {  	_ =	shalt  }
0x85: {  	_ =	shalt  }
0x86: {  	_ =	shalt  }
0x87: {  	_ =	shalt  }
.Lfunc_end0:
.L_simem_size_0:
called_computation_lowered:
.L_overlay_start_0:
0x88: {  	s2 =	sld [smem:$0x3FD9]  }
0x89: {  	s3 =	sld [smem:$0x3FFE];
	_ =	sdelay $0x1  }
0x8a: {  	s1 =	srdreg.scid  }
0x8b: {  	s0 =	sand.u32 $0x1, s1  }
0x8c: {  	s17 =	sshll.u32 s0, $0xA;
	s2 =	sadd.s32 s3, s2  }
0x8d: {  	s2 =	sadd.s32 s2, s17  }
0x8e: {  	[smem:$0x3FC2] =	sst s2  }
0x8f: {  	_ = 	snop  }
0x90: {  	s2 =	sld [smem:$0x3FC8]  }
0x91: {  	s18 =	sld [smem:$0x3FD0];
	(tm) =	ssettm $0x1  }
0x92: {  	s4 =	sld [smem:$0x3FFB];
	_ =	sdelay $0x3  }
0x93: {  	_ =	strace s4  }
0x94: {  	s4 =	sld [smem:$0x3FFC];
	_ =	sdelay $0x3  }
0x95: {  	_ =	strace s4  }
0x96: {  	s4 =	sld [smem:$0x3FFD];
	_ =	sdelay $0x3  }
0x97: {  	_ =	strace s4  }
0x98: {  	_ =	strace $0x8FFFFFFF  }
0x99: {  	s19 =	sld [smem:$0x3FDB];
	_ =	sdelay $0x1  }
0x9a: {  	s5 =	simm.s32 $_scs_section_size  }
0x9b: {  	s6 =	simm.s32 $_size__tile_overlayer_lowered;
	s7 =	simm.s32 $_tile_overlayer_lowered  }
0x9c: {  	s22 =	simm.s32 $0x1BFF;
	s21 =	sshll.u32 s7, $0x1;
	s4 =	sadd.s32 s5, s19  }
0x9d: {  	s8 =	simm.s32 $0x0;
	s20 =	sshll.u32 s6, $0x1;
	s6 =	sadd.s32 s21, s4  }
0x9e: {  	[timem:s8], [sflag:s22] =	dma.local [hbm:s6], s20  }
0x9f: {  	_ =	swait.ge [sflag:s22], s20  }
0xa0: {  	s5 =	ssub.s32 $0x0, s20;
	[sflag:s22] =	ssyncset.done $0x0  }
0xa1: {  	[sflag:s22] =	ssyncadd.s32 s5;
	_ =	sdelay $0x1  }
0xa2: {  	s23 =	simm.s32 $0x1B8B  }
0xa3: {  	_ =	swait.ge [sflag:s23], $0x1  }
0xa4: {  	[sflag:s23] =	ssyncset.done $0x0  }
0xa5: {  	s25 =	simm.s32 $0x1B8E;
	s24 =	sld [smem:$0x3FFE];
	[sflag:s23] =	ssyncadd.s32 $0xFFFFFFFF  }
0xa6: {  	s26 =	simm.s32 $execute0_lowered;
	[smem:$0x3FD2] =	sst s25  }
0xa7: {  	s6 =	sshll.u32 s26, $0x1;
	_ =	strace $0x80000046;
	[dreg:$0x1] =	wrdreg $0xFFFFFFFF  }
0xa8: {  	s28 =	simm.s32 $_size_execute0_lowered;
	s4 =	sadd.s32 s4, s6;
	[dreg:$0x0] =	wrdreg $0x0  }
0xa9: {  	s6 =	sshll.u32 s28, $0x1;
	[dreg:$0x2] =	wrdreg s4  }
0xaa: {  	[dreg:$0x3] =	wrdreg s6  }
0xab: {  	[dreg:$0x4] =	wrdreg $0xC0  }
0xac: {  	_ =	task [dreg:s8], $0x5FFFF  }
0xad: {  	[dreg:$0x1] =	wrdreg $0xFFFFFFFF  }
0xae: {  	[dreg:$0x0] =	wrdreg $0x60  }
0xaf: {  	[dreg:$0x2] =	wrdreg s2  }
0xb0: {  	[dreg:$0x3] =	wrdreg s18  }
0xb1: {  	[dreg:$0x4] =	wrdreg s24  }
0xb2: {  	[dreg:$0x5] =	wrdreg $0x9  }
0xb3: {  	_ =	task.clear_ibuf [dreg:s8], $0x6FFFF;
	_ =	strace $0x90000046  }
0xb4: {  	s29 =	simm.s32 $0x9;
	_ =	strace $0x80000048  }
0xb5: {  	_ =	swait.ge [sflag:s29], $0x1  }
0xb6: {  	[sflag:s29] =	ssyncadd.s32 $0xFFFFFFFF  }
0xb7: {  	_ =	strace $0x90000048  }
0xb8: {  	_ =	sfence  }
0xb9: {  	s30 =	sld [smem:$0x0];
	_ =	sdelay $0x2  }
0xba: {  	s31 =	sshll.u32 s1, $0xD;
	s1 =	sshrl.u32 s1, $0x2  }
0xbb: {  	s3 =	sand.u32 $0x4000, s31;
	s1 =	sadd.s32 s1, s30  }
0xbc: {  	s0 =	sor.u32 s3, s0;
	s1 =	sshll.u32 s1, $0x11  }
0xbd: {  	s0 =	sor.u32 s1, s0  }
0xbe: {  	s0 =	sadd.s32 $0x8F2B, s0  }
0xbf: {  	[sflag:s0] =	ssyncadd.remote.s32 $0x1  }
0xc0: {  	_ =	sfence.sel $0xFFFF  }
0xc1: {  	[dreg:$0x0] =	wrdreg $0xFFFFFFFF;
	(pc) =	sbr.abs _section_cstart, $3  }
0xc2: {  	[dreg:$0x1] =	wrdreg $0xFFFFFFFF  }
0xc3: {  	_ =	task.clear_ibuf [dreg:s8], $0x2FFFF;
	_ =	strace $0x9FFFFFFF  }
0xc4: {  	(tm) =	ssettm $0x7FFFFFFF  }
0xc5: {  	_ =	shalt  }
tec
execute0_lowered:
.L_overlay_start_1:
0x0: {  	(tag) =	ssettag $0x1  }
0x1: {  	vm10 =	vcmask $0x300  }
0x2: {  	vm9 =	vcmask $0x704;
	vm8 =	vcmask $0xB08;
	vm7 =	vcmask $0xF0C  }
0x3: {  	vm6 =	vcmask $0x1310;
	vm5 =	vcmask $0x1714;
	vm4 =	vcmask $0x1B18  }
0x4: {  	v0 =	vimm.s32 $0xC28140;
	v1 =	vimm.s32 $0x10F;
	vm3 =	vcmask $0x1F1C  }
0x5: {  	vm2 =	vcmask $0x2320;
	vm1 =	vcmask $0x2724;
	vm0 =	vcmask $0x2B28  }
0x6: {  	vm11 =	vcmask $0xB00;
	v2 =	vimm.s32 $0x308;
	v6 =	vimm.s32 $0xCF8E4D0C  }
0x7: {  	vm13 =	vcmask $0x3B2C;
	v3 =	vimm.s32 $0x18F;
	v4 =	vimm.s32 $0x4B0ACD8C  }
0x8: {  	vm14 =	vcmask $0x3728;
	v5 =	vimm.s32 $0x8B4A09CC;
	vm15 =	vcmask $0x3324  }
0x9: {  	vm12 =	vcmask $0x2F20;
	v13 =	vimm.s32 $0x3C68544;
	v15 =	vimm.s32 $0x100  }
0xa: {  	v18 =	vimm.s32 $0x8F;
	v19 =	vimm.s32 $0x783;
	v20 =	vimm.s32 $0x785  }
0xb: {  	v21 =	vimm.s32 $0x786;
	v22 =	vimm.s32 $0x787;
	v23 =	vimm.s32 $0x788  }
0xc: {  	v24 =	vimm.s32 $0x789;
	v25 =	vimm.s32 $0x78A;
	v26 =	vimm.s32 $0x78B  }
0xd: {  	v27 =	vimm.s32 $0x78C;
	v28 =	vimm.s32 $0x78D;
	v29 =	vimm.s32 $0x78E  }
0xe: {  	v30 =	vimm.s32 $0xF80;
	v31 =	vimm.s32 $0xF81;
	v32 =	vimm.s32 $0xF82  }
0xf: {  	v33 =	vimm.s32 $0xF83;
	v34 =	vimm.s32 $0xF84;
	v35 =	vimm.s32 $0xF85  }
0x10: {  	v36 =	vimm.s32 $0xF86;
	v37 =	vimm.s32 $0xF87;
	v38 =	vimm.s32 $0xF88  }
0x11: {  	v39 =	vimm.s32 $0xF89;
	v40 =	vimm.s32 $0xF8A;
	v41 =	vimm.s32 $0xF8B  }
0x12: {  	v42 =	vimm.s32 $0xF8C;
	v43 =	vimm.s32 $0xF8D;
	v44 =	vimm.s32 $0xF8E  }
0x13: {  	v45 =	vimm.s32 $0x1780;
	v46 =	vimm.s32 $0x1781;
	v47 =	vimm.s32 $0x1782  }
0x14: {  	v48 =	vimm.s32 $0x1783;
	v49 =	vimm.s32 $0x1784;
	v50 =	vimm.s32 $0x1785  }
0x15: {  	v51 =	vimm.s32 $0x1786;
	v52 =	vimm.s32 $0x1787;
	v53 =	vimm.s32 $0x1788  }
0x16: {  	v54 =	vimm.s32 $0x1789;
	v55 =	vimm.s32 $0x178A;
	v56 =	vimm.s32 $0x178B  }
0x17: {  	v57 =	vimm.s32 $0x178C;
	v58 =	vimm.s32 $0x178D;
	v59 =	vimm.s32 $0x178E  }
0x18: {  	v60 =	vimm.s32 $0x1F80;
	v61 =	vimm.s32 $0x1F81;
	v62 =	vimm.s32 $0x1F82  }
0x19: {  	v63 =	vimm.s32 $0x1F83;
	v0 =	vunpack.c.0.s8.s32 v0;
	v1 =	vsel vm10, $0x140, v1  }
0x1a: {  	v3 =	vsel vm10, $0x1C0, v3;
	v4 =	vunpack.c.0.s8.s32 v4;
	v5 =	vunpack.c.0.s8.s32 v5  }
0x1b: {  	v13 =	vunpack.c.0.s8.s32 v13;
	v18 =	vsel vm10, $0xC0, v18;
	v19 =	vsel vm10, $0x4, v19  }
0x1c: {  	v20 =	vsel vm10, $0x6, v20;
	v21 =	vsel vm10, $0x7, v21;
	v22 =	vsel vm10, $0x8, v22  }
0x1d: {  	v23 =	vsel vm10, $0x9, v23;
	v24 =	vsel vm10, $0xA, v24;
	v25 =	vsel vm10, $0xB, v25  }
0x1e: {  	v26 =	vsel vm10, $0xC, v26;
	v27 =	vsel vm10, $0xD, v27;
	v28 =	vsel vm10, $0xE, v28  }
0x1f: {  	v29 =	vsel vm10, $0xF, v29;
	v30 =	vsel vm10, $0x801, v30;
	v31 =	vsel vm10, $0x802, v31  }
0x20: {  	v32 =	vsel vm10, $0x803, v32;
	v33 =	vsel vm10, $0x804, v33;
	v34 =	vsel vm10, $0x805, v34  }
0x21: {  	v35 =	vsel vm10, $0x806, v35;
	v36 =	vsel vm10, $0x807, v36;
	v37 =	vsel vm10, $0x808, v37  }
0x22: {  	v38 =	vsel vm10, $0x809, v38;
	v39 =	vsel vm10, $0x80A, v39;
	v40 =	vsel vm10, $0x80B, v40  }
0x23: {  	v41 =	vsel vm10, $0x80C, v41;
	v42 =	vsel vm10, $0x80D, v42;
	v43 =	vsel vm10, $0x80E, v43  }
0x24: {  	v44 =	vsel vm10, $0x80F, v44;
	v45 =	vsel vm10, $0x1001, v45;
	v46 =	vsel vm10, $0x1002, v46  }
0x25: {  	v47 =	vsel vm10, $0x1003, v47;
	v48 =	vsel vm10, $0x1004, v48;
	v49 =	vsel vm10, $0x1005, v49  }
0x26: {  	v50 =	vsel vm10, $0x1006, v50;
	v51 =	vsel vm10, $0x1007, v51;
	v52 =	vsel vm10, $0x1008, v52  }
0x27: {  	v53 =	vsel vm10, $0x1009, v53;
	v54 =	vsel vm10, $0x100A, v54;
	v55 =	vsel vm10, $0x100B, v55  }
0x28: {  	v56 =	vsel vm10, $0x100C, v56;
	v57 =	vsel vm10, $0x100D, v57;
	v58 =	vsel vm10, $0x100E, v58  }
0x29: {  	v59 =	vsel vm10, $0x100F, v59;
	v60 =	vsel vm10, $0x1801, v60;
	v61 =	vsel vm10, $0x1802, v61  }
0x2a: {  	v62 =	vsel vm10, $0x1803, v62;
	v63 =	vsel vm10, $0x1804, v63;
	v1 =	vsel vm9, $0x181, v1  }
0x2b: {  	v3 =	vsel vm9, $0x201, v3;
	v18 =	vsel vm9, $0x101, v18;
	v19 =	vsel vm9, $0x85, v19  }
0x2c: {  	v20 =	vsel vm9, $0x87, v20;
	v21 =	vsel vm9, $0x88, v21;
	v22 =	vsel vm9, $0x89, v22  }
0x2d: {  	v23 =	vsel vm9, $0x8A, v23;
	v24 =	vsel vm9, $0x8B, v24;
	v25 =	vsel vm9, $0x8C, v25  }
0x2e: {  	v26 =	vsel vm9, $0x8D, v26;
	v27 =	vsel vm9, $0x8E, v27;
	v28 =	vsel vm9, $0x8F, v28  }
0x2f: {  	v29 =	vsel vm9, $0x80, v29;
	v30 =	vsel vm9, $0x882, v30;
	v31 =	vsel vm9, $0x883, v31  }
0x30: {  	v32 =	vsel vm9, $0x884, v32;
	v33 =	vsel vm9, $0x885, v33;
	v34 =	vsel vm9, $0x886, v34  }
0x31: {  	v35 =	vsel vm9, $0x887, v35;
	v36 =	vsel vm9, $0x888, v36;
	v37 =	vsel vm9, $0x889, v37  }
0x32: {  	v38 =	vsel vm9, $0x88A, v38;
	v39 =	vsel vm9, $0x88B, v39;
	v40 =	vsel vm9, $0x88C, v40  }
0x33: {  	v41 =	vsel vm9, $0x88D, v41;
	v42 =	vsel vm9, $0x88E, v42;
	v43 =	vsel vm9, $0x88F, v43  }
0x34: {  	v44 =	vsel vm9, $0x880, v44;
	v45 =	vsel vm9, $0x1082, v45;
	v46 =	vsel vm9, $0x1083, v46  }
0x35: {  	v47 =	vsel vm9, $0x1084, v47;
	v48 =	vsel vm9, $0x1085, v48;
	v49 =	vsel vm9, $0x1086, v49  }
0x36: {  	v50 =	vsel vm9, $0x1087, v50;
	v51 =	vsel vm9, $0x1088, v51;
	v52 =	vsel vm9, $0x1089, v52  }
0x37: {  	v53 =	vsel vm9, $0x108A, v53;
	v54 =	vsel vm9, $0x108B, v54;
	v55 =	vsel vm9, $0x108C, v55  }
0x38: {  	v56 =	vsel vm9, $0x108D, v56;
	v57 =	vsel vm9, $0x108E, v57;
	v58 =	vsel vm9, $0x108F, v58  }
0x39: {  	v59 =	vsel vm9, $0x1080, v59;
	v60 =	vsel vm9, $0x1882, v60;
	v61 =	vsel vm9, $0x1883, v61  }
0x3a: {  	v62 =	vsel vm9, $0x1884, v62;
	v63 =	vsel vm9, $0x1885, v63;
	v0 =	vand.u32 $0xFF, v0  }
0x3b: {  	v1 =	vsel vm8, $0x1C2, v1;
	v18 =	vsel vm8, $0x142, v18;
	v19 =	vsel vm8, $0x106, v19  }
0x3c: {  	v20 =	vsel vm8, $0x108, v20;
	v21 =	vsel vm8, $0x109, v21;
	v22 =	vsel vm8, $0x10A, v22  }
0x3d: {  	v23 =	vsel vm8, $0x10B, v23;
	v24 =	vsel vm8, $0x10C, v24;
	v25 =	vsel vm8, $0x10D, v25  }
0x3e: {  	v26 =	vsel vm8, $0x10E, v26;
	v27 =	vsel vm8, $0x10F, v27;
	v28 =	vsel vm8, $0x100, v28  }
0x3f: {  	v29 =	vsel vm8, $0x101, v29;
	v30 =	vsel vm8, $0x903, v30;
	v31 =	vsel vm8, $0x904, v31  }
0x40: {  	v32 =	vsel vm8, $0x905, v32;
	v33 =	vsel vm8, $0x906, v33;
	v34 =	vsel vm8, $0x907, v34  }
0x41: {  	v35 =	vsel vm8, $0x908, v35;
	v36 =	vsel vm8, $0x909, v36;
	v37 =	vsel vm8, $0x90A, v37  }
0x42: {  	v38 =	vsel vm8, $0x90B, v38;
	v39 =	vsel vm8, $0x90C, v39;
	v40 =	vsel vm8, $0x90D, v40  }
0x43: {  	v41 =	vsel vm8, $0x90E, v41;
	v1 =	vsel vm7, $0x203, v1;
	v0 =	vnsel vm11, $0xF, v0  }
0x44: {  	v42 =	vsel vm8, $0x90F, v42;
	[tilespmem:$0x1F850] =	vst v0;
	v0 =	vsel vm9, $0x349, v2;
	v1 =	vsel vm6, $0x244, v1  }
0x45: {  	v2 =	vimm.s32 $0x14F;
	v0 =	vsel vm8, $0x38A, v0;
	v1 =	vsel vm5, $0x285, v1  }
0x46: {  	v8 =	vsel vm7, $0x3CB, v0;
	v0 =	vsel vm4, $0x2C6, v1;
	v1 =	vsel vm10, $0x180, v2  }
0x47: {  	v2 =	vimm.s32 $0xBCE8D4C;
	v0 =	vsel vm3, $0x307, v0;
	v1 =	vsel vm9, $0x1C1, v1  }
0x48: {  	v2 =	vunpack.c.0.s8.s32 v2;
	v0 =	vsel vm2, $0x348, v0;
	v1 =	vsel vm8, $0x202, v1  }
0x49: {  	v43 =	vsel vm8, $0x900, v43;
	v0 =	vsel vm1, $0x389, v0;
	v1 =	vsel vm7, $0x243, v1  }
0x4a: {  	v2 =	vand.u32 $0xFF, v2;
	v0 =	vsel vm0, $0x3CA, v0;
	v1 =	vsel vm6, $0x284, v1  }
0x4b: {  	v1 =	vsel vm5, $0x2C5, v1;
	v0 =	vsel vm13, v2, v0;
	v2 =	vsel vm8, $0x242, v3  }
0x4c: {  	v3 =	vand.u32 $0xFF, v4;
	v4 =	vimm.s32 $0x1CF;
	v1 =	vsel vm4, $0x306, v1  }
0x4d: {  	vm13 =	vcmask $0x2B1C;
	v2 =	vsel vm7, $0x283, v2;
	v1 =	vsel vm3, $0x347, v1  }
0x4e: {  	v4 =	vsel vm10, $0x200, v4;
	v2 =	vsel vm6, $0x2C4, v2;
	v1 =	vsel vm2, $0x388, v1  }
0x4f: {  	v4 =	vsel vm9, $0x241, v4;
	v2 =	vsel vm5, $0x305, v2;
	v1 =	vsel vm1, $0x3C9, v1  }
0x50: {  	v7 =	vsel vm4, $0x346, v2;
	v1 =	vsel vm14, v3, v1;
	v3 =	vsel vm8, $0x282, v4  }
0x51: {  	v4 =	vand.u32 $0xFF, v5;
	v5 =	vimm.s32 $0x20F;
	[tilespmem:$0x1FCA0] =	vst v1;
	v1 =	vsel vm3, $0x387, v7  }
0x52: {  	v3 =	vsel vm7, $0x2C3, v3;
	v7 =	vimm.s32 $0xCB8A4908;
	v5 =	vsel vm10, $0x240, v5  }
0x53: {  	v1 =	vsel vm2, $0x3C8, v1;
	v3 =	vsel vm6, $0x304, v3;
	v7 =	vunpack.c.0.s8.s32 v7  }
0x54: {  	v5 =	vsel vm9, $0x281, v5;
	v3 =	vsel vm5, $0x345, v3;
	v1 =	vsel vm15, v4, v1  }
0x55: {  	v4 =	vsel vm8, $0x2C2, v5;
	v9 =	vsel vm4, $0x386, v3;
	v5 =	vand.u32 $0xFF, v7  }
0x56: {  	[tilespmem:$0x1FBD0] =	vst v1;
	v4 =	vsel vm7, $0x303, v4;
	v7 =	vimm.s32 $0x7CA8948;
	v1 =	vsel vm3, $0x3C7, v9  }
0x57: {  	v4 =	vsel vm6, $0x344, v4;
	v9 =	vimm.s32 $0x24F;
	v7 =	vunpack.c.0.s8.s32 v7  }
0x58: {  	v10 =	vsel vm5, $0x385, v4;
	v9 =	vsel vm10, $0x280, v9;
	v1 =	vsel vm12, v5, v1  }
0x59: {  	vm14 =	vcmask $0x2718;
	[tilespmem:$0x1FB30] =	vst v1;
	v1 =	vsel vm4, $0x3C6, v10;
	v5 =	vsel vm9, $0x2C1, v9  }
0x5a: {  	v7 =	vand.u32 $0xFF, v7;
	v9 =	vimm.s32 $0x4706C988;
	v10 =	vimm.s32 $0x28F  }
0x5b: {  	v5 =	vsel vm8, $0x302, v5;
	v9 =	vunpack.c.0.s8.s32 v9;
	v10 =	vsel vm10, $0x2C0, v10  }
0x5c: {  	v1 =	vsel vm13, v7, v1;
	v5 =	vsel vm7, $0x343, v5;
	v7 =	vsel vm9, $0x301, v10  }
0x5d: {  	v10 =	vimm.s32 $0x874605C8;
	v11 =	vsel vm6, $0x384, v5;
	v9 =	vand.u32 $0xFF, v9  }
0x5e: {  	[tilespmem:$0x1FAB0] =	vst v1;
	v7 =	vsel vm8, $0x342, v7;
	v10 =	vunpack.c.0.s8.s32 v10;
	v1 =	vsel vm5, $0x3C5, v11  }
0x5f: {  	v44 =	vsel vm8, $0x901, v44;
	v7 =	vsel vm7, $0x383, v7;
	v1 =	vsel vm14, v9, v1  }
0x60: {  	vm15 =	vcmask $0x2314;
	[tilespmem:$0x1FA40] =	vst v1;
	v1 =	vsel vm6, $0x3C4, v7;
	v7 =	vand.u32 $0xFF, v10  }
0x61: {  	v45 =	vsel vm8, $0x1103, v45;
	v9 =	vimm.s32 $0x2CF;
	v1 =	vsel vm15, v7, v1  }
0x62: {  	v11 =	vunpack.c.0.s8.s32 v6;
	[tilespmem:$0x1F9C0] =	vst v1;
	v1 =	vsel vm10, $0x300, v9;
	v9 =	vimm.s32 $0xC7864504  }
0x63: {  	vm12 =	vcmask $0x1F10;
	v1 =	vsel vm9, $0x341, v1;
	v9 =	vunpack.c.0.s8.s32 v9  }
0x64: {  	v10 =	vand.u32 $0xFF, v11;
	v11 =	vimm.s32 $0x30F;
	v1 =	vsel vm8, $0x382, v1  }
0x65: {  	v11 =	vsel vm10, $0x340, v11;
	v1 =	vsel vm7, $0x3C3, v1;
	v9 =	vand.u32 $0xFF, v9  }
0x66: {  	vm13 =	vcmask $0x1B0C;
	v11 =	vsel vm9, $0x381, v11;
	v1 =	vsel vm12, v9, v1  }
0x67: {  	v14 =	vsel vm12, v10, v8;
	[tilespmem:$0x1F960] =	vst v1;
	v1 =	vsel vm8, $0x3C2, v11;
	v11 =	vimm.s32 $0x4302C584  }
0x68: {  	v10 =	vimm.s32 $0x34F;
	v9 =	vand.u32 $0xFF, v13;
	v11 =	vunpack.c.0.s8.s32 v11  }
0x69: {  	vm14 =	vcmask $0x1708;
	v10 =	vsel vm10, $0x380, v10;
	v1 =	vsel vm13, v9, v1  }
0x6a: {  	[tilespmem:$0x1F910] =	vst v1;
	v1 =	vsel vm9, $0x3C1, v10;
	v10 =	vimm.s32 $0x834201C4;
	v11 =	vand.u32 $0xFF, v11  }
0x6b: {  	v46 =	vsel vm8, $0x1104, v46;
	v13 =	vunpack.c.0.s8.s32 v10;
	v1 =	vsel vm14, v11, v1  }
0x6c: {  	v47 =	vsel vm8, $0x1105, v47;
	v2 =	vimm.s32 $0x1F84;
	[tilespmem:$0x1F8D0] =	vst v1;
	v1 =	vimm.s32 $0x38F  }
0x6d: {  	vm15 =	vcmask $0x1304;
	v11 =	vand.u32 $0xFF, v13;
	v1 =	vsel vm10, $0x3C0, v1  }
0x6e: {  	v1 =	vsel vm15, v11, v1;
	v11 =	vsel vm10, $0x1805, v2;
	v2 =	vimm.s32 $0x1F87  }
0x6f: {  	v4 =	vimm.s32 $0x1F86;
	v6 =	vsel vm10, $0x1808, v2;
	v2 =	vimm.s32 $0x1F8A  }
0x70: {  	v9 =	vsel vm10, $0x1807, v4;
	v4 =	vsel vm10, $0x180B, v2;
	v2 =	vimm.s32 $0x1F8D  }
0x71: {  	v48 =	vsel vm8, $0x1106, v48;
	v49 =	vsel vm8, $0x1107, v49;
	v2 =	vsel vm10, $0x180E, v2  }
0x72: {  	v50 =	vsel vm8, $0x1108, v50;
	v51 =	vsel vm8, $0x1109, v51;
	v2 =	vsel vm9, $0x188F, v2  }
0x73: {  	v52 =	vsel vm8, $0x110A, v52;
	v53 =	vsel vm8, $0x110B, v53;
	v2 =	vsel vm8, $0x1900, v2  }
0x74: {  	v54 =	vsel vm8, $0x110C, v54;
	v55 =	vsel vm8, $0x110D, v55;
	v56 =	vsel vm8, $0x110E, v56;
	[tilespmem:$0x1F860] =	vst v2;
	v2 =	vld [tilespmem:$0x1F850]  }
0x75: {  	v57 =	vsel vm8, $0x110F, v57;
	v58 =	vsel vm8, $0x1100, v58;
	v59 =	vsel vm8, $0x1101, v59  }
0x76: {  	v60 =	vsel vm8, $0x1903, v60;
	v61 =	vsel vm8, $0x1904, v61;
	v62 =	vsel vm8, $0x1905, v62  }
0x77: {  	v63 =	vsel vm8, $0x1906, v63;
	v18 =	vsel vm7, $0x183, v18;
	v19 =	vsel vm7, $0x187, v19  }
0x78: {  	v20 =	vsel vm7, $0x189, v20;
	v21 =	vsel vm7, $0x18A, v21;
	v22 =	vsel vm7, $0x18B, v22  }
0x79: {  	v23 =	vsel vm7, $0x18C, v23;
	v24 =	vsel vm7, $0x18D, v24;
	v2 =	vsel vm7, $0x103, v2  }
0x7a: {  	v25 =	vsel vm7, $0x18E, v25;
	v26 =	vsel vm7, $0x18F, v26;
	v27 =	vsel vm7, $0x180, v27;
	[tilespmem:$0x1F870] =	vst v2;
	v2 =	vld [tilespmem:$0x1F860]  }
0x7b: {  	v28 =	vsel vm7, $0x181, v28;
	v29 =	vsel vm7, $0x182, v29;
	v30 =	vsel vm7, $0x984, v30  }
0x7c: {  	v31 =	vsel vm7, $0x985, v31;
	v32 =	vsel vm7, $0x986, v32;
	v33 =	vsel vm7, $0x987, v33  }
0x7d: {  	v34 =	vsel vm7, $0x988, v34;
	v35 =	vsel vm7, $0x989, v35;
	v36 =	vsel vm7, $0x98A, v36  }
0x7e: {  	v37 =	vsel vm7, $0x98B, v37;
	v38 =	vsel vm7, $0x98C, v38;
	v39 =	vsel vm7, $0x98D, v39  }
0x7f: {  	v40 =	vsel vm7, $0x98E, v40;
	v41 =	vsel vm7, $0x98F, v41;
	v2 =	vsel vm7, $0x1981, v2  }
0x80: {  	v42 =	vsel vm7, $0x980, v42;
	v43 =	vsel vm7, $0x981, v43;
	v44 =	vsel vm7, $0x982, v44;
	[tilespmem:$0x1F880] =	vst v2;
	v2 =	vld [tilespmem:$0x1F870]  }
0x81: {  	v45 =	vsel vm7, $0x1184, v45;
	v46 =	vsel vm7, $0x1185, v46;
	v47 =	vsel vm7, $0x1186, v47  }
0x82: {  	v48 =	vsel vm7, $0x1187, v48;
	v49 =	vsel vm7, $0x1188, v49;
	v50 =	vsel vm7, $0x1189, v50  }
0x83: {  	v51 =	vsel vm7, $0x118A, v51;
	v52 =	vsel vm7, $0x118B, v52;
	v53 =	vsel vm7, $0x118C, v53  }
0x84: {  	v54 =	vsel vm7, $0x118D, v54;
	v55 =	vsel vm7, $0x118E, v55;
	v56 =	vsel vm7, $0x118F, v56  }
0x85: {  	v57 =	vsel vm7, $0x1180, v57;
	v58 =	vsel vm7, $0x1181, v58;
	v2 =	vsel vm6, $0x144, v2  }
0x86: {  	v59 =	vsel vm7, $0x1182, v59;
	v60 =	vsel vm7, $0x1984, v60;
	v61 =	vsel vm7, $0x1985, v61;
	[tilespmem:$0x1F890] =	vst v2;
	v2 =	vld [tilespmem:$0x1F880]  }
0x87: {  	v62 =	vsel vm7, $0x1986, v62;
	v63 =	vsel vm7, $0x1987, v63;
	v18 =	vsel vm6, $0x1C4, v18  }
0x88: {  	v19 =	vsel vm6, $0x208, v19;
	v20 =	vsel vm6, $0x20A, v20;
	v21 =	vsel vm6, $0x20B, v21  }
0x89: {  	v22 =	vsel vm6, $0x20C, v22;
	v23 =	vsel vm6, $0x20D, v23;
	v24 =	vsel vm6, $0x20E, v24  }
0x8a: {  	v25 =	vsel vm6, $0x20F, v25;
	v26 =	vsel vm6, $0x200, v26;
	v27 =	vsel vm6, $0x201, v27  }
0x8b: {  	v28 =	vsel vm6, $0x202, v28;
	v29 =	vsel vm6, $0x203, v29;
	[tilespmem:$0x1F8A0] =	vst v1;
	v2 =	vsel vm6, $0x1A02, v2  }
0x8c: {  	v30 =	vsel vm6, $0xA05, v30;
	v28 =	vsel vm5, $0x283, v28;
	v29 =	vsel vm5, $0x284, v29;
	[tilespmem:$0x1F8B0] =	vst v2;
	v2 =	vld [tilespmem:$0x1F890]  }
0x8d: {  	v31 =	vsel vm6, $0xA06, v31;
	v32 =	vsel vm6, $0xA07, v32;
	[tilespmem:$0x1F8E0] =	vst v29;
	v28 =	vsel vm4, $0x304, v28;
	v29 =	vld [tilespmem:$0x1F8A0]  }
0x8e: {  	v33 =	vsel vm6, $0xA08, v33;
	v34 =	vsel vm6, $0xA09, v34;
	v35 =	vsel vm6, $0xA0A, v35;
	[tilespmem:$0x1F920] =	vst v28;
	v28 =	vld [tilespmem:$0x1F8D0]  }
0x8f: {  	v36 =	vsel vm6, $0xA0B, v36;
	v37 =	vsel vm6, $0xA0C, v37;
	v38 =	vsel vm6, $0xA0D, v38  }
0x90: {  	v39 =	vsel vm6, $0xA0E, v39;
	v40 =	vsel vm6, $0xA0F, v40;
	v41 =	vsel vm6, $0xA00, v41  }
0x91: {  	v42 =	vsel vm6, $0xA01, v42;
	v43 =	vsel vm6, $0xA02, v43;
	v2 =	vsel vm5, $0x185, v2  }
0x92: {  	v44 =	vsel vm6, $0xA03, v44;
	v45 =	vsel vm6, $0x1205, v45;
	v29 =	vsel vm5, $0x105, v29;
	[tilespmem:$0x1F8C0] =	vst v2  }
0x93: {  	v46 =	vsel vm6, $0x1206, v46;
	v47 =	vsel vm6, $0x1207, v47;
	v28 =	vsel vm4, $0x106, v28;
	[tilespmem:$0x1F8F0] =	vst v29;
	v29 =	vld [tilespmem:$0x1F8C0]  }
0x94: {  	v48 =	vsel vm6, $0x1208, v48;
	v49 =	vsel vm6, $0x1209, v49;
	v50 =	vsel vm6, $0x120A, v50;
	[tilespmem:$0x1F930] =	vst v28;
	v28 =	vld [tilespmem:$0x1F8E0]  }
0x95: {  	v51 =	vsel vm6, $0x120B, v51;
	v52 =	vsel vm6, $0x120C, v52;
	v53 =	vsel vm6, $0x120D, v53  }
0x96: {  	v54 =	vsel vm6, $0x120E, v54;
	v55 =	vsel vm6, $0x120F, v55;
	v56 =	vsel vm6, $0x1200, v56  }
0x97: {  	v57 =	vsel vm6, $0x1201, v57;
	v58 =	vsel vm6, $0x1202, v58;
	v27 =	vsel vm5, $0x282, v27  }
0x98: {  	v59 =	vsel vm6, $0x1203, v59;
	v27 =	vsel vm4, $0x303, v27;
	v29 =	vsel vm4, $0x1C6, v29  }
0x99: {  	v60 =	vsel vm6, $0x1A05, v60;
	v27 =	vsel vm3, $0x384, v27;
	[tilespmem:$0x1F900] =	vst v29;
	v29 =	vsel vm4, $0x305, v28;
	v28 =	vld [tilespmem:$0x1F8F0]  }
0x9a: {  	v61 =	vsel vm6, $0x1A06, v61;
	v62 =	vsel vm6, $0x1A07, v62;
	v63 =	vsel vm6, $0x1A08, v63;
	[tilespmem:$0x1F970] =	vst v27;
	v27 =	vld [tilespmem:$0x1F910]  }
0x9b: {  	v18 =	vsel vm5, $0x205, v18;
	v19 =	vsel vm5, $0x289, v19;
	v20 =	vsel vm5, $0x28B, v20  }
0x9c: {  	v21 =	vsel vm5, $0x28C, v21;
	v22 =	vsel vm5, $0x28D, v22;
	v23 =	vsel vm5, $0x28E, v23  }
0x9d: {  	v24 =	vsel vm5, $0x28F, v24;
	v25 =	vsel vm5, $0x280, v25;
	v26 =	vsel vm5, $0x281, v26  }
0x9e: {  	v30 =	vsel vm5, $0xA86, v30;
	v31 =	vsel vm5, $0xA87, v31;
	v28 =	vsel vm4, $0x146, v28  }
0x9f: {  	v32 =	vsel vm5, $0xA88, v32;
	v33 =	vsel vm5, $0xA89, v33;
	v27 =	vsel vm3, $0x107, v27;
	[tilespmem:$0x1F940] =	vst v28;
	v28 =	vld [tilespmem:$0x1F900]  }
0xa0: {  	v34 =	vsel vm5, $0xA8A, v34;
	v35 =	vsel vm5, $0xA8B, v35;
	v36 =	vsel vm5, $0xA8C, v36;
	[tilespmem:$0x1F980] =	vst v27;
	v27 =	vld [tilespmem:$0x1F920]  }
0xa1: {  	v37 =	vsel vm5, $0xA8D, v37;
	v38 =	vsel vm5, $0xA8E, v38;
	v39 =	vsel vm5, $0xA8F, v39  }
0xa2: {  	v40 =	vsel vm5, $0xA80, v40;
	v41 =	vsel vm5, $0xA81, v41;
	v42 =	vsel vm5, $0xA82, v42  }
0xa3: {  	v43 =	vsel vm5, $0xA83, v43;
	v44 =	vsel vm5, $0xA84, v44;
	v45 =	vsel vm5, $0x1286, v45  }
0xa4: {  	v46 =	vsel vm5, $0x1287, v46;
	v47 =	vsel vm5, $0x1288, v47;
	v28 =	vsel vm3, $0x207, v28  }
0xa5: {  	v48 =	vsel vm5, $0x1289, v48;
	v49 =	vsel vm5, $0x128A, v49;
	[tilespmem:$0x1F950] =	vst v28;
	v28 =	vsel vm3, $0x385, v27;
	v27 =	vld [tilespmem:$0x1F930]  }
0xa6: {  	v50 =	vsel vm5, $0x128B, v50;
	v51 =	vsel vm5, $0x128C, v51;
	v52 =	vsel vm5, $0x128D, v52  }
0xa7: {  	v53 =	vsel vm5, $0x128E, v53;
	v54 =	vsel vm5, $0x128F, v54;
	v55 =	vsel vm5, $0x1280, v55  }
0xa8: {  	v56 =	vsel vm5, $0x1281, v56;
	v57 =	vsel vm5, $0x1282, v57;
	v58 =	vsel vm5, $0x1283, v58  }
0xa9: {  	v59 =	vsel vm5, $0x1284, v59;
	v60 =	vsel vm5, $0x1A86, v60;
	v26 =	vsel vm4, $0x302, v26  }
0xaa: {  	v61 =	vsel vm5, $0x1A87, v61;
	v26 =	vsel vm3, $0x383, v26;
	v27 =	vsel vm3, $0x147, v27  }
0xab: {  	v62 =	vsel vm5, $0x1A88, v62;
	v63 =	vsel vm5, $0x1A89, v63;
	v26 =	vsel vm2, $0x404, v26;
	[tilespmem:$0x1F990] =	vst v27;
	v27 =	vld [tilespmem:$0x1F940]  }
0xac: {  	v18 =	vsel vm4, $0x246, v18;
	v19 =	vsel vm4, $0x30A, v19;
	[tilespmem:$0x1F9D0] =	vst v26;
	v3 =	vimm.s32 $0x1F85;
	v26 =	vld [tilespmem:$0x1F960]  }
0xad: {  	v20 =	vsel vm4, $0x30C, v20;
	v12 =	vsel vm10, $0x1806, v3;
	v3 =	vimm.s32 $0x1F88  }
0xae: {  	v21 =	vsel vm4, $0x30D, v21;
	v8 =	vsel vm10, $0x1809, v3;
	v3 =	vimm.s32 $0x1F8B  }
0xaf: {  	v22 =	vsel vm4, $0x30E, v22;
	v5 =	vsel vm10, $0x180C, v3;
	v3 =	vimm.s32 $0x1F8E;
	v2 =	vld [tilespmem:$0x1F8B0]  }
0xb0: {  	v23 =	vsel vm4, $0x30F, v23;
	v3 =	vsel vm10, $0x180F, v3;
	v27 =	vsel vm3, $0x187, v27  }
0xb1: {  	v24 =	vsel vm4, $0x300, v24;
	v3 =	vsel vm9, $0x1880, v3;
	v26 =	vsel vm2, $0x108, v26;
	[tilespmem:$0x1F9A0] =	vst v27;
	v27 =	vld [tilespmem:$0x1F950]  }
0xb2: {  	v25 =	vsel vm4, $0x301, v25;
	v30 =	vsel vm4, $0xB07, v30;
	v3 =	vsel vm8, $0x1901, v3;
	[tilespmem:$0x1F9E0] =	vst v26;
	v26 =	vld [tilespmem:$0x1F970]  }
0xb3: {  	v31 =	vsel vm4, $0xB08, v31;
	v24 =	vsel vm3, $0x381, v24;
	v3 =	vsel vm7, $0x1982, v3  }
0xb4: {  	v24 =	vsel vm2, $0x402, v24;
	v3 =	vsel vm6, $0x1A03, v3;
	v2 =	vsel vm5, $0x1A83, v2  }
0xb5: {  	v24 =	vsel vm1, $0x483, v24;
	v3 =	vsel vm5, $0x1A84, v3;
	v2 =	vsel vm4, $0x1B04, v2  }
0xb6: {  	v3 =	vsel vm4, $0x1B05, v3;
	v2 =	vsel vm3, $0x1B85, v2;
	v27 =	vsel vm2, $0x248, v27  }
0xb7: {  	v3 =	vsel vm3, $0x1B86, v3;
	v2 =	vsel vm2, $0x1C06, v2;
	[tilespmem:$0x1F9B0] =	vst v27;
	v27 =	vsel vm2, $0x405, v26;
	v26 =	vld [tilespmem:$0x1F980]  }
0xb8: {  	v32 =	vsel vm4, $0xB09, v32;
	v24 =	vsel vm0, $0x504, v24;
	[tilespmem:$0x1FA20] =	vst v2;
	v2 =	vsel vm2, $0x1C07, v3;
	v3 =	vld [tilespmem:$0x1F9E0]  }
0xb9: {  	v33 =	vsel vm4, $0xB0A, v33;
	v34 =	vsel vm4, $0xB0B, v34;
	v35 =	vsel vm4, $0xB0C, v35;
	[tilespmem:$0x1FAC0] =	vst v24;
	v24 =	vld [tilespmem:$0x1FA40]  }
0xba: {  	v36 =	vsel vm4, $0xB0D, v36;
	v37 =	vsel vm4, $0xB0E, v37;
	v38 =	vsel vm4, $0xB0F, v38  }
0xbb: {  	v39 =	vsel vm4, $0xB00, v39;
	v40 =	vsel vm4, $0xB01, v40;
	v41 =	vsel vm4, $0xB02, v41  }
0xbc: {  	v42 =	vsel vm4, $0xB03, v42;
	v43 =	vsel vm4, $0xB04, v43;
	v26 =	vsel vm2, $0x148, v26  }
0xbd: {  	v44 =	vsel vm4, $0xB05, v44;
	v45 =	vsel vm4, $0x1307, v45;
	v3 =	vsel vm1, $0x149, v3;
	[tilespmem:$0x1F9F0] =	vst v26;
	v26 =	vld [tilespmem:$0x1F990]  }
0xbe: {  	v46 =	vsel vm4, $0x1308, v46;
	v47 =	vsel vm4, $0x1309, v47;
	v24 =	vsel vm0, $0x10A, v24;
	[tilespmem:$0x1FA50] =	vst v3;
	v3 =	vld [tilespmem:$0x1F9F0]  }
0xbf: {  	v48 =	vsel vm4, $0x130A, v48;
	v49 =	vsel vm4, $0x130B, v49;
	v50 =	vsel vm4, $0x130C, v50;
	[tilespmem:$0x1FAD0] =	vst v24;
	v24 =	vld [tilespmem:$0x1FA50]  }
0xc0: {  	v51 =	vsel vm4, $0x130D, v51;
	v52 =	vsel vm4, $0x130E, v52;
	v53 =	vsel vm4, $0x130F, v53  }
0xc1: {  	v54 =	vsel vm4, $0x1300, v54;
	v55 =	vsel vm4, $0x1301, v55;
	v56 =	vsel vm4, $0x1302, v56  }
0xc2: {  	v57 =	vsel vm4, $0x1303, v57;
	v58 =	vsel vm4, $0x1304, v58;
	v26 =	vsel vm2, $0x188, v26  }
0xc3: {  	v59 =	vsel vm4, $0x1305, v59;
	v60 =	vsel vm4, $0x1B07, v60;
	[tilespmem:$0x1FA00] =	vst v26;
	v26 =	vld [tilespmem:$0x1F9A0];
	v3 =	vsel vm1, $0x189, v3  }
0xc4: {  	v61 =	vsel vm4, $0x1B08, v61;
	v62 =	vsel vm4, $0x1B09, v62;
	v24 =	vsel vm0, $0x18A, v24;
	[tilespmem:$0x1FA60] =	vst v3;
	v3 =	vld [tilespmem:$0x1FA00]  }
0xc5: {  	v63 =	vsel vm4, $0x1B0A, v63;
	v18 =	vsel vm3, $0x287, v18;
	v19 =	vsel vm3, $0x38B, v19;
	[tilespmem:$0x1FAE0] =	vst v24;
	v24 =	vld [tilespmem:$0x1FA60]  }
0xc6: {  	v20 =	vsel vm3, $0x38D, v20;
	v21 =	vsel vm3, $0x38E, v21;
	v22 =	vsel vm3, $0x38F, v22  }
0xc7: {  	v23 =	vsel vm3, $0x380, v23;
	v25 =	vsel vm3, $0x382, v25;
	v30 =	vsel vm3, $0xB88, v30  }
0xc8: {  	v31 =	vsel vm3, $0xB89, v31;
	v32 =	vsel vm3, $0xB8A, v32;
	v26 =	vsel vm2, $0x1C8, v26  }
0xc9: {  	v33 =	vsel vm3, $0xB8B, v33;
	v34 =	vsel vm3, $0xB8C, v34;
	[tilespmem:$0x1FA10] =	vst v26;
	v3 =	vsel vm1, $0x1C9, v3  }
0xca: {  	v35 =	vsel vm3, $0xB8D, v35;
	v36 =	vsel vm3, $0xB8E, v36;
	[tilespmem:$0x1FA70] =	vst v3;
	v3 =	vld [tilespmem:$0x1FA10];
	v24 =	vsel vm0, $0x1CA, v24  }
0xcb: {  	v37 =	vsel vm3, $0xB8F, v37;
	v38 =	vsel vm3, $0xB80, v38;
	v39 =	vsel vm3, $0xB81, v39;
	[tilespmem:$0x1FAF0] =	vst v24;
	v24 =	vld [tilespmem:$0x1FA70]  }
0xcc: {  	v40 =	vsel vm3, $0xB82, v40;
	v41 =	vsel vm3, $0xB83, v41;
	v42 =	vsel vm3, $0xB84, v42  }
0xcd: {  	v43 =	vsel vm3, $0xB85, v43;
	v44 =	vsel vm3, $0xB86, v44;
	v45 =	vsel vm3, $0x1388, v45  }
0xce: {  	v46 =	vsel vm3, $0x1389, v46;
	v47 =	vsel vm3, $0x138A, v47;
	v48 =	vsel vm3, $0x138B, v48  }
0xcf: {  	v49 =	vsel vm3, $0x138C, v49;
	v1 =	vimm.s32 $0x780;
	v3 =	vsel vm1, $0x209, v3  }
0xd0: {  	v50 =	vsel vm3, $0x138D, v50;
	v1 =	vsel vm10, $0x1, v1;
	[tilespmem:$0x1FA80] =	vst v3;
	v3 =	vld [tilespmem:$0x1FA20];
	v24 =	vsel vm0, $0x20A, v24  }
0xd1: {  	v51 =	vsel vm3, $0x138E, v51;
	v52 =	vsel vm3, $0x138F, v52;
	v17 =	vsel vm9, $0x82, v1;
	[tilespmem:$0x1FB00] =	vst v24;
	v24 =	vld [tilespmem:$0x1FA80]  }
0xd2: {  	v53 =	vsel vm3, $0x1380, v53;
	v54 =	vsel vm3, $0x1381, v54;
	v17 =	vsel vm8, $0x103, v17  }
0xd3: {  	v55 =	vsel vm3, $0x1382, v55;
	v23 =	vsel vm2, $0x401, v23;
	v17 =	vsel vm7, $0x184, v17  }
0xd4: {  	v56 =	vsel vm3, $0x1383, v56;
	v23 =	vsel vm1, $0x482, v23;
	v17 =	vsel vm6, $0x205, v17  }
0xd5: {  	v23 =	vsel vm0, $0x503, v23;
	v17 =	vsel vm5, $0x286, v17;
	v3 =	vsel vm1, $0x1C87, v3  }
0xd6: {  	vm12 =	vcmask $0x2F2C;
	v17 =	vsel vm4, $0x307, v17;
	[tilespmem:$0x1FA90] =	vst v3;
	v24 =	vsel vm0, $0x24A, v24  }
0xd7: {  	v57 =	vsel vm3, $0x1384, v57;
	v23 =	vsel vm12, $0x584, v23;
	v17 =	vsel vm3, $0x388, v17;
	[tilespmem:$0x1FB10] =	vst v24;
	v24 =	vld [tilespmem:$0x1FA90]  }
0xd8: {  	v58 =	vsel vm3, $0x1385, v58;
	v59 =	vsel vm3, $0x1386, v59;
	[tilespmem:$0x1FB40] =	vst v23;
	v23 =	vld [tilespmem:$0x1FAB0];
	v17 =	vsel vm2, $0x409, v17  }
0xd9: {  	v60 =	vsel vm3, $0x1B88, v60;
	v61 =	vsel vm3, $0x1B89, v61;
	v17 =	vsel vm1, $0x48A, v17  }
0xda: {  	v62 =	vsel vm3, $0x1B8A, v62;
	v63 =	vsel vm3, $0x1B8B, v63;
	v17 =	vsel vm0, $0x50B, v17  }
0xdb: {  	v18 =	vsel vm2, $0x2C8, v18;
	v19 =	vsel vm2, $0x40C, v19;
	[tilespmem:$0x1FA30] =	vst v2;
	v2 =	vsel vm12, $0x58C, v17  }
0xdc: {  	v20 =	vsel vm2, $0x40E, v20;
	v21 =	vsel vm2, $0x40F, v21;
	[tilespmem:$0x1FAA0] =	vst v2;
	v24 =	vsel vm0, $0x1D08, v24  }
0xdd: {  	v22 =	vsel vm2, $0x400, v22;
	v25 =	vsel vm2, $0x403, v25;
	v23 =	vsel vm12, $0x10B, v23;
	[tilespmem:$0x1FB20] =	vst v24;
	v24 =	vld [tilespmem:$0x1FAA0]  }
0xde: {  	v30 =	vsel vm2, $0xC09, v30;
	v31 =	vsel vm2, $0xC0A, v31;
	v32 =	vsel vm2, $0xC0B, v32;
	[tilespmem:$0x1FB50] =	vst v23;
	v23 =	vld [tilespmem:$0x1FAC0]  }
0xdf: {  	v33 =	vsel vm2, $0xC0C, v33;
	v34 =	vsel vm2, $0xC0D, v34;
	v35 =	vsel vm2, $0xC0E, v35  }
0xe0: {  	v36 =	vsel vm2, $0xC0F, v36;
	v37 =	vsel vm2, $0xC00, v37;
	v38 =	vsel vm2, $0xC01, v38  }
0xe1: {  	v39 =	vsel vm2, $0xC02, v39;
	v40 =	vsel vm2, $0xC03, v40;
	vm13 =	vcmask $0x3330  }
0xe2: {  	v41 =	vsel vm2, $0xC04, v41;
	v42 =	vsel vm2, $0xC05, v42;
	v24 =	vsel vm13, $0x60D, v24  }
0xe3: {  	v43 =	vsel vm2, $0xC06, v43;
	v44 =	vsel vm2, $0xC07, v44;
	[tilespmem:$0x1FBC0] =	vst v24;
	v24 =	vsel vm12, $0x585, v23;
	v23 =	vld [tilespmem:$0x1FAD0]  }
0xe4: {  	v45 =	vsel vm2, $0x1409, v45;
	v46 =	vsel vm2, $0x140A, v46;
	v47 =	vsel vm2, $0x140B, v47  }
0xe5: {  	v48 =	vsel vm2, $0x140C, v48;
	v49 =	vsel vm2, $0x140D, v49;
	v50 =	vsel vm2, $0x140E, v50  }
0xe6: {  	v51 =	vsel vm2, $0x140F, v51;
	v52 =	vsel vm2, $0x1400, v52;
	v53 =	vsel vm2, $0x1401, v53  }
0xe7: {  	v54 =	vsel vm2, $0x1402, v54;
	v55 =	vsel vm2, $0x1403, v55;
	v56 =	vsel vm2, $0x1404, v56  }
0xe8: {  	v57 =	vsel vm2, $0x1405, v57;
	v58 =	vsel vm2, $0x1406, v58;
	v23 =	vsel vm12, $0x14B, v23  }
0xe9: {  	v59 =	vsel vm2, $0x1407, v59;
	v60 =	vsel vm2, $0x1C09, v60;
	v61 =	vsel vm2, $0x1C0A, v61;
	[tilespmem:$0x1FB60] =	vst v23;
	v23 =	vld [tilespmem:$0x1FAE0]  }
0xea: {  	v62 =	vsel vm2, $0x1C0B, v62;
	v63 =	vsel vm2, $0x1C0C, v63;
	v18 =	vsel vm1, $0x309, v18  }
0xeb: {  	v19 =	vsel vm1, $0x48D, v19;
	v20 =	vsel vm1, $0x48F, v20;
	v21 =	vsel vm1, $0x480, v21  }
0xec: {  	v22 =	vsel vm1, $0x481, v22;
	v25 =	vsel vm1, $0x484, v25;
	v30 =	vsel vm1, $0xC8A, v30  }
0xed: {  	v31 =	vsel vm1, $0xC8B, v31;
	v32 =	vsel vm1, $0xC8C, v32;
	v33 =	vsel vm1, $0xC8D, v33  }
0xee: {  	v34 =	vsel vm1, $0xC8E, v34;
	v35 =	vsel vm1, $0xC8F, v35;
	v23 =	vsel vm12, $0x1CB, v23  }
0xef: {  	v36 =	vsel vm1, $0xC80, v36;
	v37 =	vsel vm1, $0xC81, v37;
	v38 =	vsel vm1, $0xC82, v38;
	[tilespmem:$0x1FB70] =	vst v23;
	v23 =	vld [tilespmem:$0x1FAF0]  }
0xf0: {  	v39 =	vsel vm1, $0xC83, v39;
	v40 =	vsel vm1, $0xC84, v40;
	v41 =	vsel vm1, $0xC85, v41  }
0xf1: {  	v42 =	vsel vm1, $0xC86, v42;
	v43 =	vsel vm1, $0xC87, v43;
	v44 =	vsel vm1, $0xC88, v44  }
0xf2: {  	v45 =	vsel vm1, $0x148A, v45;
	v46 =	vsel vm1, $0x148B, v46;
	v47 =	vsel vm1, $0x148C, v47  }
0xf3: {  	v48 =	vsel vm1, $0x148D, v48;
	v49 =	vsel vm1, $0x148E, v49;
	v50 =	vsel vm1, $0x148F, v50  }
0xf4: {  	v51 =	vsel vm1, $0x1480, v51;
	v52 =	vsel vm1, $0x1481, v52;
	v23 =	vsel vm12, $0x20B, v23  }
0xf5: {  	v53 =	vsel vm1, $0x1482, v53;
	v54 =	vsel vm1, $0x1483, v54;
	v55 =	vsel vm1, $0x1484, v55;
	[tilespmem:$0x1FB80] =	vst v23;
	v23 =	vld [tilespmem:$0x1FB00]  }
0xf6: {  	v56 =	vsel vm1, $0x1485, v56;
	v57 =	vsel vm1, $0x1486, v57;
	v58 =	vsel vm1, $0x1487, v58  }
0xf7: {  	v59 =	vsel vm1, $0x1488, v59;
	v60 =	vsel vm1, $0x1C8A, v60;
	v61 =	vsel vm1, $0x1C8B, v61  }
0xf8: {  	v62 =	vsel vm1, $0x1C8C, v62;
	v63 =	vsel vm1, $0x1C8D, v63;
	v18 =	vsel vm0, $0x34A, v18  }
0xf9: {  	v19 =	vsel vm0, $0x50E, v19;
	v20 =	vsel vm0, $0x500, v20;
	v22 =	vsel vm0, $0x502, v22  }
0xfa: {  	v21 =	vsel vm0, $0x501, v21;
	v22 =	vsel vm12, $0x583, v22;
	v23 =	vsel vm12, $0x24B, v23  }
0xfb: {  	v25 =	vsel vm0, $0x505, v25;
	v30 =	vsel vm0, $0xD0B, v30;
	v22 =	vsel vm13, $0x604, v22;
	[tilespmem:$0x1FB90] =	vst v23;
	v23 =	vld [tilespmem:$0x1FB10]  }
0xfc: {  	v31 =	vsel vm0, $0xD0C, v31;
	v32 =	vsel vm0, $0xD0D, v32;
	v33 =	vsel vm0, $0xD0E, v33;
	[tilespmem:$0x1FBE0] =	vst v22;
	v22 =	vld [tilespmem:$0x1FB30]  }
0xfd: {  	v34 =	vsel vm0, $0xD0F, v34;
	v35 =	vsel vm0, $0xD00, v35;
	v36 =	vsel vm0, $0xD01, v36  }
0xfe: {  	v37 =	vsel vm0, $0xD02, v37;
	v38 =	vsel vm0, $0xD03, v38;
	v39 =	vsel vm0, $0xD04, v39  }
0xff: {  	v40 =	vsel vm0, $0xD05, v40;
	v41 =	vsel vm0, $0xD06, v41;
	v42 =	vsel vm0, $0xD07, v42  }
0x100: {  	v43 =	vsel vm0, $0xD08, v43;
	v44 =	vsel vm0, $0xD09, v44;
	v23 =	vsel vm12, $0x28B, v23  }
0x101: {  	v45 =	vsel vm0, $0x150B, v45;
	v46 =	vsel vm0, $0x150C, v46;
	v22 =	vsel vm13, $0x10C, v22;
	[tilespmem:$0x1FBA0] =	vst v23;
	v23 =	vld [tilespmem:$0x1FB20]  }
0x102: {  	v47 =	vsel vm0, $0x150D, v47;
	v48 =	vsel vm0, $0x150E, v48;
	v49 =	vsel vm0, $0x150F, v49;
	[tilespmem:$0x1FBF0] =	vst v22;
	v22 =	vld [tilespmem:$0x1FB40]  }
0x103: {  	v50 =	vsel vm0, $0x1500, v50;
	v51 =	vsel vm0, $0x1501, v51;
	v12 =	vsel vm9, $0x1887, v12  }
0x104: {  	v52 =	vsel vm0, $0x1502, v52;
	v53 =	vsel vm0, $0x1503, v53;
	v12 =	vsel vm8, $0x1908, v12  }
0x105: {  	v54 =	vsel vm0, $0x1504, v54;
	v55 =	vsel vm0, $0x1505, v55;
	v12 =	vsel vm7, $0x1989, v12  }
0x106: {  	v56 =	vsel vm0, $0x1506, v56;
	v12 =	vsel vm6, $0x1A0A, v12;
	v23 =	vsel vm12, $0x1D89, v23  }
0x107: {  	v57 =	vsel vm0, $0x1507, v57;
	v12 =	vsel vm5, $0x1A8B, v12;
	[tilespmem:$0x1FBB0] =	vst v23;
	v23 =	vsel vm13, $0x605, v22;
	v22 =	vld [tilespmem:$0x1FB50]  }
0x108: {  	v58 =	vsel vm0, $0x1508, v58;
	v59 =	vsel vm0, $0x1509, v59;
	v12 =	vsel vm4, $0x1B0C, v12  }
0x109: {  	v60 =	vsel vm0, $0x1D0B, v60;
	v61 =	vsel vm0, $0x1D0C, v61;
	v12 =	vsel vm3, $0x1B8D, v12  }
0x10a: {  	v62 =	vsel vm0, $0x1D0D, v62;
	v12 =	vsel vm2, $0x1C0E, v12;
	v7 =	vimm.s32 $0x1F89  }
0x10b: {  	v63 =	vsel vm0, $0x1D0E, v63;
	v12 =	vsel vm1, $0x1C8F, v12;
	v7 =	vsel vm10, $0x180A, v7  }
0x10c: {  	v8 =	vsel vm9, $0x188A, v8;
	v12 =	vsel vm0, $0x1D00, v12;
	v22 =	vsel vm13, $0x14C, v22  }
0x10d: {  	v7 =	vsel vm9, $0x188B, v7;
	v5 =	vsel vm9, $0x188D, v5;
	v8 =	vsel vm8, $0x190B, v8;
	[tilespmem:$0x1FC00] =	vst v22;
	v22 =	vld [tilespmem:$0x1FB60]  }
0x10e: {  	v7 =	vsel vm8, $0x190C, v7;
	v5 =	vsel vm8, $0x190E, v5;
	v8 =	vsel vm7, $0x198C, v8  }
0x10f: {  	v7 =	vsel vm7, $0x198D, v7;
	v5 =	vsel vm7, $0x198F, v5;
	v8 =	vsel vm6, $0x1A0D, v8  }
0x110: {  	v7 =	vsel vm6, $0x1A0E, v7;
	v5 =	vsel vm6, $0x1A00, v5;
	v8 =	vsel vm5, $0x1A8E, v8  }
0x111: {  	v7 =	vsel vm5, $0x1A8F, v7;
	v5 =	vsel vm5, $0x1A81, v5;
	v8 =	vsel vm4, $0x1B0F, v8  }
0x112: {  	v18 =	vsel vm12, $0x38B, v18;
	v19 =	vsel vm12, $0x58F, v19;
	v22 =	vsel vm13, $0x18C, v22  }
0x113: {  	v20 =	vsel vm12, $0x581, v20;
	v21 =	vsel vm12, $0x582, v21;
	v25 =	vsel vm12, $0x586, v25;
	[tilespmem:$0x1FC10] =	vst v22;
	v22 =	vld [tilespmem:$0x1FB70]  }
0x114: {  	v30 =	vsel vm12, $0xD8C, v30;
	v31 =	vsel vm12, $0xD8D, v31;
	v32 =	vsel vm12, $0xD8E, v32  }
0x115: {  	v33 =	vsel vm12, $0xD8F, v33;
	v34 =	vsel vm12, $0xD80, v34;
	v35 =	vsel vm12, $0xD81, v35  }
0x116: {  	v36 =	vsel vm12, $0xD82, v36;
	v37 =	vsel vm12, $0xD83, v37;
	v38 =	vsel vm12, $0xD84, v38  }
0x117: {  	v39 =	vsel vm12, $0xD85, v39;
	v40 =	vsel vm12, $0xD86, v40;
	v41 =	vsel vm12, $0xD87, v41  }
0x118: {  	v42 =	vsel vm12, $0xD88, v42;
	v43 =	vsel vm12, $0xD89, v43;
	v22 =	vsel vm13, $0x20C, v22  }
0x119: {  	v44 =	vsel vm12, $0xD8A, v44;
	v45 =	vsel vm12, $0x158C, v45;
	v46 =	vsel vm12, $0x158D, v46;
	[tilespmem:$0x1FC20] =	vst v22;
	v22 =	vld [tilespmem:$0x1FB80]  }
0x11a: {  	v47 =	vsel vm12, $0x158E, v47;
	v48 =	vsel vm12, $0x158F, v48;
	v49 =	vsel vm12, $0x1580, v49  }
0x11b: {  	v50 =	vsel vm12, $0x1581, v50;
	v51 =	vsel vm12, $0x1582, v51;
	v52 =	vsel vm12, $0x1583, v52  }
0x11c: {  	v53 =	vsel vm12, $0x1584, v53;
	v54 =	vsel vm12, $0x1585, v54;
	v55 =	vsel vm12, $0x1586, v55  }
0x11d: {  	v56 =	vsel vm12, $0x1587, v56;
	v57 =	vsel vm12, $0x1588, v57;
	v58 =	vsel vm12, $0x1589, v58  }
0x11e: {  	v59 =	vsel vm12, $0x158A, v59;
	v60 =	vsel vm12, $0x1D8C, v60;
	v22 =	vsel vm13, $0x24C, v22  }
0x11f: {  	v61 =	vsel vm12, $0x1D8D, v61;
	v62 =	vsel vm12, $0x1D8E, v62;
	v63 =	vsel vm12, $0x1D8F, v63;
	[tilespmem:$0x1FC30] =	vst v22;
	v22 =	vld [tilespmem:$0x1FB90]  }
0x120: {  	v12 =	vsel vm12, $0x1D81, v12;
	v7 =	vsel vm4, $0x1B00, v7;
	v5 =	vsel vm4, $0x1B02, v5  }
0x121: {  	v8 =	vsel vm3, $0x1B80, v8;
	v9 =	vsel vm9, $0x1888, v9;
	v7 =	vsel vm3, $0x1B81, v7  }
0x122: {  	v5 =	vsel vm3, $0x1B83, v5;
	v8 =	vsel vm2, $0x1C01, v8;
	v18 =	vsel vm13, $0x3CC, v18  }
0x123: {  	v19 =	vsel vm13, $0x600, v19;
	v20 =	vsel vm13, $0x602, v20;
	v21 =	vsel vm13, $0x603, v21  }
0x124: {  	v25 =	vsel vm13, $0x607, v25;
	v30 =	vsel vm13, $0xE0D, v30;
	v22 =	vsel vm13, $0x28C, v22  }
0x125: {  	v31 =	vsel vm13, $0xE0E, v31;
	v10 =	vimm.s32 $0x1F8C;
	v5 =	vsel vm2, $0x1C04, v5;
	[tilespmem:$0x1FC40] =	vst v22;
	v22 =	vld [tilespmem:$0x1FBA0]  }
0x126: {  	v10 =	vsel vm10, $0x180D, v10;
	v5 =	vsel vm1, $0x1C85, v5;
	vm14 =	vcmask $0x3734  }
0x127: {  	v13 =	vsel vm9, $0x141, v15;
	v15 =	vimm.s32 $0x781;
	v10 =	vsel vm9, $0x188E, v10  }
0x128: {  	v5 =	vsel vm0, $0x1D06, v5;
	v19 =	vsel vm14, $0x681, v19;
	v21 =	vsel vm14, $0x684, v21  }
0x129: {  	v16 =	vsel vm8, $0x182, v13;
	v13 =	vsel vm10, $0x2, v15;
	v10 =	vsel vm8, $0x190F, v10  }
0x12a: {  	v5 =	vsel vm12, $0x1D87, v5;
	v13 =	vsel vm9, $0x83, v13;
	v22 =	vsel vm13, $0x2CC, v22  }
0x12b: {  	v10 =	vsel vm7, $0x1980, v10;
	v5 =	vsel vm13, $0x1E08, v5;
	vm15 =	vcmask $0x3B38;
	[tilespmem:$0x1FC50] =	vst v22;
	v22 =	vld [tilespmem:$0x1FBB0]  }
0x12c: {  	[tilespmem:$0x1FCB0] =	vst v21;
	v21 =	vld [tilespmem:$0x1FBD0];
	v11 =	vsel vm9, $0x1886, v11;
	v13 =	vsel vm8, $0x104, v13;
	v10 =	vsel vm6, $0x1A01, v10  }
0x12d: {  	v11 =	vsel vm8, $0x1907, v11;
	v13 =	vsel vm7, $0x185, v13;
	v10 =	vsel vm5, $0x1A82, v10  }
0x12e: {  	v1 =	vsel vm7, $0x1C3, v16;
	v16 =	vimm.s32 $0x782;
	v4 =	vsel vm9, $0x188C, v4  }
0x12f: {  	v11 =	vsel vm7, $0x1988, v11;
	v13 =	vsel vm6, $0x206, v13;
	v10 =	vsel vm4, $0x1B03, v10  }
0x130: {  	v16 =	vsel vm10, $0x3, v16;
	v4 =	vsel vm8, $0x190D, v4;
	v22 =	vsel vm13, $0x1E0A, v22  }
0x131: {  	v11 =	vsel vm6, $0x1A09, v11;
	v21 =	vsel vm14, $0x10D, v21;
	v4 =	vsel vm7, $0x198E, v4;
	[tilespmem:$0x1FC60] =	vst v22;
	v22 =	vld [tilespmem:$0x1FBC0]  }
0x132: {  	v13 =	vsel vm5, $0x287, v13;
	v10 =	vsel vm3, $0x1B84, v10;
	[tilespmem:$0x1FCC0] =	vst v21;
	v21 =	vld [tilespmem:$0x1FBE0];
	v4 =	vsel vm6, $0x1A0F, v4  }
0x133: {  	v16 =	vsel vm9, $0x84, v16;
	v11 =	vsel vm5, $0x1A8A, v11;
	v4 =	vsel vm5, $0x1A80, v4  }
0x134: {  	v13 =	vsel vm4, $0x308, v13;
	v10 =	vsel vm2, $0x1C05, v10;
	v4 =	vsel vm4, $0x1B01, v4  }
0x135: {  	v16 =	vsel vm8, $0x105, v16;
	v13 =	vsel vm3, $0x389, v13;
	v4 =	vsel vm3, $0x1B82, v4  }
0x136: {  	v10 =	vsel vm1, $0x1C86, v10;
	v4 =	vsel vm2, $0x1C03, v4;
	v3 =	vld [tilespmem:$0x1FA30];
	v22 =	vsel vm14, $0x68E, v22  }
0x137: {  	v16 =	vsel vm7, $0x186, v16;
	v4 =	vsel vm1, $0x1C84, v4;
	[tilespmem:$0x1FC70] =	vst v22;
	v22 =	vsel vm14, $0x685, v21;
	v21 =	vld [tilespmem:$0x1FBF0]  }
0x138: {  	v13 =	vsel vm2, $0x40A, v13;
	v10 =	vsel vm0, $0x1D07, v10;
	v4 =	vsel vm0, $0x1D05, v4  }
0x139: {  	v16 =	vsel vm6, $0x207, v16;
	v13 =	vsel vm1, $0x48B, v13;
	v4 =	vsel vm12, $0x1D86, v4  }
0x13a: {  	v10 =	vsel vm12, $0x1D88, v10;
	v16 =	vsel vm5, $0x288, v16;
	v4 =	vsel vm13, $0x1E07, v4  }
0x13b: {  	v10 =	vsel vm13, $0x1E09, v10;
	v4 =	vsel vm14, $0x1E88, v4;
	v2 =	vld [tilespmem:$0x1F9B0];
	v3 =	vsel vm1, $0x1C88, v3  }
0x13c: {  	v16 =	vsel vm4, $0x309, v16;
	[tilespmem:$0x1FE80] =	vst v4;
	v3 =	vsel vm0, $0x1D09, v3;
	v21 =	vsel vm14, $0x14D, v21  }
0x13d: {  	v16 =	vsel vm3, $0x38A, v16;
	v4 =	vsel vm14, $0x1E89, v5;
	v3 =	vsel vm12, $0x1D8A, v3;
	[tilespmem:$0x1FCD0] =	vst v21;
	v21 =	vld [tilespmem:$0x1FC00]  }
0x13e: {  	v16 =	vsel vm2, $0x40B, v16;
	[tilespmem:$0x1FE90] =	vst v4;
	v4 =	vsel vm14, $0x1E8A, v10;
	v17 =	vld [tilespmem:$0x1F9C0];
	v3 =	vsel vm13, $0x1E0B, v3  }
0x13f: {  	v13 =	vsel vm0, $0x50C, v13;
	v16 =	vsel vm1, $0x48C, v16;
	[tilespmem:$0x1FEA0] =	vst v4;
	v3 =	vsel vm14, $0x1E8C, v3;
	v4 =	vld [tilespmem:$0x1FC60]  }
0x140: {  	v13 =	vsel vm12, $0x58D, v13;
	v16 =	vsel vm0, $0x50D, v16;
	v2 =	vsel vm1, $0x289, v2;
	[tilespmem:$0x1FEC0] =	vst v3;
	v3 =	vld [tilespmem:$0x1FC70]  }
0x141: {  	v13 =	vsel vm13, $0x60E, v13;
	v16 =	vsel vm12, $0x58E, v16;
	v2 =	vsel vm0, $0x2CA, v2  }
0x142: {  	v16 =	vsel vm13, $0x60F, v16;
	v2 =	vsel vm12, $0x30B, v2;
	v21 =	vsel vm14, $0x18D, v21  }
0x143: {  	v13 =	vsel vm14, $0x68F, v13;
	v16 =	vsel vm14, $0x680, v16;
	v2 =	vsel vm13, $0x34C, v2;
	[tilespmem:$0x1FCE0] =	vst v21;
	v21 =	vld [tilespmem:$0x1FC10]  }
0x144: {  	v17 =	vsel vm1, $0x109, v17;
	v2 =	vsel vm14, $0x38D, v2;
	v4 =	vsel vm14, $0x1E8B, v4  }
0x145: {  	[tilespmem:$0x1FEB0] =	vst v4;
	v4 =	vsel vm15, $0x70F, v3;
	v3 =	vsel vm15, $0x3CE, v2;
	v2 =	vsel vm15, $0x700, v13  }
0x146: {  	v11 =	vsel vm4, $0x1B0B, v11;
	v17 =	vsel vm0, $0x14A, v17;
	[tilespmem:$0x1FC80] =	vst v2;
	v2 =	vsel vm15, $0x701, v16  }
0x147: {  	v11 =	vsel vm3, $0x1B8C, v11;
	v17 =	vsel vm12, $0x18B, v17;
	[tilespmem:$0x1FC90] =	vst v2;
	v2 =	vsel vm15, $0x702, v19  }
0x148: {  	v11 =	vsel vm2, $0x1C0D, v11;
	v17 =	vsel vm13, $0x1CC, v17;
	[tilespmem:$0x1FED0] =	vst v2;
	v2 =	vld [tilespmem:$0x1FCA0];
	v21 =	vsel vm14, $0x1CD, v21  }
0x149: {  	v32 =	vsel vm13, $0xE0F, v32;
	v11 =	vsel vm1, $0x1C8E, v11;
	[tilespmem:$0x1FCF0] =	vst v21;
	v21 =	vsel vm14, $0x20D, v17;
	v17 =	vld [tilespmem:$0x1FC20]  }
0x14a: {  	v33 =	vsel vm13, $0xE00, v33;
	v34 =	vsel vm13, $0xE01, v34;
	v11 =	vsel vm0, $0x1D0F, v11  }
0x14b: {  	v35 =	vsel vm13, $0xE02, v35;
	v36 =	vsel vm13, $0xE03, v36;
	v11 =	vsel vm12, $0x1D80, v11  }
0x14c: {  	v37 =	vsel vm13, $0xE04, v37;
	v38 =	vsel vm13, $0xE05, v38;
	v11 =	vsel vm13, $0x1E01, v11  }
0x14d: {  	v39 =	vsel vm13, $0xE06, v39;
	v40 =	vsel vm13, $0xE07, v40;
	v11 =	vsel vm14, $0x1E82, v11  }
0x14e: {  	v41 =	vsel vm13, $0xE08, v41;
	[tilespmem:$0x1FE40] =	vst v11;
	v11 =	vsel vm15, $0x10E, v2;
	v2 =	vld [tilespmem:$0x1FCB0];
	v17 =	vsel vm14, $0x24D, v17  }
0x14f: {  	v42 =	vsel vm13, $0xE09, v42;
	v43 =	vsel vm13, $0xE0A, v43;
	v44 =	vsel vm13, $0xE0B, v44;
	[tilespmem:$0x1FD00] =	vst v17;
	v17 =	vld [tilespmem:$0x1FC30]  }
0x150: {  	v45 =	vsel vm13, $0x160D, v45;
	v46 =	vsel vm13, $0x160E, v46;
	v15 =	vimm.s32 $0x4F  }
0x151: {  	v47 =	vsel vm13, $0x160F, v47;
	v48 =	vsel vm13, $0x1600, v48;
	v15 =	vsel vm10, $0x80, v15  }
0x152: {  	v49 =	vsel vm13, $0x1601, v49;
	v50 =	vsel vm13, $0x1602, v50;
	v15 =	vsel vm9, $0xC1, v15  }
0x153: {  	v51 =	vsel vm13, $0x1603, v51;
	v52 =	vsel vm13, $0x1604, v52;
	v15 =	vsel vm8, $0x102, v15  }
0x154: {  	v15 =	vsel vm7, $0x143, v15;
	v16 =	vsel vm15, $0x705, v2;
	v2 =	vld [tilespmem:$0x1FCC0];
	v17 =	vsel vm14, $0x28D, v17  }
0x155: {  	v53 =	vsel vm13, $0x1605, v53;
	v54 =	vsel vm13, $0x1606, v54;
	v15 =	vsel vm6, $0x184, v15;
	[tilespmem:$0x1FD10] =	vst v17;
	v17 =	vld [tilespmem:$0x1FC40]  }
0x156: {  	v55 =	vsel vm13, $0x1607, v55;
	v56 =	vsel vm13, $0x1608, v56;
	v15 =	vsel vm5, $0x1C5, v15  }
0x157: {  	v57 =	vsel vm13, $0x1609, v57;
	v58 =	vsel vm13, $0x160A, v58;
	v15 =	vsel vm4, $0x206, v15  }
0x158: {  	v59 =	vsel vm13, $0x160B, v59;
	v60 =	vsel vm13, $0x1E0D, v60;
	v15 =	vsel vm3, $0x247, v15  }
0x159: {  	v61 =	vsel vm13, $0x1E0E, v61;
	v1 =	vsel vm6, $0x204, v1;
	v15 =	vsel vm2, $0x288, v15  }
0x15a: {  	v15 =	vsel vm1, $0x2C9, v15;
	v13 =	vsel vm15, $0x14E, v2;
	v2 =	vld [tilespmem:$0x1FCD0];
	v17 =	vsel vm14, $0x2CD, v17  }
0x15b: {  	v62 =	vsel vm13, $0x1E0F, v62;
	v1 =	vsel vm5, $0x245, v1;
	v15 =	vsel vm0, $0x30A, v15;
	[tilespmem:$0x1FD20] =	vst v17;
	v17 =	vld [tilespmem:$0x1FC50]  }
0x15c: {  	v63 =	vsel vm13, $0x1E00, v63;
	v1 =	vsel vm4, $0x286, v1;
	v15 =	vsel vm12, $0x34B, v15  }
0x15d: {  	v12 =	vsel vm13, $0x1E02, v12;
	v1 =	vsel vm3, $0x2C7, v1;
	v15 =	vsel vm13, $0x38C, v15  }
0x15e: {  	v1 =	vcombine.low v1, v14;
	v14 =	vimm.s32 $0x784;
	v15 =	vsel vm14, $0x3CD, v15  }
0x15f: {  	v14 =	vsel vm10, $0x5, v14;
	v5 =	vsel vm15, $0xE, v15;
	v15 =	vsel vm15, $0x18E, v2;
	v2 =	vld [tilespmem:$0x1FCE0]  }
0x160: {  	v9 =	vsel vm8, $0x1909, v9;
	v14 =	vsel vm9, $0x86, v14;
	v17 =	vsel vm14, $0x30D, v17  }
0x161: {  	v7 =	vsel vm2, $0x1C02, v7;
	v14 =	vsel vm8, $0x107, v14;
	[tilespmem:$0x1FD30] =	vst v17;
	v17 =	vsel vm14, $0x168E, v45  }
0x162: {  	v8 =	vsel vm1, $0x1C82, v8;
	v14 =	vsel vm7, $0x188, v14;
	[tilespmem:$0x1FE10] =	vst v17;
	v17 =	vsel vm14, $0x168F, v46  }
0x163: {  	v9 =	vsel vm7, $0x198A, v9;
	v14 =	vsel vm6, $0x209, v14;
	[tilespmem:$0x1FE20] =	vst v17;
	v17 =	vsel vm14, $0x1680, v47  }
0x164: {  	v7 =	vsel vm1, $0x1C83, v7;
	v14 =	vsel vm5, $0x28A, v14;
	[tilespmem:$0x1FE30] =	vst v17;
	v17 =	vsel vm15, $0x1CE, v2;
	v2 =	vld [tilespmem:$0x1FCF0]  }
0x165: {  	v8 =	vsel vm0, $0x1D03, v8;
	v9 =	vsel vm6, $0x1A0B, v9;
	v14 =	vsel vm4, $0x30B, v14  }
0x166: {  	v7 =	vsel vm0, $0x1D04, v7;
	v8 =	vsel vm12, $0x1D84, v8;
	v14 =	vsel vm3, $0x38C, v14  }
0x167: {  	v18 =	vsel vm14, $0xD, v18;
	v20 =	vsel vm14, $0x683, v20;
	v14 =	vsel vm2, $0x40D, v14  }
0x168: {  	v25 =	vsel vm14, $0x688, v25;
	v30 =	vsel vm14, $0xE8E, v30;
	v14 =	vsel vm1, $0x48E, v14  }
0x169: {  	v31 =	vsel vm14, $0xE8F, v31;
	v14 =	vsel vm0, $0x50F, v14;
	v19 =	vsel vm15, $0x20E, v2;
	v2 =	vld [tilespmem:$0x1FD00]  }
0x16a: {  	v32 =	vsel vm14, $0xE80, v32;
	v33 =	vsel vm14, $0xE81, v33;
	v14 =	vsel vm12, $0x580, v14  }
0x16b: {  	v34 =	vsel vm14, $0xE82, v34;
	v35 =	vsel vm14, $0xE83, v35;
	v14 =	vsel vm13, $0x601, v14  }
0x16c: {  	v36 =	vsel vm14, $0xE84, v36;
	v37 =	vsel vm14, $0xE85, v37;
	v14 =	vsel vm14, $0x682, v14  }
0x16d: {  	v38 =	vsel vm14, $0xE86, v38;
	v10 =	vsel vm15, $0x703, v14;
	v23 =	vsel vm14, $0x686, v23  }
0x16e: {  	v14 =	vsel vm15, $0x704, v20;
	v20 =	vsel vm15, $0x707, v23;
	v23 =	vsel vm15, $0x28E, v2;
	v2 =	vld [tilespmem:$0x1FD10]  }
0x16f: {  	v39 =	vsel vm14, $0xE87, v39;
	v40 =	vsel vm14, $0xE88, v40;
	v41 =	vsel vm14, $0xE89, v41  }
0x170: {  	v42 =	vsel vm14, $0xE8A, v42;
	v43 =	vsel vm14, $0xE8B, v43;
	v44 =	vsel vm14, $0xE8C, v44  }
0x171: {  	v48 =	vsel vm14, $0x1681, v48;
	v49 =	vsel vm14, $0x1682, v49;
	v24 =	vsel vm13, $0x606, v24  }
0x172: {  	v27 =	vsel vm1, $0x486, v27;
	v24 =	vsel vm14, $0x687, v24;
	v46 =	vsel vm15, $0x706, v22  }
0x173: {  	v22 =	vsel vm15, $0x708, v24;
	v24 =	vsel vm15, $0x709, v25;
	v25 =	vsel vm15, $0x2CE, v2;
	v2 =	vld [tilespmem:$0x1FD20]  }
0x174: {  	v50 =	vsel vm14, $0x1683, v50;
	v51 =	vsel vm14, $0x1684, v51;
	v27 =	vsel vm0, $0x507, v27  }
0x175: {  	v52 =	vsel vm14, $0x1685, v52;
	v53 =	vsel vm14, $0x1686, v53;
	v27 =	vsel vm12, $0x588, v27  }
0x176: {  	v54 =	vsel vm14, $0x1687, v54;
	v29 =	vsel vm3, $0x386, v29;
	v27 =	vsel vm13, $0x609, v27  }
0x177: {  	v55 =	vsel vm14, $0x1688, v55;
	v29 =	vsel vm2, $0x407, v29;
	v27 =	vsel vm14, $0x68A, v27  }
0x178: {  	v29 =	vsel vm1, $0x488, v29;
	v45 =	vsel vm15, $0x70B, v27;
	v27 =	vsel vm15, $0x30E, v2;
	v2 =	vld [tilespmem:$0x1FD30]  }
0x179: {  	v56 =	vsel vm14, $0x1689, v56;
	v6 =	vsel vm9, $0x1889, v6;
	v29 =	vsel vm0, $0x509, v29  }
0x17a: {  	v31 =	vsel vm15, $0xF00, v31;
	v6 =	vsel vm8, $0x190A, v6;
	v29 =	vsel vm12, $0x58A, v29  }
0x17b: {  	[tilespmem:$0x1FD40] =	vst v31;
	v31 =	vsel vm15, $0xF01, v32;
	v6 =	vsel vm7, $0x198B, v6;
	v29 =	vsel vm13, $0x60B, v29  }
0x17c: {  	[tilespmem:$0x1FD50] =	vst v31;
	v31 =	vsel vm15, $0xF02, v33;
	v6 =	vsel vm6, $0x1A0C, v6;
	v29 =	vsel vm14, $0x68C, v29  }
0x17d: {  	[tilespmem:$0x1FD60] =	vst v31;
	v47 =	vsel vm15, $0x70D, v29;
	v29 =	vsel vm15, $0x34E, v2;
	v2 =	vsel vm15, $0xF04, v35  }
0x17e: {  	v57 =	vsel vm14, $0x168A, v57;
	v6 =	vsel vm5, $0x1A8D, v6;
	[tilespmem:$0x1FD80] =	vst v2;
	v2 =	vsel vm15, $0xF05, v36  }
0x17f: {  	v58 =	vsel vm14, $0x168B, v58;
	v6 =	vsel vm4, $0x1B0E, v6;
	[tilespmem:$0x1FD90] =	vst v2;
	v2 =	vsel vm15, $0xF06, v37  }
0x180: {  	v59 =	vsel vm14, $0x168C, v59;
	v6 =	vsel vm3, $0x1B8F, v6;
	[tilespmem:$0x1FDA0] =	vst v2;
	v2 =	vsel vm15, $0xF07, v38  }
0x181: {  	v60 =	vsel vm14, $0x1E8E, v60;
	v6 =	vsel vm2, $0x1C00, v6;
	[tilespmem:$0x1FDB0] =	vst v2;
	v2 =	vsel vm15, $0xF08, v39  }
0x182: {  	v61 =	vsel vm14, $0x1E8F, v61;
	v6 =	vsel vm1, $0x1C81, v6;
	[tilespmem:$0x1FDC0] =	vst v2;
	v2 =	vsel vm15, $0xF09, v40  }
0x183: {  	v9 =	vsel vm5, $0x1A8C, v9;
	v6 =	vsel vm0, $0x1D02, v6;
	[tilespmem:$0x1FDD0] =	vst v2;
	v2 =	vsel vm15, $0xF0A, v41  }
0x184: {  	v7 =	vsel vm12, $0x1D85, v7;
	v6 =	vsel vm12, $0x1D83, v6;
	[tilespmem:$0x1FDE0] =	vst v2;
	v2 =	vsel vm15, $0xF0B, v42  }
0x185: {  	v9 =	vsel vm4, $0x1B0D, v9;
	v6 =	vsel vm13, $0x1E04, v6;
	v26 =	vld [tilespmem:$0x1F9D0];
	[tilespmem:$0x1FDF0] =	vst v2;
	v2 =	vsel vm15, $0xF0C, v43  }
0x186: {  	v8 =	vsel vm13, $0x1E05, v8;
	v9 =	vsel vm3, $0x1B8E, v9;
	v6 =	vsel vm14, $0x1E85, v6;
	[tilespmem:$0x1FE00] =	vst v2;
	v2 =	vld [tilespmem:$0x1FE10]  }
0x187: {  	v7 =	vsel vm13, $0x1E06, v7;
	v9 =	vsel vm2, $0x1C0F, v9;
	[tilespmem:$0x1FE50] =	vst v6;
	v6 =	vsel vm14, $0x1E86, v8  }
0x188: {  	v62 =	vsel vm14, $0x1E80, v62;
	v9 =	vsel vm1, $0x1C80, v9;
	[tilespmem:$0x1FE60] =	vst v6;
	v6 =	vsel vm14, $0x1E87, v7  }
0x189: {  	s0 =	rddreg [dreg:$0x0];
	s4 =	simm.s32 $0x0;
	v63 =	vsel vm14, $0x1E81, v63;
	v9 =	vsel vm0, $0x1D01, v9;
	[tilespmem:$0x1FE70] =	vst v6;
	v33 =	vmovc v4;
	v4 =	vsel vm15, $0xF03, v34  }
0x18a: {  	[smem:$0x7FF] =	sst s4;
	v12 =	vsel vm14, $0x1E83, v12;
	v30 =	vsel vm15, $0xF0F, v30;
	v9 =	vsel vm12, $0x1D82, v9;
	[tilespmem:$0x1FD70] =	vst v4;
	v37 =	vmovc v10  }
0x18b: {  	s2 =	rddreg [dreg:$0x2];
	v26 =	vsel vm1, $0x485, v26;
	v34 =	vmov v14;
	v35 =	vsel vm15, $0x170F, v2;
	v2 =	vld [tilespmem:$0x1FE20];
	_ =	strace $0x80000047;
	[tilespmem:$0x1FEE0] =	vst v37  }
0x18c: {  	s17 =	simm.s32 $0x7A1400;
	v9 =	vsel vm13, $0x1E03, v9;
	v28 =	vsel vm2, $0x406, v28;
	v26 =	vsel vm0, $0x506, v26;
	v39 =	vmovc v16;
	[tilespmem:$0x1FEF0] =	vst v34  }
0x18d: {  	v9 =	vsel vm14, $0x1E84, v9;
	v28 =	vsel vm1, $0x487, v28;
	v26 =	vsel vm12, $0x587, v26;
	[tilespmem:$0x1FF00] =	vst v39;
	v8 =	vld [tilespmem:$0x1FE50]  }
0x18e: {  	v6 =	vsel vm15, $0x1F05, v9;
	v28 =	vsel vm0, $0x508, v28;
	v26 =	vsel vm13, $0x608, v26;
	v41 =	vmovc v20;
	[tilespmem:$0x1FF10] =	vst v46;
	v9 =	vld [tilespmem:$0x1FE60]  }
0x18f: {  	v49 =	vsel vm15, $0x1703, v49;
	v28 =	vsel vm12, $0x589, v28;
	v26 =	vsel vm14, $0x689, v26;
	v32 =	vmovc v22;
	[tilespmem:$0x1FF20] =	vst v41;
	v10 =	vld [tilespmem:$0x1FE70]  }
0x190: {  	s16 =	simm.s32 $0x400;
	v28 =	vsel vm13, $0x60A, v28;
	v26 =	vsel vm15, $0x70A, v26;
	v4 =	vsel vm15, $0x1F04, v12;
	v43 =	vmovc v24;
	[tilespmem:$0x1FF30] =	vst v32;
	v12 =	vld [tilespmem:$0x1FE80]  }
0x191: {  	s1 =	srdreg.scid;
	s18 =	simm.s32 $0x2000;
	v50 =	vsel vm15, $0x1704, v50;
	v51 =	vsel vm15, $0x1705, v51;
	v28 =	vsel vm14, $0x68B, v28;
	v31 =	vmovc v26;
	[tilespmem:$0x1FF40] =	vst v43;
	v14 =	vld [tilespmem:$0x1FE90]  }
0x192: {  	s24 =	stileid.u32;
	s19 =	simm.s32 $0x1;
	s20 =	simm.s32 $0x6000;
	v52 =	vsel vm15, $0x1706, v52;
	v28 =	vsel vm15, $0x70C, v28;
	[tilespmem:$0x1FF50] =	vst v31;
	v40 =	vsel vm15, $0x1700, v2;
	v2 =	vld [tilespmem:$0x1FE30]  }
0x193: {  	s21 =	simm.s32 $0x2;
	s22 =	simm.s32 $0x4;
	s23 =	simm.s32 $0x8000;
	v53 =	vsel vm15, $0x1707, v53;
	v54 =	vsel vm15, $0x1708, v54;
	v7 =	vsel vm15, $0x4E, v18;
	v36 =	vmovc v28;
	[tilespmem:$0x1FF60] =	vst v45;
	v18 =	vld [tilespmem:$0x1FEA0]  }
0x194: {  	s25 =	simm.s32 $0x5;
	s3 =	sand.u32 $0x1, s1;
	s31 =	sshll.u32 s24, $0x1;
	v55 =	vsel vm15, $0x1709, v55;
	v56 =	vsel vm15, $0x170A, v56;
	v57 =	vsel vm15, $0x170B, v57;
	[tilespmem:$0x1FF70] =	vst v36;
	v20 =	vld [tilespmem:$0x1FEB0]  }
0x195: {  	s28 =	simm.s32 $0x0;
	s7 =	sadd.s32 $0x1200, s2;
	s1 =	sor.u32 s3, s31;
	v58 =	vsel vm15, $0x170C, v58;
	v38 =	vsel vm15, $0xF0D, v44;
	v44 =	vsel vm15, $0x1702, v48;
	v48 =	vmovc v30;
	[tilespmem:$0x1FF80] =	vst v47;
	v22 =	vld [tilespmem:$0x1FEC0]  }
0x196: {  	p0 =	sgt.u32 s24, $0x1;
	s3 =	ssub.s32 $0x2, s3;
	s6 =	smul.u32 $0x7A00, s1;
	v59 =	vsel vm15, $0x170D, v59;
	v60 =	vsel vm15, $0x1F0F, v60;
	v24 =	vlaneseq.u32;
	[tilespmem:$0x1FF90] =	vst v48;
	v30 =	vld [tilespmem:$0x1FED0]  }
0x197: {  	s24 =	simm.s32 $0x3;
	s8 =	sshrl.u32 s3, $0x1;
	s5 =	smul.u32 $0xF4, s1;
	v61 =	vsel vm15, $0x1F00, v61;
	v16 =	vmul.u32 $0x81, v24;
	[tilespmem:$0x1FFA0] =	vst v33;
	v42 =	vsel vm15, $0x1701, v2;
	v2 =	vld [tilespmem:$0x1FE40]  }
.Ltmp0:
0x198: {  	s12 =	sor.u32 $0x1E80, s1;
	p1 =	sne.s32 s1, $0x4;
	v62 =	vsel vm15, $0x1F01, v62;
	v63 =	vsel vm15, $0x1F02, v63;
	v21 =	vsel vm15, $0x24E, v21;
	[tilespmem:$0x1FFB0] =	vst v38;
	(pc) =	sbr.rel .LBB2_1-.Ltmp0, $4  }
0x199: {  	s3 =	ssub.s32 s3, s8;
	s13 =	sshll.u32 s12, $0x7;
	s14 =	sshll.u32 s12, $0xA;
	v24 =	vmul.u32 $0x41, v24;
	v26 =	vor.u32 $0x800, v16;
	v28 =	vor.u32 $0x1000, v16;
	[tilespmem:$0x1FFF0] =	vst v44  }
0x19a: {  	s6 =	sadd.s32 s0, s6;
	s9 =	sor.u32 $0x2, s5;
	s10 =	sor.u32 $0x1, s5;
	[tilespmem:$0x1FFC0] =	vst v35;
	v8 =	vsel vm15, $0x1F06, v8;
	v9 =	vsel vm15, $0x1F07, v9;
	v10 =	vsel vm15, $0x1F08, v10  }
0x19b: {  	s11 =	sor.u32 $0x3, s5;
	s12 =	sadd.s32 s0, s13;
	s13 =	sadd.s32 s7, s14;
	v12 =	vsel vm15, $0x1F09, v12;
	v14 =	vsel vm15, $0x1F0A, v14;
	v18 =	vsel vm15, $0x1F0B, v18;
	[tilespmem:$0x1FFD0] =	vst v40  }
0x19c: {  	s14 =	sadd.s32 $0x7A2200, s2;
	s15 =	smax.u32 s3, $0x1;
	s8 =	sadd.s32 $0x80, s6;
	v20 =	vsel vm15, $0x1F0C, v20;
	v22 =	vsel vm15, $0x1F0D, v22;
	v46 =	vmovc v30;
	[tilespmem:$0x1FFE0] =	vst v42;
	v2 =	vsel vm15, $0x1F03, v2  }
.LBB2_38:
0x19d: {  	s28 =	sadd.s32 $0x1, s28  }
0x19e: {  	p2 =	sne.s32 s28, s15  }
.Ltmp1:
0x19f: {  	_ = 	snop;
	(pc) =	sbr.rel @!p2 .LBB2_39-.Ltmp1, $1  }
0x1a0: {  	_ =	sdelay $0x3  }
.LBB2_1:
0x1a1: {  	[tilespmem:s4], [sflag:$0x1] =	stream.strided.gather [hbm4b:s6+s16], $0x2000, s17, s16, $0x38;
	[tilespmem:$0xA000] =	vst v63  }
0x1a2: {  	s29 =	simm.s32 $0x0  }
0x1a3: {  	[tilespmem:s18], [sflag:$0x2] =	stream.strided.gather [hbm4b:s8+s16], $0x2000, s17, s16, $0x38;
	[tilespmem:$0xA000] =	vst v63  }
.LBB2_2:
0x1a4: {  	_ =	swait.ge [sflag:s19], $0x2000;
	s3 =	simm.s32 $0x0  }
0x1a5: {  	p2 =	seq.s32 s29, $0x0;
	[sflag:s19] =	ssyncset.done $0x0;
	v30 =	vor.u32 s3, v16  }
0x1a6: {  	s1 =	simm.s32 @!p2 $0x3;
	[sflag:s19] =	ssyncadd.s32 $0xFFFFE000  }
0x1a7: {  	_ =	swait.ge @!p2 [sflag:s1], $0x2000  }
0x1a8: {  	[sflag:s1] =	ssyncset.done @!p2 $0x0  }
0x1a9: {  	[sflag:s1] =	ssyncadd.s32 @!p2 $0xFFFFE000  }
0x1aa: {  	v31 =	vor.u32 s3, v24;
	v30 =	vld.idx.msk [tilespmem:v30+s3+$0x0], $0xffff  }
0x1ab: {  	v32 =	vor.u32 s3, v33  }
0x1ac: {  	v35 =	vld [tilespmem:$0x1FC80];
	_ =	sdelay $0x2  }
0x1ad: {  	[tilespmem:v31+s20+$0x0] =	vst.idx.msk $0xffff, v30  }
0x1ae: {  	v31 =	vor.u32 s3, v3;
	v30 =	vld.idx.msk [tilespmem:v32+s3+$0x0], $0xffff  }
0x1af: {  	v40 =	vor.u32 s3, v35  }
0x1b0: {  	v34 =	vld [tilespmem:$0x1FC90];
	_ =	sdelay $0x2  }
0x1b1: {  	[tilespmem:v31+s20+$0x0] =	vst.idx.msk $0xffff, v30  }
0x1b2: {  	v31 =	vor.u32 s3, v5;
	v30 =	vld.idx.msk [tilespmem:v40+s3+$0x0], $0xffff  }
0x1b3: {  	v42 =	vor.u32 s3, v34;
	_ =	sdelay $0x3  }
0x1b4: {  	[tilespmem:v31+s20+$0x0] =	vst.idx.msk $0xffff, v30  }
0x1b5: {  	v31 =	vor.u32 s3, v7;
	v30 =	vld.idx.msk [tilespmem:v42+s3+$0x0], $0xffff  }
0x1b6: {  	v44 =	vor.u32 s3, v46;
	_ =	sdelay $0x3  }
0x1b7: {  	[tilespmem:v31+s20+$0x0] =	vst.idx.msk $0xffff, v30  }
0x1b8: {  	v31 =	vor.u32 s3, v1;
	v30 =	vld.idx.msk [tilespmem:v44+s3+$0x0], $0xffff  }
0x1b9: {  	v38 =	vor.u32 s3, v37  }
0x1ba: {  	v44 =	vld [tilespmem:$0x1FEF0];
	_ =	sdelay $0x2  }
0x1bb: {  	[tilespmem:v31+s20+$0x0] =	vst.idx.msk $0xffff, v30  }
0x1bc: {  	v31 =	vor.u32 s3, v0;
	v30 =	vld.idx.msk [tilespmem:v38+s3+$0x0], $0xffff  }
0x1bd: {  	v40 =	vor.u32 s3, v44;
	_ =	sdelay $0x3  }
0x1be: {  	[tilespmem:v31+s20+$0x0] =	vst.idx.msk $0xffff, v30  }
0x1bf: {  	v31 =	vor.u32 s3, v11;
	v30 =	vld.idx.msk [tilespmem:v40+s3+$0x0], $0xffff  }
0x1c0: {  	v42 =	vor.u32 s3, v39;
	_ =	sdelay $0x3  }
0x1c1: {  	[tilespmem:v31+s20+$0x0] =	vst.idx.msk $0xffff, v30  }
0x1c2: {  	v30 =	vld.idx.msk [tilespmem:v42+s3+$0x0], $0xffff  }
0x1c3: {  	v42 =	vld [tilespmem:$0x1FF10];
	_ =	sdelay $0x3  }
0x1c4: {  	v31 =	vor.u32 s3, v13  }
0x1c5: {  	v38 =	vor.u32 s3, v42;
	_ =	sdelay $0x3  }
0x1c6: {  	[tilespmem:v31+s20+$0x0] =	vst.idx.msk $0xffff, v30  }
0x1c7: {  	v31 =	vor.u32 s3, v15;
	v30 =	vld.idx.msk [tilespmem:v38+s3+$0x0], $0xffff  }
0x1c8: {  	v40 =	vor.u32 s3, v41;
	_ =	sdelay $0x3  }
0x1c9: {  	[tilespmem:v31+s20+$0x0] =	vst.idx.msk $0xffff, v30  }
0x1ca: {  	v30 =	vld.idx.msk [tilespmem:v40+s3+$0x0], $0xffff  }
0x1cb: {  	v40 =	vld [tilespmem:$0x1FF30];
	_ =	sdelay $0x3  }
0x1cc: {  	v31 =	vor.u32 s3, v17  }
0x1cd: {  	v38 =	vor.u32 s3, v40;
	_ =	sdelay $0x3  }
0x1ce: {  	[tilespmem:v31+s20+$0x0] =	vst.idx.msk $0xffff, v30  }
0x1cf: {  	v31 =	vor.u32 s3, v19;
	v30 =	vld.idx.msk [tilespmem:v38+s3+$0x0], $0xffff  }
0x1d0: {  	v38 =	vor.u32 s3, v43;
	_ =	sdelay $0x3  }
0x1d1: {  	[tilespmem:v31+s20+$0x0] =	vst.idx.msk $0xffff, v30  }
0x1d2: {  	v30 =	vld.idx.msk [tilespmem:v38+s3+$0x0], $0xffff  }
0x1d3: {  	v38 =	vld [tilespmem:$0x1FF50];
	_ =	sdelay $0x3  }
0x1d4: {  	v31 =	vor.u32 s3, v21  }
0x1d5: {  	v32 =	vor.u32 s3, v38;
	_ =	sdelay $0x3  }
0x1d6: {  	[tilespmem:v31+s20+$0x0] =	vst.idx.msk $0xffff, v30  }
0x1d7: {  	v31 =	vor.u32 s3, v23;
	v30 =	vld.idx.msk [tilespmem:v32+s3+$0x0], $0xffff  }
0x1d8: {  	v32 =	vor.u32 s3, v45;
	_ =	sdelay $0x3  }
0x1d9: {  	[tilespmem:v31+s20+$0x0] =	vst.idx.msk $0xffff, v30  }
0x1da: {  	v31 =	vor.u32 s3, v25;
	v30 =	vld.idx.msk [tilespmem:v32+s3+$0x0], $0xffff  }
0x1db: {  	v32 =	vor.u32 s3, v36;
	_ =	sdelay $0x3  }
0x1dc: {  	[tilespmem:v31+s20+$0x0] =	vst.idx.msk $0xffff, v30  }
0x1dd: {  	v31 =	vor.u32 s3, v27;
	v30 =	vld.idx.msk [tilespmem:v32+s3+$0x0], $0xffff  }
0x1de: {  	v32 =	vor.u32 s3, v47;
	_ =	sdelay $0x3  }
0x1df: {  	[tilespmem:v31+s20+$0x0] =	vst.idx.msk $0xffff, v30  }
0x1e0: {  	s30 =	sshll.u32 s29, $0x1;
	s31 =	simm.s32 $0x10;
	v30 =	vld.idx.msk [tilespmem:v32+s3+$0x0], $0xffff;
	v32 =	vor.u32 s3, v29  }
0x1e1: {  	s26 =	simm.s32 $0x20;
	s2 =	simm.s32 $0x0;
	s1 =	simm.s32 $0x10;
	v31 =	vor.u32 s31, v16  }
.LBB2_3:
0x1e2: {  	p3 =	sne.s32 s26, $0x70;
	_ =	sdelay $0x2  }
0x1e3: {  	[tilespmem:v32+s20+$0x0] =	vst.idx.msk $0xffff, v30  }
0x1e4: {  	s2 =	sadd.s32 $0x400, s2;
	v30 =	vld.idx.msk [tilespmem:v31+s3+$0x0], $0xffff  }
0x1e5: {  	v31 =	vor.u32 s2, v24  }
0x1e6: {  	v32 =	vor.u32 s1, v33;
	_ =	sdelay $0x3  }
0x1e7: {  	[tilespmem:v31+s20+$0x0] =	vst.idx.msk $0xffff, v30  }
0x1e8: {  	v30 =	vld.idx.msk [tilespmem:v32+s3+$0x0], $0xffff  }
0x1e9: {  	v31 =	vor.u32 s2, v3  }
0x1ea: {  	v32 =	vor.u32 s1, v35;
	_ =	sdelay $0x3  }
0x1eb: {  	[tilespmem:v31+s20+$0x0] =	vst.idx.msk $0xffff, v30  }
0x1ec: {  	v30 =	vld.idx.msk [tilespmem:v32+s3+$0x0], $0xffff  }
0x1ed: {  	v31 =	vor.u32 s2, v5  }
0x1ee: {  	v32 =	vor.u32 s1, v34;
	_ =	sdelay $0x3  }
0x1ef: {  	[tilespmem:v31+s20+$0x0] =	vst.idx.msk $0xffff, v30  }
0x1f0: {  	v30 =	vld.idx.msk [tilespmem:v32+s3+$0x0], $0xffff  }
0x1f1: {  	v31 =	vor.u32 s2, v7  }
0x1f2: {  	v32 =	vor.u32 s1, v46;
	_ =	sdelay $0x3  }
0x1f3: {  	[tilespmem:v31+s20+$0x0] =	vst.idx.msk $0xffff, v30  }
0x1f4: {  	v30 =	vld.idx.msk [tilespmem:v32+s3+$0x0], $0xffff  }
0x1f5: {  	v31 =	vor.u32 s2, v1  }
0x1f6: {  	v32 =	vor.u32 s1, v37;
	_ =	sdelay $0x3  }
0x1f7: {  	[tilespmem:v31+s20+$0x0] =	vst.idx.msk $0xffff, v30  }
0x1f8: {  	v30 =	vld.idx.msk [tilespmem:v32+s3+$0x0], $0xffff  }
0x1f9: {  	v31 =	vor.u32 s2, v0  }
0x1fa: {  	v32 =	vor.u32 s1, v44;
	_ =	sdelay $0x3  }
0x1fb: {  	[tilespmem:v31+s20+$0x0] =	vst.idx.msk $0xffff, v30  }
0x1fc: {  	v30 =	vld.idx.msk [tilespmem:v32+s3+$0x0], $0xffff  }
0x1fd: {  	v31 =	vor.u32 s2, v11  }
0x1fe: {  	v32 =	vor.u32 s1, v39;
	_ =	sdelay $0x3  }
0x1ff: {  	[tilespmem:v31+s20+$0x0] =	vst.idx.msk $0xffff, v30  }
0x200: {  	v30 =	vld.idx.msk [tilespmem:v32+s3+$0x0], $0xffff  }
0x201: {  	v31 =	vor.u32 s2, v13  }
0x202: {  	v32 =	vor.u32 s1, v42;
	_ =	sdelay $0x3  }
0x203: {  	[tilespmem:v31+s20+$0x0] =	vst.idx.msk $0xffff, v30  }
0x204: {  	v30 =	vld.idx.msk [tilespmem:v32+s3+$0x0], $0xffff  }
0x205: {  	v31 =	vor.u32 s2, v15  }
0x206: {  	v32 =	vor.u32 s1, v41;
	_ =	sdelay $0x3  }
0x207: {  	[tilespmem:v31+s20+$0x0] =	vst.idx.msk $0xffff, v30  }
0x208: {  	v30 =	vld.idx.msk [tilespmem:v32+s3+$0x0], $0xffff  }
0x209: {  	v31 =	vor.u32 s2, v17  }
0x20a: {  	v32 =	vor.u32 s1, v40;
	_ =	sdelay $0x3  }
0x20b: {  	[tilespmem:v31+s20+$0x0] =	vst.idx.msk $0xffff, v30  }
0x20c: {  	v30 =	vld.idx.msk [tilespmem:v32+s3+$0x0], $0xffff  }
0x20d: {  	v31 =	vor.u32 s2, v19  }
0x20e: {  	v32 =	vor.u32 s1, v43;
	_ =	sdelay $0x3  }
0x20f: {  	[tilespmem:v31+s20+$0x0] =	vst.idx.msk $0xffff, v30  }
0x210: {  	v30 =	vld.idx.msk [tilespmem:v32+s3+$0x0], $0xffff  }
0x211: {  	v31 =	vor.u32 s2, v21  }
0x212: {  	v32 =	vor.u32 s1, v38;
	_ =	sdelay $0x3  }
0x213: {  	[tilespmem:v31+s20+$0x0] =	vst.idx.msk $0xffff, v30  }
0x214: {  	v30 =	vld.idx.msk [tilespmem:v32+s3+$0x0], $0xffff  }
0x215: {  	v31 =	vor.u32 s2, v23  }
0x216: {  	v32 =	vor.u32 s1, v45;
	_ =	sdelay $0x3  }
0x217: {  	[tilespmem:v31+s20+$0x0] =	vst.idx.msk $0xffff, v30  }
0x218: {  	v30 =	vld.idx.msk [tilespmem:v32+s3+$0x0], $0xffff  }
0x219: {  	v31 =	vor.u32 s2, v25  }
0x21a: {  	v32 =	vor.u32 s1, v36;
	_ =	sdelay $0x3  }
0x21b: {  	[tilespmem:v31+s20+$0x0] =	vst.idx.msk $0xffff, v30  }
0x21c: {  	v30 =	vld.idx.msk [tilespmem:v32+s3+$0x0], $0xffff  }
0x21d: {  	v31 =	vor.u32 s2, v27  }
0x21e: {  	v32 =	vor.u32 s1, v47;
	s1 =	smov.u32 s26;
	_ =	sdelay $0x2  }
.Ltmp2:
0x21f: {  	(pc) =	sbr.rel @p3 .LBB2_3-.Ltmp2, $4  }
0x220: {  	[tilespmem:v31+s20+$0x0] =	vst.idx.msk $0xffff, v30  }
0x221: {  	v30 =	vld.idx.msk [tilespmem:v32+s3+$0x0], $0xffff  }
0x222: {  	v32 =	vor.u32 s2, v29  }
0x223: {  	s26 =	sadd.s32 $0x10, s26;
	v31 =	vor.u32 s1, v16  }
0x224: {  	_ =	sdelay $0x3  }
0x225: {  	s2 =	sadd.s32 $0x400, s2;
	[tilespmem:v32+s20+$0x0] =	vst.idx.msk $0xffff, v30  }
0x226: {  	v30 =	vld.idx.msk [tilespmem:v31+s3+$0x0], $0xffff;
	v31 =	vor.u32 s2, v24  }
0x227: {  	v32 =	vor.u32 s1, v33;
	_ =	sdelay $0x3  }
0x228: {  	[tilespmem:v31+s20+$0x0] =	vst.idx.msk $0xffff, v30  }
0x229: {  	v31 =	vor.u32 s2, v3;
	v30 =	vld.idx.msk [tilespmem:v32+s3+$0x0], $0xffff  }
0x22a: {  	v32 =	vor.u32 s1, v35;
	_ =	sdelay $0x3  }
0x22b: {  	[tilespmem:v31+s20+$0x0] =	vst.idx.msk $0xffff, v30  }
0x22c: {  	v31 =	vor.u32 s2, v5;
	v30 =	vld.idx.msk [tilespmem:v32+s3+$0x0], $0xffff  }
0x22d: {  	v32 =	vor.u32 s1, v34;
	_ =	sdelay $0x3  }
0x22e: {  	[tilespmem:v31+s20+$0x0] =	vst.idx.msk $0xffff, v30  }
0x22f: {  	v31 =	vor.u32 s2, v7;
	v30 =	vld.idx.msk [tilespmem:v32+s3+$0x0], $0xffff  }
0x230: {  	v46 =	vor.u32 s1, v46;
	_ =	sdelay $0x3  }
0x231: {  	[tilespmem:v31+s20+$0x0] =	vst.idx.msk $0xffff, v30  }
0x232: {  	v31 =	vor.u32 s2, v1;
	v30 =	vld.idx.msk [tilespmem:v46+s3+$0x0], $0xffff  }
0x233: {  	v37 =	vor.u32 s1, v37;
	_ =	sdelay $0x3  }
0x234: {  	[tilespmem:v31+s20+$0x0] =	vst.idx.msk $0xffff, v30  }
0x235: {  	v31 =	vor.u32 s2, v0;
	v30 =	vld.idx.msk [tilespmem:v37+s3+$0x0], $0xffff  }
0x236: {  	v46 =	vor.u32 s1, v44;
	_ =	sdelay $0x3  }
0x237: {  	[tilespmem:v31+s20+$0x0] =	vst.idx.msk $0xffff, v30  }
0x238: {  	v31 =	vor.u32 s2, v11;
	v30 =	vld.idx.msk [tilespmem:v46+s3+$0x0], $0xffff  }
0x239: {  	v37 =	vor.u32 s1, v39;
	_ =	sdelay $0x3  }
0x23a: {  	[tilespmem:v31+s20+$0x0] =	vst.idx.msk $0xffff, v30  }
0x23b: {  	v31 =	vor.u32 s2, v13;
	v30 =	vld.idx.msk [tilespmem:v37+s3+$0x0], $0xffff  }
0x23c: {  	v39 =	vor.u32 s1, v42;
	_ =	sdelay $0x3  }
0x23d: {  	[tilespmem:v31+s20+$0x0] =	vst.idx.msk $0xffff, v30  }
0x23e: {  	v31 =	vor.u32 s2, v15;
	v30 =	vld.idx.msk [tilespmem:v39+s3+$0x0], $0xffff  }
0x23f: {  	v41 =	vor.u32 s1, v41;
	_ =	sdelay $0x3  }
0x240: {  	[tilespmem:v31+s20+$0x0] =	vst.idx.msk $0xffff, v30  }
0x241: {  	v31 =	vor.u32 s2, v17;
	v30 =	vld.idx.msk [tilespmem:v41+s3+$0x0], $0xffff  }
0x242: {  	v42 =	vor.u32 s1, v40;
	_ =	sdelay $0x3  }
0x243: {  	[tilespmem:v31+s20+$0x0] =	vst.idx.msk $0xffff, v30  }
0x244: {  	v31 =	vor.u32 s2, v19;
	v30 =	vld.idx.msk [tilespmem:v42+s3+$0x0], $0xffff  }
0x245: {  	v43 =	vor.u32 s1, v43;
	_ =	sdelay $0x3  }
0x246: {  	[tilespmem:v31+s20+$0x0] =	vst.idx.msk $0xffff, v30  }
0x247: {  	v31 =	vor.u32 s2, v21;
	v30 =	vld.idx.msk [tilespmem:v43+s3+$0x0], $0xffff  }
0x248: {  	v44 =	vor.u32 s1, v38;
	_ =	sdelay $0x3  }
0x249: {  	[tilespmem:v31+s20+$0x0] =	vst.idx.msk $0xffff, v30  }
0x24a: {  	v31 =	vor.u32 s2, v23;
	v30 =	vld.idx.msk [tilespmem:v44+s3+$0x0], $0xffff  }
0x24b: {  	v46 =	vor.u32 s1, v45;
	_ =	sdelay $0x3  }
0x24c: {  	[tilespmem:v31+s20+$0x0] =	vst.idx.msk $0xffff, v30  }
0x24d: {  	v31 =	vor.u32 s2, v25;
	v30 =	vld.idx.msk [tilespmem:v46+s3+$0x0], $0xffff  }
0x24e: {  	v36 =	vor.u32 s1, v36;
	_ =	sdelay $0x3  }
0x24f: {  	[tilespmem:v31+s20+$0x0] =	vst.idx.msk $0xffff, v30  }
0x250: {  	v31 =	vor.u32 s2, v27;
	v30 =	vld.idx.msk [tilespmem:v36+s3+$0x0], $0xffff  }
0x251: {  	v37 =	vor.u32 s1, v47;
	_ =	sdelay $0x3  }
0x252: {  	[tilespmem:v31+s20+$0x0] =	vst.idx.msk $0xffff, v30  }
0x253: {  	v31 =	vor.u32 s2, v29;
	v30 =	vld.idx.msk [tilespmem:v37+s3+$0x0], $0xffff  }
0x254: {  	v38 =	vor.u32 s3, v26;
	_ =	sdelay $0x3  }
0x255: {  	s26 =	simm.s32 $0x10;
	s1 =	simm.s32 $0x0;
	[tilespmem:v31+s20+$0x0] =	vst.idx.msk $0xffff, v30  }
0x256: {  	v31 =	vor.u32 s26, v24;
	v30 =	vld.idx.msk [tilespmem:v38+s1+$0x0], $0xffff  }
0x257: {  	v39 =	vor.u32 s3, v48  }
0x258: {  	v36 =	vld [tilespmem:$0x1FD40];
	_ =	sdelay $0x2  }
0x259: {  	[tilespmem:v31+s20+$0x0] =	vst.idx.msk $0xffff, v30  }
0x25a: {  	v31 =	vor.u32 s26, v3;
	v30 =	vld.idx.msk [tilespmem:v39+s1+$0x0], $0xffff  }
0x25b: {  	v40 =	vor.u32 s3, v36  }
0x25c: {  	v37 =	vld [tilespmem:$0x1FD50];
	_ =	sdelay $0x2  }
0x25d: {  	[tilespmem:v31+s20+$0x0] =	vst.idx.msk $0xffff, v30  }
0x25e: {  	v31 =	vor.u32 s26, v5;
	v30 =	vld.idx.msk [tilespmem:v40+s1+$0x0], $0xffff  }
0x25f: {  	v41 =	vor.u32 s3, v37  }
0x260: {  	v38 =	vld [tilespmem:$0x1FD60];
	_ =	sdelay $0x2  }
0x261: {  	[tilespmem:v31+s20+$0x0] =	vst.idx.msk $0xffff, v30  }
0x262: {  	v31 =	vor.u32 s26, v7;
	v30 =	vld.idx.msk [tilespmem:v41+s1+$0x0], $0xffff  }
0x263: {  	v42 =	vor.u32 s3, v38  }
0x264: {  	v39 =	vld [tilespmem:$0x1FD70];
	_ =	sdelay $0x2  }
0x265: {  	[tilespmem:v31+s20+$0x0] =	vst.idx.msk $0xffff, v30  }
0x266: {  	v31 =	vor.u32 s26, v1;
	v30 =	vld.idx.msk [tilespmem:v42+s1+$0x0], $0xffff  }
0x267: {  	v43 =	vor.u32 s3, v39  }
0x268: {  	v40 =	vld [tilespmem:$0x1FD80];
	_ =	sdelay $0x2  }
0x269: {  	[tilespmem:v31+s20+$0x0] =	vst.idx.msk $0xffff, v30  }
0x26a: {  	v31 =	vor.u32 s26, v0;
	v30 =	vld.idx.msk [tilespmem:v43+s1+$0x0], $0xffff  }
0x26b: {  	v44 =	vor.u32 s3, v40  }
0x26c: {  	v41 =	vld [tilespmem:$0x1FD90];
	_ =	sdelay $0x2  }
0x26d: {  	[tilespmem:v31+s20+$0x0] =	vst.idx.msk $0xffff, v30  }
0x26e: {  	v31 =	vor.u32 s26, v11;
	v30 =	vld.idx.msk [tilespmem:v44+s1+$0x0], $0xffff  }
0x26f: {  	v45 =	vor.u32 s3, v41  }
0x270: {  	v42 =	vld [tilespmem:$0x1FDA0];
	_ =	sdelay $0x2  }
0x271: {  	[tilespmem:v31+s20+$0x0] =	vst.idx.msk $0xffff, v30  }
0x272: {  	v31 =	vor.u32 s26, v13;
	v30 =	vld.idx.msk [tilespmem:v45+s1+$0x0], $0xffff  }
0x273: {  	v46 =	vor.u32 s3, v42  }
0x274: {  	v43 =	vld [tilespmem:$0x1FDB0];
	_ =	sdelay $0x2  }
0x275: {  	[tilespmem:v31+s20+$0x0] =	vst.idx.msk $0xffff, v30  }
0x276: {  	v31 =	vor.u32 s26, v15;
	v30 =	vld.idx.msk [tilespmem:v46+s1+$0x0], $0xffff  }
0x277: {  	v47 =	vor.u32 s3, v43  }
0x278: {  	v34 =	vld [tilespmem:$0x1FDC0];
	_ =	sdelay $0x2  }
0x279: {  	[tilespmem:v31+s20+$0x0] =	vst.idx.msk $0xffff, v30  }
0x27a: {  	v31 =	vor.u32 s26, v17;
	v30 =	vld.idx.msk [tilespmem:v47+s1+$0x0], $0xffff  }
0x27b: {  	v44 =	vor.u32 s3, v34;
	_ =	sdelay $0x3  }
0x27c: {  	[tilespmem:v31+s20+$0x0] =	vst.idx.msk $0xffff, v30  }
0x27d: {  	v30 =	vld.idx.msk [tilespmem:v44+s1+$0x0], $0xffff  }
0x27e: {  	v44 =	vld [tilespmem:$0x1FDD0];
	_ =	sdelay $0x3  }
0x27f: {  	v31 =	vor.u32 s26, v19  }
0x280: {  	v45 =	vor.u32 s3, v44;
	_ =	sdelay $0x3  }
0x281: {  	[tilespmem:v31+s20+$0x0] =	vst.idx.msk $0xffff, v30  }
0x282: {  	v30 =	vld.idx.msk [tilespmem:v45+s1+$0x0], $0xffff  }
0x283: {  	v45 =	vld [tilespmem:$0x1FDE0];
	_ =	sdelay $0x3  }
0x284: {  	v31 =	vor.u32 s26, v21  }
0x285: {  	v46 =	vor.u32 s3, v45;
	_ =	sdelay $0x3  }
0x286: {  	[tilespmem:v31+s20+$0x0] =	vst.idx.msk $0xffff, v30  }
0x287: {  	v30 =	vld.idx.msk [tilespmem:v46+s1+$0x0], $0xffff  }
0x288: {  	v46 =	vld [tilespmem:$0x1FDF0];
	_ =	sdelay $0x3  }
0x289: {  	v31 =	vor.u32 s26, v23  }
0x28a: {  	v47 =	vor.u32 s3, v46;
	_ =	sdelay $0x3  }
0x28b: {  	[tilespmem:v31+s20+$0x0] =	vst.idx.msk $0xffff, v30  }
0x28c: {  	v30 =	vld.idx.msk [tilespmem:v47+s1+$0x0], $0xffff  }
0x28d: {  	v47 =	vld [tilespmem:$0x1FE00];
	_ =	sdelay $0x3  }
0x28e: {  	v31 =	vor.u32 s26, v25  }
0x28f: {  	v32 =	vor.u32 s3, v47  }
0x290: {  	v35 =	vld [tilespmem:$0x1FFB0];
	_ =	sdelay $0x2  }
0x291: {  	[tilespmem:v31+s20+$0x0] =	vst.idx.msk $0xffff, v30  }
0x292: {  	v31 =	vor.u32 s26, v27;
	v30 =	vld.idx.msk [tilespmem:v32+s1+$0x0], $0xffff  }
0x293: {  	v32 =	vor.u32 s3, v35;
	_ =	sdelay $0x3  }
0x294: {  	[tilespmem:v31+s20+$0x0] =	vst.idx.msk $0xffff, v30  }
0x295: {  	v31 =	vor.u32 s26, v29;
	v30 =	vld.idx.msk [tilespmem:v32+s1+$0x0], $0xffff  }
0x296: {  	s2 =	simm.s32 $0x410;
	s3 =	simm.s32 $0x810;
	v32 =	vor.u32 s31, v26  }
.LBB2_5:
0x297: {  	p3 =	sne.s32 s3, $0x1C10;
	_ =	sdelay $0x2  }
0x298: {  	[tilespmem:v31+s20+$0x0] =	vst.idx.msk $0xffff, v30  }
0x299: {  	v30 =	vld.idx.msk [tilespmem:v32+s1+$0x0], $0xffff  }
0x29a: {  	v31 =	vor.u32 s2, v24  }
0x29b: {  	v32 =	vor.u32 s31, v48;
	_ =	sdelay $0x3  }
0x29c: {  	[tilespmem:v31+s20+$0x0] =	vst.idx.msk $0xffff, v30  }
0x29d: {  	v30 =	vld.idx.msk [tilespmem:v32+s1+$0x0], $0xffff  }
0x29e: {  	v31 =	vor.u32 s2, v3  }
0x29f: {  	v32 =	vor.u32 s31, v36;
	_ =	sdelay $0x3  }
0x2a0: {  	[tilespmem:v31+s20+$0x0] =	vst.idx.msk $0xffff, v30  }
0x2a1: {  	v30 =	vld.idx.msk [tilespmem:v32+s1+$0x0], $0xffff  }
0x2a2: {  	v31 =	vor.u32 s2, v5  }
0x2a3: {  	v32 =	vor.u32 s31, v37;
	_ =	sdelay $0x3  }
0x2a4: {  	[tilespmem:v31+s20+$0x0] =	vst.idx.msk $0xffff, v30  }
0x2a5: {  	v30 =	vld.idx.msk [tilespmem:v32+s1+$0x0], $0xffff  }
0x2a6: {  	v31 =	vor.u32 s2, v7  }
0x2a7: {  	v32 =	vor.u32 s31, v38;
	_ =	sdelay $0x3  }
0x2a8: {  	[tilespmem:v31+s20+$0x0] =	vst.idx.msk $0xffff, v30  }
0x2a9: {  	v30 =	vld.idx.msk [tilespmem:v32+s1+$0x0], $0xffff  }
0x2aa: {  	v31 =	vor.u32 s2, v1  }
0x2ab: {  	v32 =	vor.u32 s31, v39;
	_ =	sdelay $0x3  }
0x2ac: {  	[tilespmem:v31+s20+$0x0] =	vst.idx.msk $0xffff, v30  }
0x2ad: {  	v30 =	vld.idx.msk [tilespmem:v32+s1+$0x0], $0xffff  }
0x2ae: {  	v31 =	vor.u32 s2, v0  }
0x2af: {  	v32 =	vor.u32 s31, v40;
	_ =	sdelay $0x3  }
0x2b0: {  	[tilespmem:v31+s20+$0x0] =	vst.idx.msk $0xffff, v30  }
0x2b1: {  	v30 =	vld.idx.msk [tilespmem:v32+s1+$0x0], $0xffff  }
0x2b2: {  	v31 =	vor.u32 s2, v11  }
0x2b3: {  	v32 =	vor.u32 s31, v41;
	_ =	sdelay $0x3  }
0x2b4: {  	[tilespmem:v31+s20+$0x0] =	vst.idx.msk $0xffff, v30  }
0x2b5: {  	v30 =	vld.idx.msk [tilespmem:v32+s1+$0x0], $0xffff  }
0x2b6: {  	v31 =	vor.u32 s2, v13  }
0x2b7: {  	v32 =	vor.u32 s31, v42;
	_ =	sdelay $0x3  }
0x2b8: {  	[tilespmem:v31+s20+$0x0] =	vst.idx.msk $0xffff, v30  }
0x2b9: {  	v30 =	vld.idx.msk [tilespmem:v32+s1+$0x0], $0xffff  }
0x2ba: {  	v31 =	vor.u32 s2, v15  }
0x2bb: {  	v32 =	vor.u32 s31, v43;
	_ =	sdelay $0x3  }
0x2bc: {  	[tilespmem:v31+s20+$0x0] =	vst.idx.msk $0xffff, v30  }
0x2bd: {  	v30 =	vld.idx.msk [tilespmem:v32+s1+$0x0], $0xffff  }
0x2be: {  	v31 =	vor.u32 s2, v17  }
0x2bf: {  	v32 =	vor.u32 s31, v34;
	_ =	sdelay $0x3  }
0x2c0: {  	[tilespmem:v31+s20+$0x0] =	vst.idx.msk $0xffff, v30  }
0x2c1: {  	v30 =	vld.idx.msk [tilespmem:v32+s1+$0x0], $0xffff  }
0x2c2: {  	v31 =	vor.u32 s2, v19  }
0x2c3: {  	v32 =	vor.u32 s31, v44;
	_ =	sdelay $0x3  }
0x2c4: {  	[tilespmem:v31+s20+$0x0] =	vst.idx.msk $0xffff, v30  }
0x2c5: {  	v30 =	vld.idx.msk [tilespmem:v32+s1+$0x0], $0xffff  }
0x2c6: {  	v31 =	vor.u32 s2, v21  }
0x2c7: {  	v32 =	vor.u32 s31, v45;
	_ =	sdelay $0x3  }
0x2c8: {  	[tilespmem:v31+s20+$0x0] =	vst.idx.msk $0xffff, v30  }
0x2c9: {  	v30 =	vld.idx.msk [tilespmem:v32+s1+$0x0], $0xffff  }
0x2ca: {  	v31 =	vor.u32 s2, v23  }
0x2cb: {  	v32 =	vor.u32 s31, v46;
	_ =	sdelay $0x3  }
0x2cc: {  	[tilespmem:v31+s20+$0x0] =	vst.idx.msk $0xffff, v30  }
0x2cd: {  	v30 =	vld.idx.msk [tilespmem:v32+s1+$0x0], $0xffff  }
0x2ce: {  	v31 =	vor.u32 s2, v25  }
0x2cf: {  	v32 =	vor.u32 s31, v47;
	_ =	sdelay $0x3  }
0x2d0: {  	[tilespmem:v31+s20+$0x0] =	vst.idx.msk $0xffff, v30  }
0x2d1: {  	v30 =	vld.idx.msk [tilespmem:v32+s1+$0x0], $0xffff  }
0x2d2: {  	v31 =	vor.u32 s2, v27  }
0x2d3: {  	v32 =	vor.u32 s31, v35;
	_ =	sdelay $0x2  }
.Ltmp3:
0x2d4: {  	(pc) =	sbr.rel @p3 .LBB2_5-.Ltmp3, $4  }
0x2d5: {  	[tilespmem:v31+s20+$0x0] =	vst.idx.msk $0xffff, v30  }
0x2d6: {  	v30 =	vld.idx.msk [tilespmem:v32+s1+$0x0], $0xffff  }
0x2d7: {  	s31 =	sadd.s32 $0x10, s31;
	v31 =	vor.u32 s2, v29;
	s2 =	smov.u32 s3  }
0x2d8: {  	s3 =	sadd.s32 $0x400, s3;
	v32 =	vor.u32 s31, v26  }
0x2d9: {  	_ =	sdelay $0x3  }
0x2da: {  	s3 =	simm.s32 $0x0;
	[tilespmem:v31+s20+$0x0] =	vst.idx.msk $0xffff, v30  }
0x2db: {  	v31 =	vor.u32 s2, v24;
	v30 =	vld.idx.msk [tilespmem:v32+s3+$0x0], $0xffff  }
0x2dc: {  	v48 =	vor.u32 s31, v48;
	_ =	sdelay $0x3  }
0x2dd: {  	[tilespmem:v31+s20+$0x0] =	vst.idx.msk $0xffff, v30  }
0x2de: {  	v31 =	vor.u32 s2, v3;
	v30 =	vld.idx.msk [tilespmem:v48+s3+$0x0], $0xffff  }
0x2df: {  	v36 =	vor.u32 s31, v36;
	_ =	sdelay $0x3  }
0x2e0: {  	[tilespmem:v31+s20+$0x0] =	vst.idx.msk $0xffff, v30  }
0x2e1: {  	v31 =	vor.u32 s2, v5;
	v30 =	vld.idx.msk [tilespmem:v36+s3+$0x0], $0xffff  }
0x2e2: {  	v37 =	vor.u32 s31, v37;
	_ =	sdelay $0x3  }
0x2e3: {  	[tilespmem:v31+s20+$0x0] =	vst.idx.msk $0xffff, v30  }
0x2e4: {  	v31 =	vor.u32 s2, v7;
	v30 =	vld.idx.msk [tilespmem:v37+s3+$0x0], $0xffff  }
0x2e5: {  	v38 =	vor.u32 s31, v38;
	_ =	sdelay $0x3  }
0x2e6: {  	[tilespmem:v31+s20+$0x0] =	vst.idx.msk $0xffff, v30  }
0x2e7: {  	v31 =	vor.u32 s2, v1;
	v30 =	vld.idx.msk [tilespmem:v38+s3+$0x0], $0xffff  }
0x2e8: {  	v39 =	vor.u32 s31, v39;
	_ =	sdelay $0x3  }
0x2e9: {  	[tilespmem:v31+s20+$0x0] =	vst.idx.msk $0xffff, v30  }
0x2ea: {  	v31 =	vor.u32 s2, v0;
	v30 =	vld.idx.msk [tilespmem:v39+s3+$0x0], $0xffff  }
0x2eb: {  	v40 =	vor.u32 s31, v40;
	_ =	sdelay $0x3  }
0x2ec: {  	[tilespmem:v31+s20+$0x0] =	vst.idx.msk $0xffff, v30  }
0x2ed: {  	v31 =	vor.u32 s2, v11;
	v30 =	vld.idx.msk [tilespmem:v40+s3+$0x0], $0xffff  }
0x2ee: {  	v48 =	vor.u32 s31, v41;
	_ =	sdelay $0x3  }
0x2ef: {  	[tilespmem:v31+s20+$0x0] =	vst.idx.msk $0xffff, v30  }
0x2f0: {  	v31 =	vor.u32 s2, v13;
	v30 =	vld.idx.msk [tilespmem:v48+s3+$0x0], $0xffff  }
0x2f1: {  	v36 =	vor.u32 s31, v42;
	_ =	sdelay $0x3  }
0x2f2: {  	[tilespmem:v31+s20+$0x0] =	vst.idx.msk $0xffff, v30  }
0x2f3: {  	v31 =	vor.u32 s2, v15;
	v30 =	vld.idx.msk [tilespmem:v36+s3+$0x0], $0xffff  }
0x2f4: {  	v37 =	vor.u32 s31, v43;
	_ =	sdelay $0x3  }
0x2f5: {  	[tilespmem:v31+s20+$0x0] =	vst.idx.msk $0xffff, v30  }
0x2f6: {  	v31 =	vor.u32 s2, v17;
	v30 =	vld.idx.msk [tilespmem:v37+s3+$0x0], $0xffff  }
0x2f7: {  	v38 =	vor.u32 s31, v34;
	_ =	sdelay $0x3  }
0x2f8: {  	[tilespmem:v31+s20+$0x0] =	vst.idx.msk $0xffff, v30  }
0x2f9: {  	v31 =	vor.u32 s2, v19;
	v30 =	vld.idx.msk [tilespmem:v38+s3+$0x0], $0xffff  }
0x2fa: {  	v39 =	vor.u32 s31, v44;
	_ =	sdelay $0x3  }
0x2fb: {  	[tilespmem:v31+s20+$0x0] =	vst.idx.msk $0xffff, v30  }
0x2fc: {  	v31 =	vor.u32 s2, v21;
	v30 =	vld.idx.msk [tilespmem:v39+s3+$0x0], $0xffff  }
0x2fd: {  	v40 =	vor.u32 s31, v45;
	_ =	sdelay $0x3  }
0x2fe: {  	[tilespmem:v31+s20+$0x0] =	vst.idx.msk $0xffff, v30  }
0x2ff: {  	v31 =	vor.u32 s2, v23;
	v30 =	vld.idx.msk [tilespmem:v40+s3+$0x0], $0xffff  }
0x300: {  	v41 =	vor.u32 s31, v46;
	_ =	sdelay $0x3  }
0x301: {  	[tilespmem:v31+s20+$0x0] =	vst.idx.msk $0xffff, v30  }
0x302: {  	v31 =	vor.u32 s2, v25;
	v30 =	vld.idx.msk [tilespmem:v41+s3+$0x0], $0xffff  }
0x303: {  	v42 =	vor.u32 s31, v47;
	_ =	sdelay $0x3  }
0x304: {  	[tilespmem:v31+s20+$0x0] =	vst.idx.msk $0xffff, v30  }
0x305: {  	v31 =	vor.u32 s2, v27;
	v30 =	vld.idx.msk [tilespmem:v42+s3+$0x0], $0xffff  }
0x306: {  	v43 =	vor.u32 s31, v35;
	_ =	sdelay $0x3  }
0x307: {  	[tilespmem:v31+s20+$0x0] =	vst.idx.msk $0xffff, v30  }
0x308: {  	v31 =	vor.u32 s2, v29;
	v30 =	vld.idx.msk [tilespmem:v43+s3+$0x0], $0xffff  }
0x309: {  	v44 =	vor.u32 s3, v28  }
0x30a: {  	v33 =	vld [tilespmem:$0x1FFC0];
	_ =	sdelay $0x2  }
0x30b: {  	s1 =	simm.s32 $0x20;
	[tilespmem:v31+s20+$0x0] =	vst.idx.msk $0xffff, v30  }
0x30c: {  	v31 =	vor.u32 s1, v24;
	v30 =	vld.idx.msk [tilespmem:v44+s3+$0x0], $0xffff  }
0x30d: {  	v45 =	vor.u32 s3, v33  }
0x30e: {  	v35 =	vld [tilespmem:$0x1FFD0];
	_ =	sdelay $0x2  }
0x30f: {  	[tilespmem:v31+s20+$0x0] =	vst.idx.msk $0xffff, v30  }
0x310: {  	v31 =	vor.u32 s1, v3;
	v30 =	vld.idx.msk [tilespmem:v45+s3+$0x0], $0xffff  }
0x311: {  	v46 =	vor.u32 s3, v35  }
0x312: {  	v36 =	vld [tilespmem:$0x1FFE0];
	_ =	sdelay $0x2  }
0x313: {  	[tilespmem:v31+s20+$0x0] =	vst.idx.msk $0xffff, v30  }
0x314: {  	v31 =	vor.u32 s1, v5;
	v30 =	vld.idx.msk [tilespmem:v46+s3+$0x0], $0xffff  }
0x315: {  	v47 =	vor.u32 s3, v36  }
0x316: {  	v37 =	vld [tilespmem:$0x1FFF0];
	_ =	sdelay $0x2  }
0x317: {  	[tilespmem:v31+s20+$0x0] =	vst.idx.msk $0xffff, v30  }
0x318: {  	v31 =	vor.u32 s1, v7;
	v30 =	vld.idx.msk [tilespmem:v47+s3+$0x0], $0xffff  }
0x319: {  	v48 =	vor.u32 s3, v37;
	_ =	sdelay $0x3  }
0x31a: {  	[tilespmem:v31+s20+$0x0] =	vst.idx.msk $0xffff, v30  }
0x31b: {  	v31 =	vor.u32 s1, v1;
	v30 =	vld.idx.msk [tilespmem:v48+s3+$0x0], $0xffff  }
0x31c: {  	v38 =	vor.u32 s3, v49;
	_ =	sdelay $0x3  }
0x31d: {  	[tilespmem:v31+s20+$0x0] =	vst.idx.msk $0xffff, v30  }
0x31e: {  	v31 =	vor.u32 s1, v0;
	v30 =	vld.idx.msk [tilespmem:v38+s3+$0x0], $0xffff  }
0x31f: {  	v39 =	vor.u32 s3, v50;
	_ =	sdelay $0x3  }
0x320: {  	[tilespmem:v31+s20+$0x0] =	vst.idx.msk $0xffff, v30  }
0x321: {  	v31 =	vor.u32 s1, v11;
	v30 =	vld.idx.msk [tilespmem:v39+s3+$0x0], $0xffff  }
0x322: {  	v40 =	vor.u32 s3, v51;
	_ =	sdelay $0x3  }
0x323: {  	[tilespmem:v31+s20+$0x0] =	vst.idx.msk $0xffff, v30  }
0x324: {  	v31 =	vor.u32 s1, v13;
	v30 =	vld.idx.msk [tilespmem:v40+s3+$0x0], $0xffff  }
0x325: {  	v41 =	vor.u32 s3, v52;
	_ =	sdelay $0x3  }
0x326: {  	[tilespmem:v31+s20+$0x0] =	vst.idx.msk $0xffff, v30  }
0x327: {  	v31 =	vor.u32 s1, v15;
	v30 =	vld.idx.msk [tilespmem:v41+s3+$0x0], $0xffff  }
0x328: {  	v42 =	vor.u32 s3, v53;
	_ =	sdelay $0x3  }
0x329: {  	[tilespmem:v31+s20+$0x0] =	vst.idx.msk $0xffff, v30  }
0x32a: {  	v31 =	vor.u32 s1, v17;
	v30 =	vld.idx.msk [tilespmem:v42+s3+$0x0], $0xffff  }
0x32b: {  	v43 =	vor.u32 s3, v54;
	_ =	sdelay $0x3  }
0x32c: {  	[tilespmem:v31+s20+$0x0] =	vst.idx.msk $0xffff, v30  }
0x32d: {  	v31 =	vor.u32 s1, v19;
	v30 =	vld.idx.msk [tilespmem:v43+s3+$0x0], $0xffff  }
0x32e: {  	v44 =	vor.u32 s3, v55;
	_ =	sdelay $0x3  }
0x32f: {  	[tilespmem:v31+s20+$0x0] =	vst.idx.msk $0xffff, v30  }
0x330: {  	v31 =	vor.u32 s1, v21;
	v30 =	vld.idx.msk [tilespmem:v44+s3+$0x0], $0xffff  }
0x331: {  	v45 =	vor.u32 s3, v56;
	_ =	sdelay $0x3  }
0x332: {  	[tilespmem:v31+s20+$0x0] =	vst.idx.msk $0xffff, v30  }
0x333: {  	v31 =	vor.u32 s1, v23;
	v30 =	vld.idx.msk [tilespmem:v45+s3+$0x0], $0xffff  }
0x334: {  	v46 =	vor.u32 s3, v57;
	_ =	sdelay $0x3  }
0x335: {  	[tilespmem:v31+s20+$0x0] =	vst.idx.msk $0xffff, v30  }
0x336: {  	v31 =	vor.u32 s1, v25;
	v30 =	vld.idx.msk [tilespmem:v46+s3+$0x0], $0xffff  }
0x337: {  	v47 =	vor.u32 s3, v58;
	_ =	sdelay $0x3  }
0x338: {  	[tilespmem:v31+s20+$0x0] =	vst.idx.msk $0xffff, v30  }
0x339: {  	v31 =	vor.u32 s1, v27;
	v30 =	vld.idx.msk [tilespmem:v47+s3+$0x0], $0xffff  }
0x33a: {  	v48 =	vor.u32 s3, v59;
	_ =	sdelay $0x3  }
0x33b: {  	[tilespmem:v31+s20+$0x0] =	vst.idx.msk $0xffff, v30  }
0x33c: {  	s31 =	simm.s32 $0x10;
	v31 =	vor.u32 s1, v29;
	v30 =	vld.idx.msk [tilespmem:v48+s3+$0x0], $0xffff  }
0x33d: {  	v32 =	vor.u32 s31, v28;
	s2 =	simm.s32 $0x420;
	s1 =	simm.s32 $0x820  }
.LBB2_7:
0x33e: {  	p3 =	sne.s32 s1, $0x1C20;
	_ =	sdelay $0x2  }
0x33f: {  	[tilespmem:v31+s20+$0x0] =	vst.idx.msk $0xffff, v30  }
0x340: {  	v30 =	vld.idx.msk [tilespmem:v32+s3+$0x0], $0xffff  }
0x341: {  	v31 =	vor.u32 s2, v24  }
0x342: {  	v32 =	vor.u32 s31, v33;
	_ =	sdelay $0x3  }
0x343: {  	[tilespmem:v31+s20+$0x0] =	vst.idx.msk $0xffff, v30  }
0x344: {  	v30 =	vld.idx.msk [tilespmem:v32+s3+$0x0], $0xffff  }
0x345: {  	v31 =	vor.u32 s2, v3  }
0x346: {  	v32 =	vor.u32 s31, v35;
	_ =	sdelay $0x3  }
0x347: {  	[tilespmem:v31+s20+$0x0] =	vst.idx.msk $0xffff, v30  }
0x348: {  	v30 =	vld.idx.msk [tilespmem:v32+s3+$0x0], $0xffff  }
0x349: {  	v31 =	vor.u32 s2, v5  }
0x34a: {  	v32 =	vor.u32 s31, v36;
	_ =	sdelay $0x3  }
0x34b: {  	[tilespmem:v31+s20+$0x0] =	vst.idx.msk $0xffff, v30  }
0x34c: {  	v30 =	vld.idx.msk [tilespmem:v32+s3+$0x0], $0xffff  }
0x34d: {  	v31 =	vor.u32 s2, v7  }
0x34e: {  	v32 =	vor.u32 s31, v37;
	_ =	sdelay $0x3  }
0x34f: {  	[tilespmem:v31+s20+$0x0] =	vst.idx.msk $0xffff, v30  }
0x350: {  	v30 =	vld.idx.msk [tilespmem:v32+s3+$0x0], $0xffff  }
0x351: {  	v31 =	vor.u32 s2, v1  }
0x352: {  	v32 =	vor.u32 s31, v49;
	_ =	sdelay $0x3  }
0x353: {  	[tilespmem:v31+s20+$0x0] =	vst.idx.msk $0xffff, v30  }
0x354: {  	v30 =	vld.idx.msk [tilespmem:v32+s3+$0x0], $0xffff  }
0x355: {  	v31 =	vor.u32 s2, v0  }
0x356: {  	v32 =	vor.u32 s31, v50;
	_ =	sdelay $0x3  }
0x357: {  	[tilespmem:v31+s20+$0x0] =	vst.idx.msk $0xffff, v30  }
0x358: {  	v30 =	vld.idx.msk [tilespmem:v32+s3+$0x0], $0xffff  }
0x359: {  	v31 =	vor.u32 s2, v11  }
0x35a: {  	v32 =	vor.u32 s31, v51;
	_ =	sdelay $0x3  }
0x35b: {  	[tilespmem:v31+s20+$0x0] =	vst.idx.msk $0xffff, v30  }
0x35c: {  	v30 =	vld.idx.msk [tilespmem:v32+s3+$0x0], $0xffff  }
0x35d: {  	v31 =	vor.u32 s2, v13  }
0x35e: {  	v32 =	vor.u32 s31, v52;
	_ =	sdelay $0x3  }
0x35f: {  	[tilespmem:v31+s20+$0x0] =	vst.idx.msk $0xffff, v30  }
0x360: {  	v30 =	vld.idx.msk [tilespmem:v32+s3+$0x0], $0xffff  }
0x361: {  	v31 =	vor.u32 s2, v15  }
0x362: {  	v32 =	vor.u32 s31, v53;
	_ =	sdelay $0x3  }
0x363: {  	[tilespmem:v31+s20+$0x0] =	vst.idx.msk $0xffff, v30  }
0x364: {  	v30 =	vld.idx.msk [tilespmem:v32+s3+$0x0], $0xffff  }
0x365: {  	v31 =	vor.u32 s2, v17  }
0x366: {  	v32 =	vor.u32 s31, v54;
	_ =	sdelay $0x3  }
0x367: {  	[tilespmem:v31+s20+$0x0] =	vst.idx.msk $0xffff, v30  }
0x368: {  	v30 =	vld.idx.msk [tilespmem:v32+s3+$0x0], $0xffff  }
0x369: {  	v31 =	vor.u32 s2, v19  }
0x36a: {  	v32 =	vor.u32 s31, v55;
	_ =	sdelay $0x3  }
0x36b: {  	[tilespmem:v31+s20+$0x0] =	vst.idx.msk $0xffff, v30  }
0x36c: {  	v30 =	vld.idx.msk [tilespmem:v32+s3+$0x0], $0xffff  }
0x36d: {  	v31 =	vor.u32 s2, v21  }
0x36e: {  	v32 =	vor.u32 s31, v56;
	_ =	sdelay $0x3  }
0x36f: {  	[tilespmem:v31+s20+$0x0] =	vst.idx.msk $0xffff, v30  }
0x370: {  	v30 =	vld.idx.msk [tilespmem:v32+s3+$0x0], $0xffff  }
0x371: {  	v31 =	vor.u32 s2, v23  }
0x372: {  	v32 =	vor.u32 s31, v57;
	_ =	sdelay $0x3  }
0x373: {  	[tilespmem:v31+s20+$0x0] =	vst.idx.msk $0xffff, v30  }
0x374: {  	v30 =	vld.idx.msk [tilespmem:v32+s3+$0x0], $0xffff  }
0x375: {  	v31 =	vor.u32 s2, v25  }
0x376: {  	v32 =	vor.u32 s31, v58;
	_ =	sdelay $0x3  }
0x377: {  	[tilespmem:v31+s20+$0x0] =	vst.idx.msk $0xffff, v30  }
0x378: {  	v30 =	vld.idx.msk [tilespmem:v32+s3+$0x0], $0xffff  }
0x379: {  	v31 =	vor.u32 s2, v27  }
0x37a: {  	v32 =	vor.u32 s31, v59;
	_ =	sdelay $0x2  }
.Ltmp4:
0x37b: {  	(pc) =	sbr.rel @p3 .LBB2_7-.Ltmp4, $4  }
0x37c: {  	[tilespmem:v31+s20+$0x0] =	vst.idx.msk $0xffff, v30  }
0x37d: {  	v30 =	vld.idx.msk [tilespmem:v32+s3+$0x0], $0xffff  }
0x37e: {  	s31 =	sadd.s32 $0x10, s31;
	v31 =	vor.u32 s2, v29;
	s2 =	smov.u32 s1  }
0x37f: {  	s1 =	sadd.s32 $0x400, s1;
	v32 =	vor.u32 s31, v28  }
0x380: {  	_ =	sdelay $0x3  }
0x381: {  	[tilespmem:v31+s20+$0x0] =	vst.idx.msk $0xffff, v30  }
0x382: {  	v31 =	vor.u32 s2, v24;
	v30 =	vld.idx.msk [tilespmem:v32+s3+$0x0], $0xffff  }
0x383: {  	v41 =	vor.u32 s31, v33;
	_ =	sdelay $0x3  }
0x384: {  	[tilespmem:v31+s20+$0x0] =	vst.idx.msk $0xffff, v30  }
0x385: {  	v31 =	vor.u32 s2, v3;
	v30 =	vld.idx.msk [tilespmem:v41+s3+$0x0], $0xffff  }
0x386: {  	v42 =	vor.u32 s31, v35;
	_ =	sdelay $0x3  }
0x387: {  	[tilespmem:v31+s20+$0x0] =	vst.idx.msk $0xffff, v30  }
0x388: {  	v31 =	vor.u32 s2, v5;
	v30 =	vld.idx.msk [tilespmem:v42+s3+$0x0], $0xffff  }
0x389: {  	v43 =	vor.u32 s31, v36;
	_ =	sdelay $0x3  }
0x38a: {  	[tilespmem:v31+s20+$0x0] =	vst.idx.msk $0xffff, v30  }
0x38b: {  	v31 =	vor.u32 s2, v7;
	v30 =	vld.idx.msk [tilespmem:v43+s3+$0x0], $0xffff  }
0x38c: {  	v44 =	vor.u32 s31, v37;
	_ =	sdelay $0x3  }
0x38d: {  	[tilespmem:v31+s20+$0x0] =	vst.idx.msk $0xffff, v30  }
0x38e: {  	v31 =	vor.u32 s2, v1;
	v30 =	vld.idx.msk [tilespmem:v44+s3+$0x0], $0xffff  }
0x38f: {  	v45 =	vor.u32 s31, v49;
	_ =	sdelay $0x3  }
0x390: {  	[tilespmem:v31+s20+$0x0] =	vst.idx.msk $0xffff, v30  }
0x391: {  	v31 =	vor.u32 s2, v0;
	v30 =	vld.idx.msk [tilespmem:v45+s3+$0x0], $0xffff  }
0x392: {  	v46 =	vor.u32 s31, v50;
	_ =	sdelay $0x3  }
0x393: {  	[tilespmem:v31+s20+$0x0] =	vst.idx.msk $0xffff, v30  }
0x394: {  	v31 =	vor.u32 s2, v11;
	v30 =	vld.idx.msk [tilespmem:v46+s3+$0x0], $0xffff  }
0x395: {  	v47 =	vor.u32 s31, v51;
	_ =	sdelay $0x3  }
0x396: {  	[tilespmem:v31+s20+$0x0] =	vst.idx.msk $0xffff, v30  }
0x397: {  	v31 =	vor.u32 s2, v13;
	v30 =	vld.idx.msk [tilespmem:v47+s3+$0x0], $0xffff  }
0x398: {  	v48 =	vor.u32 s31, v52;
	_ =	sdelay $0x3  }
0x399: {  	[tilespmem:v31+s20+$0x0] =	vst.idx.msk $0xffff, v30  }
0x39a: {  	v31 =	vor.u32 s2, v15;
	v30 =	vld.idx.msk [tilespmem:v48+s3+$0x0], $0xffff  }
0x39b: {  	v36 =	vor.u32 s31, v53;
	_ =	sdelay $0x3  }
0x39c: {  	[tilespmem:v31+s20+$0x0] =	vst.idx.msk $0xffff, v30  }
0x39d: {  	v31 =	vor.u32 s2, v17;
	v30 =	vld.idx.msk [tilespmem:v36+s3+$0x0], $0xffff  }
0x39e: {  	v37 =	vor.u32 s31, v54;
	_ =	sdelay $0x3  }
0x39f: {  	[tilespmem:v31+s20+$0x0] =	vst.idx.msk $0xffff, v30  }
0x3a0: {  	v31 =	vor.u32 s2, v19;
	v30 =	vld.idx.msk [tilespmem:v37+s3+$0x0], $0xffff  }
0x3a1: {  	v38 =	vor.u32 s31, v55;
	_ =	sdelay $0x3  }
0x3a2: {  	[tilespmem:v31+s20+$0x0] =	vst.idx.msk $0xffff, v30  }
0x3a3: {  	v31 =	vor.u32 s2, v21;
	v30 =	vld.idx.msk [tilespmem:v38+s3+$0x0], $0xffff  }
0x3a4: {  	v39 =	vor.u32 s31, v56;
	_ =	sdelay $0x3  }
0x3a5: {  	[tilespmem:v31+s20+$0x0] =	vst.idx.msk $0xffff, v30  }
0x3a6: {  	v31 =	vor.u32 s2, v23;
	v30 =	vld.idx.msk [tilespmem:v39+s3+$0x0], $0xffff  }
0x3a7: {  	v40 =	vor.u32 s31, v57;
	_ =	sdelay $0x3  }
0x3a8: {  	[tilespmem:v31+s20+$0x0] =	vst.idx.msk $0xffff, v30  }
0x3a9: {  	v31 =	vor.u32 s2, v25;
	v30 =	vld.idx.msk [tilespmem:v40+s3+$0x0], $0xffff  }
0x3aa: {  	v41 =	vor.u32 s31, v58;
	_ =	sdelay $0x3  }
0x3ab: {  	[tilespmem:v31+s20+$0x0] =	vst.idx.msk $0xffff, v30  }
0x3ac: {  	v31 =	vor.u32 s2, v27;
	v30 =	vld.idx.msk [tilespmem:v41+s3+$0x0], $0xffff  }
0x3ad: {  	v42 =	vor.u32 s31, v59;
	_ =	sdelay $0x3  }
0x3ae: {  	[tilespmem:v31+s20+$0x0] =	vst.idx.msk $0xffff, v30  }
0x3af: {  	v43 =	vor.u32 s2, v29;
	v30 =	vor.u32 $0x1800, v16;
	v31 =	vld.idx.msk [tilespmem:v42+s3+$0x0], $0xffff  }
0x3b0: {  	v44 =	vor.u32 s3, v30;
	_ =	sdelay $0x3  }
0x3b1: {  	s1 =	simm.s32 $0x30;
	[tilespmem:v43+s20+$0x0] =	vst.idx.msk $0xffff, v31  }
0x3b2: {  	v45 =	vor.u32 s1, v24;
	v31 =	vld.idx.msk [tilespmem:v44+s4+$0x0], $0xffff  }
0x3b3: {  	v46 =	vor.u32 s3, v60;
	_ =	sdelay $0x3  }
0x3b4: {  	[tilespmem:v45+s20+$0x0] =	vst.idx.msk $0xffff, v31  }
0x3b5: {  	v47 =	vor.u32 s1, v3;
	v31 =	vld.idx.msk [tilespmem:v46+s4+$0x0], $0xffff  }
0x3b6: {  	v48 =	vor.u32 s3, v61;
	_ =	sdelay $0x3  }
0x3b7: {  	[tilespmem:v47+s20+$0x0] =	vst.idx.msk $0xffff, v31  }
0x3b8: {  	v36 =	vor.u32 s1, v5;
	v31 =	vld.idx.msk [tilespmem:v48+s4+$0x0], $0xffff  }
0x3b9: {  	v37 =	vor.u32 s3, v62;
	_ =	sdelay $0x3  }
0x3ba: {  	[tilespmem:v36+s20+$0x0] =	vst.idx.msk $0xffff, v31  }
0x3bb: {  	v38 =	vor.u32 s1, v7;
	v31 =	vld.idx.msk [tilespmem:v37+s4+$0x0], $0xffff  }
0x3bc: {  	v39 =	vor.u32 s3, v63;
	_ =	sdelay $0x3  }
0x3bd: {  	[tilespmem:v38+s20+$0x0] =	vst.idx.msk $0xffff, v31  }
0x3be: {  	v40 =	vor.u32 s1, v1;
	v31 =	vld.idx.msk [tilespmem:v39+s4+$0x0], $0xffff  }
0x3bf: {  	v41 =	vor.u32 s3, v2;
	_ =	sdelay $0x3  }
0x3c0: {  	[tilespmem:v40+s20+$0x0] =	vst.idx.msk $0xffff, v31  }
0x3c1: {  	v42 =	vor.u32 s1, v0;
	v31 =	vld.idx.msk [tilespmem:v41+s4+$0x0], $0xffff  }
0x3c2: {  	v43 =	vor.u32 s3, v4;
	_ =	sdelay $0x3  }
0x3c3: {  	[tilespmem:v42+s20+$0x0] =	vst.idx.msk $0xffff, v31  }
0x3c4: {  	v44 =	vor.u32 s1, v11;
	v31 =	vld.idx.msk [tilespmem:v43+s4+$0x0], $0xffff  }
0x3c5: {  	v45 =	vor.u32 s3, v6;
	_ =	sdelay $0x3  }
0x3c6: {  	[tilespmem:v44+s20+$0x0] =	vst.idx.msk $0xffff, v31  }
0x3c7: {  	v46 =	vor.u32 s1, v13;
	v31 =	vld.idx.msk [tilespmem:v45+s4+$0x0], $0xffff  }
0x3c8: {  	v47 =	vor.u32 s3, v8;
	_ =	sdelay $0x3  }
0x3c9: {  	[tilespmem:v46+s20+$0x0] =	vst.idx.msk $0xffff, v31  }
0x3ca: {  	v48 =	vor.u32 s1, v15;
	v31 =	vld.idx.msk [tilespmem:v47+s4+$0x0], $0xffff  }
0x3cb: {  	v36 =	vor.u32 s3, v9;
	_ =	sdelay $0x3  }
0x3cc: {  	[tilespmem:v48+s20+$0x0] =	vst.idx.msk $0xffff, v31  }
0x3cd: {  	v37 =	vor.u32 s1, v17;
	v31 =	vld.idx.msk [tilespmem:v36+s4+$0x0], $0xffff  }
0x3ce: {  	v38 =	vor.u32 s3, v10;
	_ =	sdelay $0x3  }
0x3cf: {  	[tilespmem:v37+s20+$0x0] =	vst.idx.msk $0xffff, v31  }
0x3d0: {  	v39 =	vor.u32 s1, v19;
	v31 =	vld.idx.msk [tilespmem:v38+s4+$0x0], $0xffff  }
0x3d1: {  	v40 =	vor.u32 s3, v12;
	_ =	sdelay $0x3  }
0x3d2: {  	[tilespmem:v39+s20+$0x0] =	vst.idx.msk $0xffff, v31  }
0x3d3: {  	v41 =	vor.u32 s1, v21;
	v31 =	vld.idx.msk [tilespmem:v40+s4+$0x0], $0xffff  }
0x3d4: {  	v42 =	vor.u32 s3, v14;
	_ =	sdelay $0x3  }
0x3d5: {  	[tilespmem:v41+s20+$0x0] =	vst.idx.msk $0xffff, v31  }
0x3d6: {  	v43 =	vor.u32 s1, v23;
	v31 =	vld.idx.msk [tilespmem:v42+s4+$0x0], $0xffff  }
0x3d7: {  	v44 =	vor.u32 s3, v18;
	_ =	sdelay $0x3  }
0x3d8: {  	[tilespmem:v43+s20+$0x0] =	vst.idx.msk $0xffff, v31  }
0x3d9: {  	v45 =	vor.u32 s1, v25;
	v31 =	vld.idx.msk [tilespmem:v44+s4+$0x0], $0xffff  }
0x3da: {  	v46 =	vor.u32 s3, v20;
	_ =	sdelay $0x3  }
0x3db: {  	[tilespmem:v45+s20+$0x0] =	vst.idx.msk $0xffff, v31  }
0x3dc: {  	v47 =	vor.u32 s1, v27;
	v31 =	vld.idx.msk [tilespmem:v46+s4+$0x0], $0xffff  }
0x3dd: {  	v48 =	vor.u32 s3, v22;
	_ =	sdelay $0x3  }
0x3de: {  	v35 =	vld [tilespmem:$0x1FC80];
	[tilespmem:v47+s20+$0x0] =	vst.idx.msk $0xffff, v31  }
0x3df: {  	v32 =	vor.u32 s1, v29;
	s2 =	simm.s32 $0x830;
	s1 =	simm.s32 $0x10;
	s3 =	simm.s32 $0x430;
	v31 =	vld.idx.msk [tilespmem:v48+s4+$0x0], $0xffff  }
.LBB2_9:
0x3e0: {  	p3 =	sne.s32 s2, $0x1C30;
	v33 =	vor.u32 s1, v30;
	_ =	sdelay $0x3  }
0x3e1: {  	[tilespmem:v32+s20+$0x0] =	vst.idx.msk $0xffff, v31  }
0x3e2: {  	v31 =	vld.idx.msk [tilespmem:v33+s4+$0x0], $0xffff  }
0x3e3: {  	v32 =	vor.u32 s3, v24  }
0x3e4: {  	v33 =	vor.u32 s1, v60;
	_ =	sdelay $0x3  }
0x3e5: {  	[tilespmem:v32+s20+$0x0] =	vst.idx.msk $0xffff, v31  }
0x3e6: {  	v31 =	vld.idx.msk [tilespmem:v33+s4+$0x0], $0xffff  }
0x3e7: {  	v32 =	vor.u32 s3, v3  }
0x3e8: {  	v33 =	vor.u32 s1, v61;
	_ =	sdelay $0x3  }
0x3e9: {  	[tilespmem:v32+s20+$0x0] =	vst.idx.msk $0xffff, v31  }
0x3ea: {  	v31 =	vld.idx.msk [tilespmem:v33+s4+$0x0], $0xffff  }
0x3eb: {  	v32 =	vor.u32 s3, v5  }
0x3ec: {  	v33 =	vor.u32 s1, v62;
	_ =	sdelay $0x3  }
0x3ed: {  	[tilespmem:v32+s20+$0x0] =	vst.idx.msk $0xffff, v31  }
0x3ee: {  	v31 =	vld.idx.msk [tilespmem:v33+s4+$0x0], $0xffff  }
0x3ef: {  	v32 =	vor.u32 s3, v7  }
0x3f0: {  	v33 =	vor.u32 s1, v63;
	_ =	sdelay $0x3  }
0x3f1: {  	[tilespmem:v32+s20+$0x0] =	vst.idx.msk $0xffff, v31  }
0x3f2: {  	v31 =	vld.idx.msk [tilespmem:v33+s4+$0x0], $0xffff  }
0x3f3: {  	v32 =	vor.u32 s3, v1  }
0x3f4: {  	v33 =	vor.u32 s1, v2;
	_ =	sdelay $0x3  }
0x3f5: {  	[tilespmem:v32+s20+$0x0] =	vst.idx.msk $0xffff, v31  }
0x3f6: {  	v31 =	vld.idx.msk [tilespmem:v33+s4+$0x0], $0xffff  }
0x3f7: {  	v32 =	vor.u32 s3, v0  }
0x3f8: {  	v33 =	vor.u32 s1, v4;
	_ =	sdelay $0x3  }
0x3f9: {  	[tilespmem:v32+s20+$0x0] =	vst.idx.msk $0xffff, v31  }
0x3fa: {  	v31 =	vld.idx.msk [tilespmem:v33+s4+$0x0], $0xffff  }
0x3fb: {  	v32 =	vor.u32 s3, v11  }
0x3fc: {  	v33 =	vor.u32 s1, v6;
	_ =	sdelay $0x3  }
0x3fd: {  	[tilespmem:v32+s20+$0x0] =	vst.idx.msk $0xffff, v31  }
0x3fe: {  	v31 =	vld.idx.msk [tilespmem:v33+s4+$0x0], $0xffff  }
0x3ff: {  	v32 =	vor.u32 s3, v13  }
0x400: {  	v33 =	vor.u32 s1, v8;
	_ =	sdelay $0x3  }
0x401: {  	[tilespmem:v32+s20+$0x0] =	vst.idx.msk $0xffff, v31  }
0x402: {  	v31 =	vld.idx.msk [tilespmem:v33+s4+$0x0], $0xffff  }
0x403: {  	v32 =	vor.u32 s3, v15  }
0x404: {  	v33 =	vor.u32 s1, v9;
	_ =	sdelay $0x3  }
0x405: {  	[tilespmem:v32+s20+$0x0] =	vst.idx.msk $0xffff, v31  }
0x406: {  	v31 =	vld.idx.msk [tilespmem:v33+s4+$0x0], $0xffff  }
0x407: {  	v32 =	vor.u32 s3, v17  }
0x408: {  	v33 =	vor.u32 s1, v10;
	_ =	sdelay $0x3  }
0x409: {  	[tilespmem:v32+s20+$0x0] =	vst.idx.msk $0xffff, v31  }
0x40a: {  	v31 =	vld.idx.msk [tilespmem:v33+s4+$0x0], $0xffff  }
0x40b: {  	v32 =	vor.u32 s3, v19  }
0x40c: {  	v33 =	vor.u32 s1, v12;
	_ =	sdelay $0x3  }
0x40d: {  	[tilespmem:v32+s20+$0x0] =	vst.idx.msk $0xffff, v31  }
0x40e: {  	v31 =	vld.idx.msk [tilespmem:v33+s4+$0x0], $0xffff  }
0x40f: {  	v32 =	vor.u32 s3, v21  }
0x410: {  	v33 =	vor.u32 s1, v14;
	_ =	sdelay $0x3  }
0x411: {  	[tilespmem:v32+s20+$0x0] =	vst.idx.msk $0xffff, v31  }
0x412: {  	v31 =	vld.idx.msk [tilespmem:v33+s4+$0x0], $0xffff  }
0x413: {  	v32 =	vor.u32 s3, v23  }
0x414: {  	v33 =	vor.u32 s1, v18;
	_ =	sdelay $0x3  }
0x415: {  	[tilespmem:v32+s20+$0x0] =	vst.idx.msk $0xffff, v31  }
0x416: {  	v31 =	vld.idx.msk [tilespmem:v33+s4+$0x0], $0xffff  }
0x417: {  	v32 =	vor.u32 s3, v25  }
0x418: {  	v33 =	vor.u32 s1, v20;
	_ =	sdelay $0x3  }
0x419: {  	[tilespmem:v32+s20+$0x0] =	vst.idx.msk $0xffff, v31  }
0x41a: {  	v31 =	vld.idx.msk [tilespmem:v33+s4+$0x0], $0xffff  }
0x41b: {  	v32 =	vor.u32 s3, v27  }
0x41c: {  	v33 =	vor.u32 s1, v22;
	_ =	sdelay $0x1  }
.Ltmp5:
0x41d: {  	(pc) =	sbr.rel @p3 .LBB2_9-.Ltmp5, $4  }
0x41e: {  	_ = 	snop  }
0x41f: {  	[tilespmem:v32+s20+$0x0] =	vst.idx.msk $0xffff, v31  }
0x420: {  	v31 =	vld.idx.msk [tilespmem:v33+s4+$0x0], $0xffff  }
0x421: {  	s1 =	sadd.s32 $0x10, s1;
	v32 =	vor.u32 s3, v29;
	s3 =	smov.u32 s2;
	s2 =	sadd.s32 $0x400, s2  }
0x422: {  	v33 =	vor.u32 s1, v30;
	_ =	sdelay $0x3  }
0x423: {  	[tilespmem:v32+s20+$0x0] =	vst.idx.msk $0xffff, v31  }
0x424: {  	v44 =	vor.u32 s3, v24;
	v31 =	vld.idx.msk [tilespmem:v33+s4+$0x0], $0xffff  }
0x425: {  	v45 =	vor.u32 s1, v60;
	_ =	sdelay $0x3  }
0x426: {  	[tilespmem:v44+s20+$0x0] =	vst.idx.msk $0xffff, v31  }
0x427: {  	v46 =	vor.u32 s3, v3;
	v31 =	vld.idx.msk [tilespmem:v45+s4+$0x0], $0xffff  }
0x428: {  	v47 =	vor.u32 s1, v61;
	_ =	sdelay $0x3  }
0x429: {  	[tilespmem:v46+s20+$0x0] =	vst.idx.msk $0xffff, v31  }
0x42a: {  	v48 =	vor.u32 s3, v5;
	v31 =	vld.idx.msk [tilespmem:v47+s4+$0x0], $0xffff  }
0x42b: {  	v36 =	vor.u32 s1, v62;
	_ =	sdelay $0x3  }
0x42c: {  	[tilespmem:v48+s20+$0x0] =	vst.idx.msk $0xffff, v31  }
0x42d: {  	v37 =	vor.u32 s3, v7;
	v31 =	vld.idx.msk [tilespmem:v36+s4+$0x0], $0xffff  }
0x42e: {  	v38 =	vor.u32 s1, v63;
	_ =	sdelay $0x3  }
0x42f: {  	[tilespmem:v37+s20+$0x0] =	vst.idx.msk $0xffff, v31  }
0x430: {  	v39 =	vor.u32 s3, v1;
	v31 =	vld.idx.msk [tilespmem:v38+s4+$0x0], $0xffff  }
0x431: {  	v40 =	vor.u32 s1, v2;
	_ =	sdelay $0x3  }
0x432: {  	[tilespmem:v39+s20+$0x0] =	vst.idx.msk $0xffff, v31  }
0x433: {  	v41 =	vor.u32 s3, v0;
	v31 =	vld.idx.msk [tilespmem:v40+s4+$0x0], $0xffff  }
0x434: {  	v42 =	vor.u32 s1, v4;
	_ =	sdelay $0x3  }
0x435: {  	[tilespmem:v41+s20+$0x0] =	vst.idx.msk $0xffff, v31  }
0x436: {  	v43 =	vor.u32 s3, v11;
	v31 =	vld.idx.msk [tilespmem:v42+s4+$0x0], $0xffff  }
0x437: {  	v44 =	vor.u32 s1, v6;
	_ =	sdelay $0x3  }
0x438: {  	[tilespmem:v43+s20+$0x0] =	vst.idx.msk $0xffff, v31  }
0x439: {  	v45 =	vor.u32 s3, v13;
	v31 =	vld.idx.msk [tilespmem:v44+s4+$0x0], $0xffff  }
0x43a: {  	v46 =	vor.u32 s1, v8;
	_ =	sdelay $0x3  }
0x43b: {  	[tilespmem:v45+s20+$0x0] =	vst.idx.msk $0xffff, v31  }
0x43c: {  	v47 =	vor.u32 s3, v15;
	v31 =	vld.idx.msk [tilespmem:v46+s4+$0x0], $0xffff  }
0x43d: {  	v48 =	vor.u32 s1, v9;
	_ =	sdelay $0x3  }
0x43e: {  	[tilespmem:v47+s20+$0x0] =	vst.idx.msk $0xffff, v31  }
0x43f: {  	v36 =	vor.u32 s3, v17;
	v31 =	vld.idx.msk [tilespmem:v48+s4+$0x0], $0xffff  }
0x440: {  	v37 =	vor.u32 s1, v10;
	_ =	sdelay $0x3  }
0x441: {  	[tilespmem:v36+s20+$0x0] =	vst.idx.msk $0xffff, v31  }
0x442: {  	v38 =	vor.u32 s3, v19;
	v31 =	vld.idx.msk [tilespmem:v37+s4+$0x0], $0xffff  }
0x443: {  	v39 =	vor.u32 s1, v12;
	_ =	sdelay $0x3  }
0x444: {  	[tilespmem:v38+s20+$0x0] =	vst.idx.msk $0xffff, v31  }
0x445: {  	v40 =	vor.u32 s3, v21;
	v31 =	vld.idx.msk [tilespmem:v39+s4+$0x0], $0xffff  }
0x446: {  	v41 =	vor.u32 s1, v14;
	_ =	sdelay $0x3  }
0x447: {  	[tilespmem:v40+s20+$0x0] =	vst.idx.msk $0xffff, v31  }
0x448: {  	v42 =	vor.u32 s3, v23;
	v31 =	vld.idx.msk [tilespmem:v41+s4+$0x0], $0xffff  }
0x449: {  	v43 =	vor.u32 s1, v18;
	_ =	sdelay $0x3  }
0x44a: {  	[tilespmem:v42+s20+$0x0] =	vst.idx.msk $0xffff, v31  }
0x44b: {  	v44 =	vor.u32 s3, v25;
	v31 =	vld.idx.msk [tilespmem:v43+s4+$0x0], $0xffff  }
0x44c: {  	v45 =	vor.u32 s1, v20;
	_ =	sdelay $0x3  }
0x44d: {  	[tilespmem:v44+s20+$0x0] =	vst.idx.msk $0xffff, v31  }
0x44e: {  	v46 =	vor.u32 s3, v27;
	v31 =	vld.idx.msk [tilespmem:v45+s4+$0x0], $0xffff  }
0x44f: {  	v47 =	vor.u32 s1, v22;
	_ =	sdelay $0x3  }
0x450: {  	[tilespmem:v46+s20+$0x0] =	vst.idx.msk $0xffff, v31  }
0x451: {  	v48 =	vor.u32 s3, v29;
	v31 =	vld.idx.msk [tilespmem:v47+s4+$0x0], $0xffff  }
0x452: {  	p3 =	sne.s32 s29, $0x79  }
.Ltmp6:
0x453: {  	_ = 	snop;
	(pc) =	sbr.rel @p3 .LBB2_12-.Ltmp6, $4  }
0x454: {  	s31 =	sadd.s32 s5, s30  }
0x455: {  	s1 =	sshll.u32 s31, $0xA  }
0x456: {  	s1 =	sadd.s32 s7, s1;
	[tilespmem:v48+s20+$0x0] =	vst.idx.msk $0xffff, v31  }
0x457: {  	[hbm4b:s1+s4] =	stream.linear.scatter [tilespmem:s20], [sflag:$0x3], $0x2000, $0x38;
	[tilespmem:$0xA000] =	vst v63  }
.Ltmp7:
0x458: {  	(pc) =	sbr.rel .LBB2_13-.Ltmp7, $4  }
0x459: {  	_ = 	snop  }
0x45a: {  	_ =	swait.ge [sflag:s21], $0x2000  }
0x45b: {  	[sflag:s21] =	ssyncset.done $0x0  }
0x45c: {  	v34 =	vld [tilespmem:$0x1FFA0];
	[sflag:s21] =	ssyncadd.s32 $0xFFFFE000  }
.LBB2_12:
0x45d: {  	s1 =	sadd.s32 s30, s9  }
0x45e: {  	s1 =	sshll.u32 s1, $0x7  }
0x45f: {  	s1 =	sand.u32 $0x1FFFFF00, s1  }
.Ltmp8:
0x460: {  	s1 =	sadd.s32 s0, s1;
	(pc) =	sbr.rel @p2 .LBB2_14-.Ltmp8, $4  }
0x461: {  	[tilespmem:s4], [sflag:$0x1] =	stream.strided.gather [hbm4b:s1+s16], $0x2000, s17, s16, $0x38;
	[tilespmem:$0xA000] =	vst v63  }
0x462: {  	_ =	swait.ge [sflag:s21], $0x2000  }
0x463: {  	[sflag:s21] =	ssyncset.done $0x0  }
0x464: {  	v34 =	vld [tilespmem:$0x1FFA0];
	[sflag:s21] =	ssyncadd.s32 $0xFFFFE000  }
.LBB2_13:
0x465: {  	_ =	swait.ge [sflag:s22], $0x2000  }
0x466: {  	[sflag:s22] =	ssyncset.done $0x0  }
0x467: {  	[sflag:s22] =	ssyncadd.s32 $0xFFFFE000  }
.LBB2_14:
0x468: {  	s3 =	simm.s32 $0x0  }
0x469: {  	v31 =	vor.u32 s3, v16;
	_ =	sdelay $0x3  }
0x46a: {  	s1 =	simm.s32 $0x2000  }
0x46b: {  	v32 =	vor.u32 s1, v24;
	v31 =	vld.idx.msk [tilespmem:v31+s18+$0x0], $0xffff  }
0x46c: {  	v33 =	vor.u32 s3, v34;
	_ =	sdelay $0x3  }
0x46d: {  	[tilespmem:v32+s20+$0x0] =	vst.idx.msk $0xffff, v31  }
0x46e: {  	v44 =	vor.u32 s1, v3;
	v31 =	vld.idx.msk [tilespmem:v33+s18+$0x0], $0xffff  }
0x46f: {  	v45 =	vor.u32 s3, v35  }
0x470: {  	v36 =	vld [tilespmem:$0x1FC90];
	_ =	sdelay $0x2  }
0x471: {  	[tilespmem:v44+s20+$0x0] =	vst.idx.msk $0xffff, v31  }
0x472: {  	v46 =	vor.u32 s1, v5;
	v31 =	vld.idx.msk [tilespmem:v45+s18+$0x0], $0xffff  }
0x473: {  	v47 =	vor.u32 s3, v36  }
0x474: {  	v37 =	vld [tilespmem:$0x1FED0];
	_ =	sdelay $0x2  }
0x475: {  	[tilespmem:v46+s20+$0x0] =	vst.idx.msk $0xffff, v31  }
0x476: {  	v48 =	vor.u32 s1, v7;
	v31 =	vld.idx.msk [tilespmem:v47+s18+$0x0], $0xffff  }
0x477: {  	v39 =	vor.u32 s3, v37  }
0x478: {  	v38 =	vld [tilespmem:$0x1FEE0];
	_ =	sdelay $0x2  }
0x479: {  	[tilespmem:v48+s20+$0x0] =	vst.idx.msk $0xffff, v31  }
0x47a: {  	v40 =	vor.u32 s1, v1;
	v31 =	vld.idx.msk [tilespmem:v39+s18+$0x0], $0xffff  }
0x47b: {  	v41 =	vor.u32 s3, v38  }
0x47c: {  	v39 =	vld [tilespmem:$0x1FEF0];
	_ =	sdelay $0x2  }
0x47d: {  	[tilespmem:v40+s20+$0x0] =	vst.idx.msk $0xffff, v31  }
0x47e: {  	v42 =	vor.u32 s1, v0;
	v31 =	vld.idx.msk [tilespmem:v41+s18+$0x0], $0xffff  }
0x47f: {  	v43 =	vor.u32 s3, v39  }
0x480: {  	v40 =	vld [tilespmem:$0x1FF00];
	_ =	sdelay $0x2  }
0x481: {  	[tilespmem:v42+s20+$0x0] =	vst.idx.msk $0xffff, v31  }
0x482: {  	v44 =	vor.u32 s1, v11;
	v31 =	vld.idx.msk [tilespmem:v43+s18+$0x0], $0xffff  }
0x483: {  	v45 =	vor.u32 s3, v40  }
0x484: {  	v41 =	vld [tilespmem:$0x1FF10];
	_ =	sdelay $0x2  }
0x485: {  	[tilespmem:v44+s20+$0x0] =	vst.idx.msk $0xffff, v31  }
0x486: {  	v46 =	vor.u32 s1, v13;
	v31 =	vld.idx.msk [tilespmem:v45+s18+$0x0], $0xffff  }
0x487: {  	v47 =	vor.u32 s3, v41  }
0x488: {  	v42 =	vld [tilespmem:$0x1FF20];
	_ =	sdelay $0x2  }
0x489: {  	[tilespmem:v46+s20+$0x0] =	vst.idx.msk $0xffff, v31  }
0x48a: {  	v48 =	vor.u32 s1, v15;
	v31 =	vld.idx.msk [tilespmem:v47+s18+$0x0], $0xffff  }
0x48b: {  	v45 =	vor.u32 s3, v42  }
0x48c: {  	v43 =	vld [tilespmem:$0x1FF30];
	_ =	sdelay $0x2  }
0x48d: {  	[tilespmem:v48+s20+$0x0] =	vst.idx.msk $0xffff, v31  }
0x48e: {  	v46 =	vor.u32 s1, v17;
	v31 =	vld.idx.msk [tilespmem:v45+s18+$0x0], $0xffff  }
0x48f: {  	v47 =	vor.u32 s3, v43  }
0x490: {  	v44 =	vld [tilespmem:$0x1FF40];
	_ =	sdelay $0x2  }
0x491: {  	[tilespmem:v46+s20+$0x0] =	vst.idx.msk $0xffff, v31  }
0x492: {  	v48 =	vor.u32 s1, v19;
	v31 =	vld.idx.msk [tilespmem:v47+s18+$0x0], $0xffff  }
0x493: {  	v47 =	vor.u32 s3, v44  }
0x494: {  	v45 =	vld [tilespmem:$0x1FF50];
	_ =	sdelay $0x2  }
0x495: {  	[tilespmem:v48+s20+$0x0] =	vst.idx.msk $0xffff, v31  }
0x496: {  	v48 =	vor.u32 s1, v21;
	v31 =	vld.idx.msk [tilespmem:v47+s18+$0x0], $0xffff  }
0x497: {  	v47 =	vor.u32 s3, v45  }
0x498: {  	v46 =	vld [tilespmem:$0x1FF60];
	_ =	sdelay $0x2  }
0x499: {  	[tilespmem:v48+s20+$0x0] =	vst.idx.msk $0xffff, v31  }
0x49a: {  	v48 =	vor.u32 s1, v23;
	v31 =	vld.idx.msk [tilespmem:v47+s18+$0x0], $0xffff  }
0x49b: {  	v47 =	vor.u32 s3, v46;
	_ =	sdelay $0x3  }
0x49c: {  	[tilespmem:v48+s20+$0x0] =	vst.idx.msk $0xffff, v31  }
0x49d: {  	v31 =	vld.idx.msk [tilespmem:v47+s18+$0x0], $0xffff  }
0x49e: {  	v47 =	vld [tilespmem:$0x1FF70];
	_ =	sdelay $0x3  }
0x49f: {  	v32 =	vor.u32 s1, v25  }
0x4a0: {  	v48 =	vor.u32 s3, v47;
	_ =	sdelay $0x3  }
0x4a1: {  	[tilespmem:v32+s20+$0x0] =	vst.idx.msk $0xffff, v31  }
0x4a2: {  	v31 =	vld.idx.msk [tilespmem:v48+s18+$0x0], $0xffff  }
0x4a3: {  	v48 =	vld [tilespmem:$0x1FF80];
	_ =	sdelay $0x3  }
0x4a4: {  	v32 =	vor.u32 s1, v27  }
0x4a5: {  	v33 =	vor.u32 s3, v48;
	_ =	sdelay $0x3  }
0x4a6: {  	[tilespmem:v32+s20+$0x0] =	vst.idx.msk $0xffff, v31  }
0x4a7: {  	s31 =	simm.s32 $0x10;
	v32 =	vor.u32 s1, v29;
	v31 =	vld.idx.msk [tilespmem:v33+s18+$0x0], $0xffff  }
0x4a8: {  	s2 =	simm.s32 $0x2400;
	s1 =	simm.s32 $0x2800;
	v33 =	vor.u32 s31, v16  }
.LBB2_15:
0x4a9: {  	p2 =	sne.s32 s1, $0x3C00;
	_ =	sdelay $0x2  }
0x4aa: {  	[tilespmem:v32+s20+$0x0] =	vst.idx.msk $0xffff, v31  }
0x4ab: {  	v31 =	vld.idx.msk [tilespmem:v33+s18+$0x0], $0xffff  }
0x4ac: {  	v32 =	vor.u32 s2, v24  }
0x4ad: {  	v33 =	vor.u32 s31, v34;
	_ =	sdelay $0x3  }
0x4ae: {  	[tilespmem:v32+s20+$0x0] =	vst.idx.msk $0xffff, v31  }
0x4af: {  	v31 =	vld.idx.msk [tilespmem:v33+s18+$0x0], $0xffff  }
0x4b0: {  	v32 =	vor.u32 s2, v3  }
0x4b1: {  	v33 =	vor.u32 s31, v35;
	_ =	sdelay $0x3  }
0x4b2: {  	[tilespmem:v32+s20+$0x0] =	vst.idx.msk $0xffff, v31  }
0x4b3: {  	v31 =	vld.idx.msk [tilespmem:v33+s18+$0x0], $0xffff  }
0x4b4: {  	v32 =	vor.u32 s2, v5  }
0x4b5: {  	v33 =	vor.u32 s31, v36;
	_ =	sdelay $0x3  }
0x4b6: {  	[tilespmem:v32+s20+$0x0] =	vst.idx.msk $0xffff, v31  }
0x4b7: {  	v31 =	vld.idx.msk [tilespmem:v33+s18+$0x0], $0xffff  }
0x4b8: {  	v32 =	vor.u32 s2, v7  }
0x4b9: {  	v33 =	vor.u32 s31, v37;
	_ =	sdelay $0x3  }
0x4ba: {  	[tilespmem:v32+s20+$0x0] =	vst.idx.msk $0xffff, v31  }
0x4bb: {  	v31 =	vld.idx.msk [tilespmem:v33+s18+$0x0], $0xffff  }
0x4bc: {  	v32 =	vor.u32 s2, v1  }
0x4bd: {  	v33 =	vor.u32 s31, v38;
	_ =	sdelay $0x3  }
0x4be: {  	[tilespmem:v32+s20+$0x0] =	vst.idx.msk $0xffff, v31  }
0x4bf: {  	v31 =	vld.idx.msk [tilespmem:v33+s18+$0x0], $0xffff  }
0x4c0: {  	v32 =	vor.u32 s2, v0  }
0x4c1: {  	v33 =	vor.u32 s31, v39;
	_ =	sdelay $0x3  }
0x4c2: {  	[tilespmem:v32+s20+$0x0] =	vst.idx.msk $0xffff, v31  }
0x4c3: {  	v31 =	vld.idx.msk [tilespmem:v33+s18+$0x0], $0xffff  }
0x4c4: {  	v32 =	vor.u32 s2, v11  }
0x4c5: {  	v33 =	vor.u32 s31, v40;
	_ =	sdelay $0x3  }
0x4c6: {  	[tilespmem:v32+s20+$0x0] =	vst.idx.msk $0xffff, v31  }
0x4c7: {  	v31 =	vld.idx.msk [tilespmem:v33+s18+$0x0], $0xffff  }
0x4c8: {  	v32 =	vor.u32 s2, v13  }
0x4c9: {  	v33 =	vor.u32 s31, v41;
	_ =	sdelay $0x3  }
0x4ca: {  	[tilespmem:v32+s20+$0x0] =	vst.idx.msk $0xffff, v31  }
0x4cb: {  	v31 =	vld.idx.msk [tilespmem:v33+s18+$0x0], $0xffff  }
0x4cc: {  	v32 =	vor.u32 s2, v15  }
0x4cd: {  	v33 =	vor.u32 s31, v42;
	_ =	sdelay $0x3  }
0x4ce: {  	[tilespmem:v32+s20+$0x0] =	vst.idx.msk $0xffff, v31  }
0x4cf: {  	v31 =	vld.idx.msk [tilespmem:v33+s18+$0x0], $0xffff  }
0x4d0: {  	v32 =	vor.u32 s2, v17  }
0x4d1: {  	v33 =	vor.u32 s31, v43;
	_ =	sdelay $0x3  }
0x4d2: {  	[tilespmem:v32+s20+$0x0] =	vst.idx.msk $0xffff, v31  }
0x4d3: {  	v31 =	vld.idx.msk [tilespmem:v33+s18+$0x0], $0xffff  }
0x4d4: {  	v32 =	vor.u32 s2, v19  }
0x4d5: {  	v33 =	vor.u32 s31, v44;
	_ =	sdelay $0x3  }
0x4d6: {  	[tilespmem:v32+s20+$0x0] =	vst.idx.msk $0xffff, v31  }
0x4d7: {  	v31 =	vld.idx.msk [tilespmem:v33+s18+$0x0], $0xffff  }
0x4d8: {  	v32 =	vor.u32 s2, v21  }
0x4d9: {  	v33 =	vor.u32 s31, v45;
	_ =	sdelay $0x3  }
0x4da: {  	[tilespmem:v32+s20+$0x0] =	vst.idx.msk $0xffff, v31  }
0x4db: {  	v31 =	vld.idx.msk [tilespmem:v33+s18+$0x0], $0xffff  }
0x4dc: {  	v32 =	vor.u32 s2, v23  }
0x4dd: {  	v33 =	vor.u32 s31, v46;
	_ =	sdelay $0x3  }
0x4de: {  	[tilespmem:v32+s20+$0x0] =	vst.idx.msk $0xffff, v31  }
0x4df: {  	v31 =	vld.idx.msk [tilespmem:v33+s18+$0x0], $0xffff  }
0x4e0: {  	v32 =	vor.u32 s2, v25  }
0x4e1: {  	v33 =	vor.u32 s31, v47;
	_ =	sdelay $0x3  }
0x4e2: {  	[tilespmem:v32+s20+$0x0] =	vst.idx.msk $0xffff, v31  }
0x4e3: {  	v31 =	vld.idx.msk [tilespmem:v33+s18+$0x0], $0xffff  }
0x4e4: {  	v32 =	vor.u32 s2, v27  }
0x4e5: {  	v33 =	vor.u32 s31, v48;
	_ =	sdelay $0x2  }
.Ltmp9:
0x4e6: {  	(pc) =	sbr.rel @p2 .LBB2_15-.Ltmp9, $4  }
0x4e7: {  	[tilespmem:v32+s20+$0x0] =	vst.idx.msk $0xffff, v31  }
0x4e8: {  	v31 =	vld.idx.msk [tilespmem:v33+s18+$0x0], $0xffff  }
0x4e9: {  	s31 =	sadd.s32 $0x10, s31;
	v32 =	vor.u32 s2, v29;
	s2 =	smov.u32 s1  }
0x4ea: {  	s1 =	sadd.s32 $0x400, s1;
	v33 =	vor.u32 s31, v16  }
0x4eb: {  	_ =	sdelay $0x3  }
0x4ec: {  	[tilespmem:v32+s20+$0x0] =	vst.idx.msk $0xffff, v31  }
0x4ed: {  	v32 =	vor.u32 s2, v24;
	v31 =	vld.idx.msk [tilespmem:v33+s18+$0x0], $0xffff  }
0x4ee: {  	v33 =	vor.u32 s31, v34;
	_ =	sdelay $0x3  }
0x4ef: {  	[tilespmem:v32+s20+$0x0] =	vst.idx.msk $0xffff, v31  }
0x4f0: {  	v32 =	vor.u32 s2, v3;
	v31 =	vld.idx.msk [tilespmem:v33+s18+$0x0], $0xffff  }
0x4f1: {  	v33 =	vor.u32 s31, v35;
	_ =	sdelay $0x3  }
0x4f2: {  	[tilespmem:v32+s20+$0x0] =	vst.idx.msk $0xffff, v31  }
0x4f3: {  	v32 =	vor.u32 s2, v5;
	v31 =	vld.idx.msk [tilespmem:v33+s18+$0x0], $0xffff  }
0x4f4: {  	v36 =	vor.u32 s31, v36;
	_ =	sdelay $0x3  }
0x4f5: {  	[tilespmem:v32+s20+$0x0] =	vst.idx.msk $0xffff, v31  }
0x4f6: {  	v32 =	vor.u32 s2, v7;
	v31 =	vld.idx.msk [tilespmem:v36+s18+$0x0], $0xffff  }
0x4f7: {  	v36 =	vor.u32 s31, v37;
	_ =	sdelay $0x3  }
0x4f8: {  	[tilespmem:v32+s20+$0x0] =	vst.idx.msk $0xffff, v31  }
0x4f9: {  	v37 =	vor.u32 s2, v1;
	v31 =	vld.idx.msk [tilespmem:v36+s18+$0x0], $0xffff  }
0x4fa: {  	v36 =	vor.u32 s31, v38;
	_ =	sdelay $0x3  }
0x4fb: {  	[tilespmem:v37+s20+$0x0] =	vst.idx.msk $0xffff, v31  }
0x4fc: {  	v37 =	vor.u32 s2, v0;
	v31 =	vld.idx.msk [tilespmem:v36+s18+$0x0], $0xffff  }
0x4fd: {  	v38 =	vor.u32 s31, v39;
	_ =	sdelay $0x3  }
0x4fe: {  	[tilespmem:v37+s20+$0x0] =	vst.idx.msk $0xffff, v31  }
0x4ff: {  	v39 =	vor.u32 s2, v11;
	v31 =	vld.idx.msk [tilespmem:v38+s18+$0x0], $0xffff  }
0x500: {  	v40 =	vor.u32 s31, v40;
	_ =	sdelay $0x3  }
0x501: {  	[tilespmem:v39+s20+$0x0] =	vst.idx.msk $0xffff, v31  }
0x502: {  	v36 =	vor.u32 s2, v13;
	v31 =	vld.idx.msk [tilespmem:v40+s18+$0x0], $0xffff  }
0x503: {  	v37 =	vor.u32 s31, v41;
	_ =	sdelay $0x3  }
0x504: {  	[tilespmem:v36+s20+$0x0] =	vst.idx.msk $0xffff, v31  }
0x505: {  	v38 =	vor.u32 s2, v15;
	v31 =	vld.idx.msk [tilespmem:v37+s18+$0x0], $0xffff  }
0x506: {  	v39 =	vor.u32 s31, v42;
	_ =	sdelay $0x3  }
0x507: {  	[tilespmem:v38+s20+$0x0] =	vst.idx.msk $0xffff, v31  }
0x508: {  	v40 =	vor.u32 s2, v17;
	v31 =	vld.idx.msk [tilespmem:v39+s18+$0x0], $0xffff  }
0x509: {  	v41 =	vor.u32 s31, v43;
	_ =	sdelay $0x3  }
0x50a: {  	[tilespmem:v40+s20+$0x0] =	vst.idx.msk $0xffff, v31  }
0x50b: {  	v42 =	vor.u32 s2, v19;
	v31 =	vld.idx.msk [tilespmem:v41+s18+$0x0], $0xffff  }
0x50c: {  	v43 =	vor.u32 s31, v44;
	_ =	sdelay $0x3  }
0x50d: {  	[tilespmem:v42+s20+$0x0] =	vst.idx.msk $0xffff, v31  }
0x50e: {  	v44 =	vor.u32 s2, v21;
	v31 =	vld.idx.msk [tilespmem:v43+s18+$0x0], $0xffff  }
0x50f: {  	v36 =	vor.u32 s31, v45;
	_ =	sdelay $0x3  }
0x510: {  	[tilespmem:v44+s20+$0x0] =	vst.idx.msk $0xffff, v31  }
0x511: {  	v37 =	vor.u32 s2, v23;
	v31 =	vld.idx.msk [tilespmem:v36+s18+$0x0], $0xffff  }
0x512: {  	v38 =	vor.u32 s31, v46;
	_ =	sdelay $0x3  }
0x513: {  	[tilespmem:v37+s20+$0x0] =	vst.idx.msk $0xffff, v31  }
0x514: {  	v39 =	vor.u32 s2, v25;
	v31 =	vld.idx.msk [tilespmem:v38+s18+$0x0], $0xffff  }
0x515: {  	v40 =	vor.u32 s31, v47;
	_ =	sdelay $0x3  }
0x516: {  	[tilespmem:v39+s20+$0x0] =	vst.idx.msk $0xffff, v31  }
0x517: {  	v41 =	vor.u32 s2, v27;
	v31 =	vld.idx.msk [tilespmem:v40+s18+$0x0], $0xffff  }
0x518: {  	v42 =	vor.u32 s31, v48;
	_ =	sdelay $0x3  }
0x519: {  	[tilespmem:v41+s20+$0x0] =	vst.idx.msk $0xffff, v31  }
0x51a: {  	v43 =	vor.u32 s2, v29;
	v31 =	vld.idx.msk [tilespmem:v42+s18+$0x0], $0xffff  }
0x51b: {  	v44 =	vor.u32 s3, v26  }
0x51c: {  	v48 =	vld [tilespmem:$0x1FF90];
	_ =	sdelay $0x2  }
0x51d: {  	s1 =	simm.s32 $0x2010;
	[tilespmem:v43+s20+$0x0] =	vst.idx.msk $0xffff, v31  }
0x51e: {  	v45 =	vor.u32 s1, v24;
	v31 =	vld.idx.msk [tilespmem:v44+s18+$0x0], $0xffff  }
0x51f: {  	v46 =	vor.u32 s3, v48  }
0x520: {  	v36 =	vld [tilespmem:$0x1FD40];
	_ =	sdelay $0x2  }
0x521: {  	[tilespmem:v45+s20+$0x0] =	vst.idx.msk $0xffff, v31  }
0x522: {  	v47 =	vor.u32 s1, v3;
	v31 =	vld.idx.msk [tilespmem:v46+s18+$0x0], $0xffff  }
0x523: {  	v33 =	vor.u32 s3, v36  }
0x524: {  	v38 =	vld [tilespmem:$0x1FD50];
	_ =	sdelay $0x2  }
0x525: {  	[tilespmem:v47+s20+$0x0] =	vst.idx.msk $0xffff, v31  }
0x526: {  	v37 =	vor.u32 s1, v5;
	v31 =	vld.idx.msk [tilespmem:v33+s18+$0x0], $0xffff  }
0x527: {  	v33 =	vor.u32 s3, v38  }
0x528: {  	v40 =	vld [tilespmem:$0x1FD60];
	_ =	sdelay $0x2  }
0x529: {  	[tilespmem:v37+s20+$0x0] =	vst.idx.msk $0xffff, v31  }
0x52a: {  	v39 =	vor.u32 s1, v7;
	v31 =	vld.idx.msk [tilespmem:v33+s18+$0x0], $0xffff  }
0x52b: {  	v33 =	vor.u32 s3, v40  }
0x52c: {  	v42 =	vld [tilespmem:$0x1FD70];
	_ =	sdelay $0x2  }
0x52d: {  	[tilespmem:v39+s20+$0x0] =	vst.idx.msk $0xffff, v31  }
0x52e: {  	v41 =	vor.u32 s1, v1;
	v31 =	vld.idx.msk [tilespmem:v33+s18+$0x0], $0xffff  }
0x52f: {  	v33 =	vor.u32 s3, v42  }
0x530: {  	v44 =	vld [tilespmem:$0x1FD80];
	_ =	sdelay $0x2  }
0x531: {  	[tilespmem:v41+s20+$0x0] =	vst.idx.msk $0xffff, v31  }
0x532: {  	v43 =	vor.u32 s1, v0;
	v31 =	vld.idx.msk [tilespmem:v33+s18+$0x0], $0xffff  }
0x533: {  	v33 =	vor.u32 s3, v44  }
0x534: {  	v46 =	vld [tilespmem:$0x1FD90];
	_ =	sdelay $0x2  }
0x535: {  	[tilespmem:v43+s20+$0x0] =	vst.idx.msk $0xffff, v31  }
0x536: {  	v45 =	vor.u32 s1, v11;
	v31 =	vld.idx.msk [tilespmem:v33+s18+$0x0], $0xffff  }
0x537: {  	v33 =	vor.u32 s3, v46  }
0x538: {  	v36 =	vld [tilespmem:$0x1FDA0];
	_ =	sdelay $0x2  }
0x539: {  	[tilespmem:v45+s20+$0x0] =	vst.idx.msk $0xffff, v31  }
0x53a: {  	v47 =	vor.u32 s1, v13;
	v31 =	vld.idx.msk [tilespmem:v33+s18+$0x0], $0xffff  }
0x53b: {  	v33 =	vor.u32 s3, v36  }
0x53c: {  	v34 =	vld [tilespmem:$0x1FDB0];
	_ =	sdelay $0x2  }
0x53d: {  	[tilespmem:v47+s20+$0x0] =	vst.idx.msk $0xffff, v31  }
0x53e: {  	v37 =	vor.u32 s1, v15;
	v31 =	vld.idx.msk [tilespmem:v33+s18+$0x0], $0xffff  }
0x53f: {  	v38 =	vor.u32 s3, v34  }
0x540: {  	v46 =	vld [tilespmem:$0x1FDC0];
	_ =	sdelay $0x2  }
0x541: {  	[tilespmem:v37+s20+$0x0] =	vst.idx.msk $0xffff, v31  }
0x542: {  	v39 =	vor.u32 s1, v17;
	v31 =	vld.idx.msk [tilespmem:v38+s18+$0x0], $0xffff  }
0x543: {  	v40 =	vor.u32 s3, v46  }
0x544: {  	v44 =	vld [tilespmem:$0x1FDD0];
	_ =	sdelay $0x2  }
0x545: {  	[tilespmem:v39+s20+$0x0] =	vst.idx.msk $0xffff, v31  }
0x546: {  	v41 =	vor.u32 s1, v19;
	v31 =	vld.idx.msk [tilespmem:v40+s18+$0x0], $0xffff  }
0x547: {  	v47 =	vor.u32 s3, v44  }
0x548: {  	v42 =	vld [tilespmem:$0x1FDE0];
	_ =	sdelay $0x2  }
0x549: {  	[tilespmem:v41+s20+$0x0] =	vst.idx.msk $0xffff, v31  }
0x54a: {  	v36 =	vor.u32 s1, v21;
	v31 =	vld.idx.msk [tilespmem:v47+s18+$0x0], $0xffff  }
0x54b: {  	v37 =	vor.u32 s3, v42;
	_ =	sdelay $0x3  }
0x54c: {  	v40 =	vld [tilespmem:$0x1FDF0];
	[tilespmem:v36+s20+$0x0] =	vst.idx.msk $0xffff, v31  }
0x54d: {  	v38 =	vor.u32 s1, v23;
	v31 =	vld.idx.msk [tilespmem:v37+s18+$0x0], $0xffff;
	_ =	sdelay $0x3  }
0x54e: {  	v39 =	vor.u32 s3, v40  }
0x54f: {  	[tilespmem:v38+s20+$0x0] =	vst.idx.msk $0xffff, v31;
	v38 =	vld [tilespmem:$0x1FE00];
	_ =	sdelay $0x3  }
0x550: {  	v41 =	vor.u32 s1, v25;
	v31 =	vld.idx.msk [tilespmem:v39+s18+$0x0], $0xffff  }
0x551: {  	v43 =	vor.u32 s3, v38  }
0x552: {  	v36 =	vld [tilespmem:$0x1FFB0];
	_ =	sdelay $0x2  }
0x553: {  	v35 =	vld [tilespmem:$0x1FD40];
	[tilespmem:v41+s20+$0x0] =	vst.idx.msk $0xffff, v31  }
0x554: {  	v45 =	vor.u32 s1, v27;
	v31 =	vld.idx.msk [tilespmem:v43+s18+$0x0], $0xffff  }
0x555: {  	v37 =	vld [tilespmem:$0x1FD50];
	v47 =	vor.u32 s3, v36  }
0x556: {  	v39 =	vld [tilespmem:$0x1FD60]  }
0x557: {  	v41 =	vld [tilespmem:$0x1FD70]  }
0x558: {  	v43 =	vld [tilespmem:$0x1FD80]  }
0x559: {  	[tilespmem:v45+s20+$0x0] =	vst.idx.msk $0xffff, v31;
	v45 =	vld [tilespmem:$0x1FD90]  }
0x55a: {  	v32 =	vor.u32 s1, v29;
	s3 =	simm.s32 $0x10;
	v31 =	vld.idx.msk [tilespmem:v47+s18+$0x0], $0xffff  }
0x55b: {  	s2 =	simm.s32 $0x2410;
	s1 =	simm.s32 $0x2810;
	v33 =	vor.u32 s3, v26;
	v47 =	vld [tilespmem:$0x1FDA0]  }
.LBB2_17:
0x55c: {  	p2 =	sne.s32 s1, $0x3C10;
	_ =	sdelay $0x2  }
0x55d: {  	[tilespmem:v32+s20+$0x0] =	vst.idx.msk $0xffff, v31  }
0x55e: {  	v31 =	vld.idx.msk [tilespmem:v33+s18+$0x0], $0xffff  }
0x55f: {  	v32 =	vor.u32 s2, v24  }
0x560: {  	v33 =	vor.u32 s3, v48;
	_ =	sdelay $0x3  }
0x561: {  	[tilespmem:v32+s20+$0x0] =	vst.idx.msk $0xffff, v31  }
0x562: {  	v31 =	vld.idx.msk [tilespmem:v33+s18+$0x0], $0xffff  }
0x563: {  	v32 =	vor.u32 s2, v3  }
0x564: {  	v33 =	vor.u32 s3, v35;
	_ =	sdelay $0x3  }
0x565: {  	[tilespmem:v32+s20+$0x0] =	vst.idx.msk $0xffff, v31  }
0x566: {  	v31 =	vld.idx.msk [tilespmem:v33+s18+$0x0], $0xffff  }
0x567: {  	v32 =	vor.u32 s2, v5  }
0x568: {  	v33 =	vor.u32 s3, v37;
	_ =	sdelay $0x3  }
0x569: {  	[tilespmem:v32+s20+$0x0] =	vst.idx.msk $0xffff, v31  }
0x56a: {  	v31 =	vld.idx.msk [tilespmem:v33+s18+$0x0], $0xffff  }
0x56b: {  	v32 =	vor.u32 s2, v7  }
0x56c: {  	v33 =	vor.u32 s3, v39;
	_ =	sdelay $0x3  }
0x56d: {  	[tilespmem:v32+s20+$0x0] =	vst.idx.msk $0xffff, v31  }
0x56e: {  	v31 =	vld.idx.msk [tilespmem:v33+s18+$0x0], $0xffff  }
0x56f: {  	v32 =	vor.u32 s2, v1  }
0x570: {  	v33 =	vor.u32 s3, v41;
	_ =	sdelay $0x3  }
0x571: {  	[tilespmem:v32+s20+$0x0] =	vst.idx.msk $0xffff, v31  }
0x572: {  	v31 =	vld.idx.msk [tilespmem:v33+s18+$0x0], $0xffff  }
0x573: {  	v32 =	vor.u32 s2, v0  }
0x574: {  	v33 =	vor.u32 s3, v43;
	_ =	sdelay $0x3  }
0x575: {  	[tilespmem:v32+s20+$0x0] =	vst.idx.msk $0xffff, v31  }
0x576: {  	v31 =	vld.idx.msk [tilespmem:v33+s18+$0x0], $0xffff  }
0x577: {  	v32 =	vor.u32 s2, v11  }
0x578: {  	v33 =	vor.u32 s3, v45;
	_ =	sdelay $0x3  }
0x579: {  	[tilespmem:v32+s20+$0x0] =	vst.idx.msk $0xffff, v31  }
0x57a: {  	v31 =	vld.idx.msk [tilespmem:v33+s18+$0x0], $0xffff  }
0x57b: {  	v32 =	vor.u32 s2, v13  }
0x57c: {  	v33 =	vor.u32 s3, v47;
	_ =	sdelay $0x3  }
0x57d: {  	[tilespmem:v32+s20+$0x0] =	vst.idx.msk $0xffff, v31  }
0x57e: {  	v31 =	vld.idx.msk [tilespmem:v33+s18+$0x0], $0xffff  }
0x57f: {  	v32 =	vor.u32 s2, v15  }
0x580: {  	v33 =	vor.u32 s3, v34;
	_ =	sdelay $0x3  }
0x581: {  	[tilespmem:v32+s20+$0x0] =	vst.idx.msk $0xffff, v31  }
0x582: {  	v31 =	vld.idx.msk [tilespmem:v33+s18+$0x0], $0xffff  }
0x583: {  	v32 =	vor.u32 s2, v17  }
0x584: {  	v33 =	vor.u32 s3, v46;
	_ =	sdelay $0x3  }
0x585: {  	[tilespmem:v32+s20+$0x0] =	vst.idx.msk $0xffff, v31  }
0x586: {  	v31 =	vld.idx.msk [tilespmem:v33+s18+$0x0], $0xffff  }
0x587: {  	v32 =	vor.u32 s2, v19  }
0x588: {  	v33 =	vor.u32 s3, v44;
	_ =	sdelay $0x3  }
0x589: {  	[tilespmem:v32+s20+$0x0] =	vst.idx.msk $0xffff, v31  }
0x58a: {  	v31 =	vld.idx.msk [tilespmem:v33+s18+$0x0], $0xffff  }
0x58b: {  	v32 =	vor.u32 s2, v21  }
0x58c: {  	v33 =	vor.u32 s3, v42;
	_ =	sdelay $0x3  }
0x58d: {  	[tilespmem:v32+s20+$0x0] =	vst.idx.msk $0xffff, v31  }
0x58e: {  	v31 =	vld.idx.msk [tilespmem:v33+s18+$0x0], $0xffff  }
0x58f: {  	v32 =	vor.u32 s2, v23  }
0x590: {  	v33 =	vor.u32 s3, v40;
	_ =	sdelay $0x3  }
0x591: {  	[tilespmem:v32+s20+$0x0] =	vst.idx.msk $0xffff, v31  }
0x592: {  	v31 =	vld.idx.msk [tilespmem:v33+s18+$0x0], $0xffff  }
0x593: {  	v32 =	vor.u32 s2, v25  }
0x594: {  	v33 =	vor.u32 s3, v38;
	_ =	sdelay $0x3  }
0x595: {  	[tilespmem:v32+s20+$0x0] =	vst.idx.msk $0xffff, v31  }
0x596: {  	v31 =	vld.idx.msk [tilespmem:v33+s18+$0x0], $0xffff  }
0x597: {  	v32 =	vor.u32 s2, v27  }
0x598: {  	v33 =	vor.u32 s3, v36;
	_ =	sdelay $0x2  }
.Ltmp10:
0x599: {  	(pc) =	sbr.rel @p2 .LBB2_17-.Ltmp10, $4  }
0x59a: {  	[tilespmem:v32+s20+$0x0] =	vst.idx.msk $0xffff, v31  }
0x59b: {  	v31 =	vld.idx.msk [tilespmem:v33+s18+$0x0], $0xffff  }
0x59c: {  	s3 =	sadd.s32 $0x10, s3;
	v32 =	vor.u32 s2, v29;
	s2 =	smov.u32 s1  }
0x59d: {  	s1 =	sadd.s32 $0x400, s1;
	v33 =	vor.u32 s3, v26  }
0x59e: {  	_ =	sdelay $0x3  }
0x59f: {  	[tilespmem:v32+s20+$0x0] =	vst.idx.msk $0xffff, v31  }
0x5a0: {  	v32 =	vor.u32 s2, v24;
	v31 =	vld.idx.msk [tilespmem:v33+s18+$0x0], $0xffff  }
0x5a1: {  	v33 =	vor.u32 s3, v48;
	_ =	sdelay $0x3  }
0x5a2: {  	[tilespmem:v32+s20+$0x0] =	vst.idx.msk $0xffff, v31  }
0x5a3: {  	v32 =	vor.u32 s2, v3;
	v31 =	vld.idx.msk [tilespmem:v33+s18+$0x0], $0xffff  }
0x5a4: {  	v33 =	vor.u32 s3, v35;
	_ =	sdelay $0x3  }
0x5a5: {  	[tilespmem:v32+s20+$0x0] =	vst.idx.msk $0xffff, v31  }
0x5a6: {  	v32 =	vor.u32 s2, v5;
	v31 =	vld.idx.msk [tilespmem:v33+s18+$0x0], $0xffff  }
0x5a7: {  	v37 =	vor.u32 s3, v37;
	_ =	sdelay $0x3  }
0x5a8: {  	[tilespmem:v32+s20+$0x0] =	vst.idx.msk $0xffff, v31  }
0x5a9: {  	v31 =	vld.idx.msk [tilespmem:v37+s18+$0x0], $0xffff;
	v37 =	vor.u32 s2, v7  }
0x5aa: {  	v39 =	vor.u32 s3, v39;
	_ =	sdelay $0x3  }
0x5ab: {  	[tilespmem:v37+s20+$0x0] =	vst.idx.msk $0xffff, v31  }
0x5ac: {  	v37 =	vor.u32 s2, v1;
	v31 =	vld.idx.msk [tilespmem:v39+s18+$0x0], $0xffff  }
0x5ad: {  	v39 =	vor.u32 s3, v41;
	_ =	sdelay $0x3  }
0x5ae: {  	[tilespmem:v37+s20+$0x0] =	vst.idx.msk $0xffff, v31  }
0x5af: {  	v41 =	vor.u32 s2, v0;
	v31 =	vld.idx.msk [tilespmem:v39+s18+$0x0], $0xffff  }
0x5b0: {  	v37 =	vor.u32 s3, v43;
	_ =	sdelay $0x3  }
0x5b1: {  	[tilespmem:v41+s20+$0x0] =	vst.idx.msk $0xffff, v31  }
0x5b2: {  	v39 =	vor.u32 s2, v11;
	v31 =	vld.idx.msk [tilespmem:v37+s18+$0x0], $0xffff  }
0x5b3: {  	v41 =	vor.u32 s3, v45;
	_ =	sdelay $0x3  }
0x5b4: {  	[tilespmem:v39+s20+$0x0] =	vst.idx.msk $0xffff, v31  }
0x5b5: {  	v43 =	vor.u32 s2, v13;
	v31 =	vld.idx.msk [tilespmem:v41+s18+$0x0], $0xffff  }
0x5b6: {  	v45 =	vor.u32 s3, v47;
	_ =	sdelay $0x3  }
0x5b7: {  	[tilespmem:v43+s20+$0x0] =	vst.idx.msk $0xffff, v31  }
0x5b8: {  	v47 =	vor.u32 s2, v15;
	v31 =	vld.idx.msk [tilespmem:v45+s18+$0x0], $0xffff  }
0x5b9: {  	v37 =	vor.u32 s3, v34;
	_ =	sdelay $0x3  }
0x5ba: {  	[tilespmem:v47+s20+$0x0] =	vst.idx.msk $0xffff, v31  }
0x5bb: {  	v39 =	vor.u32 s2, v17;
	v31 =	vld.idx.msk [tilespmem:v37+s18+$0x0], $0xffff  }
0x5bc: {  	v41 =	vor.u32 s3, v46;
	_ =	sdelay $0x3  }
0x5bd: {  	[tilespmem:v39+s20+$0x0] =	vst.idx.msk $0xffff, v31  }
0x5be: {  	v43 =	vor.u32 s2, v19;
	v31 =	vld.idx.msk [tilespmem:v41+s18+$0x0], $0xffff  }
0x5bf: {  	v44 =	vor.u32 s3, v44;
	_ =	sdelay $0x3  }
0x5c0: {  	[tilespmem:v43+s20+$0x0] =	vst.idx.msk $0xffff, v31  }
0x5c1: {  	v45 =	vor.u32 s2, v21;
	v31 =	vld.idx.msk [tilespmem:v44+s18+$0x0], $0xffff  }
0x5c2: {  	v46 =	vor.u32 s3, v42;
	_ =	sdelay $0x3  }
0x5c3: {  	[tilespmem:v45+s20+$0x0] =	vst.idx.msk $0xffff, v31  }
0x5c4: {  	v47 =	vor.u32 s2, v23;
	v31 =	vld.idx.msk [tilespmem:v46+s18+$0x0], $0xffff  }
0x5c5: {  	v37 =	vor.u32 s3, v40;
	_ =	sdelay $0x3  }
0x5c6: {  	[tilespmem:v47+s20+$0x0] =	vst.idx.msk $0xffff, v31  }
0x5c7: {  	v39 =	vor.u32 s2, v25;
	v31 =	vld.idx.msk [tilespmem:v37+s18+$0x0], $0xffff  }
0x5c8: {  	v40 =	vor.u32 s3, v38;
	_ =	sdelay $0x3  }
0x5c9: {  	[tilespmem:v39+s20+$0x0] =	vst.idx.msk $0xffff, v31  }
0x5ca: {  	v41 =	vor.u32 s2, v27;
	v31 =	vld.idx.msk [tilespmem:v40+s18+$0x0], $0xffff  }
0x5cb: {  	v42 =	vor.u32 s3, v36;
	_ =	sdelay $0x3  }
0x5cc: {  	[tilespmem:v41+s20+$0x0] =	vst.idx.msk $0xffff, v31  }
0x5cd: {  	s3 =	simm.s32 $0x0;
	v43 =	vor.u32 s2, v29;
	v31 =	vld.idx.msk [tilespmem:v42+s18+$0x0], $0xffff  }
0x5ce: {  	v44 =	vor.u32 s3, v28  }
0x5cf: {  	v35 =	vld [tilespmem:$0x1FFC0];
	_ =	sdelay $0x2  }
0x5d0: {  	s1 =	simm.s32 $0x2020;
	[tilespmem:v43+s20+$0x0] =	vst.idx.msk $0xffff, v31  }
0x5d1: {  	v45 =	vor.u32 s1, v24;
	v31 =	vld.idx.msk [tilespmem:v44+s18+$0x0], $0xffff  }
0x5d2: {  	v46 =	vor.u32 s3, v35  }
0x5d3: {  	v40 =	vld [tilespmem:$0x1FFD0];
	_ =	sdelay $0x2  }
0x5d4: {  	[tilespmem:v45+s20+$0x0] =	vst.idx.msk $0xffff, v31  }
0x5d5: {  	v47 =	vor.u32 s1, v3;
	v31 =	vld.idx.msk [tilespmem:v46+s18+$0x0], $0xffff  }
0x5d6: {  	v36 =	vor.u32 s3, v40  }
0x5d7: {  	v42 =	vld [tilespmem:$0x1FFE0];
	_ =	sdelay $0x2  }
0x5d8: {  	[tilespmem:v47+s20+$0x0] =	vst.idx.msk $0xffff, v31  }
0x5d9: {  	v37 =	vor.u32 s1, v5;
	v31 =	vld.idx.msk [tilespmem:v36+s18+$0x0], $0xffff  }
0x5da: {  	v38 =	vor.u32 s3, v42  }
0x5db: {  	v44 =	vld [tilespmem:$0x1FFF0];
	_ =	sdelay $0x2  }
0x5dc: {  	[tilespmem:v37+s20+$0x0] =	vst.idx.msk $0xffff, v31  }
0x5dd: {  	v39 =	vor.u32 s1, v7;
	v31 =	vld.idx.msk [tilespmem:v38+s18+$0x0], $0xffff  }
0x5de: {  	v41 =	vor.u32 s3, v44;
	_ =	sdelay $0x3  }
0x5df: {  	[tilespmem:v39+s20+$0x0] =	vst.idx.msk $0xffff, v31  }
0x5e0: {  	v43 =	vor.u32 s1, v1;
	v31 =	vld.idx.msk [tilespmem:v41+s18+$0x0], $0xffff  }
0x5e1: {  	v45 =	vor.u32 s3, v49;
	_ =	sdelay $0x3  }
0x5e2: {  	[tilespmem:v43+s20+$0x0] =	vst.idx.msk $0xffff, v31  }
0x5e3: {  	v46 =	vor.u32 s1, v0;
	v31 =	vld.idx.msk [tilespmem:v45+s18+$0x0], $0xffff  }
0x5e4: {  	v47 =	vor.u32 s3, v50;
	_ =	sdelay $0x3  }
0x5e5: {  	[tilespmem:v46+s20+$0x0] =	vst.idx.msk $0xffff, v31  }
0x5e6: {  	v36 =	vor.u32 s1, v11;
	v31 =	vld.idx.msk [tilespmem:v47+s18+$0x0], $0xffff  }
0x5e7: {  	v37 =	vor.u32 s3, v51;
	_ =	sdelay $0x3  }
0x5e8: {  	[tilespmem:v36+s20+$0x0] =	vst.idx.msk $0xffff, v31  }
0x5e9: {  	v38 =	vor.u32 s1, v13;
	v31 =	vld.idx.msk [tilespmem:v37+s18+$0x0], $0xffff  }
0x5ea: {  	v39 =	vor.u32 s3, v52;
	_ =	sdelay $0x3  }
0x5eb: {  	[tilespmem:v38+s20+$0x0] =	vst.idx.msk $0xffff, v31  }
0x5ec: {  	v41 =	vor.u32 s1, v15;
	v31 =	vld.idx.msk [tilespmem:v39+s18+$0x0], $0xffff  }
0x5ed: {  	v43 =	vor.u32 s3, v53;
	_ =	sdelay $0x3  }
0x5ee: {  	[tilespmem:v41+s20+$0x0] =	vst.idx.msk $0xffff, v31  }
0x5ef: {  	v45 =	vor.u32 s1, v17;
	v31 =	vld.idx.msk [tilespmem:v43+s18+$0x0], $0xffff  }
0x5f0: {  	v46 =	vor.u32 s3, v54;
	_ =	sdelay $0x3  }
0x5f1: {  	[tilespmem:v45+s20+$0x0] =	vst.idx.msk $0xffff, v31  }
0x5f2: {  	v47 =	vor.u32 s1, v19;
	v31 =	vld.idx.msk [tilespmem:v46+s18+$0x0], $0xffff  }
0x5f3: {  	v36 =	vor.u32 s3, v55;
	_ =	sdelay $0x3  }
0x5f4: {  	[tilespmem:v47+s20+$0x0] =	vst.idx.msk $0xffff, v31  }
0x5f5: {  	v37 =	vor.u32 s1, v21;
	v31 =	vld.idx.msk [tilespmem:v36+s18+$0x0], $0xffff  }
0x5f6: {  	v38 =	vor.u32 s3, v56;
	_ =	sdelay $0x3  }
0x5f7: {  	[tilespmem:v37+s20+$0x0] =	vst.idx.msk $0xffff, v31  }
0x5f8: {  	v39 =	vor.u32 s1, v23;
	v31 =	vld.idx.msk [tilespmem:v38+s18+$0x0], $0xffff  }
0x5f9: {  	v41 =	vor.u32 s3, v57;
	_ =	sdelay $0x3  }
0x5fa: {  	[tilespmem:v39+s20+$0x0] =	vst.idx.msk $0xffff, v31  }
0x5fb: {  	v43 =	vor.u32 s1, v25;
	v31 =	vld.idx.msk [tilespmem:v41+s18+$0x0], $0xffff  }
0x5fc: {  	v45 =	vor.u32 s3, v58;
	_ =	sdelay $0x3  }
0x5fd: {  	[tilespmem:v43+s20+$0x0] =	vst.idx.msk $0xffff, v31  }
0x5fe: {  	v46 =	vor.u32 s1, v27;
	v31 =	vld.idx.msk [tilespmem:v45+s18+$0x0], $0xffff  }
0x5ff: {  	v47 =	vor.u32 s3, v59;
	_ =	sdelay $0x3  }
0x600: {  	[tilespmem:v46+s20+$0x0] =	vst.idx.msk $0xffff, v31  }
0x601: {  	s31 =	simm.s32 $0x10;
	v32 =	vor.u32 s1, v29;
	v31 =	vld.idx.msk [tilespmem:v47+s18+$0x0], $0xffff  }
0x602: {  	v33 =	vor.u32 s31, v28;
	s2 =	simm.s32 $0x2420;
	s1 =	simm.s32 $0x2820  }
.LBB2_19:
0x603: {  	p2 =	sne.s32 s1, $0x3C20;
	_ =	sdelay $0x2  }
0x604: {  	[tilespmem:v32+s20+$0x0] =	vst.idx.msk $0xffff, v31  }
0x605: {  	v31 =	vld.idx.msk [tilespmem:v33+s18+$0x0], $0xffff  }
0x606: {  	v32 =	vor.u32 s2, v24  }
0x607: {  	v33 =	vor.u32 s31, v35;
	_ =	sdelay $0x3  }
0x608: {  	[tilespmem:v32+s20+$0x0] =	vst.idx.msk $0xffff, v31  }
0x609: {  	v31 =	vld.idx.msk [tilespmem:v33+s18+$0x0], $0xffff  }
0x60a: {  	v32 =	vor.u32 s2, v3  }
0x60b: {  	v33 =	vor.u32 s31, v40;
	_ =	sdelay $0x3  }
0x60c: {  	[tilespmem:v32+s20+$0x0] =	vst.idx.msk $0xffff, v31  }
0x60d: {  	v31 =	vld.idx.msk [tilespmem:v33+s18+$0x0], $0xffff  }
0x60e: {  	v32 =	vor.u32 s2, v5  }
0x60f: {  	v33 =	vor.u32 s31, v42;
	_ =	sdelay $0x3  }
0x610: {  	[tilespmem:v32+s20+$0x0] =	vst.idx.msk $0xffff, v31  }
0x611: {  	v31 =	vld.idx.msk [tilespmem:v33+s18+$0x0], $0xffff  }
0x612: {  	v32 =	vor.u32 s2, v7  }
0x613: {  	v33 =	vor.u32 s31, v44;
	_ =	sdelay $0x3  }
0x614: {  	[tilespmem:v32+s20+$0x0] =	vst.idx.msk $0xffff, v31  }
0x615: {  	v31 =	vld.idx.msk [tilespmem:v33+s18+$0x0], $0xffff  }
0x616: {  	v32 =	vor.u32 s2, v1  }
0x617: {  	v33 =	vor.u32 s31, v49;
	_ =	sdelay $0x3  }
0x618: {  	[tilespmem:v32+s20+$0x0] =	vst.idx.msk $0xffff, v31  }
0x619: {  	v31 =	vld.idx.msk [tilespmem:v33+s18+$0x0], $0xffff  }
0x61a: {  	v32 =	vor.u32 s2, v0  }
0x61b: {  	v33 =	vor.u32 s31, v50;
	_ =	sdelay $0x3  }
0x61c: {  	[tilespmem:v32+s20+$0x0] =	vst.idx.msk $0xffff, v31  }
0x61d: {  	v31 =	vld.idx.msk [tilespmem:v33+s18+$0x0], $0xffff  }
0x61e: {  	v32 =	vor.u32 s2, v11  }
0x61f: {  	v33 =	vor.u32 s31, v51;
	_ =	sdelay $0x3  }
0x620: {  	[tilespmem:v32+s20+$0x0] =	vst.idx.msk $0xffff, v31  }
0x621: {  	v31 =	vld.idx.msk [tilespmem:v33+s18+$0x0], $0xffff  }
0x622: {  	v32 =	vor.u32 s2, v13  }
0x623: {  	v33 =	vor.u32 s31, v52;
	_ =	sdelay $0x3  }
0x624: {  	[tilespmem:v32+s20+$0x0] =	vst.idx.msk $0xffff, v31  }
0x625: {  	v31 =	vld.idx.msk [tilespmem:v33+s18+$0x0], $0xffff  }
0x626: {  	v32 =	vor.u32 s2, v15  }
0x627: {  	v33 =	vor.u32 s31, v53;
	_ =	sdelay $0x3  }
0x628: {  	[tilespmem:v32+s20+$0x0] =	vst.idx.msk $0xffff, v31  }
0x629: {  	v31 =	vld.idx.msk [tilespmem:v33+s18+$0x0], $0xffff  }
0x62a: {  	v32 =	vor.u32 s2, v17  }
0x62b: {  	v33 =	vor.u32 s31, v54;
	_ =	sdelay $0x3  }
0x62c: {  	[tilespmem:v32+s20+$0x0] =	vst.idx.msk $0xffff, v31  }
0x62d: {  	v31 =	vld.idx.msk [tilespmem:v33+s18+$0x0], $0xffff  }
0x62e: {  	v32 =	vor.u32 s2, v19  }
0x62f: {  	v33 =	vor.u32 s31, v55;
	_ =	sdelay $0x3  }
0x630: {  	[tilespmem:v32+s20+$0x0] =	vst.idx.msk $0xffff, v31  }
0x631: {  	v31 =	vld.idx.msk [tilespmem:v33+s18+$0x0], $0xffff  }
0x632: {  	v32 =	vor.u32 s2, v21  }
0x633: {  	v33 =	vor.u32 s31, v56;
	_ =	sdelay $0x3  }
0x634: {  	[tilespmem:v32+s20+$0x0] =	vst.idx.msk $0xffff, v31  }
0x635: {  	v31 =	vld.idx.msk [tilespmem:v33+s18+$0x0], $0xffff  }
0x636: {  	v32 =	vor.u32 s2, v23  }
0x637: {  	v33 =	vor.u32 s31, v57;
	_ =	sdelay $0x3  }
0x638: {  	[tilespmem:v32+s20+$0x0] =	vst.idx.msk $0xffff, v31  }
0x639: {  	v31 =	vld.idx.msk [tilespmem:v33+s18+$0x0], $0xffff  }
0x63a: {  	v32 =	vor.u32 s2, v25  }
0x63b: {  	v33 =	vor.u32 s31, v58;
	_ =	sdelay $0x3  }
0x63c: {  	[tilespmem:v32+s20+$0x0] =	vst.idx.msk $0xffff, v31  }
0x63d: {  	v31 =	vld.idx.msk [tilespmem:v33+s18+$0x0], $0xffff  }
0x63e: {  	v32 =	vor.u32 s2, v27  }
0x63f: {  	v33 =	vor.u32 s31, v59;
	_ =	sdelay $0x2  }
.Ltmp11:
0x640: {  	(pc) =	sbr.rel @p2 .LBB2_19-.Ltmp11, $4  }
0x641: {  	[tilespmem:v32+s20+$0x0] =	vst.idx.msk $0xffff, v31  }
0x642: {  	v31 =	vld.idx.msk [tilespmem:v33+s18+$0x0], $0xffff  }
0x643: {  	s31 =	sadd.s32 $0x10, s31;
	v32 =	vor.u32 s2, v29;
	s2 =	smov.u32 s1  }
0x644: {  	s1 =	sadd.s32 $0x400, s1;
	v33 =	vor.u32 s31, v28  }
0x645: {  	_ =	sdelay $0x3  }
0x646: {  	[tilespmem:v32+s20+$0x0] =	vst.idx.msk $0xffff, v31  }
0x647: {  	v46 =	vor.u32 s2, v24;
	v31 =	vld.idx.msk [tilespmem:v33+s18+$0x0], $0xffff  }
0x648: {  	v47 =	vor.u32 s31, v35;
	_ =	sdelay $0x3  }
0x649: {  	[tilespmem:v46+s20+$0x0] =	vst.idx.msk $0xffff, v31  }
0x64a: {  	v36 =	vor.u32 s2, v3;
	v31 =	vld.idx.msk [tilespmem:v47+s18+$0x0], $0xffff  }
0x64b: {  	v37 =	vor.u32 s31, v40;
	_ =	sdelay $0x3  }
0x64c: {  	[tilespmem:v36+s20+$0x0] =	vst.idx.msk $0xffff, v31  }
0x64d: {  	v38 =	vor.u32 s2, v5;
	v31 =	vld.idx.msk [tilespmem:v37+s18+$0x0], $0xffff  }
0x64e: {  	v39 =	vor.u32 s31, v42;
	_ =	sdelay $0x3  }
0x64f: {  	[tilespmem:v38+s20+$0x0] =	vst.idx.msk $0xffff, v31  }
0x650: {  	v40 =	vor.u32 s2, v7;
	v31 =	vld.idx.msk [tilespmem:v39+s18+$0x0], $0xffff  }
0x651: {  	v41 =	vor.u32 s31, v44;
	_ =	sdelay $0x3  }
0x652: {  	[tilespmem:v40+s20+$0x0] =	vst.idx.msk $0xffff, v31  }
0x653: {  	v42 =	vor.u32 s2, v1;
	v31 =	vld.idx.msk [tilespmem:v41+s18+$0x0], $0xffff  }
0x654: {  	v43 =	vor.u32 s31, v49;
	_ =	sdelay $0x3  }
0x655: {  	[tilespmem:v42+s20+$0x0] =	vst.idx.msk $0xffff, v31  }
0x656: {  	v44 =	vor.u32 s2, v0;
	v31 =	vld.idx.msk [tilespmem:v43+s18+$0x0], $0xffff  }
0x657: {  	v45 =	vor.u32 s31, v50;
	_ =	sdelay $0x3  }
0x658: {  	[tilespmem:v44+s20+$0x0] =	vst.idx.msk $0xffff, v31  }
0x659: {  	v46 =	vor.u32 s2, v11;
	v31 =	vld.idx.msk [tilespmem:v45+s18+$0x0], $0xffff  }
0x65a: {  	v47 =	vor.u32 s31, v51;
	_ =	sdelay $0x3  }
0x65b: {  	[tilespmem:v46+s20+$0x0] =	vst.idx.msk $0xffff, v31  }
0x65c: {  	v36 =	vor.u32 s2, v13;
	v31 =	vld.idx.msk [tilespmem:v47+s18+$0x0], $0xffff  }
0x65d: {  	v37 =	vor.u32 s31, v52;
	_ =	sdelay $0x3  }
0x65e: {  	[tilespmem:v36+s20+$0x0] =	vst.idx.msk $0xffff, v31  }
0x65f: {  	v38 =	vor.u32 s2, v15;
	v31 =	vld.idx.msk [tilespmem:v37+s18+$0x0], $0xffff  }
0x660: {  	v39 =	vor.u32 s31, v53;
	_ =	sdelay $0x3  }
0x661: {  	[tilespmem:v38+s20+$0x0] =	vst.idx.msk $0xffff, v31  }
0x662: {  	v40 =	vor.u32 s2, v17;
	v31 =	vld.idx.msk [tilespmem:v39+s18+$0x0], $0xffff  }
0x663: {  	v41 =	vor.u32 s31, v54;
	_ =	sdelay $0x3  }
0x664: {  	[tilespmem:v40+s20+$0x0] =	vst.idx.msk $0xffff, v31  }
0x665: {  	v42 =	vor.u32 s2, v19;
	v31 =	vld.idx.msk [tilespmem:v41+s18+$0x0], $0xffff  }
0x666: {  	v43 =	vor.u32 s31, v55;
	_ =	sdelay $0x3  }
0x667: {  	[tilespmem:v42+s20+$0x0] =	vst.idx.msk $0xffff, v31  }
0x668: {  	v44 =	vor.u32 s2, v21;
	v31 =	vld.idx.msk [tilespmem:v43+s18+$0x0], $0xffff  }
0x669: {  	v45 =	vor.u32 s31, v56;
	_ =	sdelay $0x3  }
0x66a: {  	[tilespmem:v44+s20+$0x0] =	vst.idx.msk $0xffff, v31  }
0x66b: {  	v46 =	vor.u32 s2, v23;
	v31 =	vld.idx.msk [tilespmem:v45+s18+$0x0], $0xffff  }
0x66c: {  	v47 =	vor.u32 s31, v57;
	_ =	sdelay $0x3  }
0x66d: {  	[tilespmem:v46+s20+$0x0] =	vst.idx.msk $0xffff, v31  }
0x66e: {  	v36 =	vor.u32 s2, v25;
	v31 =	vld.idx.msk [tilespmem:v47+s18+$0x0], $0xffff  }
0x66f: {  	v37 =	vor.u32 s31, v58;
	_ =	sdelay $0x3  }
0x670: {  	[tilespmem:v36+s20+$0x0] =	vst.idx.msk $0xffff, v31  }
0x671: {  	v38 =	vor.u32 s2, v27;
	v31 =	vld.idx.msk [tilespmem:v37+s18+$0x0], $0xffff  }
0x672: {  	v39 =	vor.u32 s31, v59;
	_ =	sdelay $0x3  }
0x673: {  	[tilespmem:v38+s20+$0x0] =	vst.idx.msk $0xffff, v31  }
0x674: {  	v40 =	vor.u32 s2, v29;
	v31 =	vld.idx.msk [tilespmem:v39+s18+$0x0], $0xffff  }
0x675: {  	v41 =	vor.u32 s3, v30;
	_ =	sdelay $0x3  }
0x676: {  	s1 =	simm.s32 $0x2030;
	[tilespmem:v40+s20+$0x0] =	vst.idx.msk $0xffff, v31  }
0x677: {  	v42 =	vor.u32 s1, v24;
	v31 =	vld.idx.msk [tilespmem:v41+s18+$0x0], $0xffff  }
0x678: {  	v43 =	vor.u32 s3, v60;
	_ =	sdelay $0x3  }
0x679: {  	[tilespmem:v42+s20+$0x0] =	vst.idx.msk $0xffff, v31  }
0x67a: {  	v44 =	vor.u32 s1, v3;
	v31 =	vld.idx.msk [tilespmem:v43+s18+$0x0], $0xffff  }
0x67b: {  	v45 =	vor.u32 s3, v61;
	_ =	sdelay $0x3  }
0x67c: {  	[tilespmem:v44+s20+$0x0] =	vst.idx.msk $0xffff, v31  }
0x67d: {  	v46 =	vor.u32 s1, v5;
	v31 =	vld.idx.msk [tilespmem:v45+s18+$0x0], $0xffff  }
0x67e: {  	v47 =	vor.u32 s3, v62;
	_ =	sdelay $0x3  }
0x67f: {  	[tilespmem:v46+s20+$0x0] =	vst.idx.msk $0xffff, v31  }
0x680: {  	v36 =	vor.u32 s1, v7;
	v31 =	vld.idx.msk [tilespmem:v47+s18+$0x0], $0xffff  }
0x681: {  	v37 =	vor.u32 s3, v63;
	_ =	sdelay $0x3  }
0x682: {  	[tilespmem:v36+s20+$0x0] =	vst.idx.msk $0xffff, v31  }
0x683: {  	v38 =	vor.u32 s1, v1;
	v31 =	vld.idx.msk [tilespmem:v37+s18+$0x0], $0xffff  }
0x684: {  	v39 =	vor.u32 s3, v2;
	_ =	sdelay $0x3  }
0x685: {  	[tilespmem:v38+s20+$0x0] =	vst.idx.msk $0xffff, v31  }
0x686: {  	v40 =	vor.u32 s1, v0;
	v31 =	vld.idx.msk [tilespmem:v39+s18+$0x0], $0xffff  }
0x687: {  	v41 =	vor.u32 s3, v4;
	_ =	sdelay $0x3  }
0x688: {  	[tilespmem:v40+s20+$0x0] =	vst.idx.msk $0xffff, v31  }
0x689: {  	v42 =	vor.u32 s1, v11;
	v31 =	vld.idx.msk [tilespmem:v41+s18+$0x0], $0xffff  }
0x68a: {  	v43 =	vor.u32 s3, v6;
	_ =	sdelay $0x3  }
0x68b: {  	[tilespmem:v42+s20+$0x0] =	vst.idx.msk $0xffff, v31  }
0x68c: {  	v44 =	vor.u32 s1, v13;
	v31 =	vld.idx.msk [tilespmem:v43+s18+$0x0], $0xffff  }
0x68d: {  	v45 =	vor.u32 s3, v8;
	_ =	sdelay $0x3  }
0x68e: {  	[tilespmem:v44+s20+$0x0] =	vst.idx.msk $0xffff, v31  }
0x68f: {  	v46 =	vor.u32 s1, v15;
	v31 =	vld.idx.msk [tilespmem:v45+s18+$0x0], $0xffff  }
0x690: {  	v47 =	vor.u32 s3, v9;
	_ =	sdelay $0x3  }
0x691: {  	[tilespmem:v46+s20+$0x0] =	vst.idx.msk $0xffff, v31  }
0x692: {  	v36 =	vor.u32 s1, v17;
	v31 =	vld.idx.msk [tilespmem:v47+s18+$0x0], $0xffff  }
0x693: {  	v37 =	vor.u32 s3, v10;
	_ =	sdelay $0x3  }
0x694: {  	[tilespmem:v36+s20+$0x0] =	vst.idx.msk $0xffff, v31  }
0x695: {  	v38 =	vor.u32 s1, v19;
	v31 =	vld.idx.msk [tilespmem:v37+s18+$0x0], $0xffff  }
0x696: {  	v39 =	vor.u32 s3, v12;
	_ =	sdelay $0x3  }
0x697: {  	[tilespmem:v38+s20+$0x0] =	vst.idx.msk $0xffff, v31  }
0x698: {  	v40 =	vor.u32 s1, v21;
	v31 =	vld.idx.msk [tilespmem:v39+s18+$0x0], $0xffff  }
0x699: {  	v41 =	vor.u32 s3, v14;
	_ =	sdelay $0x3  }
0x69a: {  	[tilespmem:v40+s20+$0x0] =	vst.idx.msk $0xffff, v31  }
0x69b: {  	v42 =	vor.u32 s1, v23;
	v31 =	vld.idx.msk [tilespmem:v41+s18+$0x0], $0xffff  }
0x69c: {  	v43 =	vor.u32 s3, v18;
	_ =	sdelay $0x3  }
0x69d: {  	[tilespmem:v42+s20+$0x0] =	vst.idx.msk $0xffff, v31  }
0x69e: {  	v44 =	vor.u32 s1, v25;
	v31 =	vld.idx.msk [tilespmem:v43+s18+$0x0], $0xffff  }
0x69f: {  	v45 =	vor.u32 s3, v20;
	_ =	sdelay $0x2  }
0x6a0: {  	v36 =	vld [tilespmem:$0x1FF70]  }
0x6a1: {  	v37 =	vld [tilespmem:$0x1FEE0];
	[tilespmem:v44+s20+$0x0] =	vst.idx.msk $0xffff, v31  }
0x6a2: {  	v46 =	vor.u32 s1, v27;
	v31 =	vld.idx.msk [tilespmem:v45+s18+$0x0], $0xffff  }
0x6a3: {  	v47 =	vor.u32 s3, v22;
	v39 =	vld [tilespmem:$0x1FF00]  }
0x6a4: {  	v41 =	vld [tilespmem:$0x1FF20]  }
0x6a5: {  	v43 =	vld [tilespmem:$0x1FF40]  }
0x6a6: {  	v45 =	vld [tilespmem:$0x1FF60]  }
0x6a7: {  	[tilespmem:v46+s20+$0x0] =	vst.idx.msk $0xffff, v31;
	v46 =	vld [tilespmem:$0x1FED0]  }
0x6a8: {  	v32 =	vor.u32 s1, v29;
	s3 =	simm.s32 $0x10;
	v31 =	vld.idx.msk [tilespmem:v47+s18+$0x0], $0xffff  }
0x6a9: {  	s2 =	simm.s32 $0x2430;
	s1 =	simm.s32 $0x2830;
	v33 =	vor.u32 s3, v30;
	v47 =	vld [tilespmem:$0x1FF80]  }
.LBB2_21:
0x6aa: {  	p2 =	sne.s32 s1, $0x3C30;
	_ =	sdelay $0x2  }
0x6ab: {  	[tilespmem:v32+s20+$0x0] =	vst.idx.msk $0xffff, v31  }
0x6ac: {  	v31 =	vld.idx.msk [tilespmem:v33+s18+$0x0], $0xffff  }
0x6ad: {  	v32 =	vor.u32 s2, v24  }
0x6ae: {  	v33 =	vor.u32 s3, v60;
	_ =	sdelay $0x3  }
0x6af: {  	[tilespmem:v32+s20+$0x0] =	vst.idx.msk $0xffff, v31  }
0x6b0: {  	v31 =	vld.idx.msk [tilespmem:v33+s18+$0x0], $0xffff  }
0x6b1: {  	v32 =	vor.u32 s2, v3  }
0x6b2: {  	v33 =	vor.u32 s3, v61;
	_ =	sdelay $0x3  }
0x6b3: {  	[tilespmem:v32+s20+$0x0] =	vst.idx.msk $0xffff, v31  }
0x6b4: {  	v31 =	vld.idx.msk [tilespmem:v33+s18+$0x0], $0xffff  }
0x6b5: {  	v32 =	vor.u32 s2, v5  }
0x6b6: {  	v33 =	vor.u32 s3, v62;
	_ =	sdelay $0x3  }
0x6b7: {  	[tilespmem:v32+s20+$0x0] =	vst.idx.msk $0xffff, v31  }
0x6b8: {  	v31 =	vld.idx.msk [tilespmem:v33+s18+$0x0], $0xffff  }
0x6b9: {  	v32 =	vor.u32 s2, v7  }
0x6ba: {  	v33 =	vor.u32 s3, v63;
	_ =	sdelay $0x3  }
0x6bb: {  	[tilespmem:v32+s20+$0x0] =	vst.idx.msk $0xffff, v31  }
0x6bc: {  	v31 =	vld.idx.msk [tilespmem:v33+s18+$0x0], $0xffff  }
0x6bd: {  	v32 =	vor.u32 s2, v1  }
0x6be: {  	v33 =	vor.u32 s3, v2;
	_ =	sdelay $0x3  }
0x6bf: {  	[tilespmem:v32+s20+$0x0] =	vst.idx.msk $0xffff, v31  }
0x6c0: {  	v31 =	vld.idx.msk [tilespmem:v33+s18+$0x0], $0xffff  }
0x6c1: {  	v32 =	vor.u32 s2, v0  }
0x6c2: {  	v33 =	vor.u32 s3, v4;
	_ =	sdelay $0x3  }
0x6c3: {  	[tilespmem:v32+s20+$0x0] =	vst.idx.msk $0xffff, v31  }
0x6c4: {  	v31 =	vld.idx.msk [tilespmem:v33+s18+$0x0], $0xffff  }
0x6c5: {  	v32 =	vor.u32 s2, v11  }
0x6c6: {  	v33 =	vor.u32 s3, v6;
	_ =	sdelay $0x3  }
0x6c7: {  	[tilespmem:v32+s20+$0x0] =	vst.idx.msk $0xffff, v31  }
0x6c8: {  	v31 =	vld.idx.msk [tilespmem:v33+s18+$0x0], $0xffff  }
0x6c9: {  	v32 =	vor.u32 s2, v13  }
0x6ca: {  	v33 =	vor.u32 s3, v8;
	_ =	sdelay $0x3  }
0x6cb: {  	[tilespmem:v32+s20+$0x0] =	vst.idx.msk $0xffff, v31  }
0x6cc: {  	v31 =	vld.idx.msk [tilespmem:v33+s18+$0x0], $0xffff  }
0x6cd: {  	v32 =	vor.u32 s2, v15  }
0x6ce: {  	v33 =	vor.u32 s3, v9;
	_ =	sdelay $0x3  }
0x6cf: {  	[tilespmem:v32+s20+$0x0] =	vst.idx.msk $0xffff, v31  }
0x6d0: {  	v31 =	vld.idx.msk [tilespmem:v33+s18+$0x0], $0xffff  }
0x6d1: {  	v32 =	vor.u32 s2, v17  }
0x6d2: {  	v33 =	vor.u32 s3, v10;
	_ =	sdelay $0x3  }
0x6d3: {  	[tilespmem:v32+s20+$0x0] =	vst.idx.msk $0xffff, v31  }
0x6d4: {  	v31 =	vld.idx.msk [tilespmem:v33+s18+$0x0], $0xffff  }
0x6d5: {  	v32 =	vor.u32 s2, v19  }
0x6d6: {  	v33 =	vor.u32 s3, v12;
	_ =	sdelay $0x3  }
0x6d7: {  	[tilespmem:v32+s20+$0x0] =	vst.idx.msk $0xffff, v31  }
0x6d8: {  	v31 =	vld.idx.msk [tilespmem:v33+s18+$0x0], $0xffff  }
0x6d9: {  	v32 =	vor.u32 s2, v21  }
0x6da: {  	v33 =	vor.u32 s3, v14;
	_ =	sdelay $0x3  }
0x6db: {  	[tilespmem:v32+s20+$0x0] =	vst.idx.msk $0xffff, v31  }
0x6dc: {  	v31 =	vld.idx.msk [tilespmem:v33+s18+$0x0], $0xffff  }
0x6dd: {  	v32 =	vor.u32 s2, v23  }
0x6de: {  	v33 =	vor.u32 s3, v18;
	_ =	sdelay $0x3  }
0x6df: {  	[tilespmem:v32+s20+$0x0] =	vst.idx.msk $0xffff, v31  }
0x6e0: {  	v31 =	vld.idx.msk [tilespmem:v33+s18+$0x0], $0xffff  }
0x6e1: {  	v32 =	vor.u32 s2, v25  }
0x6e2: {  	v33 =	vor.u32 s3, v20;
	_ =	sdelay $0x3  }
0x6e3: {  	[tilespmem:v32+s20+$0x0] =	vst.idx.msk $0xffff, v31  }
0x6e4: {  	v31 =	vld.idx.msk [tilespmem:v33+s18+$0x0], $0xffff  }
0x6e5: {  	v32 =	vor.u32 s2, v27  }
0x6e6: {  	v33 =	vor.u32 s3, v22;
	_ =	sdelay $0x2  }
.Ltmp12:
0x6e7: {  	(pc) =	sbr.rel @p2 .LBB2_21-.Ltmp12, $4  }
0x6e8: {  	[tilespmem:v32+s20+$0x0] =	vst.idx.msk $0xffff, v31  }
0x6e9: {  	v31 =	vld.idx.msk [tilespmem:v33+s18+$0x0], $0xffff  }
0x6ea: {  	s3 =	sadd.s32 $0x10, s3;
	v32 =	vor.u32 s2, v29;
	s2 =	smov.u32 s1  }
0x6eb: {  	s1 =	sadd.s32 $0x400, s1;
	v33 =	vor.u32 s3, v30  }
0x6ec: {  	_ =	sdelay $0x3  }
0x6ed: {  	[tilespmem:v32+s20+$0x0] =	vst.idx.msk $0xffff, v31  }
0x6ee: {  	v40 =	vor.u32 s2, v24;
	v31 =	vld.idx.msk [tilespmem:v33+s18+$0x0], $0xffff  }
0x6ef: {  	v42 =	vor.u32 s3, v60;
	_ =	sdelay $0x3  }
0x6f0: {  	[tilespmem:v40+s20+$0x0] =	vst.idx.msk $0xffff, v31  }
0x6f1: {  	v44 =	vor.u32 s2, v3;
	v31 =	vld.idx.msk [tilespmem:v42+s18+$0x0], $0xffff  }
0x6f2: {  	v38 =	vor.u32 s3, v61;
	_ =	sdelay $0x3  }
0x6f3: {  	[tilespmem:v44+s20+$0x0] =	vst.idx.msk $0xffff, v31  }
0x6f4: {  	v40 =	vor.u32 s2, v5;
	v31 =	vld.idx.msk [tilespmem:v38+s18+$0x0], $0xffff  }
0x6f5: {  	v42 =	vor.u32 s3, v62;
	_ =	sdelay $0x3  }
0x6f6: {  	[tilespmem:v40+s20+$0x0] =	vst.idx.msk $0xffff, v31  }
0x6f7: {  	v44 =	vor.u32 s2, v7;
	v31 =	vld.idx.msk [tilespmem:v42+s18+$0x0], $0xffff  }
0x6f8: {  	v38 =	vor.u32 s3, v63;
	_ =	sdelay $0x3  }
0x6f9: {  	[tilespmem:v44+s20+$0x0] =	vst.idx.msk $0xffff, v31  }
0x6fa: {  	v40 =	vor.u32 s2, v1;
	v31 =	vld.idx.msk [tilespmem:v38+s18+$0x0], $0xffff  }
0x6fb: {  	v42 =	vor.u32 s3, v2;
	_ =	sdelay $0x3  }
0x6fc: {  	[tilespmem:v40+s20+$0x0] =	vst.idx.msk $0xffff, v31  }
0x6fd: {  	v44 =	vor.u32 s2, v0;
	v31 =	vld.idx.msk [tilespmem:v42+s18+$0x0], $0xffff  }
0x6fe: {  	v38 =	vor.u32 s3, v4;
	_ =	sdelay $0x3  }
0x6ff: {  	[tilespmem:v44+s20+$0x0] =	vst.idx.msk $0xffff, v31  }
0x700: {  	v40 =	vor.u32 s2, v11;
	v31 =	vld.idx.msk [tilespmem:v38+s18+$0x0], $0xffff  }
0x701: {  	v42 =	vor.u32 s3, v6;
	_ =	sdelay $0x3  }
0x702: {  	[tilespmem:v40+s20+$0x0] =	vst.idx.msk $0xffff, v31  }
0x703: {  	v44 =	vor.u32 s2, v13;
	v31 =	vld.idx.msk [tilespmem:v42+s18+$0x0], $0xffff  }
0x704: {  	v38 =	vor.u32 s3, v8;
	_ =	sdelay $0x3  }
0x705: {  	[tilespmem:v44+s20+$0x0] =	vst.idx.msk $0xffff, v31  }
0x706: {  	v40 =	vor.u32 s2, v15;
	v31 =	vld.idx.msk [tilespmem:v38+s18+$0x0], $0xffff  }
0x707: {  	v42 =	vor.u32 s3, v9;
	_ =	sdelay $0x3  }
0x708: {  	[tilespmem:v40+s20+$0x0] =	vst.idx.msk $0xffff, v31  }
0x709: {  	v44 =	vor.u32 s2, v17;
	v31 =	vld.idx.msk [tilespmem:v42+s18+$0x0], $0xffff  }
0x70a: {  	v38 =	vor.u32 s3, v10;
	_ =	sdelay $0x3  }
0x70b: {  	[tilespmem:v44+s20+$0x0] =	vst.idx.msk $0xffff, v31  }
0x70c: {  	v40 =	vor.u32 s2, v19;
	v31 =	vld.idx.msk [tilespmem:v38+s18+$0x0], $0xffff  }
0x70d: {  	v42 =	vor.u32 s3, v12;
	_ =	sdelay $0x3  }
0x70e: {  	[tilespmem:v40+s20+$0x0] =	vst.idx.msk $0xffff, v31  }
0x70f: {  	v44 =	vor.u32 s2, v21;
	v31 =	vld.idx.msk [tilespmem:v42+s18+$0x0], $0xffff  }
0x710: {  	v38 =	vor.u32 s3, v14;
	_ =	sdelay $0x3  }
0x711: {  	[tilespmem:v44+s20+$0x0] =	vst.idx.msk $0xffff, v31  }
0x712: {  	v40 =	vor.u32 s2, v23;
	v31 =	vld.idx.msk [tilespmem:v38+s18+$0x0], $0xffff  }
0x713: {  	v42 =	vor.u32 s3, v18;
	_ =	sdelay $0x3  }
0x714: {  	[tilespmem:v40+s20+$0x0] =	vst.idx.msk $0xffff, v31  }
0x715: {  	v44 =	vor.u32 s2, v25;
	v31 =	vld.idx.msk [tilespmem:v42+s18+$0x0], $0xffff  }
0x716: {  	v38 =	vor.u32 s3, v20;
	_ =	sdelay $0x3  }
0x717: {  	[tilespmem:v44+s20+$0x0] =	vst.idx.msk $0xffff, v31  }
0x718: {  	v40 =	vor.u32 s2, v27;
	v31 =	vld.idx.msk [tilespmem:v38+s18+$0x0], $0xffff  }
0x719: {  	v42 =	vor.u32 s3, v22;
	_ =	sdelay $0x3  }
0x71a: {  	[tilespmem:v40+s20+$0x0] =	vst.idx.msk $0xffff, v31  }
0x71b: {  	v44 =	vor.u32 s2, v29;
	v31 =	vld.idx.msk [tilespmem:v42+s18+$0x0], $0xffff  }
0x71c: {  	p2 =	seq.s32 s29, $0x79  }
.Ltmp13:
0x71d: {  	s1 =	sadd.s32 s30, s10;
	(pc) =	sbr.rel @p2 .LBB2_24-.Ltmp13, $4  }
0x71e: {  	s1 =	sshll.u32 s1, $0xA  }
0x71f: {  	s1 =	sand.u32 $0x1FFFFC00, s1  }
0x720: {  	s1 =	sadd.s32 s7, s1;
	[tilespmem:v44+s20+$0x0] =	vst.idx.msk $0xffff, v31  }
0x721: {  	[hbm4b:s1+s4] =	stream.linear.scatter [tilespmem:s23], [sflag:$0x4], $0x2000, $0x38;
	[tilespmem:$0xA000] =	vst v63  }
.Ltmp14:
0x722: {  	s1 =	sadd.s32 s30, s11;
	(pc) =	sbr.rel .LBB2_2-.Ltmp14, $4  }
0x723: {  	s1 =	sshll.u32 s1, $0x7  }
0x724: {  	s1 =	sand.u32 $0x1FFFFF80, s1  }
0x725: {  	s29 =	sadd.s32 $0x1, s29;
	s1 =	sadd.s32 s0, s1  }
0x726: {  	v33 =	vld [tilespmem:$0x1FFA0];
	[tilespmem:s18], [sflag:$0x2] =	stream.strided.gather [hbm4b:s1+s16], $0x2000, s17, s16, $0x38  }
.LBB2_24:
0x727: {  	_ =	swait.ge [sflag:s24], $0x2000  }
.Ltmp15:
0x728: {  	[sflag:s24] =	ssyncset.done $0x0;
	(pc) =	sbr.rel @p0 .LBB2_34-.Ltmp15, $4  }
0x729: {  	[sflag:s24] =	ssyncadd.s32 $0xFFFFE000  }
0x72a: {  	_ =	swait.ge [sflag:s22], $0x2000  }
0x72b: {  	[sflag:s22] =	ssyncset.done $0x0  }
0x72c: {  	v33 =	vld [tilespmem:$0x1FFA0];
	[sflag:s22] =	ssyncadd.s32 $0xFFFFE000  }
0x72d: {  	s3 =	simm.s32 $0x0  }
0x72e: {  	v31 =	vor.u32 s3, v16  }
0x72f: {  	[tilespmem:s3], [sflag:$0x5] =	stream.strided.gather [hbm4b:s12+s16], $0x2000, s17, s16, $0x38;
	[tilespmem:$0xA000] =	vst v63  }
0x730: {  	_ =	swait.ge [sflag:s25], $0x2000  }
0x731: {  	[sflag:s25] =	ssyncset.done $0x0  }
0x732: {  	[sflag:s25] =	ssyncadd.s32 $0xFFFFE000  }
0x733: {  	v32 =	vor.u32 s3, v24;
	v31 =	vld.idx.msk [tilespmem:v31+s3+$0x0], $0xffff  }
0x734: {  	v33 =	vor.u32 s3, v33  }
0x735: {  	v34 =	vld [tilespmem:$0x1FC80];
	_ =	sdelay $0x2  }
0x736: {  	[tilespmem:v32+s20+$0x0] =	vst.idx.msk $0xffff, v31  }
0x737: {  	v40 =	vor.u32 s3, v3;
	v31 =	vld.idx.msk [tilespmem:v33+s3+$0x0], $0xffff  }
0x738: {  	v42 =	vor.u32 s3, v34  }
0x739: {  	v38 =	vld [tilespmem:$0x1FC90];
	_ =	sdelay $0x2  }
0x73a: {  	[tilespmem:v40+s20+$0x0] =	vst.idx.msk $0xffff, v31  }
0x73b: {  	v44 =	vor.u32 s3, v5;
	v31 =	vld.idx.msk [tilespmem:v42+s3+$0x0], $0xffff  }
0x73c: {  	v33 =	vor.u32 s3, v38;
	_ =	sdelay $0x3  }
0x73d: {  	[tilespmem:v44+s20+$0x0] =	vst.idx.msk $0xffff, v31  }
0x73e: {  	v40 =	vor.u32 s3, v7;
	v31 =	vld.idx.msk [tilespmem:v33+s3+$0x0], $0xffff  }
0x73f: {  	v42 =	vor.u32 s3, v46;
	_ =	sdelay $0x3  }
0x740: {  	[tilespmem:v40+s20+$0x0] =	vst.idx.msk $0xffff, v31  }
0x741: {  	v44 =	vor.u32 s3, v1;
	v31 =	vld.idx.msk [tilespmem:v42+s3+$0x0], $0xffff;
	_ =	sdelay $0x3  }
0x742: {  	v38 =	vor.u32 s3, v37  }
0x743: {  	[tilespmem:v44+s20+$0x0] =	vst.idx.msk $0xffff, v31;
	v44 =	vld [tilespmem:$0x1FEF0];
	_ =	sdelay $0x3  }
0x744: {  	v40 =	vor.u32 s3, v0;
	v31 =	vld.idx.msk [tilespmem:v38+s3+$0x0], $0xffff  }
0x745: {  	v38 =	vor.u32 s3, v44;
	_ =	sdelay $0x3  }
0x746: {  	[tilespmem:v40+s20+$0x0] =	vst.idx.msk $0xffff, v31  }
0x747: {  	v40 =	vor.u32 s3, v11;
	v31 =	vld.idx.msk [tilespmem:v38+s3+$0x0], $0xffff  }
0x748: {  	v42 =	vor.u32 s3, v39;
	_ =	sdelay $0x3  }
0x749: {  	[tilespmem:v40+s20+$0x0] =	vst.idx.msk $0xffff, v31  }
0x74a: {  	v31 =	vld.idx.msk [tilespmem:v42+s3+$0x0], $0xffff  }
0x74b: {  	v42 =	vld [tilespmem:$0x1FF10];
	_ =	sdelay $0x3  }
0x74c: {  	v38 =	vor.u32 s3, v13  }
0x74d: {  	v40 =	vor.u32 s3, v42;
	_ =	sdelay $0x3  }
0x74e: {  	[tilespmem:v38+s20+$0x0] =	vst.idx.msk $0xffff, v31  }
0x74f: {  	v38 =	vor.u32 s3, v15;
	v31 =	vld.idx.msk [tilespmem:v40+s3+$0x0], $0xffff  }
0x750: {  	v40 =	vor.u32 s3, v41;
	_ =	sdelay $0x3  }
0x751: {  	[tilespmem:v38+s20+$0x0] =	vst.idx.msk $0xffff, v31  }
0x752: {  	v31 =	vld.idx.msk [tilespmem:v40+s3+$0x0], $0xffff  }
0x753: {  	v40 =	vld [tilespmem:$0x1FF30];
	_ =	sdelay $0x3  }
0x754: {  	v32 =	vor.u32 s3, v17  }
0x755: {  	v38 =	vor.u32 s3, v40;
	_ =	sdelay $0x3  }
0x756: {  	[tilespmem:v32+s20+$0x0] =	vst.idx.msk $0xffff, v31  }
0x757: {  	v32 =	vor.u32 s3, v19;
	v31 =	vld.idx.msk [tilespmem:v38+s3+$0x0], $0xffff  }
0x758: {  	v38 =	vor.u32 s3, v43;
	_ =	sdelay $0x3  }
0x759: {  	[tilespmem:v32+s20+$0x0] =	vst.idx.msk $0xffff, v31  }
0x75a: {  	v31 =	vld.idx.msk [tilespmem:v38+s3+$0x0], $0xffff  }
0x75b: {  	v38 =	vld [tilespmem:$0x1FF50];
	_ =	sdelay $0x3  }
0x75c: {  	v32 =	vor.u32 s3, v21  }
0x75d: {  	v33 =	vor.u32 s3, v38;
	_ =	sdelay $0x3  }
0x75e: {  	[tilespmem:v32+s20+$0x0] =	vst.idx.msk $0xffff, v31  }
0x75f: {  	v32 =	vor.u32 s3, v23;
	v31 =	vld.idx.msk [tilespmem:v33+s3+$0x0], $0xffff  }
0x760: {  	v33 =	vor.u32 s3, v45;
	_ =	sdelay $0x3  }
0x761: {  	[tilespmem:v32+s20+$0x0] =	vst.idx.msk $0xffff, v31  }
0x762: {  	v32 =	vor.u32 s3, v25;
	v31 =	vld.idx.msk [tilespmem:v33+s3+$0x0], $0xffff  }
0x763: {  	v33 =	vor.u32 s3, v36;
	_ =	sdelay $0x3  }
0x764: {  	[tilespmem:v32+s20+$0x0] =	vst.idx.msk $0xffff, v31  }
0x765: {  	v32 =	vor.u32 s3, v27;
	v31 =	vld.idx.msk [tilespmem:v33+s3+$0x0], $0xffff  }
0x766: {  	v33 =	vor.u32 s3, v47;
	_ =	sdelay $0x3  }
0x767: {  	s29 =	simm.s32 $0x10;
	[tilespmem:v32+s20+$0x0] =	vst.idx.msk $0xffff, v31  }
0x768: {  	s26 =	simm.s32 $0x20;
	s2 =	simm.s32 $0x0;
	s1 =	simm.s32 $0x10;
	v32 =	vor.u32 s29, v16;
	v31 =	vld.idx.msk [tilespmem:v33+s3+$0x0], $0xffff;
	v33 =	vor.u32 s3, v29  }
.LBB2_26:
0x769: {  	_ =	sdelay $0x3  }
0x76a: {  	[tilespmem:v33+s20+$0x0] =	vst.idx.msk $0xffff, v31;
	v33 =	vld [tilespmem:$0x1FFA0];
	_ =	sdelay $0x2  }
0x76b: {  	s2 =	sadd.s32 $0x400, s2  }
0x76c: {  	v31 =	vld.idx.msk [tilespmem:v32+s3+$0x0], $0xffff;
	v32 =	vor.u32 s2, v24  }
0x76d: {  	v33 =	vor.u32 s1, v33;
	_ =	sdelay $0x3  }
0x76e: {  	[tilespmem:v32+s20+$0x0] =	vst.idx.msk $0xffff, v31  }
0x76f: {  	v32 =	vor.u32 s2, v3;
	v31 =	vld.idx.msk [tilespmem:v33+s3+$0x0], $0xffff  }
0x770: {  	v33 =	vor.u32 s1, v34;
	_ =	sdelay $0x3  }
0x771: {  	[tilespmem:v32+s20+$0x0] =	vst.idx.msk $0xffff, v31  }
0x772: {  	v31 =	vld.idx.msk [tilespmem:v33+s3+$0x0], $0xffff  }
0x773: {  	v33 =	vld [tilespmem:$0x1FC90];
	_ =	sdelay $0x3  }
0x774: {  	v32 =	vor.u32 s2, v5  }
0x775: {  	v33 =	vor.u32 s1, v33;
	_ =	sdelay $0x3  }
0x776: {  	[tilespmem:v32+s20+$0x0] =	vst.idx.msk $0xffff, v31  }
0x777: {  	v32 =	vor.u32 s2, v7;
	v31 =	vld.idx.msk [tilespmem:v33+s3+$0x0], $0xffff  }
0x778: {  	v33 =	vor.u32 s1, v46;
	_ =	sdelay $0x3  }
0x779: {  	[tilespmem:v32+s20+$0x0] =	vst.idx.msk $0xffff, v31  }
0x77a: {  	v32 =	vor.u32 s2, v1;
	v31 =	vld.idx.msk [tilespmem:v33+s3+$0x0], $0xffff  }
0x77b: {  	v33 =	vor.u32 s1, v37;
	_ =	sdelay $0x3  }
0x77c: {  	[tilespmem:v32+s20+$0x0] =	vst.idx.msk $0xffff, v31  }
0x77d: {  	v32 =	vor.u32 s2, v0;
	v31 =	vld.idx.msk [tilespmem:v33+s3+$0x0], $0xffff  }
0x77e: {  	v33 =	vor.u32 s1, v44;
	_ =	sdelay $0x3  }
0x77f: {  	[tilespmem:v32+s20+$0x0] =	vst.idx.msk $0xffff, v31  }
0x780: {  	v32 =	vor.u32 s2, v11;
	v31 =	vld.idx.msk [tilespmem:v33+s3+$0x0], $0xffff  }
0x781: {  	v33 =	vor.u32 s1, v39;
	_ =	sdelay $0x3  }
0x782: {  	[tilespmem:v32+s20+$0x0] =	vst.idx.msk $0xffff, v31  }
0x783: {  	v32 =	vor.u32 s2, v13;
	v31 =	vld.idx.msk [tilespmem:v33+s3+$0x0], $0xffff  }
0x784: {  	v33 =	vor.u32 s1, v42;
	_ =	sdelay $0x3  }
0x785: {  	[tilespmem:v32+s20+$0x0] =	vst.idx.msk $0xffff, v31  }
0x786: {  	v32 =	vor.u32 s2, v15;
	v31 =	vld.idx.msk [tilespmem:v33+s3+$0x0], $0xffff  }
0x787: {  	v33 =	vor.u32 s1, v41;
	_ =	sdelay $0x3  }
0x788: {  	[tilespmem:v32+s20+$0x0] =	vst.idx.msk $0xffff, v31  }
0x789: {  	v32 =	vor.u32 s2, v17;
	v31 =	vld.idx.msk [tilespmem:v33+s3+$0x0], $0xffff  }
0x78a: {  	v33 =	vor.u32 s1, v40;
	_ =	sdelay $0x3  }
0x78b: {  	[tilespmem:v32+s20+$0x0] =	vst.idx.msk $0xffff, v31  }
0x78c: {  	v32 =	vor.u32 s2, v19;
	v31 =	vld.idx.msk [tilespmem:v33+s3+$0x0], $0xffff  }
0x78d: {  	v33 =	vor.u32 s1, v43;
	_ =	sdelay $0x3  }
0x78e: {  	[tilespmem:v32+s20+$0x0] =	vst.idx.msk $0xffff, v31  }
0x78f: {  	v32 =	vor.u32 s2, v21;
	v31 =	vld.idx.msk [tilespmem:v33+s3+$0x0], $0xffff  }
0x790: {  	v33 =	vor.u32 s1, v38;
	_ =	sdelay $0x3  }
0x791: {  	[tilespmem:v32+s20+$0x0] =	vst.idx.msk $0xffff, v31  }
0x792: {  	v32 =	vor.u32 s2, v23;
	v31 =	vld.idx.msk [tilespmem:v33+s3+$0x0], $0xffff  }
0x793: {  	v33 =	vor.u32 s1, v45;
	_ =	sdelay $0x3  }
0x794: {  	[tilespmem:v32+s20+$0x0] =	vst.idx.msk $0xffff, v31  }
0x795: {  	v32 =	vor.u32 s2, v25;
	v31 =	vld.idx.msk [tilespmem:v33+s3+$0x0], $0xffff  }
0x796: {  	v33 =	vor.u32 s1, v36;
	_ =	sdelay $0x3  }
0x797: {  	[tilespmem:v32+s20+$0x0] =	vst.idx.msk $0xffff, v31  }
0x798: {  	v32 =	vor.u32 s2, v27;
	v31 =	vld.idx.msk [tilespmem:v33+s3+$0x0], $0xffff  }
0x799: {  	p2 =	sne.s32 s26, $0x70;
	v33 =	vor.u32 s1, v47  }
.Ltmp16:
0x79a: {  	_ = 	snop;
	(pc) =	sbr.rel @p2 .LBB2_26-.Ltmp16, $3  }
0x79b: {  	_ =	sdelay $0x1  }
0x79c: {  	s1 =	smov.u32 s26;
	[tilespmem:v32+s20+$0x0] =	vst.idx.msk $0xffff, v31  }
0x79d: {  	s26 =	sadd.s32 $0x10, s26;
	v32 =	vor.u32 s1, v16;
	v31 =	vld.idx.msk [tilespmem:v33+s3+$0x0], $0xffff;
	v33 =	vor.u32 s2, v29  }
0x79e: {  	_ =	sdelay $0x3  }
0x79f: {  	[tilespmem:v33+s20+$0x0] =	vst.idx.msk $0xffff, v31;
	v33 =	vld [tilespmem:$0x1FFA0];
	_ =	sdelay $0x2  }
0x7a0: {  	s2 =	sadd.s32 $0x400, s2  }
0x7a1: {  	v31 =	vld.idx.msk [tilespmem:v32+s3+$0x0], $0xffff;
	v32 =	vor.u32 s2, v24  }
0x7a2: {  	v33 =	vor.u32 s1, v33;
	_ =	sdelay $0x3  }
0x7a3: {  	[tilespmem:v32+s20+$0x0] =	vst.idx.msk $0xffff, v31  }
0x7a4: {  	v32 =	vor.u32 s2, v3;
	v31 =	vld.idx.msk [tilespmem:v33+s3+$0x0], $0xffff  }
0x7a5: {  	v33 =	vor.u32 s1, v34;
	_ =	sdelay $0x3  }
0x7a6: {  	[tilespmem:v32+s20+$0x0] =	vst.idx.msk $0xffff, v31  }
0x7a7: {  	v31 =	vld.idx.msk [tilespmem:v33+s3+$0x0], $0xffff  }
0x7a8: {  	v33 =	vld [tilespmem:$0x1FC90];
	_ =	sdelay $0x3  }
0x7a9: {  	v32 =	vor.u32 s2, v5  }
0x7aa: {  	v33 =	vor.u32 s1, v33;
	_ =	sdelay $0x3  }
0x7ab: {  	[tilespmem:v32+s20+$0x0] =	vst.idx.msk $0xffff, v31  }
0x7ac: {  	v32 =	vor.u32 s2, v7;
	v31 =	vld.idx.msk [tilespmem:v33+s3+$0x0], $0xffff  }
0x7ad: {  	v46 =	vor.u32 s1, v46;
	_ =	sdelay $0x3  }
0x7ae: {  	[tilespmem:v32+s20+$0x0] =	vst.idx.msk $0xffff, v31  }
0x7af: {  	v32 =	vor.u32 s2, v1;
	v31 =	vld.idx.msk [tilespmem:v46+s3+$0x0], $0xffff  }
0x7b0: {  	v46 =	vor.u32 s1, v37;
	_ =	sdelay $0x3  }
0x7b1: {  	[tilespmem:v32+s20+$0x0] =	vst.idx.msk $0xffff, v31  }
0x7b2: {  	v32 =	vor.u32 s2, v0;
	v31 =	vld.idx.msk [tilespmem:v46+s3+$0x0], $0xffff  }
0x7b3: {  	v46 =	vor.u32 s1, v44;
	_ =	sdelay $0x3  }
0x7b4: {  	[tilespmem:v32+s20+$0x0] =	vst.idx.msk $0xffff, v31  }
0x7b5: {  	v44 =	vor.u32 s2, v11;
	v31 =	vld.idx.msk [tilespmem:v46+s3+$0x0], $0xffff  }
0x7b6: {  	v46 =	vor.u32 s1, v39;
	_ =	sdelay $0x3  }
0x7b7: {  	[tilespmem:v44+s20+$0x0] =	vst.idx.msk $0xffff, v31  }
0x7b8: {  	v44 =	vor.u32 s2, v13;
	v31 =	vld.idx.msk [tilespmem:v46+s3+$0x0], $0xffff  }
0x7b9: {  	v46 =	vor.u32 s1, v42;
	_ =	sdelay $0x3  }
0x7ba: {  	[tilespmem:v44+s20+$0x0] =	vst.idx.msk $0xffff, v31  }
0x7bb: {  	v42 =	vor.u32 s2, v15;
	v31 =	vld.idx.msk [tilespmem:v46+s3+$0x0], $0xffff  }
0x7bc: {  	v44 =	vor.u32 s1, v41;
	_ =	sdelay $0x3  }
0x7bd: {  	[tilespmem:v42+s20+$0x0] =	vst.idx.msk $0xffff, v31  }
0x7be: {  	v46 =	vor.u32 s2, v17;
	v31 =	vld.idx.msk [tilespmem:v44+s3+$0x0], $0xffff  }
0x7bf: {  	v40 =	vor.u32 s1, v40;
	_ =	sdelay $0x3  }
0x7c0: {  	[tilespmem:v46+s20+$0x0] =	vst.idx.msk $0xffff, v31  }
0x7c1: {  	v42 =	vor.u32 s2, v19;
	v31 =	vld.idx.msk [tilespmem:v40+s3+$0x0], $0xffff  }
0x7c2: {  	v44 =	vor.u32 s1, v43;
	_ =	sdelay $0x3  }
0x7c3: {  	[tilespmem:v42+s20+$0x0] =	vst.idx.msk $0xffff, v31  }
0x7c4: {  	v46 =	vor.u32 s2, v21;
	v31 =	vld.idx.msk [tilespmem:v44+s3+$0x0], $0xffff  }
0x7c5: {  	v40 =	vor.u32 s1, v38;
	_ =	sdelay $0x3  }
0x7c6: {  	[tilespmem:v46+s20+$0x0] =	vst.idx.msk $0xffff, v31  }
0x7c7: {  	v42 =	vor.u32 s2, v23;
	v31 =	vld.idx.msk [tilespmem:v40+s3+$0x0], $0xffff  }
0x7c8: {  	v44 =	vor.u32 s1, v45;
	_ =	sdelay $0x3  }
0x7c9: {  	[tilespmem:v42+s20+$0x0] =	vst.idx.msk $0xffff, v31  }
0x7ca: {  	v46 =	vor.u32 s2, v25;
	v31 =	vld.idx.msk [tilespmem:v44+s3+$0x0], $0xffff  }
0x7cb: {  	v36 =	vor.u32 s1, v36;
	_ =	sdelay $0x3  }
0x7cc: {  	[tilespmem:v46+s20+$0x0] =	vst.idx.msk $0xffff, v31  }
0x7cd: {  	v38 =	vor.u32 s2, v27;
	v31 =	vld.idx.msk [tilespmem:v36+s3+$0x0], $0xffff  }
0x7ce: {  	v40 =	vor.u32 s1, v47;
	_ =	sdelay $0x3  }
0x7cf: {  	[tilespmem:v38+s20+$0x0] =	vst.idx.msk $0xffff, v31  }
0x7d0: {  	v42 =	vor.u32 s2, v29;
	v31 =	vld.idx.msk [tilespmem:v40+s3+$0x0], $0xffff  }
0x7d1: {  	v44 =	vor.u32 s3, v26;
	_ =	sdelay $0x3  }
0x7d2: {  	s26 =	simm.s32 $0x10;
	s1 =	simm.s32 $0x0;
	[tilespmem:v42+s20+$0x0] =	vst.idx.msk $0xffff, v31  }
0x7d3: {  	v46 =	vor.u32 s26, v24;
	v31 =	vld.idx.msk [tilespmem:v44+s1+$0x0], $0xffff  }
0x7d4: {  	v36 =	vor.u32 s3, v48  }
0x7d5: {  	v40 =	vld [tilespmem:$0x1FD40];
	_ =	sdelay $0x2  }
0x7d6: {  	[tilespmem:v46+s20+$0x0] =	vst.idx.msk $0xffff, v31  }
0x7d7: {  	v38 =	vor.u32 s26, v3;
	v31 =	vld.idx.msk [tilespmem:v36+s1+$0x0], $0xffff  }
0x7d8: {  	v33 =	vor.u32 s3, v40  }
0x7d9: {  	v44 =	vld [tilespmem:$0x1FD50];
	_ =	sdelay $0x2  }
0x7da: {  	[tilespmem:v38+s20+$0x0] =	vst.idx.msk $0xffff, v31  }
0x7db: {  	v42 =	vor.u32 s26, v5;
	v31 =	vld.idx.msk [tilespmem:v33+s1+$0x0], $0xffff  }
0x7dc: {  	v33 =	vor.u32 s3, v44  }
0x7dd: {  	v36 =	vld [tilespmem:$0x1FD60];
	_ =	sdelay $0x2  }
0x7de: {  	[tilespmem:v42+s20+$0x0] =	vst.idx.msk $0xffff, v31  }
0x7df: {  	v46 =	vor.u32 s26, v7;
	v31 =	vld.idx.msk [tilespmem:v33+s1+$0x0], $0xffff  }
0x7e0: {  	v33 =	vor.u32 s3, v36  }
0x7e1: {  	v40 =	vld [tilespmem:$0x1FD70];
	_ =	sdelay $0x2  }
0x7e2: {  	[tilespmem:v46+s20+$0x0] =	vst.idx.msk $0xffff, v31  }
0x7e3: {  	v38 =	vor.u32 s26, v1;
	v31 =	vld.idx.msk [tilespmem:v33+s1+$0x0], $0xffff  }
0x7e4: {  	v33 =	vor.u32 s3, v40  }
0x7e5: {  	v44 =	vld [tilespmem:$0x1FD80];
	_ =	sdelay $0x2  }
0x7e6: {  	[tilespmem:v38+s20+$0x0] =	vst.idx.msk $0xffff, v31  }
0x7e7: {  	v42 =	vor.u32 s26, v0;
	v31 =	vld.idx.msk [tilespmem:v33+s1+$0x0], $0xffff  }
0x7e8: {  	v33 =	vor.u32 s3, v44  }
0x7e9: {  	v36 =	vld [tilespmem:$0x1FD90];
	_ =	sdelay $0x2  }
0x7ea: {  	[tilespmem:v42+s20+$0x0] =	vst.idx.msk $0xffff, v31  }
0x7eb: {  	v46 =	vor.u32 s26, v11;
	v31 =	vld.idx.msk [tilespmem:v33+s1+$0x0], $0xffff  }
0x7ec: {  	v33 =	vor.u32 s3, v36  }
0x7ed: {  	v40 =	vld [tilespmem:$0x1FDA0];
	_ =	sdelay $0x2  }
0x7ee: {  	[tilespmem:v46+s20+$0x0] =	vst.idx.msk $0xffff, v31  }
0x7ef: {  	v38 =	vor.u32 s26, v13;
	v31 =	vld.idx.msk [tilespmem:v33+s1+$0x0], $0xffff  }
0x7f0: {  	v33 =	vor.u32 s3, v40  }
0x7f1: {  	v36 =	vld [tilespmem:$0x1FDB0];
	_ =	sdelay $0x2  }
0x7f2: {  	[tilespmem:v38+s20+$0x0] =	vst.idx.msk $0xffff, v31  }
0x7f3: {  	v42 =	vor.u32 s26, v15;
	v31 =	vld.idx.msk [tilespmem:v33+s1+$0x0], $0xffff  }
0x7f4: {  	v44 =	vor.u32 s3, v36  }
0x7f5: {  	v38 =	vld [tilespmem:$0x1FDC0];
	_ =	sdelay $0x2  }
0x7f6: {  	[tilespmem:v42+s20+$0x0] =	vst.idx.msk $0xffff, v31  }
0x7f7: {  	v46 =	vor.u32 s26, v17;
	v31 =	vld.idx.msk [tilespmem:v44+s1+$0x0], $0xffff  }
0x7f8: {  	v33 =	vor.u32 s3, v38  }
0x7f9: {  	v44 =	vld [tilespmem:$0x1FDD0];
	_ =	sdelay $0x2  }
0x7fa: {  	[tilespmem:v46+s20+$0x0] =	vst.idx.msk $0xffff, v31  }
0x7fb: {  	v40 =	vor.u32 s26, v19;
	v31 =	vld.idx.msk [tilespmem:v33+s1+$0x0], $0xffff  }
0x7fc: {  	v46 =	vor.u32 s3, v44  }
0x7fd: {  	v42 =	vld [tilespmem:$0x1FDE0];
	_ =	sdelay $0x2  }
0x7fe: {  	[tilespmem:v40+s20+$0x0] =	vst.idx.msk $0xffff, v31  }
0x7ff: {  	v34 =	vmov v38;
	v38 =	vor.u32 s26, v21;
	v31 =	vld.idx.msk [tilespmem:v46+s1+$0x0], $0xffff  }
0x800: {  	v46 =	vor.u32 s3, v42  }
0x801: {  	v40 =	vld [tilespmem:$0x1FDF0];
	_ =	sdelay $0x2  }
0x802: {  	[tilespmem:v38+s20+$0x0] =	vst.idx.msk $0xffff, v31  }
0x803: {  	v38 =	vor.u32 s26, v23;
	v31 =	vld.idx.msk [tilespmem:v46+s1+$0x0], $0xffff  }
0x804: {  	v46 =	vor.u32 s3, v40;
	_ =	sdelay $0x3  }
0x805: {  	[tilespmem:v38+s20+$0x0] =	vst.idx.msk $0xffff, v31  }
0x806: {  	v31 =	vld.idx.msk [tilespmem:v46+s1+$0x0], $0xffff  }
0x807: {  	v46 =	vld [tilespmem:$0x1FE00];
	_ =	sdelay $0x3  }
0x808: {  	v32 =	vor.u32 s26, v25  }
0x809: {  	v38 =	vor.u32 s3, v46  }
0x80a: {  	v33 =	vld [tilespmem:$0x1FFB0];
	_ =	sdelay $0x2  }
0x80b: {  	[tilespmem:v32+s20+$0x0] =	vst.idx.msk $0xffff, v31  }
0x80c: {  	v32 =	vor.u32 s26, v27;
	v31 =	vld.idx.msk [tilespmem:v38+s1+$0x0], $0xffff  }
0x80d: {  	v38 =	vmov v33;
	v33 =	vor.u32 s3, v33;
	_ =	sdelay $0x3  }
0x80e: {  	[tilespmem:v32+s20+$0x0] =	vst.idx.msk $0xffff, v31  }
0x80f: {  	s2 =	simm.s32 $0x410;
	s3 =	simm.s32 $0x810;
	v32 =	vor.u32 s26, v29;
	v31 =	vld.idx.msk [tilespmem:v33+s1+$0x0], $0xffff;
	v33 =	vor.u32 s29, v26  }
.LBB2_28:
0x810: {  	_ =	sdelay $0x3  }
0x811: {  	[tilespmem:v32+s20+$0x0] =	vst.idx.msk $0xffff, v31  }
0x812: {  	v32 =	vor.u32 s2, v24;
	v31 =	vld.idx.msk [tilespmem:v33+s1+$0x0], $0xffff  }
0x813: {  	v33 =	vor.u32 s29, v48;
	_ =	sdelay $0x3  }
0x814: {  	[tilespmem:v32+s20+$0x0] =	vst.idx.msk $0xffff, v31  }
0x815: {  	v31 =	vld.idx.msk [tilespmem:v33+s1+$0x0], $0xffff  }
0x816: {  	v33 =	vld [tilespmem:$0x1FD40];
	_ =	sdelay $0x3  }
0x817: {  	v32 =	vor.u32 s2, v3  }
0x818: {  	v33 =	vor.u32 s29, v33;
	_ =	sdelay $0x3  }
0x819: {  	[tilespmem:v32+s20+$0x0] =	vst.idx.msk $0xffff, v31  }
0x81a: {  	v31 =	vld.idx.msk [tilespmem:v33+s1+$0x0], $0xffff  }
0x81b: {  	v33 =	vld [tilespmem:$0x1FD50];
	_ =	sdelay $0x3  }
0x81c: {  	v32 =	vor.u32 s2, v5  }
0x81d: {  	v33 =	vor.u32 s29, v33;
	_ =	sdelay $0x3  }
0x81e: {  	[tilespmem:v32+s20+$0x0] =	vst.idx.msk $0xffff, v31  }
0x81f: {  	v31 =	vld.idx.msk [tilespmem:v33+s1+$0x0], $0xffff  }
0x820: {  	v33 =	vld [tilespmem:$0x1FD60];
	_ =	sdelay $0x3  }
0x821: {  	v32 =	vor.u32 s2, v7  }
0x822: {  	v33 =	vor.u32 s29, v33;
	_ =	sdelay $0x3  }
0x823: {  	[tilespmem:v32+s20+$0x0] =	vst.idx.msk $0xffff, v31  }
0x824: {  	v31 =	vld.idx.msk [tilespmem:v33+s1+$0x0], $0xffff  }
0x825: {  	v33 =	vld [tilespmem:$0x1FD70];
	_ =	sdelay $0x3  }
0x826: {  	v32 =	vor.u32 s2, v1  }
0x827: {  	v33 =	vor.u32 s29, v33;
	_ =	sdelay $0x3  }
0x828: {  	[tilespmem:v32+s20+$0x0] =	vst.idx.msk $0xffff, v31  }
0x829: {  	v31 =	vld.idx.msk [tilespmem:v33+s1+$0x0], $0xffff  }
0x82a: {  	v33 =	vld [tilespmem:$0x1FD80];
	_ =	sdelay $0x3  }
0x82b: {  	v32 =	vor.u32 s2, v0  }
0x82c: {  	v33 =	vor.u32 s29, v33;
	_ =	sdelay $0x3  }
0x82d: {  	[tilespmem:v32+s20+$0x0] =	vst.idx.msk $0xffff, v31  }
0x82e: {  	v31 =	vld.idx.msk [tilespmem:v33+s1+$0x0], $0xffff  }
0x82f: {  	v33 =	vld [tilespmem:$0x1FD90];
	_ =	sdelay $0x3  }
0x830: {  	v32 =	vor.u32 s2, v11  }
0x831: {  	v33 =	vor.u32 s29, v33;
	_ =	sdelay $0x3  }
0x832: {  	[tilespmem:v32+s20+$0x0] =	vst.idx.msk $0xffff, v31  }
0x833: {  	v31 =	vld.idx.msk [tilespmem:v33+s1+$0x0], $0xffff  }
0x834: {  	v33 =	vld [tilespmem:$0x1FDA0];
	_ =	sdelay $0x3  }
0x835: {  	v32 =	vor.u32 s2, v13  }
0x836: {  	v33 =	vor.u32 s29, v33;
	_ =	sdelay $0x3  }
0x837: {  	[tilespmem:v32+s20+$0x0] =	vst.idx.msk $0xffff, v31  }
0x838: {  	v32 =	vor.u32 s2, v15;
	v31 =	vld.idx.msk [tilespmem:v33+s1+$0x0], $0xffff  }
0x839: {  	v33 =	vor.u32 s29, v36;
	_ =	sdelay $0x3  }
0x83a: {  	[tilespmem:v32+s20+$0x0] =	vst.idx.msk $0xffff, v31  }
0x83b: {  	v32 =	vor.u32 s2, v17;
	v31 =	vld.idx.msk [tilespmem:v33+s1+$0x0], $0xffff  }
0x83c: {  	v33 =	vor.u32 s29, v34;
	_ =	sdelay $0x3  }
0x83d: {  	[tilespmem:v32+s20+$0x0] =	vst.idx.msk $0xffff, v31  }
0x83e: {  	v32 =	vor.u32 s2, v19;
	v31 =	vld.idx.msk [tilespmem:v33+s1+$0x0], $0xffff  }
0x83f: {  	v33 =	vor.u32 s29, v44;
	_ =	sdelay $0x3  }
0x840: {  	[tilespmem:v32+s20+$0x0] =	vst.idx.msk $0xffff, v31  }
0x841: {  	v32 =	vor.u32 s2, v21;
	v31 =	vld.idx.msk [tilespmem:v33+s1+$0x0], $0xffff  }
0x842: {  	v33 =	vor.u32 s29, v42;
	_ =	sdelay $0x3  }
0x843: {  	[tilespmem:v32+s20+$0x0] =	vst.idx.msk $0xffff, v31  }
0x844: {  	v32 =	vor.u32 s2, v23;
	v31 =	vld.idx.msk [tilespmem:v33+s1+$0x0], $0xffff  }
0x845: {  	v33 =	vor.u32 s29, v40;
	_ =	sdelay $0x3  }
0x846: {  	[tilespmem:v32+s20+$0x0] =	vst.idx.msk $0xffff, v31  }
0x847: {  	v32 =	vor.u32 s2, v25;
	v31 =	vld.idx.msk [tilespmem:v33+s1+$0x0], $0xffff  }
0x848: {  	v33 =	vor.u32 s29, v46;
	_ =	sdelay $0x3  }
0x849: {  	[tilespmem:v32+s20+$0x0] =	vst.idx.msk $0xffff, v31  }
0x84a: {  	v32 =	vor.u32 s2, v27;
	v31 =	vld.idx.msk [tilespmem:v33+s1+$0x0], $0xffff  }
0x84b: {  	p2 =	sne.s32 s3, $0x1C10;
	v33 =	vor.u32 s29, v38  }
.Ltmp17:
0x84c: {  	_ = 	snop;
	(pc) =	sbr.rel @p2 .LBB2_28-.Ltmp17, $3  }
0x84d: {  	_ =	sdelay $0x1  }
0x84e: {  	s29 =	sadd.s32 $0x10, s29;
	[tilespmem:v32+s20+$0x0] =	vst.idx.msk $0xffff, v31  }
0x84f: {  	v32 =	vor.u32 s2, v29;
	s2 =	smov.u32 s3;
	s3 =	sadd.s32 $0x400, s3;
	v31 =	vld.idx.msk [tilespmem:v33+s1+$0x0], $0xffff;
	v33 =	vor.u32 s29, v26  }
0x850: {  	_ =	sdelay $0x3  }
0x851: {  	s3 =	simm.s32 $0x0;
	[tilespmem:v32+s20+$0x0] =	vst.idx.msk $0xffff, v31  }
0x852: {  	v32 =	vor.u32 s2, v24;
	v31 =	vld.idx.msk [tilespmem:v33+s3+$0x0], $0xffff  }
0x853: {  	v33 =	vor.u32 s29, v48;
	_ =	sdelay $0x3  }
0x854: {  	[tilespmem:v32+s20+$0x0] =	vst.idx.msk $0xffff, v31  }
0x855: {  	v31 =	vld.idx.msk [tilespmem:v33+s3+$0x0], $0xffff  }
0x856: {  	v33 =	vld [tilespmem:$0x1FD40];
	_ =	sdelay $0x3  }
0x857: {  	v32 =	vor.u32 s2, v3  }
0x858: {  	v33 =	vor.u32 s29, v33;
	_ =	sdelay $0x3  }
0x859: {  	[tilespmem:v32+s20+$0x0] =	vst.idx.msk $0xffff, v31  }
0x85a: {  	v31 =	vld.idx.msk [tilespmem:v33+s3+$0x0], $0xffff  }
0x85b: {  	v33 =	vld [tilespmem:$0x1FD50];
	_ =	sdelay $0x3  }
0x85c: {  	v32 =	vor.u32 s2, v5  }
0x85d: {  	v33 =	vor.u32 s29, v33;
	_ =	sdelay $0x3  }
0x85e: {  	[tilespmem:v32+s20+$0x0] =	vst.idx.msk $0xffff, v31  }
0x85f: {  	v31 =	vld.idx.msk [tilespmem:v33+s3+$0x0], $0xffff  }
0x860: {  	v33 =	vld [tilespmem:$0x1FD60];
	_ =	sdelay $0x3  }
0x861: {  	v32 =	vor.u32 s2, v7  }
0x862: {  	v33 =	vor.u32 s29, v33;
	_ =	sdelay $0x3  }
0x863: {  	[tilespmem:v32+s20+$0x0] =	vst.idx.msk $0xffff, v31  }
0x864: {  	v31 =	vld.idx.msk [tilespmem:v33+s3+$0x0], $0xffff  }
0x865: {  	v33 =	vld [tilespmem:$0x1FD70];
	_ =	sdelay $0x3  }
0x866: {  	v32 =	vor.u32 s2, v1  }
0x867: {  	v33 =	vor.u32 s29, v33;
	_ =	sdelay $0x3  }
0x868: {  	[tilespmem:v32+s20+$0x0] =	vst.idx.msk $0xffff, v31  }
0x869: {  	v31 =	vld.idx.msk [tilespmem:v33+s3+$0x0], $0xffff  }
0x86a: {  	v33 =	vld [tilespmem:$0x1FD80];
	_ =	sdelay $0x3  }
0x86b: {  	v32 =	vor.u32 s2, v0  }
0x86c: {  	v33 =	vor.u32 s29, v33;
	_ =	sdelay $0x3  }
0x86d: {  	[tilespmem:v32+s20+$0x0] =	vst.idx.msk $0xffff, v31  }
0x86e: {  	v31 =	vld.idx.msk [tilespmem:v33+s3+$0x0], $0xffff  }
0x86f: {  	v33 =	vld [tilespmem:$0x1FD90];
	_ =	sdelay $0x3  }
0x870: {  	v32 =	vor.u32 s2, v11  }
0x871: {  	v33 =	vor.u32 s29, v33;
	_ =	sdelay $0x3  }
0x872: {  	[tilespmem:v32+s20+$0x0] =	vst.idx.msk $0xffff, v31  }
0x873: {  	v31 =	vld.idx.msk [tilespmem:v33+s3+$0x0], $0xffff  }
0x874: {  	v33 =	vld [tilespmem:$0x1FDA0];
	_ =	sdelay $0x3  }
0x875: {  	v32 =	vor.u32 s2, v13  }
0x876: {  	v33 =	vor.u32 s29, v33;
	_ =	sdelay $0x3  }
0x877: {  	[tilespmem:v32+s20+$0x0] =	vst.idx.msk $0xffff, v31  }
0x878: {  	v32 =	vor.u32 s2, v15;
	v31 =	vld.idx.msk [tilespmem:v33+s3+$0x0], $0xffff  }
0x879: {  	v36 =	vor.u32 s29, v36;
	_ =	sdelay $0x3  }
0x87a: {  	[tilespmem:v32+s20+$0x0] =	vst.idx.msk $0xffff, v31  }
0x87b: {  	v32 =	vor.u32 s2, v17;
	v31 =	vld.idx.msk [tilespmem:v36+s3+$0x0], $0xffff  }
0x87c: {  	v36 =	vor.u32 s29, v34;
	_ =	sdelay $0x3  }
0x87d: {  	[tilespmem:v32+s20+$0x0] =	vst.idx.msk $0xffff, v31  }
0x87e: {  	v31 =	vld.idx.msk [tilespmem:v36+s3+$0x0], $0xffff;
	v36 =	vor.u32 s2, v19  }
0x87f: {  	v44 =	vor.u32 s29, v44;
	_ =	sdelay $0x3  }
0x880: {  	[tilespmem:v36+s20+$0x0] =	vst.idx.msk $0xffff, v31  }
0x881: {  	v36 =	vor.u32 s2, v21;
	v31 =	vld.idx.msk [tilespmem:v44+s3+$0x0], $0xffff  }
0x882: {  	v44 =	vor.u32 s29, v42;
	_ =	sdelay $0x3  }
0x883: {  	[tilespmem:v36+s20+$0x0] =	vst.idx.msk $0xffff, v31  }
0x884: {  	v36 =	vor.u32 s2, v23;
	v31 =	vld.idx.msk [tilespmem:v44+s3+$0x0], $0xffff  }
0x885: {  	v40 =	vor.u32 s29, v40;
	_ =	sdelay $0x3  }
0x886: {  	[tilespmem:v36+s20+$0x0] =	vst.idx.msk $0xffff, v31  }
0x887: {  	v42 =	vor.u32 s2, v25;
	v31 =	vld.idx.msk [tilespmem:v40+s3+$0x0], $0xffff  }
0x888: {  	v44 =	vor.u32 s29, v46;
	_ =	sdelay $0x3  }
0x889: {  	[tilespmem:v42+s20+$0x0] =	vst.idx.msk $0xffff, v31  }
0x88a: {  	v46 =	vor.u32 s2, v27;
	v31 =	vld.idx.msk [tilespmem:v44+s3+$0x0], $0xffff  }
0x88b: {  	v36 =	vor.u32 s29, v38;
	_ =	sdelay $0x3  }
0x88c: {  	[tilespmem:v46+s20+$0x0] =	vst.idx.msk $0xffff, v31  }
0x88d: {  	v38 =	vor.u32 s2, v29;
	v31 =	vld.idx.msk [tilespmem:v36+s3+$0x0], $0xffff  }
0x88e: {  	v40 =	vor.u32 s3, v28;
	_ =	sdelay $0x3  }
0x88f: {  	s1 =	simm.s32 $0x20;
	[tilespmem:v38+s20+$0x0] =	vst.idx.msk $0xffff, v31  }
0x890: {  	v42 =	vor.u32 s1, v24;
	v31 =	vld.idx.msk [tilespmem:v40+s3+$0x0], $0xffff  }
0x891: {  	v44 =	vor.u32 s3, v35  }
0x892: {  	v40 =	vld [tilespmem:$0x1FFD0];
	_ =	sdelay $0x2  }
0x893: {  	[tilespmem:v42+s20+$0x0] =	vst.idx.msk $0xffff, v31  }
0x894: {  	v46 =	vor.u32 s1, v3;
	v31 =	vld.idx.msk [tilespmem:v44+s3+$0x0], $0xffff  }
0x895: {  	v36 =	vor.u32 s3, v40  }
0x896: {  	v42 =	vld [tilespmem:$0x1FFE0];
	_ =	sdelay $0x2  }
0x897: {  	[tilespmem:v46+s20+$0x0] =	vst.idx.msk $0xffff, v31  }
0x898: {  	v38 =	vor.u32 s1, v5;
	v31 =	vld.idx.msk [tilespmem:v36+s3+$0x0], $0xffff  }
0x899: {  	v46 =	vor.u32 s3, v42  }
0x89a: {  	v44 =	vld [tilespmem:$0x1FFF0];
	_ =	sdelay $0x2  }
0x89b: {  	[tilespmem:v38+s20+$0x0] =	vst.idx.msk $0xffff, v31  }
0x89c: {  	v36 =	vor.u32 s1, v7;
	v31 =	vld.idx.msk [tilespmem:v46+s3+$0x0], $0xffff  }
0x89d: {  	v38 =	vor.u32 s3, v44;
	_ =	sdelay $0x3  }
0x89e: {  	[tilespmem:v36+s20+$0x0] =	vst.idx.msk $0xffff, v31  }
0x89f: {  	v46 =	vor.u32 s1, v1;
	v31 =	vld.idx.msk [tilespmem:v38+s3+$0x0], $0xffff  }
0x8a0: {  	v36 =	vor.u32 s3, v49;
	_ =	sdelay $0x3  }
0x8a1: {  	[tilespmem:v46+s20+$0x0] =	vst.idx.msk $0xffff, v31  }
0x8a2: {  	v38 =	vor.u32 s1, v0;
	v31 =	vld.idx.msk [tilespmem:v36+s3+$0x0], $0xffff  }
0x8a3: {  	v46 =	vor.u32 s3, v50;
	_ =	sdelay $0x3  }
0x8a4: {  	[tilespmem:v38+s20+$0x0] =	vst.idx.msk $0xffff, v31  }
0x8a5: {  	v36 =	vor.u32 s1, v11;
	v31 =	vld.idx.msk [tilespmem:v46+s3+$0x0], $0xffff  }
0x8a6: {  	v38 =	vor.u32 s3, v51;
	_ =	sdelay $0x3  }
0x8a7: {  	[tilespmem:v36+s20+$0x0] =	vst.idx.msk $0xffff, v31  }
0x8a8: {  	v46 =	vor.u32 s1, v13;
	v31 =	vld.idx.msk [tilespmem:v38+s3+$0x0], $0xffff  }
0x8a9: {  	v36 =	vor.u32 s3, v52;
	_ =	sdelay $0x3  }
0x8aa: {  	[tilespmem:v46+s20+$0x0] =	vst.idx.msk $0xffff, v31  }
0x8ab: {  	v38 =	vor.u32 s1, v15;
	v31 =	vld.idx.msk [tilespmem:v36+s3+$0x0], $0xffff  }
0x8ac: {  	v46 =	vor.u32 s3, v53;
	_ =	sdelay $0x3  }
0x8ad: {  	[tilespmem:v38+s20+$0x0] =	vst.idx.msk $0xffff, v31  }
0x8ae: {  	v36 =	vor.u32 s1, v17;
	v31 =	vld.idx.msk [tilespmem:v46+s3+$0x0], $0xffff  }
0x8af: {  	v38 =	vor.u32 s3, v54;
	_ =	sdelay $0x3  }
0x8b0: {  	[tilespmem:v36+s20+$0x0] =	vst.idx.msk $0xffff, v31  }
0x8b1: {  	v46 =	vor.u32 s1, v19;
	v31 =	vld.idx.msk [tilespmem:v38+s3+$0x0], $0xffff  }
0x8b2: {  	v36 =	vor.u32 s3, v55;
	_ =	sdelay $0x3  }
0x8b3: {  	[tilespmem:v46+s20+$0x0] =	vst.idx.msk $0xffff, v31  }
0x8b4: {  	v38 =	vor.u32 s1, v21;
	v31 =	vld.idx.msk [tilespmem:v36+s3+$0x0], $0xffff  }
0x8b5: {  	v46 =	vor.u32 s3, v56;
	_ =	sdelay $0x3  }
0x8b6: {  	[tilespmem:v38+s20+$0x0] =	vst.idx.msk $0xffff, v31  }
0x8b7: {  	v36 =	vor.u32 s1, v23;
	v31 =	vld.idx.msk [tilespmem:v46+s3+$0x0], $0xffff  }
0x8b8: {  	v38 =	vor.u32 s3, v57;
	_ =	sdelay $0x3  }
0x8b9: {  	[tilespmem:v36+s20+$0x0] =	vst.idx.msk $0xffff, v31  }
0x8ba: {  	v46 =	vor.u32 s1, v25;
	v31 =	vld.idx.msk [tilespmem:v38+s3+$0x0], $0xffff  }
0x8bb: {  	v36 =	vor.u32 s3, v58;
	_ =	sdelay $0x3  }
0x8bc: {  	[tilespmem:v46+s20+$0x0] =	vst.idx.msk $0xffff, v31  }
0x8bd: {  	v38 =	vor.u32 s1, v27;
	v31 =	vld.idx.msk [tilespmem:v36+s3+$0x0], $0xffff  }
0x8be: {  	v46 =	vor.u32 s3, v59;
	_ =	sdelay $0x3  }
0x8bf: {  	[tilespmem:v38+s20+$0x0] =	vst.idx.msk $0xffff, v31  }
0x8c0: {  	v32 =	vor.u32 s1, v29;
	s29 =	simm.s32 $0x10;
	v31 =	vld.idx.msk [tilespmem:v46+s3+$0x0], $0xffff  }
0x8c1: {  	s2 =	simm.s32 $0x420;
	v33 =	vor.u32 s29, v28;
	s1 =	simm.s32 $0x820  }
.LBB2_30:
0x8c2: {  	p2 =	sne.s32 s1, $0x1C20;
	_ =	sdelay $0x2  }
0x8c3: {  	[tilespmem:v32+s20+$0x0] =	vst.idx.msk $0xffff, v31  }
0x8c4: {  	v31 =	vld.idx.msk [tilespmem:v33+s3+$0x0], $0xffff  }
0x8c5: {  	v32 =	vor.u32 s2, v24  }
0x8c6: {  	v33 =	vor.u32 s29, v35;
	_ =	sdelay $0x3  }
0x8c7: {  	[tilespmem:v32+s20+$0x0] =	vst.idx.msk $0xffff, v31  }
0x8c8: {  	v31 =	vld.idx.msk [tilespmem:v33+s3+$0x0], $0xffff  }
0x8c9: {  	v32 =	vor.u32 s2, v3  }
0x8ca: {  	v33 =	vor.u32 s29, v40;
	_ =	sdelay $0x3  }
0x8cb: {  	[tilespmem:v32+s20+$0x0] =	vst.idx.msk $0xffff, v31  }
0x8cc: {  	v31 =	vld.idx.msk [tilespmem:v33+s3+$0x0], $0xffff  }
0x8cd: {  	v32 =	vor.u32 s2, v5  }
0x8ce: {  	v33 =	vor.u32 s29, v42;
	_ =	sdelay $0x3  }
0x8cf: {  	[tilespmem:v32+s20+$0x0] =	vst.idx.msk $0xffff, v31  }
0x8d0: {  	v31 =	vld.idx.msk [tilespmem:v33+s3+$0x0], $0xffff  }
0x8d1: {  	v32 =	vor.u32 s2, v7  }
0x8d2: {  	v33 =	vor.u32 s29, v44;
	_ =	sdelay $0x3  }
0x8d3: {  	[tilespmem:v32+s20+$0x0] =	vst.idx.msk $0xffff, v31  }
0x8d4: {  	v31 =	vld.idx.msk [tilespmem:v33+s3+$0x0], $0xffff  }
0x8d5: {  	v32 =	vor.u32 s2, v1  }
0x8d6: {  	v33 =	vor.u32 s29, v49;
	_ =	sdelay $0x3  }
0x8d7: {  	[tilespmem:v32+s20+$0x0] =	vst.idx.msk $0xffff, v31  }
0x8d8: {  	v31 =	vld.idx.msk [tilespmem:v33+s3+$0x0], $0xffff  }
0x8d9: {  	v32 =	vor.u32 s2, v0  }
0x8da: {  	v33 =	vor.u32 s29, v50;
	_ =	sdelay $0x3  }
0x8db: {  	[tilespmem:v32+s20+$0x0] =	vst.idx.msk $0xffff, v31  }
0x8dc: {  	v31 =	vld.idx.msk [tilespmem:v33+s3+$0x0], $0xffff  }
0x8dd: {  	v32 =	vor.u32 s2, v11  }
0x8de: {  	v33 =	vor.u32 s29, v51;
	_ =	sdelay $0x3  }
0x8df: {  	[tilespmem:v32+s20+$0x0] =	vst.idx.msk $0xffff, v31  }
0x8e0: {  	v31 =	vld.idx.msk [tilespmem:v33+s3+$0x0], $0xffff  }
0x8e1: {  	v32 =	vor.u32 s2, v13  }
0x8e2: {  	v33 =	vor.u32 s29, v52;
	_ =	sdelay $0x3  }
0x8e3: {  	[tilespmem:v32+s20+$0x0] =	vst.idx.msk $0xffff, v31  }
0x8e4: {  	v31 =	vld.idx.msk [tilespmem:v33+s3+$0x0], $0xffff  }
0x8e5: {  	v32 =	vor.u32 s2, v15  }
0x8e6: {  	v33 =	vor.u32 s29, v53;
	_ =	sdelay $0x3  }
0x8e7: {  	[tilespmem:v32+s20+$0x0] =	vst.idx.msk $0xffff, v31  }
0x8e8: {  	v31 =	vld.idx.msk [tilespmem:v33+s3+$0x0], $0xffff  }
0x8e9: {  	v32 =	vor.u32 s2, v17  }
0x8ea: {  	v33 =	vor.u32 s29, v54;
	_ =	sdelay $0x3  }
0x8eb: {  	[tilespmem:v32+s20+$0x0] =	vst.idx.msk $0xffff, v31  }
0x8ec: {  	v31 =	vld.idx.msk [tilespmem:v33+s3+$0x0], $0xffff  }
0x8ed: {  	v32 =	vor.u32 s2, v19  }
0x8ee: {  	v33 =	vor.u32 s29, v55;
	_ =	sdelay $0x3  }
0x8ef: {  	[tilespmem:v32+s20+$0x0] =	vst.idx.msk $0xffff, v31  }
0x8f0: {  	v31 =	vld.idx.msk [tilespmem:v33+s3+$0x0], $0xffff  }
0x8f1: {  	v32 =	vor.u32 s2, v21  }
0x8f2: {  	v33 =	vor.u32 s29, v56;
	_ =	sdelay $0x3  }
0x8f3: {  	[tilespmem:v32+s20+$0x0] =	vst.idx.msk $0xffff, v31  }
0x8f4: {  	v31 =	vld.idx.msk [tilespmem:v33+s3+$0x0], $0xffff  }
0x8f5: {  	v32 =	vor.u32 s2, v23  }
0x8f6: {  	v33 =	vor.u32 s29, v57;
	_ =	sdelay $0x3  }
0x8f7: {  	[tilespmem:v32+s20+$0x0] =	vst.idx.msk $0xffff, v31  }
0x8f8: {  	v31 =	vld.idx.msk [tilespmem:v33+s3+$0x0], $0xffff  }
0x8f9: {  	v32 =	vor.u32 s2, v25  }
0x8fa: {  	v33 =	vor.u32 s29, v58;
	_ =	sdelay $0x3  }
0x8fb: {  	[tilespmem:v32+s20+$0x0] =	vst.idx.msk $0xffff, v31  }
0x8fc: {  	v31 =	vld.idx.msk [tilespmem:v33+s3+$0x0], $0xffff  }
0x8fd: {  	v32 =	vor.u32 s2, v27  }
0x8fe: {  	v33 =	vor.u32 s29, v59;
	_ =	sdelay $0x2  }
.Ltmp18:
0x8ff: {  	(pc) =	sbr.rel @p2 .LBB2_30-.Ltmp18, $4  }
0x900: {  	[tilespmem:v32+s20+$0x0] =	vst.idx.msk $0xffff, v31  }
0x901: {  	v31 =	vld.idx.msk [tilespmem:v33+s3+$0x0], $0xffff  }
0x902: {  	s29 =	sadd.s32 $0x10, s29;
	v32 =	vor.u32 s2, v29;
	s2 =	smov.u32 s1  }
0x903: {  	s1 =	sadd.s32 $0x400, s1;
	v33 =	vor.u32 s29, v28  }
0x904: {  	_ =	sdelay $0x3  }
0x905: {  	[tilespmem:v32+s20+$0x0] =	vst.idx.msk $0xffff, v31  }
0x906: {  	v36 =	vor.u32 s2, v24;
	v31 =	vld.idx.msk [tilespmem:v33+s3+$0x0], $0xffff  }
0x907: {  	v38 =	vor.u32 s29, v35;
	_ =	sdelay $0x3  }
0x908: {  	[tilespmem:v36+s20+$0x0] =	vst.idx.msk $0xffff, v31  }
0x909: {  	v46 =	vor.u32 s2, v3;
	v31 =	vld.idx.msk [tilespmem:v38+s3+$0x0], $0xffff  }
0x90a: {  	v36 =	vor.u32 s29, v40;
	_ =	sdelay $0x3  }
0x90b: {  	[tilespmem:v46+s20+$0x0] =	vst.idx.msk $0xffff, v31  }
0x90c: {  	v38 =	vor.u32 s2, v5;
	v31 =	vld.idx.msk [tilespmem:v36+s3+$0x0], $0xffff  }
0x90d: {  	v40 =	vor.u32 s29, v42;
	_ =	sdelay $0x3  }
0x90e: {  	[tilespmem:v38+s20+$0x0] =	vst.idx.msk $0xffff, v31  }
0x90f: {  	v42 =	vor.u32 s2, v7;
	v31 =	vld.idx.msk [tilespmem:v40+s3+$0x0], $0xffff  }
0x910: {  	v46 =	vor.u32 s29, v44;
	_ =	sdelay $0x3  }
0x911: {  	[tilespmem:v42+s20+$0x0] =	vst.idx.msk $0xffff, v31  }
0x912: {  	v36 =	vor.u32 s2, v1;
	v31 =	vld.idx.msk [tilespmem:v46+s3+$0x0], $0xffff  }
0x913: {  	v38 =	vor.u32 s29, v49;
	_ =	sdelay $0x3  }
0x914: {  	[tilespmem:v36+s20+$0x0] =	vst.idx.msk $0xffff, v31  }
0x915: {  	v40 =	vor.u32 s2, v0;
	v31 =	vld.idx.msk [tilespmem:v38+s3+$0x0], $0xffff  }
0x916: {  	v42 =	vor.u32 s29, v50;
	_ =	sdelay $0x3  }
0x917: {  	[tilespmem:v40+s20+$0x0] =	vst.idx.msk $0xffff, v31  }
0x918: {  	v44 =	vor.u32 s2, v11;
	v31 =	vld.idx.msk [tilespmem:v42+s3+$0x0], $0xffff  }
0x919: {  	v46 =	vor.u32 s29, v51;
	_ =	sdelay $0x3  }
0x91a: {  	[tilespmem:v44+s20+$0x0] =	vst.idx.msk $0xffff, v31  }
0x91b: {  	v36 =	vor.u32 s2, v13;
	v31 =	vld.idx.msk [tilespmem:v46+s3+$0x0], $0xffff  }
0x91c: {  	v38 =	vor.u32 s29, v52;
	_ =	sdelay $0x3  }
0x91d: {  	[tilespmem:v36+s20+$0x0] =	vst.idx.msk $0xffff, v31  }
0x91e: {  	v40 =	vor.u32 s2, v15;
	v31 =	vld.idx.msk [tilespmem:v38+s3+$0x0], $0xffff  }
0x91f: {  	v42 =	vor.u32 s29, v53;
	_ =	sdelay $0x3  }
0x920: {  	[tilespmem:v40+s20+$0x0] =	vst.idx.msk $0xffff, v31  }
0x921: {  	v44 =	vor.u32 s2, v17;
	v31 =	vld.idx.msk [tilespmem:v42+s3+$0x0], $0xffff  }
0x922: {  	v46 =	vor.u32 s29, v54;
	_ =	sdelay $0x3  }
0x923: {  	[tilespmem:v44+s20+$0x0] =	vst.idx.msk $0xffff, v31  }
0x924: {  	v36 =	vor.u32 s2, v19;
	v31 =	vld.idx.msk [tilespmem:v46+s3+$0x0], $0xffff  }
0x925: {  	v38 =	vor.u32 s29, v55;
	_ =	sdelay $0x3  }
0x926: {  	[tilespmem:v36+s20+$0x0] =	vst.idx.msk $0xffff, v31  }
0x927: {  	v40 =	vor.u32 s2, v21;
	v31 =	vld.idx.msk [tilespmem:v38+s3+$0x0], $0xffff  }
0x928: {  	v42 =	vor.u32 s29, v56;
	_ =	sdelay $0x3  }
0x929: {  	[tilespmem:v40+s20+$0x0] =	vst.idx.msk $0xffff, v31  }
0x92a: {  	v44 =	vor.u32 s2, v23;
	v31 =	vld.idx.msk [tilespmem:v42+s3+$0x0], $0xffff  }
0x92b: {  	v46 =	vor.u32 s29, v57;
	_ =	sdelay $0x3  }
0x92c: {  	[tilespmem:v44+s20+$0x0] =	vst.idx.msk $0xffff, v31  }
0x92d: {  	v36 =	vor.u32 s2, v25;
	v31 =	vld.idx.msk [tilespmem:v46+s3+$0x0], $0xffff  }
0x92e: {  	v38 =	vor.u32 s29, v58;
	_ =	sdelay $0x3  }
0x92f: {  	[tilespmem:v36+s20+$0x0] =	vst.idx.msk $0xffff, v31  }
0x930: {  	v40 =	vor.u32 s2, v27;
	v31 =	vld.idx.msk [tilespmem:v38+s3+$0x0], $0xffff  }
0x931: {  	v42 =	vor.u32 s29, v59;
	_ =	sdelay $0x3  }
0x932: {  	[tilespmem:v40+s20+$0x0] =	vst.idx.msk $0xffff, v31  }
0x933: {  	v44 =	vor.u32 s2, v29;
	v31 =	vld.idx.msk [tilespmem:v42+s3+$0x0], $0xffff  }
0x934: {  	v46 =	vor.u32 s3, v30;
	_ =	sdelay $0x3  }
0x935: {  	s1 =	simm.s32 $0x30;
	[tilespmem:v44+s20+$0x0] =	vst.idx.msk $0xffff, v31  }
0x936: {  	v36 =	vor.u32 s1, v24;
	v31 =	vld.idx.msk [tilespmem:v46+s4+$0x0], $0xffff  }
0x937: {  	v38 =	vor.u32 s3, v60;
	_ =	sdelay $0x3  }
0x938: {  	[tilespmem:v36+s20+$0x0] =	vst.idx.msk $0xffff, v31  }
0x939: {  	v40 =	vor.u32 s1, v3;
	v31 =	vld.idx.msk [tilespmem:v38+s4+$0x0], $0xffff  }
0x93a: {  	v42 =	vor.u32 s3, v61;
	_ =	sdelay $0x3  }
0x93b: {  	[tilespmem:v40+s20+$0x0] =	vst.idx.msk $0xffff, v31  }
0x93c: {  	v44 =	vor.u32 s1, v5;
	v31 =	vld.idx.msk [tilespmem:v42+s4+$0x0], $0xffff  }
0x93d: {  	v46 =	vor.u32 s3, v62;
	_ =	sdelay $0x3  }
0x93e: {  	[tilespmem:v44+s20+$0x0] =	vst.idx.msk $0xffff, v31  }
0x93f: {  	v36 =	vor.u32 s1, v7;
	v31 =	vld.idx.msk [tilespmem:v46+s4+$0x0], $0xffff  }
0x940: {  	v38 =	vor.u32 s3, v63;
	_ =	sdelay $0x3  }
0x941: {  	[tilespmem:v36+s20+$0x0] =	vst.idx.msk $0xffff, v31  }
0x942: {  	v40 =	vor.u32 s1, v1;
	v31 =	vld.idx.msk [tilespmem:v38+s4+$0x0], $0xffff  }
0x943: {  	v42 =	vor.u32 s3, v2;
	_ =	sdelay $0x3  }
0x944: {  	[tilespmem:v40+s20+$0x0] =	vst.idx.msk $0xffff, v31  }
0x945: {  	v44 =	vor.u32 s1, v0;
	v31 =	vld.idx.msk [tilespmem:v42+s4+$0x0], $0xffff  }
0x946: {  	v46 =	vor.u32 s3, v4;
	_ =	sdelay $0x3  }
0x947: {  	[tilespmem:v44+s20+$0x0] =	vst.idx.msk $0xffff, v31  }
0x948: {  	v36 =	vor.u32 s1, v11;
	v31 =	vld.idx.msk [tilespmem:v46+s4+$0x0], $0xffff  }
0x949: {  	v38 =	vor.u32 s3, v6;
	_ =	sdelay $0x3  }
0x94a: {  	[tilespmem:v36+s20+$0x0] =	vst.idx.msk $0xffff, v31  }
0x94b: {  	v40 =	vor.u32 s1, v13;
	v31 =	vld.idx.msk [tilespmem:v38+s4+$0x0], $0xffff  }
0x94c: {  	v42 =	vor.u32 s3, v8;
	_ =	sdelay $0x3  }
0x94d: {  	[tilespmem:v40+s20+$0x0] =	vst.idx.msk $0xffff, v31  }
0x94e: {  	v44 =	vor.u32 s1, v15;
	v31 =	vld.idx.msk [tilespmem:v42+s4+$0x0], $0xffff  }
0x94f: {  	v46 =	vor.u32 s3, v9;
	_ =	sdelay $0x3  }
0x950: {  	[tilespmem:v44+s20+$0x0] =	vst.idx.msk $0xffff, v31  }
0x951: {  	v36 =	vor.u32 s1, v17;
	v31 =	vld.idx.msk [tilespmem:v46+s4+$0x0], $0xffff  }
0x952: {  	v38 =	vor.u32 s3, v10;
	_ =	sdelay $0x3  }
0x953: {  	[tilespmem:v36+s20+$0x0] =	vst.idx.msk $0xffff, v31  }
0x954: {  	v40 =	vor.u32 s1, v19;
	v31 =	vld.idx.msk [tilespmem:v38+s4+$0x0], $0xffff  }
0x955: {  	v42 =	vor.u32 s3, v12;
	_ =	sdelay $0x3  }
0x956: {  	[tilespmem:v40+s20+$0x0] =	vst.idx.msk $0xffff, v31  }
0x957: {  	v44 =	vor.u32 s1, v21;
	v31 =	vld.idx.msk [tilespmem:v42+s4+$0x0], $0xffff  }
0x958: {  	v46 =	vor.u32 s3, v14;
	_ =	sdelay $0x3  }
0x959: {  	[tilespmem:v44+s20+$0x0] =	vst.idx.msk $0xffff, v31  }
0x95a: {  	v36 =	vor.u32 s1, v23;
	v31 =	vld.idx.msk [tilespmem:v46+s4+$0x0], $0xffff  }
0x95b: {  	v38 =	vor.u32 s3, v18;
	_ =	sdelay $0x3  }
0x95c: {  	[tilespmem:v36+s20+$0x0] =	vst.idx.msk $0xffff, v31  }
0x95d: {  	v40 =	vor.u32 s1, v25;
	v31 =	vld.idx.msk [tilespmem:v38+s4+$0x0], $0xffff  }
0x95e: {  	v42 =	vor.u32 s3, v20;
	_ =	sdelay $0x3  }
0x95f: {  	[tilespmem:v40+s20+$0x0] =	vst.idx.msk $0xffff, v31  }
0x960: {  	v44 =	vor.u32 s1, v27;
	v31 =	vld.idx.msk [tilespmem:v42+s4+$0x0], $0xffff  }
0x961: {  	v46 =	vor.u32 s3, v22;
	_ =	sdelay $0x3  }
0x962: {  	v36 =	vld [tilespmem:$0x1FF70];
	[tilespmem:v44+s20+$0x0] =	vst.idx.msk $0xffff, v31  }
0x963: {  	v32 =	vor.u32 s1, v29;
	s3 =	simm.s32 $0x10;
	v31 =	vld.idx.msk [tilespmem:v46+s4+$0x0], $0xffff  }
0x964: {  	s2 =	simm.s32 $0x430;
	s1 =	simm.s32 $0x830;
	v33 =	vor.u32 s3, v30;
	v46 =	vld [tilespmem:$0x1FED0]  }
.LBB2_32:
0x965: {  	p2 =	sne.s32 s1, $0x1C30;
	_ =	sdelay $0x2  }
0x966: {  	[tilespmem:v32+s20+$0x0] =	vst.idx.msk $0xffff, v31  }
0x967: {  	v31 =	vld.idx.msk [tilespmem:v33+s4+$0x0], $0xffff  }
0x968: {  	v32 =	vor.u32 s2, v24  }
0x969: {  	v33 =	vor.u32 s3, v60;
	_ =	sdelay $0x3  }
0x96a: {  	[tilespmem:v32+s20+$0x0] =	vst.idx.msk $0xffff, v31  }
0x96b: {  	v31 =	vld.idx.msk [tilespmem:v33+s4+$0x0], $0xffff  }
0x96c: {  	v32 =	vor.u32 s2, v3  }
0x96d: {  	v33 =	vor.u32 s3, v61;
	_ =	sdelay $0x3  }
0x96e: {  	[tilespmem:v32+s20+$0x0] =	vst.idx.msk $0xffff, v31  }
0x96f: {  	v31 =	vld.idx.msk [tilespmem:v33+s4+$0x0], $0xffff  }
0x970: {  	v32 =	vor.u32 s2, v5  }
0x971: {  	v33 =	vor.u32 s3, v62;
	_ =	sdelay $0x3  }
0x972: {  	[tilespmem:v32+s20+$0x0] =	vst.idx.msk $0xffff, v31  }
0x973: {  	v31 =	vld.idx.msk [tilespmem:v33+s4+$0x0], $0xffff  }
0x974: {  	v32 =	vor.u32 s2, v7  }
0x975: {  	v33 =	vor.u32 s3, v63;
	_ =	sdelay $0x3  }
0x976: {  	[tilespmem:v32+s20+$0x0] =	vst.idx.msk $0xffff, v31  }
0x977: {  	v31 =	vld.idx.msk [tilespmem:v33+s4+$0x0], $0xffff  }
0x978: {  	v32 =	vor.u32 s2, v1  }
0x979: {  	v33 =	vor.u32 s3, v2;
	_ =	sdelay $0x3  }
0x97a: {  	[tilespmem:v32+s20+$0x0] =	vst.idx.msk $0xffff, v31  }
0x97b: {  	v31 =	vld.idx.msk [tilespmem:v33+s4+$0x0], $0xffff  }
0x97c: {  	v32 =	vor.u32 s2, v0  }
0x97d: {  	v33 =	vor.u32 s3, v4;
	_ =	sdelay $0x3  }
0x97e: {  	[tilespmem:v32+s20+$0x0] =	vst.idx.msk $0xffff, v31  }
0x97f: {  	v31 =	vld.idx.msk [tilespmem:v33+s4+$0x0], $0xffff  }
0x980: {  	v32 =	vor.u32 s2, v11  }
0x981: {  	v33 =	vor.u32 s3, v6;
	_ =	sdelay $0x3  }
0x982: {  	[tilespmem:v32+s20+$0x0] =	vst.idx.msk $0xffff, v31  }
0x983: {  	v31 =	vld.idx.msk [tilespmem:v33+s4+$0x0], $0xffff  }
0x984: {  	v32 =	vor.u32 s2, v13  }
0x985: {  	v33 =	vor.u32 s3, v8;
	_ =	sdelay $0x3  }
0x986: {  	[tilespmem:v32+s20+$0x0] =	vst.idx.msk $0xffff, v31  }
0x987: {  	v31 =	vld.idx.msk [tilespmem:v33+s4+$0x0], $0xffff  }
0x988: {  	v32 =	vor.u32 s2, v15  }
0x989: {  	v33 =	vor.u32 s3, v9;
	_ =	sdelay $0x3  }
0x98a: {  	[tilespmem:v32+s20+$0x0] =	vst.idx.msk $0xffff, v31  }
0x98b: {  	v31 =	vld.idx.msk [tilespmem:v33+s4+$0x0], $0xffff  }
0x98c: {  	v32 =	vor.u32 s2, v17  }
0x98d: {  	v33 =	vor.u32 s3, v10;
	_ =	sdelay $0x3  }
0x98e: {  	[tilespmem:v32+s20+$0x0] =	vst.idx.msk $0xffff, v31  }
0x98f: {  	v31 =	vld.idx.msk [tilespmem:v33+s4+$0x0], $0xffff  }
0x990: {  	v32 =	vor.u32 s2, v19  }
0x991: {  	v33 =	vor.u32 s3, v12;
	_ =	sdelay $0x3  }
0x992: {  	[tilespmem:v32+s20+$0x0] =	vst.idx.msk $0xffff, v31  }
0x993: {  	v31 =	vld.idx.msk [tilespmem:v33+s4+$0x0], $0xffff  }
0x994: {  	v32 =	vor.u32 s2, v21  }
0x995: {  	v33 =	vor.u32 s3, v14;
	_ =	sdelay $0x3  }
0x996: {  	[tilespmem:v32+s20+$0x0] =	vst.idx.msk $0xffff, v31  }
0x997: {  	v31 =	vld.idx.msk [tilespmem:v33+s4+$0x0], $0xffff  }
0x998: {  	v32 =	vor.u32 s2, v23  }
0x999: {  	v33 =	vor.u32 s3, v18;
	_ =	sdelay $0x3  }
0x99a: {  	[tilespmem:v32+s20+$0x0] =	vst.idx.msk $0xffff, v31  }
0x99b: {  	v31 =	vld.idx.msk [tilespmem:v33+s4+$0x0], $0xffff  }
0x99c: {  	v32 =	vor.u32 s2, v25  }
0x99d: {  	v33 =	vor.u32 s3, v20;
	_ =	sdelay $0x3  }
0x99e: {  	[tilespmem:v32+s20+$0x0] =	vst.idx.msk $0xffff, v31  }
0x99f: {  	v31 =	vld.idx.msk [tilespmem:v33+s4+$0x0], $0xffff  }
0x9a0: {  	v32 =	vor.u32 s2, v27  }
0x9a1: {  	v33 =	vor.u32 s3, v22;
	_ =	sdelay $0x2  }
.Ltmp19:
0x9a2: {  	(pc) =	sbr.rel @p2 .LBB2_32-.Ltmp19, $4  }
0x9a3: {  	[tilespmem:v32+s20+$0x0] =	vst.idx.msk $0xffff, v31  }
0x9a4: {  	v31 =	vld.idx.msk [tilespmem:v33+s4+$0x0], $0xffff  }
0x9a5: {  	s3 =	sadd.s32 $0x10, s3;
	v32 =	vor.u32 s2, v29;
	s2 =	smov.u32 s1  }
0x9a6: {  	s1 =	sadd.s32 $0x400, s1;
	v33 =	vor.u32 s3, v30  }
0x9a7: {  	_ =	sdelay $0x3  }
0x9a8: {  	[tilespmem:v32+s20+$0x0] =	vst.idx.msk $0xffff, v31  }
0x9a9: {  	v31 =	vor.u32 s2, v24;
	v30 =	vld.idx.msk [tilespmem:v33+s4+$0x0], $0xffff  }
0x9aa: {  	v40 =	vor.u32 s3, v60;
	_ =	sdelay $0x3  }
0x9ab: {  	[tilespmem:v31+s20+$0x0] =	vst.idx.msk $0xffff, v30  }
0x9ac: {  	v31 =	vor.u32 s2, v3;
	v30 =	vld.idx.msk [tilespmem:v40+s4+$0x0], $0xffff  }
0x9ad: {  	v42 =	vor.u32 s3, v61;
	_ =	sdelay $0x3  }
0x9ae: {  	[tilespmem:v31+s20+$0x0] =	vst.idx.msk $0xffff, v30  }
0x9af: {  	v31 =	vor.u32 s2, v5;
	v30 =	vld.idx.msk [tilespmem:v42+s4+$0x0], $0xffff  }
0x9b0: {  	v44 =	vor.u32 s3, v62;
	_ =	sdelay $0x3  }
0x9b1: {  	[tilespmem:v31+s20+$0x0] =	vst.idx.msk $0xffff, v30  }
0x9b2: {  	v31 =	vor.u32 s2, v7;
	v30 =	vld.idx.msk [tilespmem:v44+s4+$0x0], $0xffff  }
0x9b3: {  	v38 =	vor.u32 s3, v63;
	_ =	sdelay $0x3  }
0x9b4: {  	[tilespmem:v31+s20+$0x0] =	vst.idx.msk $0xffff, v30  }
0x9b5: {  	v31 =	vor.u32 s2, v1;
	v30 =	vld.idx.msk [tilespmem:v38+s4+$0x0], $0xffff  }
0x9b6: {  	v40 =	vor.u32 s3, v2;
	_ =	sdelay $0x3  }
0x9b7: {  	[tilespmem:v31+s20+$0x0] =	vst.idx.msk $0xffff, v30  }
0x9b8: {  	v31 =	vor.u32 s2, v0;
	v30 =	vld.idx.msk [tilespmem:v40+s4+$0x0], $0xffff  }
0x9b9: {  	v42 =	vor.u32 s3, v4;
	_ =	sdelay $0x3  }
0x9ba: {  	[tilespmem:v31+s20+$0x0] =	vst.idx.msk $0xffff, v30  }
0x9bb: {  	v31 =	vor.u32 s2, v11;
	v30 =	vld.idx.msk [tilespmem:v42+s4+$0x0], $0xffff  }
0x9bc: {  	v44 =	vor.u32 s3, v6;
	_ =	sdelay $0x3  }
0x9bd: {  	[tilespmem:v31+s20+$0x0] =	vst.idx.msk $0xffff, v30  }
0x9be: {  	v31 =	vor.u32 s2, v13;
	v30 =	vld.idx.msk [tilespmem:v44+s4+$0x0], $0xffff  }
0x9bf: {  	v38 =	vor.u32 s3, v8;
	_ =	sdelay $0x3  }
0x9c0: {  	[tilespmem:v31+s20+$0x0] =	vst.idx.msk $0xffff, v30  }
0x9c1: {  	v31 =	vor.u32 s2, v15;
	v30 =	vld.idx.msk [tilespmem:v38+s4+$0x0], $0xffff  }
0x9c2: {  	v40 =	vor.u32 s3, v9;
	_ =	sdelay $0x3  }
0x9c3: {  	[tilespmem:v31+s20+$0x0] =	vst.idx.msk $0xffff, v30  }
0x9c4: {  	v31 =	vor.u32 s2, v17;
	v30 =	vld.idx.msk [tilespmem:v40+s4+$0x0], $0xffff  }
0x9c5: {  	v42 =	vor.u32 s3, v10;
	_ =	sdelay $0x3  }
0x9c6: {  	[tilespmem:v31+s20+$0x0] =	vst.idx.msk $0xffff, v30  }
0x9c7: {  	v31 =	vor.u32 s2, v19;
	v30 =	vld.idx.msk [tilespmem:v42+s4+$0x0], $0xffff  }
0x9c8: {  	v44 =	vor.u32 s3, v12;
	_ =	sdelay $0x3  }
0x9c9: {  	[tilespmem:v31+s20+$0x0] =	vst.idx.msk $0xffff, v30  }
0x9ca: {  	v31 =	vor.u32 s2, v21;
	v30 =	vld.idx.msk [tilespmem:v44+s4+$0x0], $0xffff  }
0x9cb: {  	v38 =	vor.u32 s3, v14;
	_ =	sdelay $0x3  }
0x9cc: {  	[tilespmem:v31+s20+$0x0] =	vst.idx.msk $0xffff, v30  }
0x9cd: {  	v31 =	vor.u32 s2, v23;
	v30 =	vld.idx.msk [tilespmem:v38+s4+$0x0], $0xffff  }
0x9ce: {  	v40 =	vor.u32 s3, v18;
	_ =	sdelay $0x3  }
0x9cf: {  	[tilespmem:v31+s20+$0x0] =	vst.idx.msk $0xffff, v30  }
0x9d0: {  	v31 =	vor.u32 s2, v25;
	v30 =	vld.idx.msk [tilespmem:v40+s4+$0x0], $0xffff  }
0x9d1: {  	v42 =	vor.u32 s3, v20;
	_ =	sdelay $0x3  }
0x9d2: {  	[tilespmem:v31+s20+$0x0] =	vst.idx.msk $0xffff, v30  }
0x9d3: {  	v31 =	vor.u32 s2, v27;
	v30 =	vld.idx.msk [tilespmem:v42+s4+$0x0], $0xffff  }
0x9d4: {  	v44 =	vor.u32 s3, v22;
	_ =	sdelay $0x3  }
0x9d5: {  	[tilespmem:v31+s20+$0x0] =	vst.idx.msk $0xffff, v30  }
0x9d6: {  	v31 =	vor.u32 s2, v29;
	v30 =	vld.idx.msk [tilespmem:v44+s4+$0x0], $0xffff;
	_ =	sdelay $0x4  }
0x9d7: {  	[tilespmem:v31+s20+$0x0] =	vst.idx.msk $0xffff, v30  }
0x9d8: {  	[hbm4b:s13+s4] =	stream.linear.scatter [tilespmem:s20], [sflag:$0x5], $0x2000, $0x38;
	[tilespmem:$0xA000] =	vst v63  }
0x9d9: {  	_ =	swait.ge [sflag:s25], $0x2000  }
0x9da: {  	[sflag:s25] =	ssyncset.done $0x0  }
0x9db: {  	v33 =	vld [tilespmem:$0x1FFA0];
	[sflag:s25] =	ssyncadd.s32 $0xFFFFE000  }
.LBB2_34:
.Ltmp20:
0x9dc: {  	(pc) =	sbr.rel @p1 .LBB2_38-.Ltmp20, $1  }
0x9dd: {  	_ =	sdelay $0x3  }
0x9de: {  	s2 =	simm.s32 $0x0;
	s1 =	rddreg [dreg:$0x1];
	s3 =	simm.s32 $0x4000  }
0x9df: {  	[tilespmem:s3], [sflag:$0x5] =	stream.linear.gather [hbm4b:s1+s2], $0x2000, $0x38;
	[tilespmem:$0xA000] =	vst v63  }
0x9e0: {  	v30 =	vlaneseq.u32;
	_ =	swait.ge [sflag:s25], $0x2000  }
0x9e1: {  	v30 =	vmul.u32 $0x40, v30;
	[sflag:s25] =	ssyncset.done $0x0  }
0x9e2: {  	s1 =	simm.s32 $0x4020;
	[sflag:s25] =	ssyncadd.s32 $0xFFFFE000  }
0x9e3: {  	v32 =	vor.u32 s2, v30;
	v31 =	vld [tilespmem:s1+$0xFFFFFFE0];
	_ =	sdelay $0x4  }
0x9e4: {  	s29 =	simm.s32 $0x400;
	[tilespmem:v32+s20+$0x0] =	vst.idx.msk $0xffff, v31  }
0x9e5: {  	v42 =	vor.u32 s29, v30;
	v31 =	vld [tilespmem:s1+$0xFFFFFFF0];
	_ =	sdelay $0x4  }
0x9e6: {  	s30 =	simm.s32 $0x800;
	[tilespmem:v42+s20+$0x0] =	vst.idx.msk $0xffff, v31  }
0x9e7: {  	v44 =	vor.u32 s30, v30;
	v31 =	vld [tilespmem:s1+$0x0];
	_ =	sdelay $0x4  }
0x9e8: {  	s31 =	simm.s32 $0xC00;
	[tilespmem:v44+s20+$0x0] =	vst.idx.msk $0xffff, v31  }
0x9e9: {  	v32 =	vor.u32 s31, v30;
	v31 =	vld [tilespmem:s1+$0x10];
	_ =	sdelay $0x3  }
0x9ea: {  	s3 =	simm.s32 $0x2;
	s2 =	simm.s32 $0x1  }
.LBB2_36:
0x9eb: {  	p2 =	sne.s32 s3, $0x3F;
	[tilespmem:v32+s20+$0x0] =	vst.idx.msk $0xffff, v31;
	s1 =	sadd.s32 $0x80, s1  }
0x9ec: {  	v32 =	vor.u32 s2, v30;
	v31 =	vld [tilespmem:s1+$0xFFFFFFE0];
	_ =	sdelay $0x4  }
0x9ed: {  	s26 =	sadd.s32 $0x400, s2;
	[tilespmem:v32+s20+$0x0] =	vst.idx.msk $0xffff, v31  }
0x9ee: {  	v32 =	vor.u32 s26, v30;
	v31 =	vld [tilespmem:s1+$0xFFFFFFF0];
	_ =	sdelay $0x4  }
0x9ef: {  	s26 =	sadd.s32 $0x800, s2;
	[tilespmem:v32+s20+$0x0] =	vst.idx.msk $0xffff, v31  }
0x9f0: {  	v32 =	vor.u32 s26, v30;
	v31 =	vld [tilespmem:s1+$0x0];
	_ =	sdelay $0x4  }
0x9f1: {  	s26 =	sadd.s32 $0xC00, s2;
	s2 =	smov.u32 s3;
	[tilespmem:v32+s20+$0x0] =	vst.idx.msk $0xffff, v31  }
.Ltmp21:
0x9f2: {  	v32 =	vor.u32 s26, v30;
	v31 =	vld [tilespmem:s1+$0x10];
	(pc) =	sbr.rel @p2 .LBB2_36-.Ltmp21, $2  }
0x9f3: {  	_ =	sdelay $0x2  }
0x9f4: {  	s3 =	sadd.s32 $0x1, s3  }
0x9f5: {  	_ =	sdelay $0x3  }
0x9f6: {  	[tilespmem:v32+s20+$0x0] =	vst.idx.msk $0xffff, v31;
	s1 =	sadd.s32 $0x80, s1  }
0x9f7: {  	v40 =	vor.u32 s2, v30;
	v31 =	vld [tilespmem:s1+$0xFFFFFFE0];
	_ =	sdelay $0x4  }
0x9f8: {  	s3 =	sadd.s32 $0x400, s2;
	[tilespmem:v40+s20+$0x0] =	vst.idx.msk $0xffff, v31  }
0x9f9: {  	v42 =	vor.u32 s3, v30;
	v31 =	vld [tilespmem:s1+$0xFFFFFFF0];
	_ =	sdelay $0x4  }
0x9fa: {  	s30 =	sadd.s32 $0x800, s2;
	[tilespmem:v42+s20+$0x0] =	vst.idx.msk $0xffff, v31  }
0x9fb: {  	v44 =	vor.u32 s30, v30;
	v31 =	vld [tilespmem:s1+$0x0];
	_ =	sdelay $0x4  }
0x9fc: {  	s31 =	sadd.s32 $0xC00, s2;
	[tilespmem:v44+s20+$0x0] =	vst.idx.msk $0xffff, v31  }
0x9fd: {  	v30 =	vor.u32 s31, v30;
	v31 =	vld [tilespmem:s1+$0x10];
	_ =	sdelay $0x4  }
.Ltmp22:
0x9fe: {  	[tilespmem:v30+s20+$0x0] =	vst.idx.msk $0xffff, v31;
	(pc) =	sbr.rel .LBB2_38-.Ltmp22, $4  }
0x9ff: {  	[hbm4b:s14+s4] =	stream.linear.scatter [tilespmem:s20], [sflag:$0x5], $0x1000, $0x38;
	[tilespmem:$0xA000] =	vst v63  }
0xa00: {  	_ =	swait.ge [sflag:s25], $0x1000  }
0xa01: {  	[sflag:s25] =	ssyncset.done $0x0  }
0xa02: {  	[sflag:s25] =	ssyncadd.s32 $0xFFFFF000  }
.LBB2_39:
0xa03: {  	_ =	sfence.sel $0x180000  }
0xa04: {  	[bflag:$0x0] =	sbarrier.arrive $0xFFFF  }
0xa05: {  	_ =	strace $0x90000047  }
0xa06: {  	s0 =	stileid.u32;
	[bflag:$0x2] =	sbarrier.arrive $0xFFFF  }
0xa07: {  	p0 =	sne.s32 s0, $0x0;
	s0 =	rddreg [dreg:$0x3]  }
0xa08: {  	s0 =	sadd.s32 @!p0 $0x100000, s0  }
0xa09: {  	[sflag:s0] =	ssyncadd.tile.s32 @!p0 $0x1;
	_ =	shalt  }
.Lfunc_end2:
_tile_overlayer_lowered:
.L_overlay_start_2:
0xa0a: {  	(tag) =	ssettag $0x2  }
0xa0b: {  	s0 =	rddreg [dreg:$0x0];
	s2 =	stileid.u32  }
0xa0c: {  	s1 =	rddreg [dreg:$0x1];
	p0 =	sne.s32 s2, $0x0  }
0xa0d: {  	s3 =	rddreg [dreg:$0x2];
	[bflag:$0x3] =	sbarrier.arrive $0xFFFF;
	s2 =	simm.s32 @!p0 $0x1C05  }
0xa0e: {  	[timem:s3], [sflag:s2] =	dma.local @!p0 [hbm:s0], s1  }
0xa0f: {  	s0 =	simm.s32 @!p0 $0x5  }
0xa10: {  	_ =	swait.ge @!p0 [sflag:s0], s1  }
0xa11: {  	s1 =	ssub.s32 @!p0 $0x0, s1;
	[sflag:s0] =	ssyncset.done @!p0 $0x0  }
0xa12: {  	[sflag:s0] =	ssyncadd.s32 @!p0 s1  }
0xa13: {  	[bflag:$0x3] =	sbarrier.arrive $0xFFFF  }
0xa14: {  	_ =	shalt  }

// kernel: kernel.8.cloned.1.call-start
scs
__scs_entry_jumppad:
0x0: {  	(pc) =	sbr.rel $0x88, $3  }
0x1: {  	(tag) =	ssettag $0x0;
	lr =	simm.s32 $0x1  }
0x2: {  	[smem:$0x3F9B] =	sst lr;
	_ =	strace $0xD0000000  }
0x3: {  	_ = 	snop  }
0x4: {  	_ = 	snop  }
0x5: {  	_ = 	snop  }
0x6: {  	_ = 	snop  }
0x7: {  	_ = 	snop  }
__scs_overlays_trampoline_lowered:
0x8: {  	[smem:$0x3FAA] =	sst s0  }
0x9: {  	[smem:$0x3FAB] =	sst s1  }
0xa: {  	[smem:$0x3FAC] =	sst s2  }
0xb: {  	[smem:$0x3FAD] =	sst s3  }
0xc: {  	[smem:$0x3FAE] =	sst s4  }
0xd: {  	[smem:$0x3FAF] =	sst s5  }
0xe: {  	[smem:$0x3FB0] =	sst s6  }
0xf: {  	[smem:$0x3FB1] =	sst s7  }
0x10: {  	[smem:$0x3FB2] =	sst s8  }
0x11: {  	[smem:$0x3FB3] =	sst s9;
	s0 =	simm.s32 @!p0 $0x0  }
0x12: {  	s1 =	sld [smem:$0x3F99];
	s0 =	simm.s32 @p0 $0x1  }
0x13: {  	[smem:$0x3FB4] =	sst s0;
	s0 =	simm.s32 @!p1 $0x0  }
0x14: {  	s2 =	sld [smem:$0x3F98];
	s0 =	simm.s32 @p1 $0x1  }
0x15: {  	[smem:$0x3FB5] =	sst s0;
	s0 =	simm.s32 @!p2 $0x0  }
0x16: {  	s3 =	sld [smem:$0x3FDB];
	s0 =	simm.s32 @p2 $0x1  }
0x17: {  	s4 =	simm.s32 $0x1BF5;
	[smem:$0x3FB7] =	sst s0  }
0x18: {  	s0 =	sld [smem:$0x3F9A];
	_ =	swait.ge [sflag:s4], $0x0  }
0x19: {  	s7 =	sld [smem:$0x3F9B]  }
0x1a: {  	s8 =	sadd.s32 $0xFFFFE003, lr  }
0x1b: {  	s9 =	sadd.s32 $0xFFFFFEF7, lr;
	s5 =	simm.s32 $0xFFFFFFFF;
	p2 =	slt.u32 s8, $0xFFFFF086  }
0x1c: {  	p1 =	slt.u32 s9, $0xF7A;
	s5 =	simm.s32 @!p2 $0x0  }
0x1d: {  	s5 =	simm.s32 @p1 $0x1;
	p0 =	seq.s32 s7, s2  }
0x1e: {  	s7 =	smul.u32 @!p0 $0xF7A, s2;
	p2 =	seq.s32 @!p0 s5, $0x0  }
0x1f: {  	s9 =	smul.u32 $0xF7A, s1;
	s8 =	simm.s32 @!p0 $0x1BF5;
	p2 =	por !p2, p0  }
0x20: {  	[sflag:s8] =	ssyncset.s32 @!p0 $0xFFFFF086;
	s6 =	sadd.s32 @!p0 s3, s7;
	s7 =	simm.s32 @!p0 $0x108  }
0x21: {  	s3 =	sadd.s32 s3, s9;
	s6 =	sadd.s32 @!p0 $0x88, s6;
	s7 =	simm.s32 @p2 $0x1082  }
0x22: {  	[simem:s7], [sflag:s8] =	dma.local @!p0 [hbm:s6], $0xF7A  }
0x23: {  	s9 =	sor.u32 $0xD0000000, s2;
	s6 =	simm.s32 $0x108;
	_ =	swait.ge @!p0 [sflag:s8], $0x0  }
0x24: {  	s3 =	sadd.s32 $0x88, s3;
	s6 =	simm.s32 @!p1 $0x1082;
	[sflag:s4] =	ssyncset.s32 $0xFFFFF086  }
0x25: {  	[simem:s6], [sflag:s4] =	dma.local [hbm:s3], $0xF7A  }
0x26: {  	[smem:$0x3F9B] =	sst s1;
	(tag) =	ssettag s2;
	_ =	strace s9  }
0x27: {  	s1 =	sld [smem:$0x3FAB]  }
0x28: {  	s2 =	sld [smem:$0x3FAC]  }
0x29: {  	s4 =	sld [smem:$0x3FAE]  }
0x2a: {  	p0 =	seq.s32 s5, $0x0;
	s5 =	sld [smem:$0x3FAF]  }
0x2b: {  	s6 =	sld [smem:$0x3FB0]  }
0x2c: {  	s7 =	sld [smem:$0x3FB1]  }
0x2d: {  	s3 =	simm.s32 $0x108;
	s8 =	sld [smem:$0x3FB2]  }
0x2e: {  	s3 =	simm.s32 @!p0 $0x1082;
	s9 =	sld [smem:$0x3FB3]  }
0x2f: {  	lr =	sadd.s32 s0, s3;
	s0 =	sld [smem:$0x3FAA]  }
0x30: {  	s3 =	sld [smem:$0x3FAD]  }
0x31: {  	[smem:$0x3FB6] =	sst s10  }
0x32: {  	s10 =	sld [smem:$0x3FB4];
	_ =	sdelay $0x3  }
0x33: {  	p0 =	seq.s32 s10, $0x1;
	s10 =	sld [smem:$0x3FB6];
	_ =	sdelay $0x3  }
0x34: {  	[smem:$0x3FB6] =	sst s10  }
0x35: {  	s10 =	sld [smem:$0x3FB5];
	_ =	sdelay $0x3  }
0x36: {  	p1 =	seq.s32 s10, $0x1;
	s10 =	sld [smem:$0x3FB6];
	_ =	sdelay $0x3  }
0x37: {  	[smem:$0x3FB6] =	sst s10  }
0x38: {  	s10 =	sld [smem:$0x3FB7]  }
0x39: {  	_ = 	snop;
	(pc) =	sbr.ind lr, $3  }
0x3a: {  	_ = 	snop  }
0x3b: {  	_ = 	snop  }
0x3c: {  	p2 =	seq.s32 s10, $0x1;
	s10 =	sld [smem:$0x3FB6]  }
0x3d: {  	_ =	shalt  }
0x3e: {  	_ =	shalt  }
0x3f: {  	_ =	shalt  }
0x40: {  	_ =	shalt  }
0x41: {  	_ =	shalt  }
0x42: {  	_ =	shalt  }
0x43: {  	_ =	shalt  }
0x44: {  	_ =	shalt  }
0x45: {  	_ =	shalt  }
0x46: {  	_ =	shalt  }
0x47: {  	_ =	shalt  }
0x48: {  	_ =	shalt  }
0x49: {  	_ =	shalt  }
0x4a: {  	_ =	shalt  }
0x4b: {  	_ =	shalt  }
0x4c: {  	_ =	shalt  }
0x4d: {  	_ =	shalt  }
0x4e: {  	_ =	shalt  }
0x4f: {  	_ =	shalt  }
0x50: {  	_ =	shalt  }
0x51: {  	_ =	shalt  }
0x52: {  	_ =	shalt  }
0x53: {  	_ =	shalt  }
0x54: {  	_ =	shalt  }
0x55: {  	_ =	shalt  }
0x56: {  	_ =	shalt  }
0x57: {  	_ =	shalt  }
0x58: {  	_ =	shalt  }
0x59: {  	_ =	shalt  }
0x5a: {  	_ =	shalt  }
0x5b: {  	_ =	shalt  }
0x5c: {  	_ =	shalt  }
0x5d: {  	_ =	shalt  }
0x5e: {  	_ =	shalt  }
0x5f: {  	_ =	shalt  }
0x60: {  	_ =	shalt  }
0x61: {  	_ =	shalt  }
0x62: {  	_ =	shalt  }
0x63: {  	_ =	shalt  }
0x64: {  	_ =	shalt  }
0x65: {  	_ =	shalt  }
0x66: {  	_ =	shalt  }
0x67: {  	_ =	shalt  }
0x68: {  	_ =	shalt  }
0x69: {  	_ =	shalt  }
0x6a: {  	_ =	shalt  }
0x6b: {  	_ =	shalt  }
0x6c: {  	_ =	shalt  }
0x6d: {  	_ =	shalt  }
0x6e: {  	_ =	shalt  }
0x6f: {  	_ =	shalt  }
0x70: {  	_ =	shalt  }
0x71: {  	_ =	shalt  }
0x72: {  	_ =	shalt  }
0x73: {  	_ =	shalt  }
0x74: {  	_ =	shalt  }
0x75: {  	_ =	shalt  }
0x76: {  	_ =	shalt  }
0x77: {  	_ =	shalt  }
0x78: {  	_ =	shalt  }
0x79: {  	_ =	shalt  }
0x7a: {  	_ =	shalt  }
0x7b: {  	_ =	shalt  }
0x7c: {  	_ =	shalt  }
0x7d: {  	_ =	shalt  }
0x7e: {  	_ =	shalt  }
0x7f: {  	_ =	shalt  }
0x80: {  	_ =	shalt  }
0x81: {  	_ =	shalt  }
0x82: {  	_ =	shalt  }
0x83: {  	_ =	shalt  }
0x84: {  	_ =	shalt  }
0x85: {  	_ =	shalt  }
0x86: {  	_ =	shalt  }
0x87: {  	_ =	shalt  }
.Lfunc_end0:
.L_simem_size_0:
called_computation.1_lowered:
.L_overlay_start_0:
0x88: {  	s2 =	sld [smem:$0x3FD9]  }
0x89: {  	s3 =	sld [smem:$0x3FFE];
	_ =	sdelay $0x1  }
0x8a: {  	s1 =	srdreg.scid  }
0x8b: {  	s0 =	sand.u32 $0x1, s1  }
0x8c: {  	s16 =	sshll.u32 s0, $0xA;
	s2 =	sadd.s32 s3, s2  }
0x8d: {  	s2 =	sadd.s32 s2, s16  }
0x8e: {  	[smem:$0x3FC2] =	sst s2  }
0x8f: {  	_ = 	snop  }
0x90: {  	(tm) =	ssettm $0x1  }
0x91: {  	s17 =	sld [smem:$0x3FFB];
	_ =	sdelay $0x3  }
0x92: {  	_ =	strace s17  }
0x93: {  	s2 =	sld [smem:$0x3FFC];
	_ =	sdelay $0x3  }
0x94: {  	_ =	strace s2  }
0x95: {  	s2 =	sld [smem:$0x3FFD];
	_ =	sdelay $0x3  }
0x96: {  	_ =	strace s2  }
0x97: {  	_ =	strace $0x8FFFFFFF  }
0x98: {  	s18 =	sld [smem:$0x3FDB];
	_ =	sdelay $0x1  }
0x99: {  	s19 =	simm.s32 $_scs_section_size  }
0x9a: {  	s4 =	simm.s32 $_size__tile_overlayer_lowered;
	s5 =	simm.s32 $_tile_overlayer_lowered  }
0x9b: {  	s22 =	simm.s32 $0x1BFF;
	s21 =	sshll.u32 s5, $0x1;
	s2 =	sadd.s32 s19, s18  }
0x9c: {  	s6 =	simm.s32 $0x0;
	s20 =	sshll.u32 s4, $0x1;
	s4 =	sadd.s32 s21, s2  }
0x9d: {  	[timem:s6], [sflag:s22] =	dma.local [hbm:s4], s20  }
0x9e: {  	_ =	swait.ge [sflag:s22], s20  }
0x9f: {  	s3 =	ssub.s32 $0x0, s20;
	[sflag:s22] =	ssyncset.done $0x0  }
0xa0: {  	[sflag:s22] =	ssyncadd.s32 s3;
	_ =	sdelay $0x1  }
0xa1: {  	s23 =	simm.s32 $0x1B8B  }
0xa2: {  	_ =	swait.ge [sflag:s23], $0x1  }
0xa3: {  	[sflag:s23] =	ssyncset.done $0x0  }
0xa4: {  	s25 =	simm.s32 $0x1B8E;
	s24 =	sld [smem:$0x3FFE];
	[sflag:s23] =	ssyncadd.s32 $0xFFFFFFFF  }
0xa5: {  	s26 =	simm.s32 $execute0_lowered;
	[smem:$0x3FD2] =	sst s25  }
0xa6: {  	s4 =	sshll.u32 s26, $0x1;
	_ =	strace $0x80000049;
	[dreg:$0x1] =	wrdreg $0xFFFFFFFF  }
0xa7: {  	s28 =	simm.s32 $_size_execute0_lowered;
	s2 =	sadd.s32 s2, s4;
	[dreg:$0x0] =	wrdreg $0x0  }
0xa8: {  	s4 =	sshll.u32 s28, $0x1;
	[dreg:$0x2] =	wrdreg s2  }
0xa9: {  	[dreg:$0x3] =	wrdreg s4  }
0xaa: {  	[dreg:$0x4] =	wrdreg $0xC0  }
0xab: {  	_ =	task [dreg:s6], $0x5FFFF  }
0xac: {  	[dreg:$0x1] =	wrdreg $0xFFFFFFFF  }
0xad: {  	[dreg:$0x0] =	wrdreg $0x60  }
0xae: {  	[dreg:$0x2] =	wrdreg s24  }
0xaf: {  	[dreg:$0x3] =	wrdreg $0x9  }
0xb0: {  	_ =	task.clear_ibuf [dreg:s6], $0x4FFFF;
	_ =	strace $0x90000049  }
0xb1: {  	s29 =	simm.s32 $0x9;
	_ =	strace $0x8000004B  }
0xb2: {  	_ =	swait.ge [sflag:s29], $0x1  }
0xb3: {  	[sflag:s29] =	ssyncadd.s32 $0xFFFFFFFF  }
0xb4: {  	_ =	strace $0x9000004B  }
0xb5: {  	_ =	sfence  }
0xb6: {  	s30 =	sld [smem:$0x0];
	_ =	sdelay $0x2  }
0xb7: {  	s31 =	sshll.u32 s1, $0xD;
	s1 =	sshrl.u32 s1, $0x2  }
0xb8: {  	s3 =	sand.u32 $0x4000, s31;
	s1 =	sadd.s32 s1, s30  }
0xb9: {  	s0 =	sor.u32 s3, s0;
	s1 =	sshll.u32 s1, $0x11  }
0xba: {  	s0 =	sor.u32 s1, s0  }
0xbb: {  	s0 =	sadd.s32 $0x8F2B, s0  }
0xbc: {  	[sflag:s0] =	ssyncadd.remote.s32 $0x1  }
0xbd: {  	_ =	sfence.sel $0xFFFF  }
0xbe: {  	[dreg:$0x0] =	wrdreg $0xFFFFFFFF;
	(pc) =	sbr.abs _section_cstart, $3  }
0xbf: {  	[dreg:$0x1] =	wrdreg $0xFFFFFFFF  }
0xc0: {  	_ =	task.clear_ibuf [dreg:s6], $0x2FFFF;
	_ =	strace $0x9FFFFFFF  }
0xc1: {  	(tm) =	ssettm $0x7FFFFFFF  }
tec
execute0_lowered:
.L_overlay_start_1:
0x0: {  	(tag) =	ssettag $0x1  }
0x1: {  	s1 =	srdreg.scid  }
0x2: {  	s0 =	stileid.u32;
	s4 =	rddreg [dreg:$0x0];
	s2 =	simm.s32 $0x0  }
0x3: {  	s9 =	simm.s32 $0x6400;
	s10 =	simm.s32 $0x60;
	s11 =	simm.s32 $0x7E00  }
0x4: {  	s12 =	simm.s32 $0xC8;
	s13 =	simm.s32 $0x9600;
	s14 =	simm.s32 $0x130  }
0x5: {  	s15 =	simm.s32 $0xB000;
	s16 =	simm.s32 $0x1;
	s17 =	simm.s32 $0x2  }
0x6: {  	s18 =	simm.s32 $0xC800;
	s3 =	sand.u32 $0x1, s1;
	s1 =	rddreg [dreg:$0x1]  }
0x7: {  	s19 =	simm.s32 $0x0;
	s31 =	sshll.u32 s0, $0x1;
	[smem:$0x7FF] =	sst s2  }
0x8: {  	s5 =	sor.u32 s3, s31;
	_ =	strace $0x8000004A;
	s7 =	ssub.s32 $0x2, s3  }
0x9: {  	s6 =	smul.u32 $0xC80, s5;
	s5 =	sshll.u32 s5, $0xA;
	s8 =	sshrl.u32 s7, $0x1  }
0xa: {  	s3 =	sadd.s32 $0x1200, s4;
	s5 =	sadd.s32 s5, s4;
	s7 =	ssub.s32 s7, s8  }
0xb: {  	s8 =	simm.s32 $0x68;
	s6 =	sadd.s32 s6, s4;
	s5 =	sadd.s32 $0x7BB400, s5  }
0xc: {  	s4 =	sadd.s32 $0x7A2400, s6;
	s6 =	smax.u32 s7, $0x1;
	s7 =	simm.s32 $0x3  }
.LBB2_1:
0xd: {  	[tilespmem:s2], [sflag:$0x3] =	stream.linear.gather [hbm4b:s4+s2], $0x6400, $0x38;
	[tilespmem:$0xE800] =	vst v63  }
0xe: {  	_ =	swait.ge [sflag:s7], $0x6400  }
0xf: {  	[sflag:s7] =	ssyncset.done $0x0  }
0x10: {  	[sflag:s7] =	ssyncadd.s32 $0xFFFF9C00  }
0x11: {  	[tilespmem:s9], [sflag:$0x1] =	stream.indirect.gather [hbm4b:s3+s8], $0x40, s2, s8, $0xb8;
	[tilespmem:$0xE800] =	vst v63  }
0x12: {  	_ = 	snop  }
0x13: {  	[tilespmem:s11], [sflag:$0x1] =	stream.indirect.gather [hbm4b:s3+s10], $0x40, s8, s10, $0xb8;
	[tilespmem:$0xE800] =	vst v63  }
0x14: {  	_ = 	snop  }
0x15: {  	[tilespmem:s13], [sflag:$0x2] =	stream.indirect.gather [hbm4b:s3+s8], $0x40, s12, s8, $0xb8;
	[tilespmem:$0xE800] =	vst v63  }
0x16: {  	s20 =	simm.s32 $0x0  }
0x17: {  	[tilespmem:s15], [sflag:$0x2] =	stream.indirect.gather [hbm4b:s3+s10], $0x40, s14, s10, $0xb8;
	[tilespmem:$0xE800] =	vst v63  }
.LBB2_2:
0x18: {  	_ =	swait.ge [sflag:s16], $0x3200  }
0x19: {  	[sflag:s16] =	ssyncset.done $0x0  }
0x1a: {  	s22 =	simm.s32 $0x6480;
	[sflag:s16] =	ssyncadd.s32 $0xFFFFCE00  }
0x1b: {  	v0 =	vld [tilespmem:s22+$0x40]  }
0x1c: {  	v1 =	vld [tilespmem:s22+$0x50]  }
0x1d: {  	v2 =	vld [tilespmem:s22+$0x0]  }
0x1e: {  	v3 =	vld [tilespmem:s22+$0x10]  }
0x1f: {  	v9 =	vld [tilespmem:s22+$0xFFFFFFC0]  }
0x20: {  	v12 =	vld [tilespmem:s22+$0xFFFFFFD0]  }
0x21: {  	v5 =	vld [tilespmem:s22+$0xFFFFFF80]  }
0x22: {  	v7 =	vld [tilespmem:s22+$0xFFFFFF90]  }
0x23: {  	v10 =	vld [tilespmem:s22+$0xFFFFFFA0]  }
0x24: {  	v13 =	vld [tilespmem:s22+$0xFFFFFFB0]  }
0x25: {  	v6 =	vld [tilespmem:s22+$0xFFFFFFE0]  }
0x26: {  	v8 =	vld [tilespmem:s22+$0xFFFFFFF0]  }
0x27: {  	v14 =	vimm.f32 $0.0e+00;
	v4 =	vld [tilespmem:s22+$0x20]  }
0x28: {  	v15 =	vadd.f32 v5, v14;
	v16 =	vadd.f32 v7, v14;
	v7 =	vld [tilespmem:s22+$0x30]  }
0x29: {  	v11 =	vadd.f32 v10, v14;
	v10 =	vadd.f32 v13, v14;
	v5 =	vld [tilespmem:s22+$0x60]  }
0x2a: {  	s21 =	simm.s32 $0x0;
	v13 =	vadd.f32 v9, v15;
	v12 =	vadd.f32 v12, v16;
	v9 =	vld [tilespmem:s22+$0x70];
	s22 =	simm.s32 $0x6580  }
.LBB2_3:
0x2b: {  	v14 =	vld [tilespmem:s22+$0x40];
	v6 =	vadd.f32 v6, v11;
	v8 =	vadd.f32 v8, v10  }
0x2c: {  	v10 =	vld [tilespmem:s22+$0x50];
	v11 =	vadd.f32 v2, v13;
	v12 =	vadd.f32 v3, v12  }
0x2d: {  	v2 =	vld [tilespmem:s22+$0x0];
	v4 =	vadd.f32 v4, v6;
	v6 =	vadd.f32 v7, v8  }
0x2e: {  	v3 =	vld [tilespmem:s22+$0x10];
	v7 =	vadd.f32 v0, v11;
	v11 =	vadd.f32 v1, v12  }
0x2f: {  	v12 =	vld [tilespmem:s22+$0xFFFFFFC0];
	v5 =	vadd.f32 v5, v4;
	v9 =	vadd.f32 v9, v6  }
0x30: {  	v15 =	vld [tilespmem:s22+$0xFFFFFFD0];
	v0 =	vmov v14  }
0x31: {  	v13 =	vld [tilespmem:s22+$0xFFFFFF80];
	v1 =	vmov v10  }
0x32: {  	v10 =	vld [tilespmem:s22+$0xFFFFFF90]  }
0x33: {  	v14 =	vld [tilespmem:s22+$0xFFFFFFA0]  }
0x34: {  	s21 =	sadd.s32 $0x4, s21;
	v16 =	vld [tilespmem:s22+$0xFFFFFFB0]  }
0x35: {  	p0 =	slt.u32 s21, $0xC4;
	v6 =	vld [tilespmem:s22+$0xFFFFFFE0]  }
.Ltmp0:
0x36: {  	v8 =	vld [tilespmem:s22+$0xFFFFFFF0];
	(pc) =	sbr.rel @p0 .LBB2_3-.Ltmp0, $4  }
0x37: {  	v4 =	vld [tilespmem:s22+$0x20]  }
0x38: {  	v13 =	vadd.f32 v13, v7;
	v17 =	vadd.f32 v10, v11;
	v7 =	vld [tilespmem:s22+$0x30]  }
0x39: {  	v11 =	vadd.f32 v14, v5;
	v10 =	vadd.f32 v16, v9;
	v5 =	vld [tilespmem:s22+$0x60]  }
0x3a: {  	v13 =	vadd.f32 v12, v13;
	v12 =	vadd.f32 v15, v17;
	v9 =	vld [tilespmem:s22+$0x70];
	s22 =	sadd.s32 $0x100, s22  }
0x3b: {  	_ = 	snop  }
0x3c: {  	v6 =	vadd.f32 v6, v11;
	v2 =	vadd.f32 v2, v13  }
0x3d: {  	v8 =	vadd.f32 v8, v10;
	v3 =	vadd.f32 v3, v12  }
0x3e: {  	v4 =	vadd.f32 v4, v6;
	v0 =	vadd.f32 v0, v2  }
0x3f: {  	v2 =	vadd.f32 v7, v8;
	v1 =	vadd.f32 v1, v3  }
0x40: {  	s21 =	sshll.u32 s20, $0x7;
	v3 =	vadd.f32 v5, v4;
	v0 =	vmul.f32 $4.999999890e-03, v0  }
0x41: {  	s21 =	sand.u32 $0x3FFFFF80, s21;
	v2 =	vadd.f32 v9, v2;
	v1 =	vmul.f32 $4.999999890e-03, v1  }
0x42: {  	s22 =	smul.u32 $0x640, s20;
	[tilespmem:s21+$0xC800] =	vst v0;
	v0 =	vmul.f32 $4.999999890e-03, v3  }
0x43: {  	[tilespmem:s21+$0xC810] =	vst v1;
	v1 =	vmul.f32 $4.999999890e-03, v2  }
0x44: {  	s22 =	sshra.s32 s22, $0x2;
	[tilespmem:s21+$0xC820] =	vst v0  }
0x45: {  	s23 =	sadd.s32 $0x190, s22;
	[tilespmem:s21+$0xC830] =	vst v1  }
0x46: {  	[tilespmem:s9], [sflag:$0x1] =	stream.indirect.gather [hbm4b:s3+s8], $0x40, s23, s8, $0xb8;
	[tilespmem:$0xE800] =	vst v63  }
0x47: {  	s31 =	sadd.s32 $0x1F8, s22  }
0x48: {  	[tilespmem:s11], [sflag:$0x1] =	stream.indirect.gather [hbm4b:s3+s10], $0x40, s31, s10, $0xb8;
	[tilespmem:$0xE800] =	vst v63  }
0x49: {  	_ =	swait.ge [sflag:s17], $0x3200  }
0x4a: {  	[sflag:s17] =	ssyncset.done $0x0  }
0x4b: {  	s24 =	simm.s32 $0x96F0;
	[sflag:s17] =	ssyncadd.s32 $0xFFFFCE00  }
0x4c: {  	v0 =	vld [tilespmem:s24+$0xFFFFFFD0]  }
0x4d: {  	v1 =	vld [tilespmem:s24+$0xFFFFFFE0]  }
0x4e: {  	v2 =	vld [tilespmem:s24+$0xFFFFFF90]  }
0x4f: {  	v3 =	vld [tilespmem:s24+$0xFFFFFFA0]  }
0x50: {  	v9 =	vld [tilespmem:s24+$0xFFFFFF50]  }
0x51: {  	v12 =	vld [tilespmem:s24+$0xFFFFFF60]  }
0x52: {  	v5 =	vld [tilespmem:s24+$0xFFFFFF10]  }
0x53: {  	v7 =	vld [tilespmem:s24+$0xFFFFFF20]  }
0x54: {  	v10 =	vld [tilespmem:s24+$0xFFFFFF30]  }
0x55: {  	v13 =	vld [tilespmem:s24+$0xFFFFFF40]  }
0x56: {  	v6 =	vld [tilespmem:s24+$0xFFFFFF70]  }
0x57: {  	v8 =	vld [tilespmem:s24+$0xFFFFFF80]  }
0x58: {  	v14 =	vimm.f32 $0.0e+00;
	v4 =	vld [tilespmem:s24+$0xFFFFFFB0]  }
0x59: {  	v15 =	vadd.f32 v5, v14;
	v16 =	vadd.f32 v7, v14;
	v7 =	vld [tilespmem:s24+$0xFFFFFFC0]  }
0x5a: {  	v11 =	vadd.f32 v10, v14;
	v10 =	vadd.f32 v13, v14;
	v5 =	vld [tilespmem:s24+$0xFFFFFFF0]  }
0x5b: {  	s23 =	simm.s32 $0x0;
	v13 =	vadd.f32 v9, v15;
	v12 =	vadd.f32 v12, v16;
	v9 =	vld [tilespmem:s24+$0x0];
	s24 =	simm.s32 $0x97F0  }
.LBB2_5:
0x5c: {  	v14 =	vld [tilespmem:s24+$0xFFFFFFD0];
	v6 =	vadd.f32 v6, v11;
	v8 =	vadd.f32 v8, v10  }
0x5d: {  	v10 =	vld [tilespmem:s24+$0xFFFFFFE0];
	v11 =	vadd.f32 v2, v13;
	v12 =	vadd.f32 v3, v12  }
0x5e: {  	v2 =	vld [tilespmem:s24+$0xFFFFFF90];
	v4 =	vadd.f32 v4, v6;
	v6 =	vadd.f32 v7, v8  }
0x5f: {  	v3 =	vld [tilespmem:s24+$0xFFFFFFA0];
	v7 =	vadd.f32 v0, v11;
	v11 =	vadd.f32 v1, v12  }
0x60: {  	v12 =	vld [tilespmem:s24+$0xFFFFFF50];
	v5 =	vadd.f32 v5, v4;
	v9 =	vadd.f32 v9, v6  }
0x61: {  	v15 =	vld [tilespmem:s24+$0xFFFFFF60];
	v0 =	vmov v14  }
0x62: {  	v13 =	vld [tilespmem:s24+$0xFFFFFF10];
	v1 =	vmov v10  }
0x63: {  	v10 =	vld [tilespmem:s24+$0xFFFFFF20]  }
0x64: {  	v14 =	vld [tilespmem:s24+$0xFFFFFF30]  }
0x65: {  	s23 =	sadd.s32 $0x4, s23;
	v16 =	vld [tilespmem:s24+$0xFFFFFF40]  }
0x66: {  	p0 =	slt.u32 s23, $0xC4;
	v6 =	vld [tilespmem:s24+$0xFFFFFF70]  }
.Ltmp1:
0x67: {  	v8 =	vld [tilespmem:s24+$0xFFFFFF80];
	(pc) =	sbr.rel @p0 .LBB2_5-.Ltmp1, $4  }
0x68: {  	v4 =	vld [tilespmem:s24+$0xFFFFFFB0]  }
0x69: {  	v13 =	vadd.f32 v13, v7;
	v17 =	vadd.f32 v10, v11;
	v7 =	vld [tilespmem:s24+$0xFFFFFFC0]  }
0x6a: {  	v11 =	vadd.f32 v14, v5;
	v10 =	vadd.f32 v16, v9;
	v5 =	vld [tilespmem:s24+$0xFFFFFFF0]  }
0x6b: {  	v13 =	vadd.f32 v12, v13;
	v12 =	vadd.f32 v15, v17;
	v9 =	vld [tilespmem:s24+$0x0];
	s24 =	sadd.s32 $0x100, s24  }
0x6c: {  	_ = 	snop  }
0x6d: {  	v6 =	vadd.f32 v6, v11;
	v2 =	vadd.f32 v2, v13  }
0x6e: {  	v8 =	vadd.f32 v8, v10;
	v3 =	vadd.f32 v3, v12  }
0x6f: {  	v4 =	vadd.f32 v4, v6;
	v0 =	vadd.f32 v0, v2  }
0x70: {  	v60 =	vadd.f32 v7, v8;
	v1 =	vadd.f32 v1, v3  }
0x71: {  	v61 =	vadd.f32 v5, v4;
	v0 =	vmul.f32 $4.999999890e-03, v0  }
0x72: {  	v2 =	vadd.f32 v9, v60;
	v1 =	vmul.f32 $4.999999890e-03, v1  }
0x73: {  	s20 =	sadd.s32 $0x1, s20;
	v62 =	vmul.f32 $4.999999890e-03, v61;
	[tilespmem:s21+$0xC840] =	vst v0  }
0x74: {  	p0 =	sne.s32 s20, $0x3F;
	v63 =	vmul.f32 $4.999999890e-03, v2;
	[tilespmem:s21+$0xC850] =	vst v1  }
.Ltmp2:
0x75: {  	[tilespmem:s21+$0xC860] =	vst v62;
	(pc) =	sbr.rel @p0 .LBB2_2-.Ltmp2, $4  }
0x76: {  	s30 =	sadd.s32 $0x258, s22;
	[tilespmem:s21+$0xC870] =	vst v63  }
0x77: {  	[tilespmem:s13], [sflag:$0x2] =	stream.indirect.gather [hbm4b:s3+s8], $0x40, s30, s8, $0xb8;
	[tilespmem:$0xE800] =	vst v63  }
0x78: {  	s31 =	sadd.s32 $0x2C0, s22  }
0x79: {  	[tilespmem:s15], [sflag:$0x2] =	stream.indirect.gather [hbm4b:s3+s10], $0x40, s31, s10, $0xb8;
	[tilespmem:$0xE800] =	vst v63  }
0x7a: {  	_ =	swait.ge [sflag:s16], $0x3200  }
0x7b: {  	[sflag:s16] =	ssyncset.done $0x0  }
0x7c: {  	s21 =	simm.s32 $0x6480;
	[sflag:s16] =	ssyncadd.s32 $0xFFFFCE00  }
0x7d: {  	v0 =	vld [tilespmem:s21+$0x40]  }
0x7e: {  	v1 =	vld [tilespmem:s21+$0x50]  }
0x7f: {  	v2 =	vld [tilespmem:s21+$0x0]  }
0x80: {  	v3 =	vld [tilespmem:s21+$0x10]  }
0x81: {  	v9 =	vld [tilespmem:s21+$0xFFFFFFC0]  }
0x82: {  	v12 =	vld [tilespmem:s21+$0xFFFFFFD0]  }
0x83: {  	v5 =	vld [tilespmem:s21+$0xFFFFFF80]  }
0x84: {  	v7 =	vld [tilespmem:s21+$0xFFFFFF90]  }
0x85: {  	v10 =	vld [tilespmem:s21+$0xFFFFFFA0]  }
0x86: {  	v13 =	vld [tilespmem:s21+$0xFFFFFFB0]  }
0x87: {  	v6 =	vld [tilespmem:s21+$0xFFFFFFE0]  }
0x88: {  	v8 =	vld [tilespmem:s21+$0xFFFFFFF0]  }
0x89: {  	v14 =	vimm.f32 $0.0e+00;
	v4 =	vld [tilespmem:s21+$0x20]  }
0x8a: {  	v15 =	vadd.f32 v5, v14;
	v16 =	vadd.f32 v7, v14;
	v7 =	vld [tilespmem:s21+$0x30]  }
0x8b: {  	v11 =	vadd.f32 v10, v14;
	v10 =	vadd.f32 v13, v14;
	v5 =	vld [tilespmem:s21+$0x60]  }
0x8c: {  	s20 =	simm.s32 $0x0;
	v13 =	vadd.f32 v9, v15;
	v12 =	vadd.f32 v12, v16;
	v9 =	vld [tilespmem:s21+$0x70];
	s21 =	simm.s32 $0x6580  }
.LBB2_8:
0x8d: {  	v14 =	vld [tilespmem:s21+$0x40];
	v6 =	vadd.f32 v6, v11;
	v8 =	vadd.f32 v8, v10  }
0x8e: {  	v10 =	vld [tilespmem:s21+$0x50];
	v11 =	vadd.f32 v2, v13;
	v12 =	vadd.f32 v3, v12  }
0x8f: {  	v2 =	vld [tilespmem:s21+$0x0];
	v4 =	vadd.f32 v4, v6;
	v6 =	vadd.f32 v7, v8  }
0x90: {  	v3 =	vld [tilespmem:s21+$0x10];
	v7 =	vadd.f32 v0, v11;
	v11 =	vadd.f32 v1, v12  }
0x91: {  	v12 =	vld [tilespmem:s21+$0xFFFFFFC0];
	v5 =	vadd.f32 v5, v4;
	v9 =	vadd.f32 v9, v6  }
0x92: {  	v15 =	vld [tilespmem:s21+$0xFFFFFFD0];
	v0 =	vmov v14  }
0x93: {  	v13 =	vld [tilespmem:s21+$0xFFFFFF80];
	v1 =	vmov v10  }
0x94: {  	v10 =	vld [tilespmem:s21+$0xFFFFFF90]  }
0x95: {  	v14 =	vld [tilespmem:s21+$0xFFFFFFA0]  }
0x96: {  	s20 =	sadd.s32 $0x4, s20;
	v16 =	vld [tilespmem:s21+$0xFFFFFFB0]  }
0x97: {  	p0 =	slt.u32 s20, $0xC4;
	v6 =	vld [tilespmem:s21+$0xFFFFFFE0]  }
.Ltmp3:
0x98: {  	v8 =	vld [tilespmem:s21+$0xFFFFFFF0];
	(pc) =	sbr.rel @p0 .LBB2_8-.Ltmp3, $4  }
0x99: {  	v4 =	vld [tilespmem:s21+$0x20]  }
0x9a: {  	v13 =	vadd.f32 v13, v7;
	v17 =	vadd.f32 v10, v11;
	v7 =	vld [tilespmem:s21+$0x30]  }
0x9b: {  	v11 =	vadd.f32 v14, v5;
	v10 =	vadd.f32 v16, v9;
	v5 =	vld [tilespmem:s21+$0x60]  }
0x9c: {  	v13 =	vadd.f32 v12, v13;
	v12 =	vadd.f32 v15, v17;
	v9 =	vld [tilespmem:s21+$0x70];
	s21 =	sadd.s32 $0x100, s21  }
0x9d: {  	_ = 	snop  }
0x9e: {  	v6 =	vadd.f32 v6, v11;
	v2 =	vadd.f32 v2, v13  }
0x9f: {  	v8 =	vadd.f32 v8, v10;
	v3 =	vadd.f32 v3, v12  }
0xa0: {  	v4 =	vadd.f32 v4, v6;
	v0 =	vadd.f32 v0, v2  }
0xa1: {  	v2 =	vadd.f32 v7, v8;
	v1 =	vadd.f32 v1, v3  }
0xa2: {  	v3 =	vadd.f32 v5, v4;
	v0 =	vmul.f32 $4.999999890e-03, v0  }
0xa3: {  	v2 =	vadd.f32 v9, v2;
	v1 =	vmul.f32 $4.999999890e-03, v1  }
0xa4: {  	[tilespmem:$0xE780] =	vst v0;
	v0 =	vmul.f32 $4.999999890e-03, v3  }
0xa5: {  	[tilespmem:$0xE790] =	vst v1;
	v1 =	vmul.f32 $4.999999890e-03, v2  }
0xa6: {  	[tilespmem:$0xE7A0] =	vst v0  }
0xa7: {  	[tilespmem:$0xE7B0] =	vst v1  }
0xa8: {  	_ =	swait.ge [sflag:s17], $0x3200  }
0xa9: {  	[sflag:s17] =	ssyncset.done $0x0  }
0xaa: {  	s21 =	simm.s32 $0x96F0;
	[sflag:s17] =	ssyncadd.s32 $0xFFFFCE00  }
0xab: {  	v0 =	vld [tilespmem:s21+$0xFFFFFFD0]  }
0xac: {  	v1 =	vld [tilespmem:s21+$0xFFFFFFE0]  }
0xad: {  	v2 =	vld [tilespmem:s21+$0xFFFFFF90]  }
0xae: {  	v3 =	vld [tilespmem:s21+$0xFFFFFFA0]  }
0xaf: {  	v9 =	vld [tilespmem:s21+$0xFFFFFF50]  }
0xb0: {  	v12 =	vld [tilespmem:s21+$0xFFFFFF60]  }
0xb1: {  	v5 =	vld [tilespmem:s21+$0xFFFFFF10]  }
0xb2: {  	v7 =	vld [tilespmem:s21+$0xFFFFFF20]  }
0xb3: {  	v10 =	vld [tilespmem:s21+$0xFFFFFF30]  }
0xb4: {  	v13 =	vld [tilespmem:s21+$0xFFFFFF40]  }
0xb5: {  	v6 =	vld [tilespmem:s21+$0xFFFFFF70]  }
0xb6: {  	v8 =	vld [tilespmem:s21+$0xFFFFFF80]  }
0xb7: {  	v14 =	vimm.f32 $0.0e+00;
	v4 =	vld [tilespmem:s21+$0xFFFFFFB0]  }
0xb8: {  	v15 =	vadd.f32 v5, v14;
	v16 =	vadd.f32 v7, v14;
	v7 =	vld [tilespmem:s21+$0xFFFFFFC0]  }
0xb9: {  	v11 =	vadd.f32 v10, v14;
	v10 =	vadd.f32 v13, v14;
	v5 =	vld [tilespmem:s21+$0xFFFFFFF0]  }
0xba: {  	s20 =	simm.s32 $0x0;
	v13 =	vadd.f32 v9, v15;
	v12 =	vadd.f32 v12, v16;
	v9 =	vld [tilespmem:s21+$0x0];
	s21 =	simm.s32 $0x97F0  }
.LBB2_10:
0xbb: {  	v14 =	vld [tilespmem:s21+$0xFFFFFFD0];
	v6 =	vadd.f32 v6, v11;
	v8 =	vadd.f32 v8, v10  }
0xbc: {  	v10 =	vld [tilespmem:s21+$0xFFFFFFE0];
	v11 =	vadd.f32 v2, v13;
	v12 =	vadd.f32 v3, v12  }
0xbd: {  	v2 =	vld [tilespmem:s21+$0xFFFFFF90];
	v4 =	vadd.f32 v4, v6;
	v6 =	vadd.f32 v7, v8  }
0xbe: {  	v3 =	vld [tilespmem:s21+$0xFFFFFFA0];
	v7 =	vadd.f32 v0, v11;
	v11 =	vadd.f32 v1, v12  }
0xbf: {  	v12 =	vld [tilespmem:s21+$0xFFFFFF50];
	v5 =	vadd.f32 v5, v4;
	v9 =	vadd.f32 v9, v6  }
0xc0: {  	v15 =	vld [tilespmem:s21+$0xFFFFFF60];
	v0 =	vmov v14  }
0xc1: {  	v13 =	vld [tilespmem:s21+$0xFFFFFF10];
	v1 =	vmov v10  }
0xc2: {  	v10 =	vld [tilespmem:s21+$0xFFFFFF20]  }
0xc3: {  	v14 =	vld [tilespmem:s21+$0xFFFFFF30]  }
0xc4: {  	s20 =	sadd.s32 $0x4, s20;
	v16 =	vld [tilespmem:s21+$0xFFFFFF40]  }
0xc5: {  	p0 =	slt.u32 s20, $0xC4;
	v6 =	vld [tilespmem:s21+$0xFFFFFF70]  }
.Ltmp4:
0xc6: {  	v8 =	vld [tilespmem:s21+$0xFFFFFF80];
	(pc) =	sbr.rel @p0 .LBB2_10-.Ltmp4, $4  }
0xc7: {  	v4 =	vld [tilespmem:s21+$0xFFFFFFB0]  }
0xc8: {  	v13 =	vadd.f32 v13, v7;
	v17 =	vadd.f32 v10, v11;
	v7 =	vld [tilespmem:s21+$0xFFFFFFC0]  }
0xc9: {  	v11 =	vadd.f32 v14, v5;
	v10 =	vadd.f32 v16, v9;
	v5 =	vld [tilespmem:s21+$0xFFFFFFF0]  }
0xca: {  	v13 =	vadd.f32 v12, v13;
	v12 =	vadd.f32 v15, v17;
	v9 =	vld [tilespmem:s21+$0x0];
	s21 =	sadd.s32 $0x100, s21  }
0xcb: {  	_ = 	snop  }
0xcc: {  	v6 =	vadd.f32 v6, v11;
	v2 =	vadd.f32 v2, v13  }
0xcd: {  	v8 =	vadd.f32 v8, v10;
	v3 =	vadd.f32 v3, v12  }
0xce: {  	v4 =	vadd.f32 v4, v6;
	v0 =	vadd.f32 v0, v2  }
0xcf: {  	v60 =	vadd.f32 v7, v8;
	v1 =	vadd.f32 v1, v3  }
0xd0: {  	v61 =	vadd.f32 v5, v4;
	v0 =	vmul.f32 $4.999999890e-03, v0  }
0xd1: {  	v2 =	vadd.f32 v9, v60;
	v1 =	vmul.f32 $4.999999890e-03, v1  }
0xd2: {  	v62 =	vmul.f32 $4.999999890e-03, v61;
	[tilespmem:$0xE7C0] =	vst v0  }
0xd3: {  	s19 =	sadd.s32 $0x1, s19;
	v63 =	vmul.f32 $4.999999890e-03, v2;
	[tilespmem:$0xE7D0] =	vst v1  }
0xd4: {  	p0 =	sne.s32 s19, s6;
	[tilespmem:$0xE7E0] =	vst v62  }
.Ltmp5:
0xd5: {  	[tilespmem:$0xE7F0] =	vst v63;
	(pc) =	sbr.rel @p0 .LBB2_1-.Ltmp5, $4  }
0xd6: {  	[hbm4b:s5+s2] =	stream.linear.scatter [tilespmem:s18], [sflag:$0x3], $0x2000, $0x38;
	[tilespmem:$0xE800] =	vst v63  }
0xd7: {  	_ =	swait.ge [sflag:s7], $0x2000  }
0xd8: {  	[sflag:s7] =	ssyncset.done $0x0  }
0xd9: {  	[sflag:s7] =	ssyncadd.s32 $0xFFFFE000  }
0xda: {  	_ =	sfence.sel $0x180000  }
0xdb: {  	[bflag:$0x0] =	sbarrier.arrive $0xFFFF  }
0xdc: {  	p0 =	sne.s32 s0, $0x0;
	_ =	strace $0x9000004A  }
0xdd: {  	s0 =	sadd.s32 @!p0 $0x100000, s1;
	[bflag:$0x2] =	sbarrier.arrive $0xFFFF  }
0xde: {  	[sflag:s0] =	ssyncadd.tile.s32 @!p0 $0x1;
	_ =	shalt  }
.Lfunc_end2:
_tile_overlayer_lowered:
.L_overlay_start_2:
0xdf: {  	(tag) =	ssettag $0x2  }
0xe0: {  	s0 =	rddreg [dreg:$0x0];
	s2 =	stileid.u32  }
0xe1: {  	s1 =	rddreg [dreg:$0x1];
	p0 =	sne.s32 s2, $0x0  }
0xe2: {  	s3 =	rddreg [dreg:$0x2];
	[bflag:$0x3] =	sbarrier.arrive $0xFFFF;
	s2 =	simm.s32 @!p0 $0x1C03  }
0xe3: {  	[timem:s3], [sflag:s2] =	dma.local @!p0 [hbm:s0], s1  }
0xe4: {  	s0 =	simm.s32 @!p0 $0x3  }
0xe5: {  	_ =	swait.ge @!p0 [sflag:s0], s1  }
0xe6: {  	s1 =	ssub.s32 @!p0 $0x0, s1;
	[sflag:s0] =	ssyncset.done @!p0 $0x0  }
0xe7: {  	[sflag:s0] =	ssyncadd.s32 @!p0 s1  }
0xe8: {  	[bflag:$0x3] =	sbarrier.arrive $0xFFFF  }
0xe9: {  	_ =	shalt  }

</sc_bundles>
